<compile_context>
chip_gen: v7x
topology: tpu7x:2x2x1
jax: 0.10.2.dev20260603
libtpu: 0.0.44.dev20260713+nightly
codegen_flags: <defaults>
</compile_context>

<pallas_src>
import jax
import jax.numpy as jnp
from jax import lax
from jax.experimental import pallas as pl
from jax.experimental.pallas import tpu as pltpu
from jax.experimental.pallas import tpu_sc as plsc

_N_EDGES = 320000
_N_RELS = 1000
_HID = 128
_D2 = _HID // 2
_NW = 32
_EPW = _N_EDGES // _NW
_C = 40
_NCHUNK = _EPW // _C
_DEPTH = 4


def _edge_score_body(node_hbm, relp_hbm, src_hbm, dst_hbm, ridx_hbm, out_hbm,
                     rel_res, cidx, rids, outs, rows,
                     sem_rows, sem_idx, sem_out):
    cid = lax.axis_index("c")
    sid = lax.axis_index("s")
    wid = sid * 2 + cid
    base = wid * _EPW

    pltpu.sync_copy(relp_hbm, rel_res)

    def start_idx(c, r):
        sl = pl.ds(base + c * _C, _C)
        pltpu.async_copy(src_hbm.at[sl], cidx[r].at[pl.ds(0, _C)],
                         sem_idx[r])
        pltpu.async_copy(dst_hbm.at[sl], cidx[r].at[pl.ds(_C, _C)],
                         sem_idx[r])
        pltpu.async_copy(ridx_hbm.at[sl], rids[r].at[pl.ds(0, _C)],
                         sem_idx[r])

    def wait_idx(c, r):
        sl = pl.ds(base + c * _C, _C)
        pltpu.make_async_copy(src_hbm.at[sl], cidx[r].at[pl.ds(0, _C)],
                              sem_idx[r]).wait()
        pltpu.make_async_copy(dst_hbm.at[sl], cidx[r].at[pl.ds(_C, _C)],
                              sem_idx[r]).wait()
        pltpu.make_async_copy(ridx_hbm.at[sl], rids[r].at[pl.ds(0, _C)],
                              sem_idx[r]).wait()

    def start_rows(r):
        pltpu.async_copy(node_hbm.at[cidx[r]], rows[r], sem_rows[r])

    def wait_rows(r):
        pltpu.make_async_copy(node_hbm.at[cidx[r]], rows[r],
                              sem_rows[r]).wait()

    lane = lax.iota(jnp.int32, 16)
    low4 = lane < 4

    def compute(r):
        head_v = tail_v = rows[r]
        rid_v, out_v = rids[r], outs[r]

        def block_body(b, carry2):
            ids = rid_v[pl.ds(b * 4, 16)]
            vb = jnp.zeros((16,), jnp.float32)
            for u in range(4):
                k = b * 4 + u
                rid = jnp.take_along_axis(
                    ids, jnp.full((16,), u, jnp.int32), axis=0)
                rbase = rid * (_HID // 2) + lane
                bc = lambda v: plsc.bitcast(v, jnp.bfloat16)
                rp = [bc(plsc.load_gather(rel_res, [rbase + q * 16]))
                      for q in range(4)]
                hp = [bc(head_v[k, pl.ds(q * 16, 16)]) for q in range(4)]
                tp = [bc(tail_v[_C + k, pl.ds(q * 16, 16)])
                      for q in range(4)]
                terms = []
                for q in range(2):
                    fwd = (hp[q] * rp[q]) * tp[q + 2]
                    bwd = (tp[q] * rp[q + 2]) * hp[q + 2]
                    terms.extend(plsc.unpack(
                        fwd, format=plsc.PackFormat.INTERLEAVED))
                    terms.extend(plsc.unpack(
                        bwd, format=plsc.PackFormat.INTERLEAVED))
                while len(terms) > 1:
                    terms = [a + b2 for a, b2 in
                             zip(terms[::2], terms[1::2])]
                s = jnp.full((16,), jnp.sum(terms[0]))
                vb = jnp.where(lane == u, s, vb)
            score = jnp.clip(0.5 * vb, -20.0, 20.0)
            plsc.store_scatter(out_v, [b * 4 + lane], score, mask=low4)
            return carry2

        lax.fori_loop(0, _C // 4, block_body, 0)

    _LOOK = 2
    for r0 in range(_DEPTH):
        start_idx(r0, r0)
    for r0 in range(_LOOK):
        wait_idx(r0, r0)
        start_rows(r0)

    def ring_body(i, carry):
        for r in range(_DEPTH):
            c = _DEPTH * i + r
            sl = pl.ds(base + c * _C, _C)

            @pl.when(c + _LOOK < _NCHUNK)
            def _():
                wait_idx(c + _LOOK, (r + _LOOK) % _DEPTH)
                start_rows((r + _LOOK) % _DEPTH)

            @pl.when(c < _NCHUNK)
            def _():
                wait_rows(r)

                @pl.when(c >= _DEPTH)
                def _():
                    pltpu.make_async_copy(outs[r], out_hbm.at[sl],
                                          sem_out[r]).wait()

                compute(r)
                pltpu.async_copy(outs[r], out_hbm.at[sl], sem_out[r])

            @pl.when(c + _DEPTH < _NCHUNK)
            def _():
                start_idx(c + _DEPTH, r)
        return carry

    lax.fori_loop(0, (_NCHUNK + _DEPTH - 1) // _DEPTH, ring_body, 0)
    for r0 in range(_DEPTH):
        c_last = _NCHUNK - _DEPTH + r0
        pltpu.make_async_copy(
            outs[c_last % _DEPTH],
            out_hbm.at[pl.ds(base + c_last * _C, _C)],
            sem_out[c_last % _DEPTH]).wait()


@jax.jit
def _sc_edge_score(node_emb, relp, src, dst, rel_idx):
    mesh = plsc.VectorSubcoreMesh(core_axis_name="c", subcore_axis_name="s")

    def body(node_hbm, relp_hbm, src_hbm, dst_hbm, ridx_hbm, out_hbm,
             rel_res,
             x0, x1, x2, x3, ri0, ri1, ri2, ri3,
             o0, o1, o2, o3, w0, w1, w2, w3,
             mr0, mr1, mr2, mr3, mi0, mi1, mi2, mi3, mo0, mo1, mo2, mo3):
        _edge_score_body(node_hbm, relp_hbm, src_hbm, dst_hbm, ridx_hbm,
                         out_hbm, rel_res,
                         (x0, x1, x2, x3),
                         (ri0, ri1, ri2, ri3), (o0, o1, o2, o3),
                         (w0, w1, w2, w3),
                         (mr0, mr1, mr2, mr3), (mi0, mi1, mi2, mi3),
                         (mo0, mo1, mo2, mo3))

    run = pl.kernel(
        body,
        mesh=mesh,
        compiler_params=pltpu.CompilerParams(
            needs_layout_passes=False, use_tc_tiling_on_sc=False),
        out_type=jax.ShapeDtypeStruct((_N_EDGES,), jnp.float32),
        scratch_types=[
            pltpu.VMEM((_N_RELS * _HID // 2,), jnp.float32),
        ] + [pltpu.VMEM((2 * _C,), jnp.int32)] * 4
          + [pltpu.VMEM((_C + 16,), jnp.int32)] * 4
          + [pltpu.VMEM((_C,), jnp.float32)] * 4
          + [pltpu.VMEM((2 * _C, _HID // 2), jnp.float32)] * 4
          + [pltpu.SemaphoreType.DMA] * 12,
    )
    return run(node_emb, relp, src, dst, rel_idx)


def _pack_pairs(table):
    n, h = table.shape
    b16 = table.astype(jnp.bfloat16).reshape(n, h // 32, 2, 16)
    b16 = b16.transpose(0, 1, 3, 2)
    return lax.bitcast_convert_type(b16, jnp.float32).reshape(n, h // 2)


def kernel(node_emb, rel_emb, src, dst, rel_idx):
    node_packed = _pack_pairs(node_emb)
    relp = _pack_pairs(rel_emb).reshape(-1)
    return _sc_edge_score(node_packed, relp,
                          src.astype(jnp.int32), dst.astype(jnp.int32),
                          rel_idx.astype(jnp.int32))

# --- scband reference (transcript-rebuilt; emitter-appended) ---
"""Pipeline reference for scband-simpl-escore-1872605741815 (READ-ONLY COPY).

The authoritative reference and input builder live on the scoring server;
editing this copy changes nothing except your own understanding.
"""

import jax, jax.numpy as jnp
import numpy as np

N_NODES = 10000
N_RELS = 1000
N_EDGES = 320000
HID = 128


def setup_inputs(seed: int = 0) -> dict:
    key = jax.random.key(seed)
    k1, k2, k3, k4, k5 = jax.random.split(key, 5)
    node_emb = jax.random.normal(k1, (N_NODES, HID), dtype=jnp.float32)
    rel_emb = jax.random.normal(k2, (N_RELS, HID), dtype=jnp.float32)
    src = jax.random.randint(k3, (N_EDGES,), 0, N_NODES)
    dst = jax.random.randint(k4, (N_EDGES,), 0, N_NODES)
    rel_idx = jax.random.randint(k5, (N_EDGES,), 0, N_RELS)
    return {"node_emb": node_emb, "rel_emb": rel_emb, "src": src, "dst": dst, "rel_idx": rel_idx}


def reference(node_emb, rel_emb, src, dst, rel_idx):
    # DGL apply_edges(edge_func): gather src/dst node embeddings and relation
    # embeddings per edge, then compute the SimplE score.
    head = jnp.take(node_emb, src, axis=0)   # edges.src['emb']
    tail = jnp.take(node_emb, dst, axis=0)   # edges.dst['emb']
    rel = jnp.take(rel_emb, rel_idx, axis=0)  # edges.data['emb']
    d = head.shape[-1] // 2
    head_i, head_j = head[:, :d], head[:, d:]
    tail_i, tail_j = tail[:, :d], tail[:, d:]
    r, r_inv = rel[:, :d], rel[:, d:]
    forward_score = head_i * r * tail_j
    backward_score = tail_i * r_inv * head_j
    score = jnp.clip(0.5 * (forward_score + backward_score).sum(-1), -20.0, 20.0)
    return score

if __name__ == "__main__":
    import jax
    _d = setup_inputs()
    print(jax.jit(kernel)(*tuple(_d.values())))

</pallas_src>

<mosaic_0001>
#map = affine_map<(d0, d1) -> (0, 0)>
#map1 = affine_map<(d0, d1) -> (0)>
module attributes {stable_mosaic.version = 14 : i64} {
  func.func @body(%arg0: i32, %arg1: i32, %arg2: memref<10000x64xf32, #tpu.memory_space<hbm>>, %arg3: memref<64000xf32, #tpu.memory_space<hbm>>, %arg4: memref<320000xi32, #tpu.memory_space<hbm>>, %arg5: memref<320000xi32, #tpu.memory_space<hbm>>, %arg6: memref<320000xi32, #tpu.memory_space<hbm>>, %arg7: memref<320000xf32, #tpu.memory_space<hbm>>, %arg8: memref<64000xf32, #tpu.memory_space<vmem>>, %arg9: memref<80xi32, #tpu.memory_space<vmem>>, %arg10: memref<80xi32, #tpu.memory_space<vmem>>, %arg11: memref<80xi32, #tpu.memory_space<vmem>>, %arg12: memref<80xi32, #tpu.memory_space<vmem>>, %arg13: memref<56xi32, #tpu.memory_space<vmem>>, %arg14: memref<56xi32, #tpu.memory_space<vmem>>, %arg15: memref<56xi32, #tpu.memory_space<vmem>>, %arg16: memref<56xi32, #tpu.memory_space<vmem>>, %arg17: memref<40xf32, #tpu.memory_space<vmem>>, %arg18: memref<40xf32, #tpu.memory_space<vmem>>, %arg19: memref<40xf32, #tpu.memory_space<vmem>>, %arg20: memref<40xf32, #tpu.memory_space<vmem>>, %arg21: memref<80x64xf32, #tpu.memory_space<vmem>>, %arg22: memref<80x64xf32, #tpu.memory_space<vmem>>, %arg23: memref<80x64xf32, #tpu.memory_space<vmem>>, %arg24: memref<80x64xf32, #tpu.memory_space<vmem>>, %arg25: memref<!tpu.dma_semaphore, #tpu.memory_space<semaphore_mem>>, %arg26: memref<!tpu.dma_semaphore, #tpu.memory_space<semaphore_mem>>, %arg27: memref<!tpu.dma_semaphore, #tpu.memory_space<semaphore_mem>>, %arg28: memref<!tpu.dma_semaphore, #tpu.memory_space<semaphore_mem>>, %arg29: memref<!tpu.dma_semaphore, #tpu.memory_space<semaphore_mem>>, %arg30: memref<!tpu.dma_semaphore, #tpu.memory_space<semaphore_mem>>, %arg31: memref<!tpu.dma_semaphore, #tpu.memory_space<semaphore_mem>>, %arg32: memref<!tpu.dma_semaphore, #tpu.memory_space<semaphore_mem>>, %arg33: memref<!tpu.dma_semaphore, #tpu.memory_space<semaphore_mem>>, %arg34: memref<!tpu.dma_semaphore, #tpu.memory_space<semaphore_mem>>, %arg35: memref<!tpu.dma_semaphore, #tpu.memory_space<semaphore_mem>>, %arg36: memref<!tpu.dma_semaphore, #tpu.memory_space<semaphore_mem>>) attributes {dimension_semantics = [#tpu.dimension_semantics<core_parallel>, #tpu.dimension_semantics<subcore_parallel>], iteration_bounds = array<i64: 2, 16>, scalar_prefetch = 0 : i64, scratch_operands = 29 : i64, tpu.core_type = #tpu.core_type<sc_vector_subcore>, window_params = [{transform_indices = #map}, {transform_indices = #map1}, {transform_indices = #map1}, {transform_indices = #map1}, {transform_indices = #map1}, {transform_indices = #map1}]} {
    %mul3A = arith.constant 2 : i32
    %mul3A_0 = arith.muli %arg1, %mul3A : i32
    %add3A = arith.addi %mul3A_0, %arg0 : i32
    %mul3A_1 = arith.constant 10000 : i32
    %mul3A_2 = arith.muli %add3A, %mul3A_1 : i32
    "tpu.region"() ({
      %run_scoped3A = tpu.sem_alloc : memref<!tpu.dma_semaphore, #tpu.memory_space<semaphore_mem>>
      tpu.enqueue_dma source(%arg3 : memref<64000xf32, #tpu.memory_space<hbm>>) target(%arg8 : memref<64000xf32, #tpu.memory_space<vmem>>) target_semaphore(%run_scoped3A : memref<!tpu.dma_semaphore, #tpu.memory_space<semaphore_mem>>)
      tpu.wait_dma2 semaphore(%run_scoped3A : memref<!tpu.dma_semaphore, #tpu.memory_space<semaphore_mem>>) src(%arg3 : memref<64000xf32, #tpu.memory_space<hbm>>) dst(%arg8 : memref<64000xf32, #tpu.memory_space<vmem>>)
      tpu.yield
    }) : () -> ()
    %iota3A = tpu.iota {dimensions = array<i32: 0>} : vector<16xi32>
    %lt3A = arith.constant 4 : i32
    %lt3A_3 = vector.broadcast %lt3A : i32 to vector<16xi32>
    %lt3A_4 = arith.cmpi slt, %iota3A, %lt3A_3 : vector<16xi32>
    %add3A_5 = arith.constant 0 : i32
    %add3A_6 = arith.addi %mul3A_2, %add3A_5 : i32
    %dma_start3A = arith.constant 0 : i32
    %dma_start3A_7 = tpu.memref_slice %arg9[%dma_start3A] : memref<80xi32, #tpu.memory_space<vmem>> -> memref<40xi32, #tpu.memory_space<vmem>>
    %dma_start3A_8 = tpu.memref_slice %arg4[%add3A_6] : memref<320000xi32, #tpu.memory_space<hbm>> -> memref<40xi32, #tpu.memory_space<hbm>>
    %dma_start3A_9 = arith.constant 0 : i32
    %dma_start3A_10 = tpu.memref_slice %arg9[%dma_start3A_9] : memref<80xi32, #tpu.memory_space<vmem>> -> memref<40xi32, #tpu.memory_space<vmem>>
    %dma_start3A_11 = tpu.memref_slice %arg4[%add3A_6] : memref<320000xi32, #tpu.memory_space<hbm>> -> memref<40xi32, #tpu.memory_space<hbm>>
    tpu.enqueue_dma source(%dma_start3A_11 : memref<40xi32, #tpu.memory_space<hbm>>) target(%dma_start3A_10 : memref<40xi32, #tpu.memory_space<vmem>>) target_semaphore(%arg29 : memref<!tpu.dma_semaphore, #tpu.memory_space<semaphore_mem>>)
    %dma_start3A_12 = arith.constant 40 : i32
    %dma_start3A_13 = tpu.memref_slice %arg9[%dma_start3A_12] : memref<80xi32, #tpu.memory_space<vmem>> -> memref<40xi32, #tpu.memory_space<vmem>>
    %dma_start3A_14 = tpu.memref_slice %arg5[%add3A_6] : memref<320000xi32, #tpu.memory_space<hbm>> -> memref<40xi32, #tpu.memory_space<hbm>>
    %dma_start3A_15 = arith.constant 40 : i32
    %dma_start3A_16 = tpu.memref_slice %arg9[%dma_start3A_15] : memref<80xi32, #tpu.memory_space<vmem>> -> memref<40xi32, #tpu.memory_space<vmem>>
    %dma_start3A_17 = tpu.memref_slice %arg5[%add3A_6] : memref<320000xi32, #tpu.memory_space<hbm>> -> memref<40xi32, #tpu.memory_space<hbm>>
    tpu.enqueue_dma source(%dma_start3A_17 : memref<40xi32, #tpu.memory_space<hbm>>) target(%dma_start3A_16 : memref<40xi32, #tpu.memory_space<vmem>>) target_semaphore(%arg29 : memref<!tpu.dma_semaphore, #tpu.memory_space<semaphore_mem>>)
    %dma_start3A_18 = arith.constant 0 : i32
    %dma_start3A_19 = tpu.memref_slice %arg13[%dma_start3A_18] : memref<56xi32, #tpu.memory_space<vmem>> -> memref<40xi32, #tpu.memory_space<vmem>>
    %dma_start3A_20 = tpu.memref_slice %arg6[%add3A_6] : memref<320000xi32, #tpu.memory_space<hbm>> -> memref<40xi32, #tpu.memory_space<hbm>>
    %dma_start3A_21 = arith.constant 0 : i32
    %dma_start3A_22 = tpu.memref_slice %arg13[%dma_start3A_21] : memref<56xi32, #tpu.memory_space<vmem>> -> memref<40xi32, #tpu.memory_space<vmem>>
    %dma_start3A_23 = tpu.memref_slice %arg6[%add3A_6] : memref<320000xi32, #tpu.memory_space<hbm>> -> memref<40xi32, #tpu.memory_space<hbm>>
    tpu.enqueue_dma source(%dma_start3A_23 : memref<40xi32, #tpu.memory_space<hbm>>) target(%dma_start3A_22 : memref<40xi32, #tpu.memory_space<vmem>>) target_semaphore(%arg29 : memref<!tpu.dma_semaphore, #tpu.memory_space<semaphore_mem>>)
    %add3A_24 = arith.constant 40 : i32
    %add3A_25 = arith.addi %mul3A_2, %add3A_24 : i32
    %dma_start3A_26 = arith.constant 0 : i32
    %dma_start3A_27 = tpu.memref_slice %arg10[%dma_start3A_26] : memref<80xi32, #tpu.memory_space<vmem>> -> memref<40xi32, #tpu.memory_space<vmem>>
    %dma_start3A_28 = tpu.memref_slice %arg4[%add3A_25] : memref<320000xi32, #tpu.memory_space<hbm>> -> memref<40xi32, #tpu.memory_space<hbm>>
    %dma_start3A_29 = arith.constant 0 : i32
    %dma_start3A_30 = tpu.memref_slice %arg10[%dma_start3A_29] : memref<80xi32, #tpu.memory_space<vmem>> -> memref<40xi32, #tpu.memory_space<vmem>>
    %dma_start3A_31 = tpu.memref_slice %arg4[%add3A_25] : memref<320000xi32, #tpu.memory_space<hbm>> -> memref<40xi32, #tpu.memory_space<hbm>>
    tpu.enqueue_dma source(%dma_start3A_31 : memref<40xi32, #tpu.memory_space<hbm>>) target(%dma_start3A_30 : memref<40xi32, #tpu.memory_space<vmem>>) target_semaphore(%arg30 : memref<!tpu.dma_semaphore, #tpu.memory_space<semaphore_mem>>)
    %dma_start3A_32 = arith.constant 40 : i32
    %dma_start3A_33 = tpu.memref_slice %arg10[%dma_start3A_32] : memref<80xi32, #tpu.memory_space<vmem>> -> memref<40xi32, #tpu.memory_space<vmem>>
    %dma_start3A_34 = tpu.memref_slice %arg5[%add3A_25] : memref<320000xi32, #tpu.memory_space<hbm>> -> memref<40xi32, #tpu.memory_space<hbm>>
    %dma_start3A_35 = arith.constant 40 : i32
    %dma_start3A_36 = tpu.memref_slice %arg10[%dma_start3A_35] : memref<80xi32, #tpu.memory_space<vmem>> -> memref<40xi32, #tpu.memory_space<vmem>>
    %dma_start3A_37 = tpu.memref_slice %arg5[%add3A_25] : memref<320000xi32, #tpu.memory_space<hbm>> -> memref<40xi32, #tpu.memory_space<hbm>>
    tpu.enqueue_dma source(%dma_start3A_37 : memref<40xi32, #tpu.memory_space<hbm>>) target(%dma_start3A_36 : memref<40xi32, #tpu.memory_space<vmem>>) target_semaphore(%arg30 : memref<!tpu.dma_semaphore, #tpu.memory_space<semaphore_mem>>)
    %dma_start3A_38 = arith.constant 0 : i32
    %dma_start3A_39 = tpu.memref_slice %arg14[%dma_start3A_38] : memref<56xi32, #tpu.memory_space<vmem>> -> memref<40xi32, #tpu.memory_space<vmem>>
    %dma_start3A_40 = tpu.memref_slice %arg6[%add3A_25] : memref<320000xi32, #tpu.memory_space<hbm>> -> memref<40xi32, #tpu.memory_space<hbm>>
    %dma_start3A_41 = arith.constant 0 : i32
    %dma_start3A_42 = tpu.memref_slice %arg14[%dma_start3A_41] : memref<56xi32, #tpu.memory_space<vmem>> -> memref<40xi32, #tpu.memory_space<vmem>>
    %dma_start3A_43 = tpu.memref_slice %arg6[%add3A_25] : memref<320000xi32, #tpu.memory_space<hbm>> -> memref<40xi32, #tpu.memory_space<hbm>>
    tpu.enqueue_dma source(%dma_start3A_43 : memref<40xi32, #tpu.memory_space<hbm>>) target(%dma_start3A_42 : memref<40xi32, #tpu.memory_space<vmem>>) target_semaphore(%arg30 : memref<!tpu.dma_semaphore, #tpu.memory_space<semaphore_mem>>)
    %add3A_44 = arith.constant 80 : i32
    %add3A_45 = arith.addi %mul3A_2, %add3A_44 : i32
    %dma_start3A_46 = arith.constant 0 : i32
    %dma_start3A_47 = tpu.memref_slice %arg11[%dma_start3A_46] : memref<80xi32, #tpu.memory_space<vmem>> -> memref<40xi32, #tpu.memory_space<vmem>>
    %dma_start3A_48 = tpu.memref_slice %arg4[%add3A_45] : memref<320000xi32, #tpu.memory_space<hbm>> -> memref<40xi32, #tpu.memory_space<hbm>>
    %dma_start3A_49 = arith.constant 0 : i32
    %dma_start3A_50 = tpu.memref_slice %arg11[%dma_start3A_49] : memref<80xi32, #tpu.memory_space<vmem>> -> memref<40xi32, #tpu.memory_space<vmem>>
    %dma_start3A_51 = tpu.memref_slice %arg4[%add3A_45] : memref<320000xi32, #tpu.memory_space<hbm>> -> memref<40xi32, #tpu.memory_space<hbm>>
    tpu.enqueue_dma source(%dma_start3A_51 : memref<40xi32, #tpu.memory_space<hbm>>) target(%dma_start3A_50 : memref<40xi32, #tpu.memory_space<vmem>>) target_semaphore(%arg31 : memref<!tpu.dma_semaphore, #tpu.memory_space<semaphore_mem>>)
    %dma_start3A_52 = arith.constant 40 : i32
    %dma_start3A_53 = tpu.memref_slice %arg11[%dma_start3A_52] : memref<80xi32, #tpu.memory_space<vmem>> -> memref<40xi32, #tpu.memory_space<vmem>>
    %dma_start3A_54 = tpu.memref_slice %arg5[%add3A_45] : memref<320000xi32, #tpu.memory_space<hbm>> -> memref<40xi32, #tpu.memory_space<hbm>>
    %dma_start3A_55 = arith.constant 40 : i32
    %dma_start3A_56 = tpu.memref_slice %arg11[%dma_start3A_55] : memref<80xi32, #tpu.memory_space<vmem>> -> memref<40xi32, #tpu.memory_space<vmem>>
    %dma_start3A_57 = tpu.memref_slice %arg5[%add3A_45] : memref<320000xi32, #tpu.memory_space<hbm>> -> memref<40xi32, #tpu.memory_space<hbm>>
    tpu.enqueue_dma source(%dma_start3A_57 : memref<40xi32, #tpu.memory_space<hbm>>) target(%dma_start3A_56 : memref<40xi32, #tpu.memory_space<vmem>>) target_semaphore(%arg31 : memref<!tpu.dma_semaphore, #tpu.memory_space<semaphore_mem>>)
    %dma_start3A_58 = arith.constant 0 : i32
    %dma_start3A_59 = tpu.memref_slice %arg15[%dma_start3A_58] : memref<56xi32, #tpu.memory_space<vmem>> -> memref<40xi32, #tpu.memory_space<vmem>>
    %dma_start3A_60 = tpu.memref_slice %arg6[%add3A_45] : memref<320000xi32, #tpu.memory_space<hbm>> -> memref<40xi32, #tpu.memory_space<hbm>>
    %dma_start3A_61 = arith.constant 0 : i32
    %dma_start3A_62 = tpu.memref_slice %arg15[%dma_start3A_61] : memref<56xi32, #tpu.memory_space<vmem>> -> memref<40xi32, #tpu.memory_space<vmem>>
    %dma_start3A_63 = tpu.memref_slice %arg6[%add3A_45] : memref<320000xi32, #tpu.memory_space<hbm>> -> memref<40xi32, #tpu.memory_space<hbm>>
    tpu.enqueue_dma source(%dma_start3A_63 : memref<40xi32, #tpu.memory_space<hbm>>) target(%dma_start3A_62 : memref<40xi32, #tpu.memory_space<vmem>>) target_semaphore(%arg31 : memref<!tpu.dma_semaphore, #tpu.memory_space<semaphore_mem>>)
    %add3A_64 = arith.constant 120 : i32
    %add3A_65 = arith.addi %mul3A_2, %add3A_64 : i32
    %dma_start3A_66 = arith.constant 0 : i32
    %dma_start3A_67 = tpu.memref_slice %arg12[%dma_start3A_66] : memref<80xi32, #tpu.memory_space<vmem>> -> memref<40xi32, #tpu.memory_space<vmem>>
    %dma_start3A_68 = tpu.memref_slice %arg4[%add3A_65] : memref<320000xi32, #tpu.memory_space<hbm>> -> memref<40xi32, #tpu.memory_space<hbm>>
    %dma_start3A_69 = arith.constant 0 : i32
    %dma_start3A_70 = tpu.memref_slice %arg12[%dma_start3A_69] : memref<80xi32, #tpu.memory_space<vmem>> -> memref<40xi32, #tpu.memory_space<vmem>>
    %dma_start3A_71 = tpu.memref_slice %arg4[%add3A_65] : memref<320000xi32, #tpu.memory_space<hbm>> -> memref<40xi32, #tpu.memory_space<hbm>>
    tpu.enqueue_dma source(%dma_start3A_71 : memref<40xi32, #tpu.memory_space<hbm>>) target(%dma_start3A_70 : memref<40xi32, #tpu.memory_space<vmem>>) target_semaphore(%arg32 : memref<!tpu.dma_semaphore, #tpu.memory_space<semaphore_mem>>)
    %dma_start3A_72 = arith.constant 40 : i32
    %dma_start3A_73 = tpu.memref_slice %arg12[%dma_start3A_72] : memref<80xi32, #tpu.memory_space<vmem>> -> memref<40xi32, #tpu.memory_space<vmem>>
    %dma_start3A_74 = tpu.memref_slice %arg5[%add3A_65] : memref<320000xi32, #tpu.memory_space<hbm>> -> memref<40xi32, #tpu.memory_space<hbm>>
    %dma_start3A_75 = arith.constant 40 : i32
    %dma_start3A_76 = tpu.memref_slice %arg12[%dma_start3A_75] : memref<80xi32, #tpu.memory_space<vmem>> -> memref<40xi32, #tpu.memory_space<vmem>>
    %dma_start3A_77 = tpu.memref_slice %arg5[%add3A_65] : memref<320000xi32, #tpu.memory_space<hbm>> -> memref<40xi32, #tpu.memory_space<hbm>>
    tpu.enqueue_dma source(%dma_start3A_77 : memref<40xi32, #tpu.memory_space<hbm>>) target(%dma_start3A_76 : memref<40xi32, #tpu.memory_space<vmem>>) target_semaphore(%arg32 : memref<!tpu.dma_semaphore, #tpu.memory_space<semaphore_mem>>)
    %dma_start3A_78 = arith.constant 0 : i32
    %dma_start3A_79 = tpu.memref_slice %arg16[%dma_start3A_78] : memref<56xi32, #tpu.memory_space<vmem>> -> memref<40xi32, #tpu.memory_space<vmem>>
    %dma_start3A_80 = tpu.memref_slice %arg6[%add3A_65] : memref<320000xi32, #tpu.memory_space<hbm>> -> memref<40xi32, #tpu.memory_space<hbm>>
    %dma_start3A_81 = arith.constant 0 : i32
    %dma_start3A_82 = tpu.memref_slice %arg16[%dma_start3A_81] : memref<56xi32, #tpu.memory_space<vmem>> -> memref<40xi32, #tpu.memory_space<vmem>>
    %dma_start3A_83 = tpu.memref_slice %arg6[%add3A_65] : memref<320000xi32, #tpu.memory_space<hbm>> -> memref<40xi32, #tpu.memory_space<hbm>>
    tpu.enqueue_dma source(%dma_start3A_83 : memref<40xi32, #tpu.memory_space<hbm>>) target(%dma_start3A_82 : memref<40xi32, #tpu.memory_space<vmem>>) target_semaphore(%arg32 : memref<!tpu.dma_semaphore, #tpu.memory_space<semaphore_mem>>)
    %add3A_84 = arith.constant 0 : i32
    %add3A_85 = arith.addi %mul3A_2, %add3A_84 : i32
    %dma_wait3A = arith.constant 0 : i32
    %dma_wait3A_86 = tpu.memref_slice %arg9[%dma_wait3A] : memref<80xi32, #tpu.memory_space<vmem>> -> memref<40xi32, #tpu.memory_space<vmem>>
    %dma_wait3A_87 = tpu.memref_slice %arg4[%add3A_85] : memref<320000xi32, #tpu.memory_space<hbm>> -> memref<40xi32, #tpu.memory_space<hbm>>
    %dma_wait3A_88 = arith.constant 0 : i32
    %dma_wait3A_89 = tpu.memref_slice %arg9[%dma_wait3A_88] : memref<80xi32, #tpu.memory_space<vmem>> -> memref<40xi32, #tpu.memory_space<vmem>>
    %dma_wait3A_90 = tpu.memref_slice %arg4[%add3A_85] : memref<320000xi32, #tpu.memory_space<hbm>> -> memref<40xi32, #tpu.memory_space<hbm>>
    tpu.wait_dma2 semaphore(%arg29 : memref<!tpu.dma_semaphore, #tpu.memory_space<semaphore_mem>>) src(%dma_wait3A_90 : memref<40xi32, #tpu.memory_space<hbm>>) dst(%dma_wait3A_89 : memref<40xi32, #tpu.memory_space<vmem>>)
    %dma_wait3A_91 = arith.constant 40 : i32
    %dma_wait3A_92 = tpu.memref_slice %arg9[%dma_wait3A_91] : memref<80xi32, #tpu.memory_space<vmem>> -> memref<40xi32, #tpu.memory_space<vmem>>
    %dma_wait3A_93 = tpu.memref_slice %arg5[%add3A_85] : memref<320000xi32, #tpu.memory_space<hbm>> -> memref<40xi32, #tpu.memory_space<hbm>>
    %dma_wait3A_94 = arith.constant 40 : i32
    %dma_wait3A_95 = tpu.memref_slice %arg9[%dma_wait3A_94] : memref<80xi32, #tpu.memory_space<vmem>> -> memref<40xi32, #tpu.memory_space<vmem>>
    %dma_wait3A_96 = tpu.memref_slice %arg5[%add3A_85] : memref<320000xi32, #tpu.memory_space<hbm>> -> memref<40xi32, #tpu.memory_space<hbm>>
    tpu.wait_dma2 semaphore(%arg29 : memref<!tpu.dma_semaphore, #tpu.memory_space<semaphore_mem>>) src(%dma_wait3A_96 : memref<40xi32, #tpu.memory_space<hbm>>) dst(%dma_wait3A_95 : memref<40xi32, #tpu.memory_space<vmem>>)
    %dma_wait3A_97 = arith.constant 0 : i32
    %dma_wait3A_98 = tpu.memref_slice %arg13[%dma_wait3A_97] : memref<56xi32, #tpu.memory_space<vmem>> -> memref<40xi32, #tpu.memory_space<vmem>>
    %dma_wait3A_99 = tpu.memref_slice %arg6[%add3A_85] : memref<320000xi32, #tpu.memory_space<hbm>> -> memref<40xi32, #tpu.memory_space<hbm>>
    %dma_wait3A_100 = arith.constant 0 : i32
    %dma_wait3A_101 = tpu.memref_slice %arg13[%dma_wait3A_100] : memref<56xi32, #tpu.memory_space<vmem>> -> memref<40xi32, #tpu.memory_space<vmem>>
    %dma_wait3A_102 = tpu.memref_slice %arg6[%add3A_85] : memref<320000xi32, #tpu.memory_space<hbm>> -> memref<40xi32, #tpu.memory_space<hbm>>
    tpu.wait_dma2 semaphore(%arg29 : memref<!tpu.dma_semaphore, #tpu.memory_space<semaphore_mem>>) src(%dma_wait3A_102 : memref<40xi32, #tpu.memory_space<hbm>>) dst(%dma_wait3A_101 : memref<40xi32, #tpu.memory_space<vmem>>)
    %dma_start3A_103 = arith.constant 0 : i32
    %dma_start3A_104 = arith.constant 0 : i32
    %dma_start3A_105 = tpu.memref_slice %arg2[%dma_start3A_103, %dma_start3A_104] : memref<10000x64xf32, #tpu.memory_space<hbm>> -> memref<10000x64xf32, #tpu.memory_space<hbm>>
    tpu.enqueue_indirect_dma source(%dma_start3A_105 : memref<10000x64xf32, #tpu.memory_space<hbm>>) target(%arg21 : memref<80x64xf32, #tpu.memory_space<vmem>>) offsets(%arg9 : memref<80xi32, #tpu.memory_space<vmem>>) semaphore(%arg25 : memref<!tpu.dma_semaphore, #tpu.memory_space<semaphore_mem>>)
    %add3A_106 = arith.constant 40 : i32
    %add3A_107 = arith.addi %mul3A_2, %add3A_106 : i32
    %dma_wait3A_108 = arith.constant 0 : i32
    %dma_wait3A_109 = tpu.memref_slice %arg10[%dma_wait3A_108] : memref<80xi32, #tpu.memory_space<vmem>> -> memref<40xi32, #tpu.memory_space<vmem>>
    %dma_wait3A_110 = tpu.memref_slice %arg4[%add3A_107] : memref<320000xi32, #tpu.memory_space<hbm>> -> memref<40xi32, #tpu.memory_space<hbm>>
    %dma_wait3A_111 = arith.constant 0 : i32
    %dma_wait3A_112 = tpu.memref_slice %arg10[%dma_wait3A_111] : memref<80xi32, #tpu.memory_space<vmem>> -> memref<40xi32, #tpu.memory_space<vmem>>
    %dma_wait3A_113 = tpu.memref_slice %arg4[%add3A_107] : memref<320000xi32, #tpu.memory_space<hbm>> -> memref<40xi32, #tpu.memory_space<hbm>>
    tpu.wait_dma2 semaphore(%arg30 : memref<!tpu.dma_semaphore, #tpu.memory_space<semaphore_mem>>) src(%dma_wait3A_113 : memref<40xi32, #tpu.memory_space<hbm>>) dst(%dma_wait3A_112 : memref<40xi32, #tpu.memory_space<vmem>>)
    %dma_wait3A_114 = arith.constant 40 : i32
    %dma_wait3A_115 = tpu.memref_slice %arg10[%dma_wait3A_114] : memref<80xi32, #tpu.memory_space<vmem>> -> memref<40xi32, #tpu.memory_space<vmem>>
    %dma_wait3A_116 = tpu.memref_slice %arg5[%add3A_107] : memref<320000xi32, #tpu.memory_space<hbm>> -> memref<40xi32, #tpu.memory_space<hbm>>
    %dma_wait3A_117 = arith.constant 40 : i32
    %dma_wait3A_118 = tpu.memref_slice %arg10[%dma_wait3A_117] : memref<80xi32, #tpu.memory_space<vmem>> -> memref<40xi32, #tpu.memory_space<vmem>>
    %dma_wait3A_119 = tpu.memref_slice %arg5[%add3A_107] : memref<320000xi32, #tpu.memory_space<hbm>> -> memref<40xi32, #tpu.memory_space<hbm>>
    tpu.wait_dma2 semaphore(%arg30 : memref<!tpu.dma_semaphore, #tpu.memory_space<semaphore_mem>>) src(%dma_wait3A_119 : memref<40xi32, #tpu.memory_space<hbm>>) dst(%dma_wait3A_118 : memref<40xi32, #tpu.memory_space<vmem>>)
    %dma_wait3A_120 = arith.constant 0 : i32
    %dma_wait3A_121 = tpu.memref_slice %arg14[%dma_wait3A_120] : memref<56xi32, #tpu.memory_space<vmem>> -> memref<40xi32, #tpu.memory_space<vmem>>
    %dma_wait3A_122 = tpu.memref_slice %arg6[%add3A_107] : memref<320000xi32, #tpu.memory_space<hbm>> -> memref<40xi32, #tpu.memory_space<hbm>>
    %dma_wait3A_123 = arith.constant 0 : i32
    %dma_wait3A_124 = tpu.memref_slice %arg14[%dma_wait3A_123] : memref<56xi32, #tpu.memory_space<vmem>> -> memref<40xi32, #tpu.memory_space<vmem>>
    %dma_wait3A_125 = tpu.memref_slice %arg6[%add3A_107] : memref<320000xi32, #tpu.memory_space<hbm>> -> memref<40xi32, #tpu.memory_space<hbm>>
    tpu.wait_dma2 semaphore(%arg30 : memref<!tpu.dma_semaphore, #tpu.memory_space<semaphore_mem>>) src(%dma_wait3A_125 : memref<40xi32, #tpu.memory_space<hbm>>) dst(%dma_wait3A_124 : memref<40xi32, #tpu.memory_space<vmem>>)
    %dma_start3A_126 = arith.constant 0 : i32
    %dma_start3A_127 = arith.constant 0 : i32
    %dma_start3A_128 = tpu.memref_slice %arg2[%dma_start3A_126, %dma_start3A_127] : memref<10000x64xf32, #tpu.memory_space<hbm>> -> memref<10000x64xf32, #tpu.memory_space<hbm>>
    tpu.enqueue_indirect_dma source(%dma_start3A_128 : memref<10000x64xf32, #tpu.memory_space<hbm>>) target(%arg22 : memref<80x64xf32, #tpu.memory_space<vmem>>) offsets(%arg10 : memref<80xi32, #tpu.memory_space<vmem>>) semaphore(%arg26 : memref<!tpu.dma_semaphore, #tpu.memory_space<semaphore_mem>>)
    %scan3A = arith.constant 0 : i32
    %scan3A_129 = arith.constant 0 : i32
    %scan3A_130 = arith.constant 63 : i32
    %scan3A_131 = arith.addi %scan3A_129, %scan3A_130 : i32
    %scan3A_132 = arith.constant 1 : i32
    scf.for %scan3A_150 = %scan3A_129 to %scan3A_131 step %scan3A_132  : i32 {
      %mul3A_151 = arith.constant 4 : i32
      %mul3A_152 = arith.muli %mul3A_151, %scan3A_150 : i32
      %add3A_153 = arith.constant 0 : i32
      %add3A_154 = arith.addi %mul3A_152, %add3A_153 : i32
      %mul3A_155 = arith.constant 40 : i32
      %mul3A_156 = arith.muli %add3A_154, %mul3A_155 : i32
      %add3A_157 = arith.addi %mul3A_2, %mul3A_156 : i32
      %add3A_158 = arith.constant 2 : i32
      %add3A_159 = arith.addi %add3A_154, %add3A_158 : i32
      %lt3A_160 = arith.constant 250 : i32
      %lt3A_161 = arith.cmpi slt, %add3A_159, %lt3A_160 : i32
      %convert_element_type3A = arith.extui %lt3A_161 : i1 to i32
      %cond3A = arith.constant 0 : i32
      %cond3A_162 = arith.cmpi ne, %convert_element_type3A, %cond3A : i32
      scf.if %cond3A_162 {
        %add3A_253 = arith.constant 2 : i32
        %add3A_254 = arith.addi %add3A_154, %add3A_253 : i32
        %mul3A_255 = arith.constant 40 : i32
        %mul3A_256 = arith.muli %add3A_254, %mul3A_255 : i32
        %add3A_257 = arith.addi %mul3A_2, %mul3A_256 : i32
        %dma_wait3A_258 = arith.constant 0 : i32
        %dma_wait3A_259 = tpu.memref_slice %arg11[%dma_wait3A_258] : memref<80xi32, #tpu.memory_space<vmem>> -> memref<40xi32, #tpu.memory_space<vmem>>
        %dma_wait3A_260 = tpu.memref_slice %arg4[%add3A_257] : memref<320000xi32, #tpu.memory_space<hbm>> -> memref<40xi32, #tpu.memory_space<hbm>>
        %dma_wait3A_261 = arith.constant 0 : i32
        %dma_wait3A_262 = tpu.memref_slice %arg11[%dma_wait3A_261] : memref<80xi32, #tpu.memory_space<vmem>> -> memref<40xi32, #tpu.memory_space<vmem>>
        %dma_wait3A_263 = tpu.memref_slice %arg4[%add3A_257] : memref<320000xi32, #tpu.memory_space<hbm>> -> memref<40xi32, #tpu.memory_space<hbm>>
        tpu.wait_dma2 semaphore(%arg31 : memref<!tpu.dma_semaphore, #tpu.memory_space<semaphore_mem>>) src(%dma_wait3A_263 : memref<40xi32, #tpu.memory_space<hbm>>) dst(%dma_wait3A_262 : memref<40xi32, #tpu.memory_space<vmem>>)
        %dma_wait3A_264 = arith.constant 40 : i32
        %dma_wait3A_265 = tpu.memref_slice %arg11[%dma_wait3A_264] : memref<80xi32, #tpu.memory_space<vmem>> -> memref<40xi32, #tpu.memory_space<vmem>>
        %dma_wait3A_266 = tpu.memref_slice %arg5[%add3A_257] : memref<320000xi32, #tpu.memory_space<hbm>> -> memref<40xi32, #tpu.memory_space<hbm>>
        %dma_wait3A_267 = arith.constant 40 : i32
        %dma_wait3A_268 = tpu.memref_slice %arg11[%dma_wait3A_267] : memref<80xi32, #tpu.memory_space<vmem>> -> memref<40xi32, #tpu.memory_space<vmem>>
        %dma_wait3A_269 = tpu.memref_slice %arg5[%add3A_257] : memref<320000xi32, #tpu.memory_space<hbm>> -> memref<40xi32, #tpu.memory_space<hbm>>
        tpu.wait_dma2 semaphore(%arg31 : memref<!tpu.dma_semaphore, #tpu.memory_space<semaphore_mem>>) src(%dma_wait3A_269 : memref<40xi32, #tpu.memory_space<hbm>>) dst(%dma_wait3A_268 : memref<40xi32, #tpu.memory_space<vmem>>)
        %dma_wait3A_270 = arith.constant 0 : i32
        %dma_wait3A_271 = tpu.memref_slice %arg15[%dma_wait3A_270] : memref<56xi32, #tpu.memory_space<vmem>> -> memref<40xi32, #tpu.memory_space<vmem>>
        %dma_wait3A_272 = tpu.memref_slice %arg6[%add3A_257] : memref<320000xi32, #tpu.memory_space<hbm>> -> memref<40xi32, #tpu.memory_space<hbm>>
        %dma_wait3A_273 = arith.constant 0 : i32
        %dma_wait3A_274 = tpu.memref_slice %arg15[%dma_wait3A_273] : memref<56xi32, #tpu.memory_space<vmem>> -> memref<40xi32, #tpu.memory_space<vmem>>
        %dma_wait3A_275 = tpu.memref_slice %arg6[%add3A_257] : memref<320000xi32, #tpu.memory_space<hbm>> -> memref<40xi32, #tpu.memory_space<hbm>>
        tpu.wait_dma2 semaphore(%arg31 : memref<!tpu.dma_semaphore, #tpu.memory_space<semaphore_mem>>) src(%dma_wait3A_275 : memref<40xi32, #tpu.memory_space<hbm>>) dst(%dma_wait3A_274 : memref<40xi32, #tpu.memory_space<vmem>>)
        %dma_start3A_276 = arith.constant 0 : i32
        %dma_start3A_277 = arith.constant 0 : i32
        %dma_start3A_278 = tpu.memref_slice %arg2[%dma_start3A_276, %dma_start3A_277] : memref<10000x64xf32, #tpu.memory_space<hbm>> -> memref<10000x64xf32, #tpu.memory_space<hbm>>
        tpu.enqueue_indirect_dma source(%dma_start3A_278 : memref<10000x64xf32, #tpu.memory_space<hbm>>) target(%arg23 : memref<80x64xf32, #tpu.memory_space<vmem>>) offsets(%arg11 : memref<80xi32, #tpu.memory_space<vmem>>) semaphore(%arg27 : memref<!tpu.dma_semaphore, #tpu.memory_space<semaphore_mem>>)
      } else {
      }
      %lt3A_163 = arith.constant 250 : i32
      %lt3A_164 = arith.cmpi slt, %add3A_154, %lt3A_163 : i32
      %convert_element_type3A_165 = arith.extui %lt3A_164 : i1 to i32
      %cond3A_166 = arith.constant 0 : i32
      %cond3A_167 = arith.cmpi ne, %convert_element_type3A_165, %cond3A_166 : i32
      scf.if %cond3A_167 {
        %dma_wait3A_253 = arith.constant 0 : i32
        %dma_wait3A_254 = arith.constant 0 : i32
        %dma_wait3A_255 = tpu.memref_slice %arg2[%dma_wait3A_253, %dma_wait3A_254] : memref<10000x64xf32, #tpu.memory_space<hbm>> -> memref<10000x64xf32, #tpu.memory_space<hbm>>
        tpu.wait_indirect_dma semaphore(%arg25 : memref<!tpu.dma_semaphore, #tpu.memory_space<semaphore_mem>>) src(%dma_wait3A_255 : memref<10000x64xf32, #tpu.memory_space<hbm>>) dst(%arg21 : memref<80x64xf32, #tpu.memory_space<vmem>>)
        %ge3A = arith.constant 4 : i32
        %ge3A_256 = arith.cmpi sge, %add3A_154, %ge3A : i32
        %convert_element_type3A_257 = arith.extui %ge3A_256 : i1 to i32
        %cond3A_258 = arith.constant 0 : i32
        %cond3A_259 = arith.cmpi ne, %convert_element_type3A_257, %cond3A_258 : i32
        scf.if %cond3A_259 {
          %dma_wait3A_268 = tpu.memref_slice %arg7[%add3A_157] : memref<320000xf32, #tpu.memory_space<hbm>> -> memref<40xf32, #tpu.memory_space<hbm>>
          %dma_wait3A_269 = tpu.memref_slice %arg7[%add3A_157] : memref<320000xf32, #tpu.memory_space<hbm>> -> memref<40xf32, #tpu.memory_space<hbm>>
          tpu.wait_dma2 semaphore(%arg33 : memref<!tpu.dma_semaphore, #tpu.memory_space<semaphore_mem>>) src(%arg17 : memref<40xf32, #tpu.memory_space<vmem>>) dst(%dma_wait3A_269 : memref<40xf32, #tpu.memory_space<hbm>>)
        } else {
        }
        %scan3A_260 = arith.constant 0 : i32
        %scan3A_261 = arith.constant 0 : i32
        %scan3A_262 = arith.constant 10 : i32
        %scan3A_263 = arith.addi %scan3A_261, %scan3A_262 : i32
        %scan3A_264 = arith.constant 1 : i32
        scf.for %scan3A_268 = %scan3A_261 to %scan3A_263 step %scan3A_264  : i32 {
          %mul3A_269 = arith.constant 4 : i32
          %mul3A_270 = arith.muli %scan3A_268, %mul3A_269 : i32
          %get3A = arith.index_cast %mul3A_270 : i32 to index
          %get3A_271 = tpu.vector_load %arg13[%get3A] {strides = array<i32>} : memref<56xi32, #tpu.memory_space<vmem>>, vector<16xi32>,
          %broadcast_in_dim3A = arith.constant 0.000000e+00 : f32
          %broadcast_in_dim3A_272 = vector.broadcast %broadcast_in_dim3A : f32 to vector<16xf32>
          %mul3A_273 = arith.constant 4 : i32
          %mul3A_274 = arith.muli %scan3A_268, %mul3A_273 : i32
          %add3A_275 = arith.constant 0 : i32
          %add3A_276 = arith.addi %mul3A_274, %add3A_275 : i32
          %broadcast_in_dim3A_277 = arith.constant 0 : i32
          %broadcast_in_dim3A_278 = vector.broadcast %broadcast_in_dim3A_277 : i32 to vector<16xi32>
          %lt3A_279 = arith.constant 0 : i32
          %lt3A_280 = vector.broadcast %lt3A_279 : i32 to vector<16xi32>
          %lt3A_281 = arith.cmpi slt, %broadcast_in_dim3A_278, %lt3A_280 : vector<16xi32>
          %add3A_282 = arith.constant 16 : i32
          %add3A_283 = vector.broadcast %add3A_282 : i32 to vector<16xi32>
          %add3A_284 = arith.addi %broadcast_in_dim3A_278, %add3A_283 : vector<16xi32>
          %select_n3A = arith.select %lt3A_281, %add3A_284, %broadcast_in_dim3A_278 : vector<16xi1>, vector<16xi32>
          %reshape3A = vector.shape_cast %select_n3A : vector<16xi32> to vector<16x1xi32>
          %gather3A = vector.shape_cast %reshape3A : vector<16x1xi32> to vector<16xi32>
          %gather3A_285 = tpu.dynamic_gather %get3A_271[%gather3A] in [0] : vector<16xi32>, vector<16xi32> -> vector<16xi32>
          %mul3A_286 = arith.constant 64 : i32
          %mul3A_287 = vector.broadcast %mul3A_286 : i32 to vector<16xi32>
          %mul3A_288 = arith.muli %gather3A_285, %mul3A_287 : vector<16xi32>
          %add3A_289 = arith.addi %mul3A_288, %iota3A : vector<16xi32>
          %add3A_290 = arith.constant 0 : i32
          %add3A_291 = vector.broadcast %add3A_290 : i32 to vector<16xi32>
          %add3A_292 = arith.addi %add3A_289, %add3A_291 : vector<16xi32>
          %gather3A_293 = tpu.vector_load_idx %arg8[%add3A_292] : memref<64000xf32, #tpu.memory_space<vmem>>[vector<16xi32>], vector<16xf32>,
          %bitcast3A = vector.bitcast %gather3A_293 : vector<16xf32> to vector<32xbf16>
          %add3A_294 = arith.constant 16 : i32
          %add3A_295 = vector.broadcast %add3A_294 : i32 to vector<16xi32>
          %add3A_296 = arith.addi %add3A_289, %add3A_295 : vector<16xi32>
          %gather3A_297 = tpu.vector_load_idx %arg8[%add3A_296] : memref<64000xf32, #tpu.memory_space<vmem>>[vector<16xi32>], vector<16xf32>,
          %bitcast3A_298 = vector.bitcast %gather3A_297 : vector<16xf32> to vector<32xbf16>
          %add3A_299 = arith.constant 32 : i32
          %add3A_300 = vector.broadcast %add3A_299 : i32 to vector<16xi32>
          %add3A_301 = arith.addi %add3A_289, %add3A_300 : vector<16xi32>
          %gather3A_302 = tpu.vector_load_idx %arg8[%add3A_301] : memref<64000xf32, #tpu.memory_space<vmem>>[vector<16xi32>], vector<16xf32>,
          %bitcast3A_303 = vector.bitcast %gather3A_302 : vector<16xf32> to vector<32xbf16>
          %add3A_304 = arith.constant 48 : i32
          %add3A_305 = vector.broadcast %add3A_304 : i32 to vector<16xi32>
          %add3A_306 = arith.addi %add3A_289, %add3A_305 : vector<16xi32>
          %gather3A_307 = tpu.vector_load_idx %arg8[%add3A_306] : memref<64000xf32, #tpu.memory_space<vmem>>[vector<16xi32>], vector<16xf32>,
          %bitcast3A_308 = vector.bitcast %gather3A_307 : vector<16xf32> to vector<32xbf16>
          %get3A_309 = arith.index_cast %add3A_276 : i32 to index
          %get3A_310 = arith.constant 0 : index
          %get3A_311 = tpu.vector_load %arg21[%get3A_309, %get3A_310] {strides = array<i32>} : memref<80x64xf32, #tpu.memory_space<vmem>>, vector<16xf32>,
          %bitcast3A_312 = vector.bitcast %get3A_311 : vector<16xf32> to vector<32xbf16>
          %get3A_313 = arith.index_cast %add3A_276 : i32 to index
          %get3A_314 = arith.constant 16 : index
          %get3A_315 = tpu.vector_load %arg21[%get3A_313, %get3A_314] {strides = array<i32>} : memref<80x64xf32, #tpu.memory_space<vmem>>, vector<16xf32>,
          %bitcast3A_316 = vector.bitcast %get3A_315 : vector<16xf32> to vector<32xbf16>
          %get3A_317 = arith.index_cast %add3A_276 : i32 to index
          %get3A_318 = arith.constant 32 : index
          %get3A_319 = tpu.vector_load %arg21[%get3A_317, %get3A_318] {strides = array<i32>} : memref<80x64xf32, #tpu.memory_space<vmem>>, vector<16xf32>,
          %bitcast3A_320 = vector.bitcast %get3A_319 : vector<16xf32> to vector<32xbf16>
          %get3A_321 = arith.index_cast %add3A_276 : i32 to index
          %get3A_322 = arith.constant 48 : index
          %get3A_323 = tpu.vector_load %arg21[%get3A_321, %get3A_322] {strides = array<i32>} : memref<80x64xf32, #tpu.memory_space<vmem>>, vector<16xf32>,
          %bitcast3A_324 = vector.bitcast %get3A_323 : vector<16xf32> to vector<32xbf16>
          %add3A_325 = arith.constant 40 : i32
          %add3A_326 = arith.addi %add3A_325, %add3A_276 : i32
          %get3A_327 = arith.index_cast %add3A_326 : i32 to index
          %get3A_328 = arith.constant 0 : index
          %get3A_329 = tpu.vector_load %arg21[%get3A_327, %get3A_328] {strides = array<i32>} : memref<80x64xf32, #tpu.memory_space<vmem>>, vector<16xf32>,
          %bitcast3A_330 = vector.bitcast %get3A_329 : vector<16xf32> to vector<32xbf16>
          %add3A_331 = arith.constant 40 : i32
          %add3A_332 = arith.addi %add3A_331, %add3A_276 : i32
          %get3A_333 = arith.index_cast %add3A_332 : i32 to index
          %get3A_334 = arith.constant 16 : index
          %get3A_335 = tpu.vector_load %arg21[%get3A_333, %get3A_334] {strides = array<i32>} : memref<80x64xf32, #tpu.memory_space<vmem>>, vector<16xf32>,
          %bitcast3A_336 = vector.bitcast %get3A_335 : vector<16xf32> to vector<32xbf16>
          %add3A_337 = arith.constant 40 : i32
          %add3A_338 = arith.addi %add3A_337, %add3A_276 : i32
          %get3A_339 = arith.index_cast %add3A_338 : i32 to index
          %get3A_340 = arith.constant 32 : index
          %get3A_341 = tpu.vector_load %arg21[%get3A_339, %get3A_340] {strides = array<i32>} : memref<80x64xf32, #tpu.memory_space<vmem>>, vector<16xf32>,
          %bitcast3A_342 = vector.bitcast %get3A_341 : vector<16xf32> to vector<32xbf16>
          %add3A_343 = arith.constant 40 : i32
          %add3A_344 = arith.addi %add3A_343, %add3A_276 : i32
          %get3A_345 = arith.index_cast %add3A_344 : i32 to index
          %get3A_346 = arith.constant 48 : index
          %get3A_347 = tpu.vector_load %arg21[%get3A_345, %get3A_346] {strides = array<i32>} : memref<80x64xf32, #tpu.memory_space<vmem>>, vector<16xf32>,
          %bitcast3A_348 = vector.bitcast %get3A_347 : vector<16xf32> to vector<32xbf16>
          %mul3A_349 = arith.mulf %bitcast3A_312, %bitcast3A : vector<32xbf16>
          %mul3A_350 = arith.mulf %mul3A_349, %bitcast3A_342 : vector<32xbf16>
          %mul3A_351 = arith.mulf %bitcast3A_330, %bitcast3A_303 : vector<32xbf16>
          %mul3A_352 = arith.mulf %mul3A_351, %bitcast3A_320 : vector<32xbf16>
          %unpack3A = tpu.unpack_subelements %mul3A_350, 0 {pack_format = #tpu.pack_format<interleaved>} : vector<32xbf16> -> vector<16xf32>
          %unpack3A_353 = tpu.unpack_subelements %mul3A_350, 1 {pack_format = #tpu.pack_format<interleaved>} : vector<32xbf16> -> vector<16xf32>
          %unpack3A_354 = tpu.unpack_subelements %mul3A_352, 0 {pack_format = #tpu.pack_format<interleaved>} : vector<32xbf16> -> vector<16xf32>
          %unpack3A_355 = tpu.unpack_subelements %mul3A_352, 1 {pack_format = #tpu.pack_format<interleaved>} : vector<32xbf16> -> vector<16xf32>
          %mul3A_356 = arith.mulf %bitcast3A_316, %bitcast3A_298 : vector<32xbf16>
          %mul3A_357 = arith.mulf %mul3A_356, %bitcast3A_348 : vector<32xbf16>
          %mul3A_358 = arith.mulf %bitcast3A_336, %bitcast3A_308 : vector<32xbf16>
          %mul3A_359 = arith.mulf %mul3A_358, %bitcast3A_324 : vector<32xbf16>
          %unpack3A_360 = tpu.unpack_subelements %mul3A_357, 0 {pack_format = #tpu.pack_format<interleaved>} : vector<32xbf16> -> vector<16xf32>
          %unpack3A_361 = tpu.unpack_subelements %mul3A_357, 1 {pack_format = #tpu.pack_format<interleaved>} : vector<32xbf16> -> vector<16xf32>
          %unpack3A_362 = tpu.unpack_subelements %mul3A_359, 0 {pack_format = #tpu.pack_format<interleaved>} : vector<32xbf16> -> vector<16xf32>
          %unpack3A_363 = tpu.unpack_subelements %mul3A_359, 1 {pack_format = #tpu.pack_format<interleaved>} : vector<32xbf16> -> vector<16xf32>
          %add3A_364 = arith.addf %unpack3A, %unpack3A_353 : vector<16xf32>
          %add3A_365 = arith.addf %unpack3A_354, %unpack3A_355 : vector<16xf32>
          %add3A_366 = arith.addf %unpack3A_360, %unpack3A_361 : vector<16xf32>
          %add3A_367 = arith.addf %unpack3A_362, %unpack3A_363 : vector<16xf32>
          %add3A_368 = arith.addf %add3A_364, %add3A_365 : vector<16xf32>
          %add3A_369 = arith.addf %add3A_366, %add3A_367 : vector<16xf32>
          %add3A_370 = arith.addf %add3A_368, %add3A_369 : vector<16xf32>
          %reduce_sum3A = arith.constant true
          %reduce_sum3A_371 = vector.broadcast %reduce_sum3A : i1 to vector<16xi1>
          %reduce_sum3A_372 = tpu.scan <sum>, %add3A_370 masked %reduce_sum3A_371 : vector<16xf32>, vector<16xi1> -> vector<16xf32>
          %reduce_sum3A_373 = vector.extract %reduce_sum3A_372[15] : f32 from vector<16xf32>
          %broadcast_in_dim3A_374 = vector.broadcast %reduce_sum3A_373 : f32 to vector<16xf32>
          %eq3A = arith.constant 0 : i32
          %eq3A_375 = vector.broadcast %eq3A : i32 to vector<16xi32>
          %eq3A_376 = arith.cmpi eq, %iota3A, %eq3A_375 : vector<16xi32>
          %select_n3A_377 = arith.select %eq3A_376, %broadcast_in_dim3A_374, %broadcast_in_dim3A_272 : vector<16xi1>, vector<16xf32>
          %mul3A_378 = arith.constant 4 : i32
          %mul3A_379 = arith.muli %scan3A_268, %mul3A_378 : i32
          %add3A_380 = arith.constant 1 : i32
          %add3A_381 = arith.addi %mul3A_379, %add3A_380 : i32
          %broadcast_in_dim3A_382 = arith.constant 1 : i32
          %broadcast_in_dim3A_383 = vector.broadcast %broadcast_in_dim3A_382 : i32 to vector<16xi32>
          %lt3A_384 = arith.constant 0 : i32
          %lt3A_385 = vector.broadcast %lt3A_384 : i32 to vector<16xi32>
          %lt3A_386 = arith.cmpi slt, %broadcast_in_dim3A_383, %lt3A_385 : vector<16xi32>
          %add3A_387 = arith.constant 16 : i32
          %add3A_388 = vector.broadcast %add3A_387 : i32 to vector<16xi32>
          %add3A_389 = arith.addi %broadcast_in_dim3A_383, %add3A_388 : vector<16xi32>
          %select_n3A_390 = arith.select %lt3A_386, %add3A_389, %broadcast_in_dim3A_383 : vector<16xi1>, vector<16xi32>
          %reshape3A_391 = vector.shape_cast %select_n3A_390 : vector<16xi32> to vector<16x1xi32>
          %gather3A_392 = vector.shape_cast %reshape3A_391 : vector<16x1xi32> to vector<16xi32>
          %gather3A_393 = tpu.dynamic_gather %get3A_271[%gather3A_392] in [0] : vector<16xi32>, vector<16xi32> -> vector<16xi32>
          %mul3A_394 = arith.constant 64 : i32
          %mul3A_395 = vector.broadcast %mul3A_394 : i32 to vector<16xi32>
          %mul3A_396 = arith.muli %gather3A_393, %mul3A_395 : vector<16xi32>
          %add3A_397 = arith.addi %mul3A_396, %iota3A : vector<16xi32>
          %add3A_398 = arith.constant 0 : i32
          %add3A_399 = vector.broadcast %add3A_398 : i32 to vector<16xi32>
          %add3A_400 = arith.addi %add3A_397, %add3A_399 : vector<16xi32>
          %gather3A_401 = tpu.vector_load_idx %arg8[%add3A_400] : memref<64000xf32, #tpu.memory_space<vmem>>[vector<16xi32>], vector<16xf32>,
          %bitcast3A_402 = vector.bitcast %gather3A_401 : vector<16xf32> to vector<32xbf16>
          %add3A_403 = arith.constant 16 : i32
          %add3A_404 = vector.broadcast %add3A_403 : i32 to vector<16xi32>
          %add3A_405 = arith.addi %add3A_397, %add3A_404 : vector<16xi32>
          %gather3A_406 = tpu.vector_load_idx %arg8[%add3A_405] : memref<64000xf32, #tpu.memory_space<vmem>>[vector<16xi32>], vector<16xf32>,
          %bitcast3A_407 = vector.bitcast %gather3A_406 : vector<16xf32> to vector<32xbf16>
          %add3A_408 = arith.constant 32 : i32
          %add3A_409 = vector.broadcast %add3A_408 : i32 to vector<16xi32>
          %add3A_410 = arith.addi %add3A_397, %add3A_409 : vector<16xi32>
          %gather3A_411 = tpu.vector_load_idx %arg8[%add3A_410] : memref<64000xf32, #tpu.memory_space<vmem>>[vector<16xi32>], vector<16xf32>,
          %bitcast3A_412 = vector.bitcast %gather3A_411 : vector<16xf32> to vector<32xbf16>
          %add3A_413 = arith.constant 48 : i32
          %add3A_414 = vector.broadcast %add3A_413 : i32 to vector<16xi32>
          %add3A_415 = arith.addi %add3A_397, %add3A_414 : vector<16xi32>
          %gather3A_416 = tpu.vector_load_idx %arg8[%add3A_415] : memref<64000xf32, #tpu.memory_space<vmem>>[vector<16xi32>], vector<16xf32>,
          %bitcast3A_417 = vector.bitcast %gather3A_416 : vector<16xf32> to vector<32xbf16>
          %get3A_418 = arith.index_cast %add3A_381 : i32 to index
          %get3A_419 = arith.constant 0 : index
          %get3A_420 = tpu.vector_load %arg21[%get3A_418, %get3A_419] {strides = array<i32>} : memref<80x64xf32, #tpu.memory_space<vmem>>, vector<16xf32>,
          %bitcast3A_421 = vector.bitcast %get3A_420 : vector<16xf32> to vector<32xbf16>
          %get3A_422 = arith.index_cast %add3A_381 : i32 to index
          %get3A_423 = arith.constant 16 : index
          %get3A_424 = tpu.vector_load %arg21[%get3A_422, %get3A_423] {strides = array<i32>} : memref<80x64xf32, #tpu.memory_space<vmem>>, vector<16xf32>,
          %bitcast3A_425 = vector.bitcast %get3A_424 : vector<16xf32> to vector<32xbf16>
          %get3A_426 = arith.index_cast %add3A_381 : i32 to index
          %get3A_427 = arith.constant 32 : index
          %get3A_428 = tpu.vector_load %arg21[%get3A_426, %get3A_427] {strides = array<i32>} : memref<80x64xf32, #tpu.memory_space<vmem>>, vector<16xf32>,
          %bitcast3A_429 = vector.bitcast %get3A_428 : vector<16xf32> to vector<32xbf16>
          %get3A_430 = arith.index_cast %add3A_381 : i32 to index
          %get3A_431 = arith.constant 48 : index
          %get3A_432 = tpu.vector_load %arg21[%get3A_430, %get3A_431] {strides = array<i32>} : memref<80x64xf32, #tpu.memory_space<vmem>>, vector<16xf32>,
          %bitcast3A_433 = vector.bitcast %get3A_432 : vector<16xf32> to vector<32xbf16>
          %add3A_434 = arith.constant 40 : i32
          %add3A_435 = arith.addi %add3A_434, %add3A_381 : i32
          %get3A_436 = arith.index_cast %add3A_435 : i32 to index
          %get3A_437 = arith.constant 0 : index
          %get3A_438 = tpu.vector_load %arg21[%get3A_436, %get3A_437] {strides = array<i32>} : memref<80x64xf32, #tpu.memory_space<vmem>>, vector<16xf32>,
          %bitcast3A_439 = vector.bitcast %get3A_438 : vector<16xf32> to vector<32xbf16>
          %add3A_440 = arith.constant 40 : i32
          %add3A_441 = arith.addi %add3A_440, %add3A_381 : i32
          %get3A_442 = arith.index_cast %add3A_441 : i32 to index
          %get3A_443 = arith.constant 16 : index
          %get3A_444 = tpu.vector_load %arg21[%get3A_442, %get3A_443] {strides = array<i32>} : memref<80x64xf32, #tpu.memory_space<vmem>>, vector<16xf32>,
          %bitcast3A_445 = vector.bitcast %get3A_444 : vector<16xf32> to vector<32xbf16>
          %add3A_446 = arith.constant 40 : i32
          %add3A_447 = arith.addi %add3A_446, %add3A_381 : i32
          %get3A_448 = arith.index_cast %add3A_447 : i32 to index
          %get3A_449 = arith.constant 32 : index
          %get3A_450 = tpu.vector_load %arg21[%get3A_448, %get3A_449] {strides = array<i32>} : memref<80x64xf32, #tpu.memory_space<vmem>>, vector<16xf32>,
          %bitcast3A_451 = vector.bitcast %get3A_450 : vector<16xf32> to vector<32xbf16>
          %add3A_452 = arith.constant 40 : i32
          %add3A_453 = arith.addi %add3A_452, %add3A_381 : i32
          %get3A_454 = arith.index_cast %add3A_453 : i32 to index
          %get3A_455 = arith.constant 48 : index
          %get3A_456 = tpu.vector_load %arg21[%get3A_454, %get3A_455] {strides = array<i32>} : memref<80x64xf32, #tpu.memory_space<vmem>>, vector<16xf32>,
          %bitcast3A_457 = vector.bitcast %get3A_456 : vector<16xf32> to vector<32xbf16>
          %mul3A_458 = arith.mulf %bitcast3A_421, %bitcast3A_402 : vector<32xbf16>
          %mul3A_459 = arith.mulf %mul3A_458, %bitcast3A_451 : vector<32xbf16>
          %mul3A_460 = arith.mulf %bitcast3A_439, %bitcast3A_412 : vector<32xbf16>
          %mul3A_461 = arith.mulf %mul3A_460, %bitcast3A_429 : vector<32xbf16>
          %unpack3A_462 = tpu.unpack_subelements %mul3A_459, 0 {pack_format = #tpu.pack_format<interleaved>} : vector<32xbf16> -> vector<16xf32>
          %unpack3A_463 = tpu.unpack_subelements %mul3A_459, 1 {pack_format = #tpu.pack_format<interleaved>} : vector<32xbf16> -> vector<16xf32>
          %unpack3A_464 = tpu.unpack_subelements %mul3A_461, 0 {pack_format = #tpu.pack_format<interleaved>} : vector<32xbf16> -> vector<16xf32>
          %unpack3A_465 = tpu.unpack_subelements %mul3A_461, 1 {pack_format = #tpu.pack_format<interleaved>} : vector<32xbf16> -> vector<16xf32>
          %mul3A_466 = arith.mulf %bitcast3A_425, %bitcast3A_407 : vector<32xbf16>
          %mul3A_467 = arith.mulf %mul3A_466, %bitcast3A_457 : vector<32xbf16>
          %mul3A_468 = arith.mulf %bitcast3A_445, %bitcast3A_417 : vector<32xbf16>
          %mul3A_469 = arith.mulf %mul3A_468, %bitcast3A_433 : vector<32xbf16>
          %unpack3A_470 = tpu.unpack_subelements %mul3A_467, 0 {pack_format = #tpu.pack_format<interleaved>} : vector<32xbf16> -> vector<16xf32>
          %unpack3A_471 = tpu.unpack_subelements %mul3A_467, 1 {pack_format = #tpu.pack_format<interleaved>} : vector<32xbf16> -> vector<16xf32>
          %unpack3A_472 = tpu.unpack_subelements %mul3A_469, 0 {pack_format = #tpu.pack_format<interleaved>} : vector<32xbf16> -> vector<16xf32>
          %unpack3A_473 = tpu.unpack_subelements %mul3A_469, 1 {pack_format = #tpu.pack_format<interleaved>} : vector<32xbf16> -> vector<16xf32>
          %add3A_474 = arith.addf %unpack3A_462, %unpack3A_463 : vector<16xf32>
          %add3A_475 = arith.addf %unpack3A_464, %unpack3A_465 : vector<16xf32>
          %add3A_476 = arith.addf %unpack3A_470, %unpack3A_471 : vector<16xf32>
          %add3A_477 = arith.addf %unpack3A_472, %unpack3A_473 : vector<16xf32>
          %add3A_478 = arith.addf %add3A_474, %add3A_475 : vector<16xf32>
          %add3A_479 = arith.addf %add3A_476, %add3A_477 : vector<16xf32>
          %add3A_480 = arith.addf %add3A_478, %add3A_479 : vector<16xf32>
          %reduce_sum3A_481 = arith.constant true
          %reduce_sum3A_482 = vector.broadcast %reduce_sum3A_481 : i1 to vector<16xi1>
          %reduce_sum3A_483 = tpu.scan <sum>, %add3A_480 masked %reduce_sum3A_482 : vector<16xf32>, vector<16xi1> -> vector<16xf32>
          %reduce_sum3A_484 = vector.extract %reduce_sum3A_483[15] : f32 from vector<16xf32>
          %broadcast_in_dim3A_485 = vector.broadcast %reduce_sum3A_484 : f32 to vector<16xf32>
          %eq3A_486 = arith.constant 1 : i32
          %eq3A_487 = vector.broadcast %eq3A_486 : i32 to vector<16xi32>
          %eq3A_488 = arith.cmpi eq, %iota3A, %eq3A_487 : vector<16xi32>
          %select_n3A_489 = arith.select %eq3A_488, %broadcast_in_dim3A_485, %select_n3A_377 : vector<16xi1>, vector<16xf32>
          %mul3A_490 = arith.constant 4 : i32
          %mul3A_491 = arith.muli %scan3A_268, %mul3A_490 : i32
          %add3A_492 = arith.constant 2 : i32
          %add3A_493 = arith.addi %mul3A_491, %add3A_492 : i32
          %broadcast_in_dim3A_494 = arith.constant 2 : i32
          %broadcast_in_dim3A_495 = vector.broadcast %broadcast_in_dim3A_494 : i32 to vector<16xi32>
          %lt3A_496 = arith.constant 0 : i32
          %lt3A_497 = vector.broadcast %lt3A_496 : i32 to vector<16xi32>
          %lt3A_498 = arith.cmpi slt, %broadcast_in_dim3A_495, %lt3A_497 : vector<16xi32>
          %add3A_499 = arith.constant 16 : i32
          %add3A_500 = vector.broadcast %add3A_499 : i32 to vector<16xi32>
          %add3A_501 = arith.addi %broadcast_in_dim3A_495, %add3A_500 : vector<16xi32>
          %select_n3A_502 = arith.select %lt3A_498, %add3A_501, %broadcast_in_dim3A_495 : vector<16xi1>, vector<16xi32>
          %reshape3A_503 = vector.shape_cast %select_n3A_502 : vector<16xi32> to vector<16x1xi32>
          %gather3A_504 = vector.shape_cast %reshape3A_503 : vector<16x1xi32> to vector<16xi32>
          %gather3A_505 = tpu.dynamic_gather %get3A_271[%gather3A_504] in [0] : vector<16xi32>, vector<16xi32> -> vector<16xi32>
          %mul3A_506 = arith.constant 64 : i32
          %mul3A_507 = vector.broadcast %mul3A_506 : i32 to vector<16xi32>
          %mul3A_508 = arith.muli %gather3A_505, %mul3A_507 : vector<16xi32>
          %add3A_509 = arith.addi %mul3A_508, %iota3A : vector<16xi32>
          %add3A_510 = arith.constant 0 : i32
          %add3A_511 = vector.broadcast %add3A_510 : i32 to vector<16xi32>
          %add3A_512 = arith.addi %add3A_509, %add3A_511 : vector<16xi32>
          %gather3A_513 = tpu.vector_load_idx %arg8[%add3A_512] : memref<64000xf32, #tpu.memory_space<vmem>>[vector<16xi32>], vector<16xf32>,
          %bitcast3A_514 = vector.bitcast %gather3A_513 : vector<16xf32> to vector<32xbf16>
          %add3A_515 = arith.constant 16 : i32
          %add3A_516 = vector.broadcast %add3A_515 : i32 to vector<16xi32>
          %add3A_517 = arith.addi %add3A_509, %add3A_516 : vector<16xi32>
          %gather3A_518 = tpu.vector_load_idx %arg8[%add3A_517] : memref<64000xf32, #tpu.memory_space<vmem>>[vector<16xi32>], vector<16xf32>,
          %bitcast3A_519 = vector.bitcast %gather3A_518 : vector<16xf32> to vector<32xbf16>
          %add3A_520 = arith.constant 32 : i32
          %add3A_521 = vector.broadcast %add3A_520 : i32 to vector<16xi32>
          %add3A_522 = arith.addi %add3A_509, %add3A_521 : vector<16xi32>
          %gather3A_523 = tpu.vector_load_idx %arg8[%add3A_522] : memref<64000xf32, #tpu.memory_space<vmem>>[vector<16xi32>], vector<16xf32>,
          %bitcast3A_524 = vector.bitcast %gather3A_523 : vector<16xf32> to vector<32xbf16>
          %add3A_525 = arith.constant 48 : i32
          %add3A_526 = vector.broadcast %add3A_525 : i32 to vector<16xi32>
          %add3A_527 = arith.addi %add3A_509, %add3A_526 : vector<16xi32>
          %gather3A_528 = tpu.vector_load_idx %arg8[%add3A_527] : memref<64000xf32, #tpu.memory_space<vmem>>[vector<16xi32>], vector<16xf32>,
          %bitcast3A_529 = vector.bitcast %gather3A_528 : vector<16xf32> to vector<32xbf16>
          %get3A_530 = arith.index_cast %add3A_493 : i32 to index
          %get3A_531 = arith.constant 0 : index
          %get3A_532 = tpu.vector_load %arg21[%get3A_530, %get3A_531] {strides = array<i32>} : memref<80x64xf32, #tpu.memory_space<vmem>>, vector<16xf32>,
          %bitcast3A_533 = vector.bitcast %get3A_532 : vector<16xf32> to vector<32xbf16>
          %get3A_534 = arith.index_cast %add3A_493 : i32 to index
          %get3A_535 = arith.constant 16 : index
          %get3A_536 = tpu.vector_load %arg21[%get3A_534, %get3A_535] {strides = array<i32>} : memref<80x64xf32, #tpu.memory_space<vmem>>, vector<16xf32>,
          %bitcast3A_537 = vector.bitcast %get3A_536 : vector<16xf32> to vector<32xbf16>
          %get3A_538 = arith.index_cast %add3A_493 : i32 to index
          %get3A_539 = arith.constant 32 : index
          %get3A_540 = tpu.vector_load %arg21[%get3A_538, %get3A_539] {strides = array<i32>} : memref<80x64xf32, #tpu.memory_space<vmem>>, vector<16xf32>,
          %bitcast3A_541 = vector.bitcast %get3A_540 : vector<16xf32> to vector<32xbf16>
          %get3A_542 = arith.index_cast %add3A_493 : i32 to index
          %get3A_543 = arith.constant 48 : index
          %get3A_544 = tpu.vector_load %arg21[%get3A_542, %get3A_543] {strides = array<i32>} : memref<80x64xf32, #tpu.memory_space<vmem>>, vector<16xf32>,
          %bitcast3A_545 = vector.bitcast %get3A_544 : vector<16xf32> to vector<32xbf16>
          %add3A_546 = arith.constant 40 : i32
          %add3A_547 = arith.addi %add3A_546, %add3A_493 : i32
          %get3A_548 = arith.index_cast %add3A_547 : i32 to index
          %get3A_549 = arith.constant 0 : index
          %get3A_550 = tpu.vector_load %arg21[%get3A_548, %get3A_549] {strides = array<i32>} : memref<80x64xf32, #tpu.memory_space<vmem>>, vector<16xf32>,
          %bitcast3A_551 = vector.bitcast %get3A_550 : vector<16xf32> to vector<32xbf16>
          %add3A_552 = arith.constant 40 : i32
          %add3A_553 = arith.addi %add3A_552, %add3A_493 : i32
          %get3A_554 = arith.index_cast %add3A_553 : i32 to index
          %get3A_555 = arith.constant 16 : index
          %get3A_556 = tpu.vector_load %arg21[%get3A_554, %get3A_555] {strides = array<i32>} : memref<80x64xf32, #tpu.memory_space<vmem>>, vector<16xf32>,
          %bitcast3A_557 = vector.bitcast %get3A_556 : vector<16xf32> to vector<32xbf16>
          %add3A_558 = arith.constant 40 : i32
          %add3A_559 = arith.addi %add3A_558, %add3A_493 : i32
          %get3A_560 = arith.index_cast %add3A_559 : i32 to index
          %get3A_561 = arith.constant 32 : index
          %get3A_562 = tpu.vector_load %arg21[%get3A_560, %get3A_561] {strides = array<i32>} : memref<80x64xf32, #tpu.memory_space<vmem>>, vector<16xf32>,
          %bitcast3A_563 = vector.bitcast %get3A_562 : vector<16xf32> to vector<32xbf16>
          %add3A_564 = arith.constant 40 : i32
          %add3A_565 = arith.addi %add3A_564, %add3A_493 : i32
          %get3A_566 = arith.index_cast %add3A_565 : i32 to index
          %get3A_567 = arith.constant 48 : index
          %get3A_568 = tpu.vector_load %arg21[%get3A_566, %get3A_567] {strides = array<i32>} : memref<80x64xf32, #tpu.memory_space<vmem>>, vector<16xf32>,
          %bitcast3A_569 = vector.bitcast %get3A_568 : vector<16xf32> to vector<32xbf16>
          %mul3A_570 = arith.mulf %bitcast3A_533, %bitcast3A_514 : vector<32xbf16>
          %mul3A_571 = arith.mulf %mul3A_570, %bitcast3A_563 : vector<32xbf16>
          %mul3A_572 = arith.mulf %bitcast3A_551, %bitcast3A_524 : vector<32xbf16>
          %mul3A_573 = arith.mulf %mul3A_572, %bitcast3A_541 : vector<32xbf16>
          %unpack3A_574 = tpu.unpack_subelements %mul3A_571, 0 {pack_format = #tpu.pack_format<interleaved>} : vector<32xbf16> -> vector<16xf32>
          %unpack3A_575 = tpu.unpack_subelements %mul3A_571, 1 {pack_format = #tpu.pack_format<interleaved>} : vector<32xbf16> -> vector<16xf32>
          %unpack3A_576 = tpu.unpack_subelements %mul3A_573, 0 {pack_format = #tpu.pack_format<interleaved>} : vector<32xbf16> -> vector<16xf32>
          %unpack3A_577 = tpu.unpack_subelements %mul3A_573, 1 {pack_format = #tpu.pack_format<interleaved>} : vector<32xbf16> -> vector<16xf32>
          %mul3A_578 = arith.mulf %bitcast3A_537, %bitcast3A_519 : vector<32xbf16>
          %mul3A_579 = arith.mulf %mul3A_578, %bitcast3A_569 : vector<32xbf16>
          %mul3A_580 = arith.mulf %bitcast3A_557, %bitcast3A_529 : vector<32xbf16>
          %mul3A_581 = arith.mulf %mul3A_580, %bitcast3A_545 : vector<32xbf16>
          %unpack3A_582 = tpu.unpack_subelements %mul3A_579, 0 {pack_format = #tpu.pack_format<interleaved>} : vector<32xbf16> -> vector<16xf32>
          %unpack3A_583 = tpu.unpack_subelements %mul3A_579, 1 {pack_format = #tpu.pack_format<interleaved>} : vector<32xbf16> -> vector<16xf32>
          %unpack3A_584 = tpu.unpack_subelements %mul3A_581, 0 {pack_format = #tpu.pack_format<interleaved>} : vector<32xbf16> -> vector<16xf32>
          %unpack3A_585 = tpu.unpack_subelements %mul3A_581, 1 {pack_format = #tpu.pack_format<interleaved>} : vector<32xbf16> -> vector<16xf32>
          %add3A_586 = arith.addf %unpack3A_574, %unpack3A_575 : vector<16xf32>
          %add3A_587 = arith.addf %unpack3A_576, %unpack3A_577 : vector<16xf32>
          %add3A_588 = arith.addf %unpack3A_582, %unpack3A_583 : vector<16xf32>
          %add3A_589 = arith.addf %unpack3A_584, %unpack3A_585 : vector<16xf32>
          %add3A_590 = arith.addf %add3A_586, %add3A_587 : vector<16xf32>
          %add3A_591 = arith.addf %add3A_588, %add3A_589 : vector<16xf32>
          %add3A_592 = arith.addf %add3A_590, %add3A_591 : vector<16xf32>
          %reduce_sum3A_593 = arith.constant true
          %reduce_sum3A_594 = vector.broadcast %reduce_sum3A_593 : i1 to vector<16xi1>
          %reduce_sum3A_595 = tpu.scan <sum>, %add3A_592 masked %reduce_sum3A_594 : vector<16xf32>, vector<16xi1> -> vector<16xf32>
          %reduce_sum3A_596 = vector.extract %reduce_sum3A_595[15] : f32 from vector<16xf32>
          %broadcast_in_dim3A_597 = vector.broadcast %reduce_sum3A_596 : f32 to vector<16xf32>
          %eq3A_598 = arith.constant 2 : i32
          %eq3A_599 = vector.broadcast %eq3A_598 : i32 to vector<16xi32>
          %eq3A_600 = arith.cmpi eq, %iota3A, %eq3A_599 : vector<16xi32>
          %select_n3A_601 = arith.select %eq3A_600, %broadcast_in_dim3A_597, %select_n3A_489 : vector<16xi1>, vector<16xf32>
          %mul3A_602 = arith.constant 4 : i32
          %mul3A_603 = arith.muli %scan3A_268, %mul3A_602 : i32
          %add3A_604 = arith.constant 3 : i32
          %add3A_605 = arith.addi %mul3A_603, %add3A_604 : i32
          %broadcast_in_dim3A_606 = arith.constant 3 : i32
          %broadcast_in_dim3A_607 = vector.broadcast %broadcast_in_dim3A_606 : i32 to vector<16xi32>
          %lt3A_608 = arith.constant 0 : i32
          %lt3A_609 = vector.broadcast %lt3A_608 : i32 to vector<16xi32>
          %lt3A_610 = arith.cmpi slt, %broadcast_in_dim3A_607, %lt3A_609 : vector<16xi32>
          %add3A_611 = arith.constant 16 : i32
          %add3A_612 = vector.broadcast %add3A_611 : i32 to vector<16xi32>
          %add3A_613 = arith.addi %broadcast_in_dim3A_607, %add3A_612 : vector<16xi32>
          %select_n3A_614 = arith.select %lt3A_610, %add3A_613, %broadcast_in_dim3A_607 : vector<16xi1>, vector<16xi32>
          %reshape3A_615 = vector.shape_cast %select_n3A_614 : vector<16xi32> to vector<16x1xi32>
          %gather3A_616 = vector.shape_cast %reshape3A_615 : vector<16x1xi32> to vector<16xi32>
          %gather3A_617 = tpu.dynamic_gather %get3A_271[%gather3A_616] in [0] : vector<16xi32>, vector<16xi32> -> vector<16xi32>
          %mul3A_618 = arith.constant 64 : i32
          %mul3A_619 = vector.broadcast %mul3A_618 : i32 to vector<16xi32>
          %mul3A_620 = arith.muli %gather3A_617, %mul3A_619 : vector<16xi32>
          %add3A_621 = arith.addi %mul3A_620, %iota3A : vector<16xi32>
          %add3A_622 = arith.constant 0 : i32
          %add3A_623 = vector.broadcast %add3A_622 : i32 to vector<16xi32>
          %add3A_624 = arith.addi %add3A_621, %add3A_623 : vector<16xi32>
          %gather3A_625 = tpu.vector_load_idx %arg8[%add3A_624] : memref<64000xf32, #tpu.memory_space<vmem>>[vector<16xi32>], vector<16xf32>,
          %bitcast3A_626 = vector.bitcast %gather3A_625 : vector<16xf32> to vector<32xbf16>
          %add3A_627 = arith.constant 16 : i32
          %add3A_628 = vector.broadcast %add3A_627 : i32 to vector<16xi32>
          %add3A_629 = arith.addi %add3A_621, %add3A_628 : vector<16xi32>
          %gather3A_630 = tpu.vector_load_idx %arg8[%add3A_629] : memref<64000xf32, #tpu.memory_space<vmem>>[vector<16xi32>], vector<16xf32>,
          %bitcast3A_631 = vector.bitcast %gather3A_630 : vector<16xf32> to vector<32xbf16>
          %add3A_632 = arith.constant 32 : i32
          %add3A_633 = vector.broadcast %add3A_632 : i32 to vector<16xi32>
          %add3A_634 = arith.addi %add3A_621, %add3A_633 : vector<16xi32>
          %gather3A_635 = tpu.vector_load_idx %arg8[%add3A_634] : memref<64000xf32, #tpu.memory_space<vmem>>[vector<16xi32>], vector<16xf32>,
          %bitcast3A_636 = vector.bitcast %gather3A_635 : vector<16xf32> to vector<32xbf16>
          %add3A_637 = arith.constant 48 : i32
          %add3A_638 = vector.broadcast %add3A_637 : i32 to vector<16xi32>
          %add3A_639 = arith.addi %add3A_621, %add3A_638 : vector<16xi32>
          %gather3A_640 = tpu.vector_load_idx %arg8[%add3A_639] : memref<64000xf32, #tpu.memory_space<vmem>>[vector<16xi32>], vector<16xf32>,
          %bitcast3A_641 = vector.bitcast %gather3A_640 : vector<16xf32> to vector<32xbf16>
          %get3A_642 = arith.index_cast %add3A_605 : i32 to index
          %get3A_643 = arith.constant 0 : index
          %get3A_644 = tpu.vector_load %arg21[%get3A_642, %get3A_643] {strides = array<i32>} : memref<80x64xf32, #tpu.memory_space<vmem>>, vector<16xf32>,
          %bitcast3A_645 = vector.bitcast %get3A_644 : vector<16xf32> to vector<32xbf16>
          %get3A_646 = arith.index_cast %add3A_605 : i32 to index
          %get3A_647 = arith.constant 16 : index
          %get3A_648 = tpu.vector_load %arg21[%get3A_646, %get3A_647] {strides = array<i32>} : memref<80x64xf32, #tpu.memory_space<vmem>>, vector<16xf32>,
          %bitcast3A_649 = vector.bitcast %get3A_648 : vector<16xf32> to vector<32xbf16>
          %get3A_650 = arith.index_cast %add3A_605 : i32 to index
          %get3A_651 = arith.constant 32 : index
          %get3A_652 = tpu.vector_load %arg21[%get3A_650, %get3A_651] {strides = array<i32>} : memref<80x64xf32, #tpu.memory_space<vmem>>, vector<16xf32>,
          %bitcast3A_653 = vector.bitcast %get3A_652 : vector<16xf32> to vector<32xbf16>
          %get3A_654 = arith.index_cast %add3A_605 : i32 to index
          %get3A_655 = arith.constant 48 : index
          %get3A_656 = tpu.vector_load %arg21[%get3A_654, %get3A_655] {strides = array<i32>} : memref<80x64xf32, #tpu.memory_space<vmem>>, vector<16xf32>,
          %bitcast3A_657 = vector.bitcast %get3A_656 : vector<16xf32> to vector<32xbf16>
          %add3A_658 = arith.constant 40 : i32
          %add3A_659 = arith.addi %add3A_658, %add3A_605 : i32
          %get3A_660 = arith.index_cast %add3A_659 : i32 to index
          %get3A_661 = arith.constant 0 : index
          %get3A_662 = tpu.vector_load %arg21[%get3A_660, %get3A_661] {strides = array<i32>} : memref<80x64xf32, #tpu.memory_space<vmem>>, vector<16xf32>,
          %bitcast3A_663 = vector.bitcast %get3A_662 : vector<16xf32> to vector<32xbf16>
          %add3A_664 = arith.constant 40 : i32
          %add3A_665 = arith.addi %add3A_664, %add3A_605 : i32
          %get3A_666 = arith.index_cast %add3A_665 : i32 to index
          %get3A_667 = arith.constant 16 : index
          %get3A_668 = tpu.vector_load %arg21[%get3A_666, %get3A_667] {strides = array<i32>} : memref<80x64xf32, #tpu.memory_space<vmem>>, vector<16xf32>,
          %bitcast3A_669 = vector.bitcast %get3A_668 : vector<16xf32> to vector<32xbf16>
          %add3A_670 = arith.constant 40 : i32
          %add3A_671 = arith.addi %add3A_670, %add3A_605 : i32
          %get3A_672 = arith.index_cast %add3A_671 : i32 to index
          %get3A_673 = arith.constant 32 : index
          %get3A_674 = tpu.vector_load %arg21[%get3A_672, %get3A_673] {strides = array<i32>} : memref<80x64xf32, #tpu.memory_space<vmem>>, vector<16xf32>,
          %bitcast3A_675 = vector.bitcast %get3A_674 : vector<16xf32> to vector<32xbf16>
          %add3A_676 = arith.constant 40 : i32
          %add3A_677 = arith.addi %add3A_676, %add3A_605 : i32
          %get3A_678 = arith.index_cast %add3A_677 : i32 to index
          %get3A_679 = arith.constant 48 : index
          %get3A_680 = tpu.vector_load %arg21[%get3A_678, %get3A_679] {strides = array<i32>} : memref<80x64xf32, #tpu.memory_space<vmem>>, vector<16xf32>,
          %bitcast3A_681 = vector.bitcast %get3A_680 : vector<16xf32> to vector<32xbf16>
          %mul3A_682 = arith.mulf %bitcast3A_645, %bitcast3A_626 : vector<32xbf16>
          %mul3A_683 = arith.mulf %mul3A_682, %bitcast3A_675 : vector<32xbf16>
          %mul3A_684 = arith.mulf %bitcast3A_663, %bitcast3A_636 : vector<32xbf16>
          %mul3A_685 = arith.mulf %mul3A_684, %bitcast3A_653 : vector<32xbf16>
          %unpack3A_686 = tpu.unpack_subelements %mul3A_683, 0 {pack_format = #tpu.pack_format<interleaved>} : vector<32xbf16> -> vector<16xf32>
          %unpack3A_687 = tpu.unpack_subelements %mul3A_683, 1 {pack_format = #tpu.pack_format<interleaved>} : vector<32xbf16> -> vector<16xf32>
          %unpack3A_688 = tpu.unpack_subelements %mul3A_685, 0 {pack_format = #tpu.pack_format<interleaved>} : vector<32xbf16> -> vector<16xf32>
          %unpack3A_689 = tpu.unpack_subelements %mul3A_685, 1 {pack_format = #tpu.pack_format<interleaved>} : vector<32xbf16> -> vector<16xf32>
          %mul3A_690 = arith.mulf %bitcast3A_649, %bitcast3A_631 : vector<32xbf16>
          %mul3A_691 = arith.mulf %mul3A_690, %bitcast3A_681 : vector<32xbf16>
          %mul3A_692 = arith.mulf %bitcast3A_669, %bitcast3A_641 : vector<32xbf16>
          %mul3A_693 = arith.mulf %mul3A_692, %bitcast3A_657 : vector<32xbf16>
          %unpack3A_694 = tpu.unpack_subelements %mul3A_691, 0 {pack_format = #tpu.pack_format<interleaved>} : vector<32xbf16> -> vector<16xf32>
          %unpack3A_695 = tpu.unpack_subelements %mul3A_691, 1 {pack_format = #tpu.pack_format<interleaved>} : vector<32xbf16> -> vector<16xf32>
          %unpack3A_696 = tpu.unpack_subelements %mul3A_693, 0 {pack_format = #tpu.pack_format<interleaved>} : vector<32xbf16> -> vector<16xf32>
          %unpack3A_697 = tpu.unpack_subelements %mul3A_693, 1 {pack_format = #tpu.pack_format<interleaved>} : vector<32xbf16> -> vector<16xf32>
          %add3A_698 = arith.addf %unpack3A_686, %unpack3A_687 : vector<16xf32>
          %add3A_699 = arith.addf %unpack3A_688, %unpack3A_689 : vector<16xf32>
          %add3A_700 = arith.addf %unpack3A_694, %unpack3A_695 : vector<16xf32>
          %add3A_701 = arith.addf %unpack3A_696, %unpack3A_697 : vector<16xf32>
          %add3A_702 = arith.addf %add3A_698, %add3A_699 : vector<16xf32>
          %add3A_703 = arith.addf %add3A_700, %add3A_701 : vector<16xf32>
          %add3A_704 = arith.addf %add3A_702, %add3A_703 : vector<16xf32>
          %reduce_sum3A_705 = arith.constant true
          %reduce_sum3A_706 = vector.broadcast %reduce_sum3A_705 : i1 to vector<16xi1>
          %reduce_sum3A_707 = tpu.scan <sum>, %add3A_704 masked %reduce_sum3A_706 : vector<16xf32>, vector<16xi1> -> vector<16xf32>
          %reduce_sum3A_708 = vector.extract %reduce_sum3A_707[15] : f32 from vector<16xf32>
          %broadcast_in_dim3A_709 = vector.broadcast %reduce_sum3A_708 : f32 to vector<16xf32>
          %eq3A_710 = arith.constant 3 : i32
          %eq3A_711 = vector.broadcast %eq3A_710 : i32 to vector<16xi32>
          %eq3A_712 = arith.cmpi eq, %iota3A, %eq3A_711 : vector<16xi32>
          %select_n3A_713 = arith.select %eq3A_712, %broadcast_in_dim3A_709, %select_n3A_601 : vector<16xi1>, vector<16xf32>
          %mul3A_714 = arith.constant 5.000000e-01 : f32
          %mul3A_715 = vector.broadcast %mul3A_714 : f32 to vector<16xf32>
          %mul3A_716 = arith.mulf %mul3A_715, %select_n3A_713 : vector<16xf32>
          %jit3A = arith.constant -2.000000e+01 : f32
          %jit3A_717 = arith.constant 2.000000e+01 : f32
          %max3A = vector.broadcast %jit3A : f32 to vector<16xf32>
          %max3A_718 = arith.maximumf %max3A, %mul3A_716 : vector<16xf32>
          %min3A = vector.broadcast %jit3A_717 : f32 to vector<16xf32>
          %min3A_719 = arith.minimumf %min3A, %max3A_718 : vector<16xf32>
          %mul3A_720 = arith.constant 4 : i32
          %mul3A_721 = arith.muli %scan3A_268, %mul3A_720 : i32
          %add3A_722 = vector.broadcast %mul3A_721 : i32 to vector<16xi32>
          %add3A_723 = arith.addi %add3A_722, %iota3A : vector<16xi32>
          tpu.vector_store_idx %arg17[%add3A_723], %min3A_719 masked %lt3A_4 : memref<40xf32, #tpu.memory_space<vmem>>[vector<16xi32>], vector<16xf32>, vector<16xi1>
        }
        %scan3A_265 = arith.constant 10 : i32
        %dma_start3A_266 = tpu.memref_slice %arg7[%add3A_157] : memref<320000xf32, #tpu.memory_space<hbm>> -> memref<40xf32, #tpu.memory_space<hbm>>
        %dma_start3A_267 = tpu.memref_slice %arg7[%add3A_157] : memref<320000xf32, #tpu.memory_space<hbm>> -> memref<40xf32, #tpu.memory_space<hbm>>
        tpu.enqueue_dma source(%arg17 : memref<40xf32, #tpu.memory_space<vmem>>) target(%dma_start3A_267 : memref<40xf32, #tpu.memory_space<hbm>>) target_semaphore(%arg33 : memref<!tpu.dma_semaphore, #tpu.memory_space<semaphore_mem>>)
      } else {
      }
      %add3A_168 = arith.constant 4 : i32
      %add3A_169 = arith.addi %add3A_154, %add3A_168 : i32
      %lt3A_170 = arith.constant 250 : i32
      %lt3A_171 = arith.cmpi slt, %add3A_169, %lt3A_170 : i32
      %convert_element_type3A_172 = arith.extui %lt3A_171 : i1 to i32
      %cond3A_173 = arith.constant 0 : i32
      %cond3A_174 = arith.cmpi ne, %convert_element_type3A_172, %cond3A_173 : i32
      scf.if %cond3A_174 {
        %add3A_253 = arith.constant 4 : i32
        %add3A_254 = arith.addi %add3A_154, %add3A_253 : i32
        %mul3A_255 = arith.constant 40 : i32
        %mul3A_256 = arith.muli %add3A_254, %mul3A_255 : i32
        %add3A_257 = arith.addi %mul3A_2, %mul3A_256 : i32
        %dma_start3A_258 = arith.constant 0 : i32
        %dma_start3A_259 = tpu.memref_slice %arg9[%dma_start3A_258] : memref<80xi32, #tpu.memory_space<vmem>> -> memref<40xi32, #tpu.memory_space<vmem>>
        %dma_start3A_260 = tpu.memref_slice %arg4[%add3A_257] : memref<320000xi32, #tpu.memory_space<hbm>> -> memref<40xi32, #tpu.memory_space<hbm>>
        %dma_start3A_261 = arith.constant 0 : i32
        %dma_start3A_262 = tpu.memref_slice %arg9[%dma_start3A_261] : memref<80xi32, #tpu.memory_space<vmem>> -> memref<40xi32, #tpu.memory_space<vmem>>
        %dma_start3A_263 = tpu.memref_slice %arg4[%add3A_257] : memref<320000xi32, #tpu.memory_space<hbm>> -> memref<40xi32, #tpu.memory_space<hbm>>
        tpu.enqueue_dma source(%dma_start3A_263 : memref<40xi32, #tpu.memory_space<hbm>>) target(%dma_start3A_262 : memref<40xi32, #tpu.memory_space<vmem>>) target_semaphore(%arg29 : memref<!tpu.dma_semaphore, #tpu.memory_space<semaphore_mem>>)
        %dma_start3A_264 = arith.constant 40 : i32
        %dma_start3A_265 = tpu.memref_slice %arg9[%dma_start3A_264] : memref<80xi32, #tpu.memory_space<vmem>> -> memref<40xi32, #tpu.memory_space<vmem>>
        %dma_start3A_266 = tpu.memref_slice %arg5[%add3A_257] : memref<320000xi32, #tpu.memory_space<hbm>> -> memref<40xi32, #tpu.memory_space<hbm>>
        %dma_start3A_267 = arith.constant 40 : i32
        %dma_start3A_268 = tpu.memref_slice %arg9[%dma_start3A_267] : memref<80xi32, #tpu.memory_space<vmem>> -> memref<40xi32, #tpu.memory_space<vmem>>
        %dma_start3A_269 = tpu.memref_slice %arg5[%add3A_257] : memref<320000xi32, #tpu.memory_space<hbm>> -> memref<40xi32, #tpu.memory_space<hbm>>
        tpu.enqueue_dma source(%dma_start3A_269 : memref<40xi32, #tpu.memory_space<hbm>>) target(%dma_start3A_268 : memref<40xi32, #tpu.memory_space<vmem>>) target_semaphore(%arg29 : memref<!tpu.dma_semaphore, #tpu.memory_space<semaphore_mem>>)
        %dma_start3A_270 = arith.constant 0 : i32
        %dma_start3A_271 = tpu.memref_slice %arg13[%dma_start3A_270] : memref<56xi32, #tpu.memory_space<vmem>> -> memref<40xi32, #tpu.memory_space<vmem>>
        %dma_start3A_272 = tpu.memref_slice %arg6[%add3A_257] : memref<320000xi32, #tpu.memory_space<hbm>> -> memref<40xi32, #tpu.memory_space<hbm>>
        %dma_start3A_273 = arith.constant 0 : i32
        %dma_start3A_274 = tpu.memref_slice %arg13[%dma_start3A_273] : memref<56xi32, #tpu.memory_space<vmem>> -> memref<40xi32, #tpu.memory_space<vmem>>
        %dma_start3A_275 = tpu.memref_slice %arg6[%add3A_257] : memref<320000xi32, #tpu.memory_space<hbm>> -> memref<40xi32, #tpu.memory_space<hbm>>
        tpu.enqueue_dma source(%dma_start3A_275 : memref<40xi32, #tpu.memory_space<hbm>>) target(%dma_start3A_274 : memref<40xi32, #tpu.memory_space<vmem>>) target_semaphore(%arg29 : memref<!tpu.dma_semaphore, #tpu.memory_space<semaphore_mem>>)
      } else {
      }
      %mul3A_175 = arith.constant 4 : i32
      %mul3A_176 = arith.muli %mul3A_175, %scan3A_150 : i32
      %add3A_177 = arith.constant 1 : i32
      %add3A_178 = arith.addi %mul3A_176, %add3A_177 : i32
      %mul3A_179 = arith.constant 40 : i32
      %mul3A_180 = arith.muli %add3A_178, %mul3A_179 : i32
      %add3A_181 = arith.addi %mul3A_2, %mul3A_180 : i32
      %add3A_182 = arith.constant 2 : i32
      %add3A_183 = arith.addi %add3A_178, %add3A_182 : i32
      %lt3A_184 = arith.constant 250 : i32
      %lt3A_185 = arith.cmpi slt, %add3A_183, %lt3A_184 : i32
      %convert_element_type3A_186 = arith.extui %lt3A_185 : i1 to i32
      %cond3A_187 = arith.constant 0 : i32
      %cond3A_188 = arith.cmpi ne, %convert_element_type3A_186, %cond3A_187 : i32
      scf.if %cond3A_188 {
        %add3A_253 = arith.constant 2 : i32
        %add3A_254 = arith.addi %add3A_178, %add3A_253 : i32
        %mul3A_255 = arith.constant 40 : i32
        %mul3A_256 = arith.muli %add3A_254, %mul3A_255 : i32
        %add3A_257 = arith.addi %mul3A_2, %mul3A_256 : i32
        %dma_wait3A_258 = arith.constant 0 : i32
        %dma_wait3A_259 = tpu.memref_slice %arg12[%dma_wait3A_258] : memref<80xi32, #tpu.memory_space<vmem>> -> memref<40xi32, #tpu.memory_space<vmem>>
        %dma_wait3A_260 = tpu.memref_slice %arg4[%add3A_257] : memref<320000xi32, #tpu.memory_space<hbm>> -> memref<40xi32, #tpu.memory_space<hbm>>
        %dma_wait3A_261 = arith.constant 0 : i32
        %dma_wait3A_262 = tpu.memref_slice %arg12[%dma_wait3A_261] : memref<80xi32, #tpu.memory_space<vmem>> -> memref<40xi32, #tpu.memory_space<vmem>>
        %dma_wait3A_263 = tpu.memref_slice %arg4[%add3A_257] : memref<320000xi32, #tpu.memory_space<hbm>> -> memref<40xi32, #tpu.memory_space<hbm>>
        tpu.wait_dma2 semaphore(%arg32 : memref<!tpu.dma_semaphore, #tpu.memory_space<semaphore_mem>>) src(%dma_wait3A_263 : memref<40xi32, #tpu.memory_space<hbm>>) dst(%dma_wait3A_262 : memref<40xi32, #tpu.memory_space<vmem>>)
        %dma_wait3A_264 = arith.constant 40 : i32
        %dma_wait3A_265 = tpu.memref_slice %arg12[%dma_wait3A_264] : memref<80xi32, #tpu.memory_space<vmem>> -> memref<40xi32, #tpu.memory_space<vmem>>
        %dma_wait3A_266 = tpu.memref_slice %arg5[%add3A_257] : memref<320000xi32, #tpu.memory_space<hbm>> -> memref<40xi32, #tpu.memory_space<hbm>>
        %dma_wait3A_267 = arith.constant 40 : i32
        %dma_wait3A_268 = tpu.memref_slice %arg12[%dma_wait3A_267] : memref<80xi32, #tpu.memory_space<vmem>> -> memref<40xi32, #tpu.memory_space<vmem>>
        %dma_wait3A_269 = tpu.memref_slice %arg5[%add3A_257] : memref<320000xi32, #tpu.memory_space<hbm>> -> memref<40xi32, #tpu.memory_space<hbm>>
        tpu.wait_dma2 semaphore(%arg32 : memref<!tpu.dma_semaphore, #tpu.memory_space<semaphore_mem>>) src(%dma_wait3A_269 : memref<40xi32, #tpu.memory_space<hbm>>) dst(%dma_wait3A_268 : memref<40xi32, #tpu.memory_space<vmem>>)
        %dma_wait3A_270 = arith.constant 0 : i32
        %dma_wait3A_271 = tpu.memref_slice %arg16[%dma_wait3A_270] : memref<56xi32, #tpu.memory_space<vmem>> -> memref<40xi32, #tpu.memory_space<vmem>>
        %dma_wait3A_272 = tpu.memref_slice %arg6[%add3A_257] : memref<320000xi32, #tpu.memory_space<hbm>> -> memref<40xi32, #tpu.memory_space<hbm>>
        %dma_wait3A_273 = arith.constant 0 : i32
        %dma_wait3A_274 = tpu.memref_slice %arg16[%dma_wait3A_273] : memref<56xi32, #tpu.memory_space<vmem>> -> memref<40xi32, #tpu.memory_space<vmem>>
        %dma_wait3A_275 = tpu.memref_slice %arg6[%add3A_257] : memref<320000xi32, #tpu.memory_space<hbm>> -> memref<40xi32, #tpu.memory_space<hbm>>
        tpu.wait_dma2 semaphore(%arg32 : memref<!tpu.dma_semaphore, #tpu.memory_space<semaphore_mem>>) src(%dma_wait3A_275 : memref<40xi32, #tpu.memory_space<hbm>>) dst(%dma_wait3A_274 : memref<40xi32, #tpu.memory_space<vmem>>)
        %dma_start3A_276 = arith.constant 0 : i32
        %dma_start3A_277 = arith.constant 0 : i32
        %dma_start3A_278 = tpu.memref_slice %arg2[%dma_start3A_276, %dma_start3A_277] : memref<10000x64xf32, #tpu.memory_space<hbm>> -> memref<10000x64xf32, #tpu.memory_space<hbm>>
        tpu.enqueue_indirect_dma source(%dma_start3A_278 : memref<10000x64xf32, #tpu.memory_space<hbm>>) target(%arg24 : memref<80x64xf32, #tpu.memory_space<vmem>>) offsets(%arg12 : memref<80xi32, #tpu.memory_space<vmem>>) semaphore(%arg28 : memref<!tpu.dma_semaphore, #tpu.memory_space<semaphore_mem>>)
      } else {
      }
      %lt3A_189 = arith.constant 250 : i32
      %lt3A_190 = arith.cmpi slt, %add3A_178, %lt3A_189 : i32
      %convert_element_type3A_191 = arith.extui %lt3A_190 : i1 to i32
      %cond3A_192 = arith.constant 0 : i32
      %cond3A_193 = arith.cmpi ne, %convert_element_type3A_191, %cond3A_192 : i32
      scf.if %cond3A_193 {
        %dma_wait3A_253 = arith.constant 0 : i32
        %dma_wait3A_254 = arith.constant 0 : i32
        %dma_wait3A_255 = tpu.memref_slice %arg2[%dma_wait3A_253, %dma_wait3A_254] : memref<10000x64xf32, #tpu.memory_space<hbm>> -> memref<10000x64xf32, #tpu.memory_space<hbm>>
        tpu.wait_indirect_dma semaphore(%arg26 : memref<!tpu.dma_semaphore, #tpu.memory_space<semaphore_mem>>) src(%dma_wait3A_255 : memref<10000x64xf32, #tpu.memory_space<hbm>>) dst(%arg22 : memref<80x64xf32, #tpu.memory_space<vmem>>)
        %ge3A = arith.constant 4 : i32
        %ge3A_256 = arith.cmpi sge, %add3A_178, %ge3A : i32
        %convert_element_type3A_257 = arith.extui %ge3A_256 : i1 to i32
        %cond3A_258 = arith.constant 0 : i32
        %cond3A_259 = arith.cmpi ne, %convert_element_type3A_257, %cond3A_258 : i32
        scf.if %cond3A_259 {
          %dma_wait3A_268 = tpu.memref_slice %arg7[%add3A_181] : memref<320000xf32, #tpu.memory_space<hbm>> -> memref<40xf32, #tpu.memory_space<hbm>>
          %dma_wait3A_269 = tpu.memref_slice %arg7[%add3A_181] : memref<320000xf32, #tpu.memory_space<hbm>> -> memref<40xf32, #tpu.memory_space<hbm>>
          tpu.wait_dma2 semaphore(%arg34 : memref<!tpu.dma_semaphore, #tpu.memory_space<semaphore_mem>>) src(%arg18 : memref<40xf32, #tpu.memory_space<vmem>>) dst(%dma_wait3A_269 : memref<40xf32, #tpu.memory_space<hbm>>)
        } else {
        }
        %scan3A_260 = arith.constant 0 : i32
        %scan3A_261 = arith.constant 0 : i32
        %scan3A_262 = arith.constant 10 : i32
        %scan3A_263 = arith.addi %scan3A_261, %scan3A_262 : i32
        %scan3A_264 = arith.constant 1 : i32
        scf.for %scan3A_268 = %scan3A_261 to %scan3A_263 step %scan3A_264  : i32 {
          %mul3A_269 = arith.constant 4 : i32
          %mul3A_270 = arith.muli %scan3A_268, %mul3A_269 : i32
          %get3A = arith.index_cast %mul3A_270 : i32 to index
          %get3A_271 = tpu.vector_load %arg14[%get3A] {strides = array<i32>} : memref<56xi32, #tpu.memory_space<vmem>>, vector<16xi32>,
          %broadcast_in_dim3A = arith.constant 0.000000e+00 : f32
          %broadcast_in_dim3A_272 = vector.broadcast %broadcast_in_dim3A : f32 to vector<16xf32>
          %mul3A_273 = arith.constant 4 : i32
          %mul3A_274 = arith.muli %scan3A_268, %mul3A_273 : i32
          %add3A_275 = arith.constant 0 : i32
          %add3A_276 = arith.addi %mul3A_274, %add3A_275 : i32
          %broadcast_in_dim3A_277 = arith.constant 0 : i32
          %broadcast_in_dim3A_278 = vector.broadcast %broadcast_in_dim3A_277 : i32 to vector<16xi32>
          %lt3A_279 = arith.constant 0 : i32
          %lt3A_280 = vector.broadcast %lt3A_279 : i32 to vector<16xi32>
          %lt3A_281 = arith.cmpi slt, %broadcast_in_dim3A_278, %lt3A_280 : vector<16xi32>
          %add3A_282 = arith.constant 16 : i32
          %add3A_283 = vector.broadcast %add3A_282 : i32 to vector<16xi32>
          %add3A_284 = arith.addi %broadcast_in_dim3A_278, %add3A_283 : vector<16xi32>
          %select_n3A = arith.select %lt3A_281, %add3A_284, %broadcast_in_dim3A_278 : vector<16xi1>, vector<16xi32>
          %reshape3A = vector.shape_cast %select_n3A : vector<16xi32> to vector<16x1xi32>
          %gather3A = vector.shape_cast %reshape3A : vector<16x1xi32> to vector<16xi32>
          %gather3A_285 = tpu.dynamic_gather %get3A_271[%gather3A] in [0] : vector<16xi32>, vector<16xi32> -> vector<16xi32>
          %mul3A_286 = arith.constant 64 : i32
          %mul3A_287 = vector.broadcast %mul3A_286 : i32 to vector<16xi32>
          %mul3A_288 = arith.muli %gather3A_285, %mul3A_287 : vector<16xi32>
          %add3A_289 = arith.addi %mul3A_288, %iota3A : vector<16xi32>
          %add3A_290 = arith.constant 0 : i32
          %add3A_291 = vector.broadcast %add3A_290 : i32 to vector<16xi32>
          %add3A_292 = arith.addi %add3A_289, %add3A_291 : vector<16xi32>
          %gather3A_293 = tpu.vector_load_idx %arg8[%add3A_292] : memref<64000xf32, #tpu.memory_space<vmem>>[vector<16xi32>], vector<16xf32>,
          %bitcast3A = vector.bitcast %gather3A_293 : vector<16xf32> to vector<32xbf16>
          %add3A_294 = arith.constant 16 : i32
          %add3A_295 = vector.broadcast %add3A_294 : i32 to vector<16xi32>
          %add3A_296 = arith.addi %add3A_289, %add3A_295 : vector<16xi32>
          %gather3A_297 = tpu.vector_load_idx %arg8[%add3A_296] : memref<64000xf32, #tpu.memory_space<vmem>>[vector<16xi32>], vector<16xf32>,
          %bitcast3A_298 = vector.bitcast %gather3A_297 : vector<16xf32> to vector<32xbf16>
          %add3A_299 = arith.constant 32 : i32
          %add3A_300 = vector.broadcast %add3A_299 : i32 to vector<16xi32>
          %add3A_301 = arith.addi %add3A_289, %add3A_300 : vector<16xi32>
          %gather3A_302 = tpu.vector_load_idx %arg8[%add3A_301] : memref<64000xf32, #tpu.memory_space<vmem>>[vector<16xi32>], vector<16xf32>,
          %bitcast3A_303 = vector.bitcast %gather3A_302 : vector<16xf32> to vector<32xbf16>
          %add3A_304 = arith.constant 48 : i32
          %add3A_305 = vector.broadcast %add3A_304 : i32 to vector<16xi32>
          %add3A_306 = arith.addi %add3A_289, %add3A_305 : vector<16xi32>
          %gather3A_307 = tpu.vector_load_idx %arg8[%add3A_306] : memref<64000xf32, #tpu.memory_space<vmem>>[vector<16xi32>], vector<16xf32>,
          %bitcast3A_308 = vector.bitcast %gather3A_307 : vector<16xf32> to vector<32xbf16>
          %get3A_309 = arith.index_cast %add3A_276 : i32 to index
          %get3A_310 = arith.constant 0 : index
          %get3A_311 = tpu.vector_load %arg22[%get3A_309, %get3A_310] {strides = array<i32>} : memref<80x64xf32, #tpu.memory_space<vmem>>, vector<16xf32>,
          %bitcast3A_312 = vector.bitcast %get3A_311 : vector<16xf32> to vector<32xbf16>
          %get3A_313 = arith.index_cast %add3A_276 : i32 to index
          %get3A_314 = arith.constant 16 : index
          %get3A_315 = tpu.vector_load %arg22[%get3A_313, %get3A_314] {strides = array<i32>} : memref<80x64xf32, #tpu.memory_space<vmem>>, vector<16xf32>,
          %bitcast3A_316 = vector.bitcast %get3A_315 : vector<16xf32> to vector<32xbf16>
          %get3A_317 = arith.index_cast %add3A_276 : i32 to index
          %get3A_318 = arith.constant 32 : index
          %get3A_319 = tpu.vector_load %arg22[%get3A_317, %get3A_318] {strides = array<i32>} : memref<80x64xf32, #tpu.memory_space<vmem>>, vector<16xf32>,
          %bitcast3A_320 = vector.bitcast %get3A_319 : vector<16xf32> to vector<32xbf16>
          %get3A_321 = arith.index_cast %add3A_276 : i32 to index
          %get3A_322 = arith.constant 48 : index
          %get3A_323 = tpu.vector_load %arg22[%get3A_321, %get3A_322] {strides = array<i32>} : memref<80x64xf32, #tpu.memory_space<vmem>>, vector<16xf32>,
          %bitcast3A_324 = vector.bitcast %get3A_323 : vector<16xf32> to vector<32xbf16>
          %add3A_325 = arith.constant 40 : i32
          %add3A_326 = arith.addi %add3A_325, %add3A_276 : i32
          %get3A_327 = arith.index_cast %add3A_326 : i32 to index
          %get3A_328 = arith.constant 0 : index
          %get3A_329 = tpu.vector_load %arg22[%get3A_327, %get3A_328] {strides = array<i32>} : memref<80x64xf32, #tpu.memory_space<vmem>>, vector<16xf32>,
          %bitcast3A_330 = vector.bitcast %get3A_329 : vector<16xf32> to vector<32xbf16>
          %add3A_331 = arith.constant 40 : i32
          %add3A_332 = arith.addi %add3A_331, %add3A_276 : i32
          %get3A_333 = arith.index_cast %add3A_332 : i32 to index
          %get3A_334 = arith.constant 16 : index
          %get3A_335 = tpu.vector_load %arg22[%get3A_333, %get3A_334] {strides = array<i32>} : memref<80x64xf32, #tpu.memory_space<vmem>>, vector<16xf32>,
          %bitcast3A_336 = vector.bitcast %get3A_335 : vector<16xf32> to vector<32xbf16>
          %add3A_337 = arith.constant 40 : i32
          %add3A_338 = arith.addi %add3A_337, %add3A_276 : i32
          %get3A_339 = arith.index_cast %add3A_338 : i32 to index
          %get3A_340 = arith.constant 32 : index
          %get3A_341 = tpu.vector_load %arg22[%get3A_339, %get3A_340] {strides = array<i32>} : memref<80x64xf32, #tpu.memory_space<vmem>>, vector<16xf32>,
          %bitcast3A_342 = vector.bitcast %get3A_341 : vector<16xf32> to vector<32xbf16>
          %add3A_343 = arith.constant 40 : i32
          %add3A_344 = arith.addi %add3A_343, %add3A_276 : i32
          %get3A_345 = arith.index_cast %add3A_344 : i32 to index
          %get3A_346 = arith.constant 48 : index
          %get3A_347 = tpu.vector_load %arg22[%get3A_345, %get3A_346] {strides = array<i32>} : memref<80x64xf32, #tpu.memory_space<vmem>>, vector<16xf32>,
          %bitcast3A_348 = vector.bitcast %get3A_347 : vector<16xf32> to vector<32xbf16>
          %mul3A_349 = arith.mulf %bitcast3A_312, %bitcast3A : vector<32xbf16>
          %mul3A_350 = arith.mulf %mul3A_349, %bitcast3A_342 : vector<32xbf16>
          %mul3A_351 = arith.mulf %bitcast3A_330, %bitcast3A_303 : vector<32xbf16>
          %mul3A_352 = arith.mulf %mul3A_351, %bitcast3A_320 : vector<32xbf16>
          %unpack3A = tpu.unpack_subelements %mul3A_350, 0 {pack_format = #tpu.pack_format<interleaved>} : vector<32xbf16> -> vector<16xf32>
          %unpack3A_353 = tpu.unpack_subelements %mul3A_350, 1 {pack_format = #tpu.pack_format<interleaved>} : vector<32xbf16> -> vector<16xf32>
          %unpack3A_354 = tpu.unpack_subelements %mul3A_352, 0 {pack_format = #tpu.pack_format<interleaved>} : vector<32xbf16> -> vector<16xf32>
          %unpack3A_355 = tpu.unpack_subelements %mul3A_352, 1 {pack_format = #tpu.pack_format<interleaved>} : vector<32xbf16> -> vector<16xf32>
          %mul3A_356 = arith.mulf %bitcast3A_316, %bitcast3A_298 : vector<32xbf16>
          %mul3A_357 = arith.mulf %mul3A_356, %bitcast3A_348 : vector<32xbf16>
          %mul3A_358 = arith.mulf %bitcast3A_336, %bitcast3A_308 : vector<32xbf16>
          %mul3A_359 = arith.mulf %mul3A_358, %bitcast3A_324 : vector<32xbf16>
          %unpack3A_360 = tpu.unpack_subelements %mul3A_357, 0 {pack_format = #tpu.pack_format<interleaved>} : vector<32xbf16> -> vector<16xf32>
          %unpack3A_361 = tpu.unpack_subelements %mul3A_357, 1 {pack_format = #tpu.pack_format<interleaved>} : vector<32xbf16> -> vector<16xf32>
          %unpack3A_362 = tpu.unpack_subelements %mul3A_359, 0 {pack_format = #tpu.pack_format<interleaved>} : vector<32xbf16> -> vector<16xf32>
          %unpack3A_363 = tpu.unpack_subelements %mul3A_359, 1 {pack_format = #tpu.pack_format<interleaved>} : vector<32xbf16> -> vector<16xf32>
          %add3A_364 = arith.addf %unpack3A, %unpack3A_353 : vector<16xf32>
          %add3A_365 = arith.addf %unpack3A_354, %unpack3A_355 : vector<16xf32>
          %add3A_366 = arith.addf %unpack3A_360, %unpack3A_361 : vector<16xf32>
          %add3A_367 = arith.addf %unpack3A_362, %unpack3A_363 : vector<16xf32>
          %add3A_368 = arith.addf %add3A_364, %add3A_365 : vector<16xf32>
          %add3A_369 = arith.addf %add3A_366, %add3A_367 : vector<16xf32>
          %add3A_370 = arith.addf %add3A_368, %add3A_369 : vector<16xf32>
          %reduce_sum3A = arith.constant true
          %reduce_sum3A_371 = vector.broadcast %reduce_sum3A : i1 to vector<16xi1>
          %reduce_sum3A_372 = tpu.scan <sum>, %add3A_370 masked %reduce_sum3A_371 : vector<16xf32>, vector<16xi1> -> vector<16xf32>
          %reduce_sum3A_373 = vector.extract %reduce_sum3A_372[15] : f32 from vector<16xf32>
          %broadcast_in_dim3A_374 = vector.broadcast %reduce_sum3A_373 : f32 to vector<16xf32>
          %eq3A = arith.constant 0 : i32
          %eq3A_375 = vector.broadcast %eq3A : i32 to vector<16xi32>
          %eq3A_376 = arith.cmpi eq, %iota3A, %eq3A_375 : vector<16xi32>
          %select_n3A_377 = arith.select %eq3A_376, %broadcast_in_dim3A_374, %broadcast_in_dim3A_272 : vector<16xi1>, vector<16xf32>
          %mul3A_378 = arith.constant 4 : i32
          %mul3A_379 = arith.muli %scan3A_268, %mul3A_378 : i32
          %add3A_380 = arith.constant 1 : i32
          %add3A_381 = arith.addi %mul3A_379, %add3A_380 : i32
          %broadcast_in_dim3A_382 = arith.constant 1 : i32
          %broadcast_in_dim3A_383 = vector.broadcast %broadcast_in_dim3A_382 : i32 to vector<16xi32>
          %lt3A_384 = arith.constant 0 : i32
          %lt3A_385 = vector.broadcast %lt3A_384 : i32 to vector<16xi32>
          %lt3A_386 = arith.cmpi slt, %broadcast_in_dim3A_383, %lt3A_385 : vector<16xi32>
          %add3A_387 = arith.constant 16 : i32
          %add3A_388 = vector.broadcast %add3A_387 : i32 to vector<16xi32>
          %add3A_389 = arith.addi %broadcast_in_dim3A_383, %add3A_388 : vector<16xi32>
          %select_n3A_390 = arith.select %lt3A_386, %add3A_389, %broadcast_in_dim3A_383 : vector<16xi1>, vector<16xi32>
          %reshape3A_391 = vector.shape_cast %select_n3A_390 : vector<16xi32> to vector<16x1xi32>
          %gather3A_392 = vector.shape_cast %reshape3A_391 : vector<16x1xi32> to vector<16xi32>
          %gather3A_393 = tpu.dynamic_gather %get3A_271[%gather3A_392] in [0] : vector<16xi32>, vector<16xi32> -> vector<16xi32>
          %mul3A_394 = arith.constant 64 : i32
          %mul3A_395 = vector.broadcast %mul3A_394 : i32 to vector<16xi32>
          %mul3A_396 = arith.muli %gather3A_393, %mul3A_395 : vector<16xi32>
          %add3A_397 = arith.addi %mul3A_396, %iota3A : vector<16xi32>
          %add3A_398 = arith.constant 0 : i32
          %add3A_399 = vector.broadcast %add3A_398 : i32 to vector<16xi32>
          %add3A_400 = arith.addi %add3A_397, %add3A_399 : vector<16xi32>
          %gather3A_401 = tpu.vector_load_idx %arg8[%add3A_400] : memref<64000xf32, #tpu.memory_space<vmem>>[vector<16xi32>], vector<16xf32>,
          %bitcast3A_402 = vector.bitcast %gather3A_401 : vector<16xf32> to vector<32xbf16>
          %add3A_403 = arith.constant 16 : i32
          %add3A_404 = vector.broadcast %add3A_403 : i32 to vector<16xi32>
          %add3A_405 = arith.addi %add3A_397, %add3A_404 : vector<16xi32>
          %gather3A_406 = tpu.vector_load_idx %arg8[%add3A_405] : memref<64000xf32, #tpu.memory_space<vmem>>[vector<16xi32>], vector<16xf32>,
          %bitcast3A_407 = vector.bitcast %gather3A_406 : vector<16xf32> to vector<32xbf16>
          %add3A_408 = arith.constant 32 : i32
          %add3A_409 = vector.broadcast %add3A_408 : i32 to vector<16xi32>
          %add3A_410 = arith.addi %add3A_397, %add3A_409 : vector<16xi32>
          %gather3A_411 = tpu.vector_load_idx %arg8[%add3A_410] : memref<64000xf32, #tpu.memory_space<vmem>>[vector<16xi32>], vector<16xf32>,
          %bitcast3A_412 = vector.bitcast %gather3A_411 : vector<16xf32> to vector<32xbf16>
          %add3A_413 = arith.constant 48 : i32
          %add3A_414 = vector.broadcast %add3A_413 : i32 to vector<16xi32>
          %add3A_415 = arith.addi %add3A_397, %add3A_414 : vector<16xi32>
          %gather3A_416 = tpu.vector_load_idx %arg8[%add3A_415] : memref<64000xf32, #tpu.memory_space<vmem>>[vector<16xi32>], vector<16xf32>,
          %bitcast3A_417 = vector.bitcast %gather3A_416 : vector<16xf32> to vector<32xbf16>
          %get3A_418 = arith.index_cast %add3A_381 : i32 to index
          %get3A_419 = arith.constant 0 : index
          %get3A_420 = tpu.vector_load %arg22[%get3A_418, %get3A_419] {strides = array<i32>} : memref<80x64xf32, #tpu.memory_space<vmem>>, vector<16xf32>,
          %bitcast3A_421 = vector.bitcast %get3A_420 : vector<16xf32> to vector<32xbf16>
          %get3A_422 = arith.index_cast %add3A_381 : i32 to index
          %get3A_423 = arith.constant 16 : index
          %get3A_424 = tpu.vector_load %arg22[%get3A_422, %get3A_423] {strides = array<i32>} : memref<80x64xf32, #tpu.memory_space<vmem>>, vector<16xf32>,
          %bitcast3A_425 = vector.bitcast %get3A_424 : vector<16xf32> to vector<32xbf16>
          %get3A_426 = arith.index_cast %add3A_381 : i32 to index
          %get3A_427 = arith.constant 32 : index
          %get3A_428 = tpu.vector_load %arg22[%get3A_426, %get3A_427] {strides = array<i32>} : memref<80x64xf32, #tpu.memory_space<vmem>>, vector<16xf32>,
          %bitcast3A_429 = vector.bitcast %get3A_428 : vector<16xf32> to vector<32xbf16>
          %get3A_430 = arith.index_cast %add3A_381 : i32 to index
          %get3A_431 = arith.constant 48 : index
          %get3A_432 = tpu.vector_load %arg22[%get3A_430, %get3A_431] {strides = array<i32>} : memref<80x64xf32, #tpu.memory_space<vmem>>, vector<16xf32>,
          %bitcast3A_433 = vector.bitcast %get3A_432 : vector<16xf32> to vector<32xbf16>
          %add3A_434 = arith.constant 40 : i32
          %add3A_435 = arith.addi %add3A_434, %add3A_381 : i32
          %get3A_436 = arith.index_cast %add3A_435 : i32 to index
          %get3A_437 = arith.constant 0 : index
          %get3A_438 = tpu.vector_load %arg22[%get3A_436, %get3A_437] {strides = array<i32>} : memref<80x64xf32, #tpu.memory_space<vmem>>, vector<16xf32>,
          %bitcast3A_439 = vector.bitcast %get3A_438 : vector<16xf32> to vector<32xbf16>
          %add3A_440 = arith.constant 40 : i32
          %add3A_441 = arith.addi %add3A_440, %add3A_381 : i32
          %get3A_442 = arith.index_cast %add3A_441 : i32 to index
          %get3A_443 = arith.constant 16 : index
          %get3A_444 = tpu.vector_load %arg22[%get3A_442, %get3A_443] {strides = array<i32>} : memref<80x64xf32, #tpu.memory_space<vmem>>, vector<16xf32>,
          %bitcast3A_445 = vector.bitcast %get3A_444 : vector<16xf32> to vector<32xbf16>
          %add3A_446 = arith.constant 40 : i32
          %add3A_447 = arith.addi %add3A_446, %add3A_381 : i32
          %get3A_448 = arith.index_cast %add3A_447 : i32 to index
          %get3A_449 = arith.constant 32 : index
          %get3A_450 = tpu.vector_load %arg22[%get3A_448, %get3A_449] {strides = array<i32>} : memref<80x64xf32, #tpu.memory_space<vmem>>, vector<16xf32>,
          %bitcast3A_451 = vector.bitcast %get3A_450 : vector<16xf32> to vector<32xbf16>
          %add3A_452 = arith.constant 40 : i32
          %add3A_453 = arith.addi %add3A_452, %add3A_381 : i32
          %get3A_454 = arith.index_cast %add3A_453 : i32 to index
          %get3A_455 = arith.constant 48 : index
          %get3A_456 = tpu.vector_load %arg22[%get3A_454, %get3A_455] {strides = array<i32>} : memref<80x64xf32, #tpu.memory_space<vmem>>, vector<16xf32>,
          %bitcast3A_457 = vector.bitcast %get3A_456 : vector<16xf32> to vector<32xbf16>
          %mul3A_458 = arith.mulf %bitcast3A_421, %bitcast3A_402 : vector<32xbf16>
          %mul3A_459 = arith.mulf %mul3A_458, %bitcast3A_451 : vector<32xbf16>
          %mul3A_460 = arith.mulf %bitcast3A_439, %bitcast3A_412 : vector<32xbf16>
          %mul3A_461 = arith.mulf %mul3A_460, %bitcast3A_429 : vector<32xbf16>
          %unpack3A_462 = tpu.unpack_subelements %mul3A_459, 0 {pack_format = #tpu.pack_format<interleaved>} : vector<32xbf16> -> vector<16xf32>
          %unpack3A_463 = tpu.unpack_subelements %mul3A_459, 1 {pack_format = #tpu.pack_format<interleaved>} : vector<32xbf16> -> vector<16xf32>
          %unpack3A_464 = tpu.unpack_subelements %mul3A_461, 0 {pack_format = #tpu.pack_format<interleaved>} : vector<32xbf16> -> vector<16xf32>
          %unpack3A_465 = tpu.unpack_subelements %mul3A_461, 1 {pack_format = #tpu.pack_format<interleaved>} : vector<32xbf16> -> vector<16xf32>
          %mul3A_466 = arith.mulf %bitcast3A_425, %bitcast3A_407 : vector<32xbf16>
          %mul3A_467 = arith.mulf %mul3A_466, %bitcast3A_457 : vector<32xbf16>
          %mul3A_468 = arith.mulf %bitcast3A_445, %bitcast3A_417 : vector<32xbf16>
          %mul3A_469 = arith.mulf %mul3A_468, %bitcast3A_433 : vector<32xbf16>
          %unpack3A_470 = tpu.unpack_subelements %mul3A_467, 0 {pack_format = #tpu.pack_format<interleaved>} : vector<32xbf16> -> vector<16xf32>
          %unpack3A_471 = tpu.unpack_subelements %mul3A_467, 1 {pack_format = #tpu.pack_format<interleaved>} : vector<32xbf16> -> vector<16xf32>
          %unpack3A_472 = tpu.unpack_subelements %mul3A_469, 0 {pack_format = #tpu.pack_format<interleaved>} : vector<32xbf16> -> vector<16xf32>
          %unpack3A_473 = tpu.unpack_subelements %mul3A_469, 1 {pack_format = #tpu.pack_format<interleaved>} : vector<32xbf16> -> vector<16xf32>
          %add3A_474 = arith.addf %unpack3A_462, %unpack3A_463 : vector<16xf32>
          %add3A_475 = arith.addf %unpack3A_464, %unpack3A_465 : vector<16xf32>
          %add3A_476 = arith.addf %unpack3A_470, %unpack3A_471 : vector<16xf32>
          %add3A_477 = arith.addf %unpack3A_472, %unpack3A_473 : vector<16xf32>
          %add3A_478 = arith.addf %add3A_474, %add3A_475 : vector<16xf32>
          %add3A_479 = arith.addf %add3A_476, %add3A_477 : vector<16xf32>
          %add3A_480 = arith.addf %add3A_478, %add3A_479 : vector<16xf32>
          %reduce_sum3A_481 = arith.constant true
          %reduce_sum3A_482 = vector.broadcast %reduce_sum3A_481 : i1 to vector<16xi1>
          %reduce_sum3A_483 = tpu.scan <sum>, %add3A_480 masked %reduce_sum3A_482 : vector<16xf32>, vector<16xi1> -> vector<16xf32>
          %reduce_sum3A_484 = vector.extract %reduce_sum3A_483[15] : f32 from vector<16xf32>
          %broadcast_in_dim3A_485 = vector.broadcast %reduce_sum3A_484 : f32 to vector<16xf32>
          %eq3A_486 = arith.constant 1 : i32
          %eq3A_487 = vector.broadcast %eq3A_486 : i32 to vector<16xi32>
          %eq3A_488 = arith.cmpi eq, %iota3A, %eq3A_487 : vector<16xi32>
          %select_n3A_489 = arith.select %eq3A_488, %broadcast_in_dim3A_485, %select_n3A_377 : vector<16xi1>, vector<16xf32>
          %mul3A_490 = arith.constant 4 : i32
          %mul3A_491 = arith.muli %scan3A_268, %mul3A_490 : i32
          %add3A_492 = arith.constant 2 : i32
          %add3A_493 = arith.addi %mul3A_491, %add3A_492 : i32
          %broadcast_in_dim3A_494 = arith.constant 2 : i32
          %broadcast_in_dim3A_495 = vector.broadcast %broadcast_in_dim3A_494 : i32 to vector<16xi32>
          %lt3A_496 = arith.constant 0 : i32
          %lt3A_497 = vector.broadcast %lt3A_496 : i32 to vector<16xi32>
          %lt3A_498 = arith.cmpi slt, %broadcast_in_dim3A_495, %lt3A_497 : vector<16xi32>
          %add3A_499 = arith.constant 16 : i32
          %add3A_500 = vector.broadcast %add3A_499 : i32 to vector<16xi32>
          %add3A_501 = arith.addi %broadcast_in_dim3A_495, %add3A_500 : vector<16xi32>
          %select_n3A_502 = arith.select %lt3A_498, %add3A_501, %broadcast_in_dim3A_495 : vector<16xi1>, vector<16xi32>
          %reshape3A_503 = vector.shape_cast %select_n3A_502 : vector<16xi32> to vector<16x1xi32>
          %gather3A_504 = vector.shape_cast %reshape3A_503 : vector<16x1xi32> to vector<16xi32>
          %gather3A_505 = tpu.dynamic_gather %get3A_271[%gather3A_504] in [0] : vector<16xi32>, vector<16xi32> -> vector<16xi32>
          %mul3A_506 = arith.constant 64 : i32
          %mul3A_507 = vector.broadcast %mul3A_506 : i32 to vector<16xi32>
          %mul3A_508 = arith.muli %gather3A_505, %mul3A_507 : vector<16xi32>
          %add3A_509 = arith.addi %mul3A_508, %iota3A : vector<16xi32>
          %add3A_510 = arith.constant 0 : i32
          %add3A_511 = vector.broadcast %add3A_510 : i32 to vector<16xi32>
          %add3A_512 = arith.addi %add3A_509, %add3A_511 : vector<16xi32>
          %gather3A_513 = tpu.vector_load_idx %arg8[%add3A_512] : memref<64000xf32, #tpu.memory_space<vmem>>[vector<16xi32>], vector<16xf32>,
          %bitcast3A_514 = vector.bitcast %gather3A_513 : vector<16xf32> to vector<32xbf16>
          %add3A_515 = arith.constant 16 : i32
          %add3A_516 = vector.broadcast %add3A_515 : i32 to vector<16xi32>
          %add3A_517 = arith.addi %add3A_509, %add3A_516 : vector<16xi32>
          %gather3A_518 = tpu.vector_load_idx %arg8[%add3A_517] : memref<64000xf32, #tpu.memory_space<vmem>>[vector<16xi32>], vector<16xf32>,
          %bitcast3A_519 = vector.bitcast %gather3A_518 : vector<16xf32> to vector<32xbf16>
          %add3A_520 = arith.constant 32 : i32
          %add3A_521 = vector.broadcast %add3A_520 : i32 to vector<16xi32>
          %add3A_522 = arith.addi %add3A_509, %add3A_521 : vector<16xi32>
          %gather3A_523 = tpu.vector_load_idx %arg8[%add3A_522] : memref<64000xf32, #tpu.memory_space<vmem>>[vector<16xi32>], vector<16xf32>,
          %bitcast3A_524 = vector.bitcast %gather3A_523 : vector<16xf32> to vector<32xbf16>
          %add3A_525 = arith.constant 48 : i32
          %add3A_526 = vector.broadcast %add3A_525 : i32 to vector<16xi32>
          %add3A_527 = arith.addi %add3A_509, %add3A_526 : vector<16xi32>
          %gather3A_528 = tpu.vector_load_idx %arg8[%add3A_527] : memref<64000xf32, #tpu.memory_space<vmem>>[vector<16xi32>], vector<16xf32>,
          %bitcast3A_529 = vector.bitcast %gather3A_528 : vector<16xf32> to vector<32xbf16>
          %get3A_530 = arith.index_cast %add3A_493 : i32 to index
          %get3A_531 = arith.constant 0 : index
          %get3A_532 = tpu.vector_load %arg22[%get3A_530, %get3A_531] {strides = array<i32>} : memref<80x64xf32, #tpu.memory_space<vmem>>, vector<16xf32>,
          %bitcast3A_533 = vector.bitcast %get3A_532 : vector<16xf32> to vector<32xbf16>
          %get3A_534 = arith.index_cast %add3A_493 : i32 to index
          %get3A_535 = arith.constant 16 : index
          %get3A_536 = tpu.vector_load %arg22[%get3A_534, %get3A_535] {strides = array<i32>} : memref<80x64xf32, #tpu.memory_space<vmem>>, vector<16xf32>,
          %bitcast3A_537 = vector.bitcast %get3A_536 : vector<16xf32> to vector<32xbf16>
          %get3A_538 = arith.index_cast %add3A_493 : i32 to index
          %get3A_539 = arith.constant 32 : index
          %get3A_540 = tpu.vector_load %arg22[%get3A_538, %get3A_539] {strides = array<i32>} : memref<80x64xf32, #tpu.memory_space<vmem>>, vector<16xf32>,
          %bitcast3A_541 = vector.bitcast %get3A_540 : vector<16xf32> to vector<32xbf16>
          %get3A_542 = arith.index_cast %add3A_493 : i32 to index
          %get3A_543 = arith.constant 48 : index
          %get3A_544 = tpu.vector_load %arg22[%get3A_542, %get3A_543] {strides = array<i32>} : memref<80x64xf32, #tpu.memory_space<vmem>>, vector<16xf32>,
          %bitcast3A_545 = vector.bitcast %get3A_544 : vector<16xf32> to vector<32xbf16>
          %add3A_546 = arith.constant 40 : i32
          %add3A_547 = arith.addi %add3A_546, %add3A_493 : i32
          %get3A_548 = arith.index_cast %add3A_547 : i32 to index
          %get3A_549 = arith.constant 0 : index
          %get3A_550 = tpu.vector_load %arg22[%get3A_548, %get3A_549] {strides = array<i32>} : memref<80x64xf32, #tpu.memory_space<vmem>>, vector<16xf32>,
          %bitcast3A_551 = vector.bitcast %get3A_550 : vector<16xf32> to vector<32xbf16>
          %add3A_552 = arith.constant 40 : i32
          %add3A_553 = arith.addi %add3A_552, %add3A_493 : i32
          %get3A_554 = arith.index_cast %add3A_553 : i32 to index
          %get3A_555 = arith.constant 16 : index
          %get3A_556 = tpu.vector_load %arg22[%get3A_554, %get3A_555] {strides = array<i32>} : memref<80x64xf32, #tpu.memory_space<vmem>>, vector<16xf32>,
          %bitcast3A_557 = vector.bitcast %get3A_556 : vector<16xf32> to vector<32xbf16>
          %add3A_558 = arith.constant 40 : i32
          %add3A_559 = arith.addi %add3A_558, %add3A_493 : i32
          %get3A_560 = arith.index_cast %add3A_559 : i32 to index
          %get3A_561 = arith.constant 32 : index
          %get3A_562 = tpu.vector_load %arg22[%get3A_560, %get3A_561] {strides = array<i32>} : memref<80x64xf32, #tpu.memory_space<vmem>>, vector<16xf32>,
          %bitcast3A_563 = vector.bitcast %get3A_562 : vector<16xf32> to vector<32xbf16>
          %add3A_564 = arith.constant 40 : i32
          %add3A_565 = arith.addi %add3A_564, %add3A_493 : i32
          %get3A_566 = arith.index_cast %add3A_565 : i32 to index
          %get3A_567 = arith.constant 48 : index
          %get3A_568 = tpu.vector_load %arg22[%get3A_566, %get3A_567] {strides = array<i32>} : memref<80x64xf32, #tpu.memory_space<vmem>>, vector<16xf32>,
          %bitcast3A_569 = vector.bitcast %get3A_568 : vector<16xf32> to vector<32xbf16>
          %mul3A_570 = arith.mulf %bitcast3A_533, %bitcast3A_514 : vector<32xbf16>
          %mul3A_571 = arith.mulf %mul3A_570, %bitcast3A_563 : vector<32xbf16>
          %mul3A_572 = arith.mulf %bitcast3A_551, %bitcast3A_524 : vector<32xbf16>
          %mul3A_573 = arith.mulf %mul3A_572, %bitcast3A_541 : vector<32xbf16>
          %unpack3A_574 = tpu.unpack_subelements %mul3A_571, 0 {pack_format = #tpu.pack_format<interleaved>} : vector<32xbf16> -> vector<16xf32>
          %unpack3A_575 = tpu.unpack_subelements %mul3A_571, 1 {pack_format = #tpu.pack_format<interleaved>} : vector<32xbf16> -> vector<16xf32>
          %unpack3A_576 = tpu.unpack_subelements %mul3A_573, 0 {pack_format = #tpu.pack_format<interleaved>} : vector<32xbf16> -> vector<16xf32>
          %unpack3A_577 = tpu.unpack_subelements %mul3A_573, 1 {pack_format = #tpu.pack_format<interleaved>} : vector<32xbf16> -> vector<16xf32>
          %mul3A_578 = arith.mulf %bitcast3A_537, %bitcast3A_519 : vector<32xbf16>
          %mul3A_579 = arith.mulf %mul3A_578, %bitcast3A_569 : vector<32xbf16>
          %mul3A_580 = arith.mulf %bitcast3A_557, %bitcast3A_529 : vector<32xbf16>
          %mul3A_581 = arith.mulf %mul3A_580, %bitcast3A_545 : vector<32xbf16>
          %unpack3A_582 = tpu.unpack_subelements %mul3A_579, 0 {pack_format = #tpu.pack_format<interleaved>} : vector<32xbf16> -> vector<16xf32>
          %unpack3A_583 = tpu.unpack_subelements %mul3A_579, 1 {pack_format = #tpu.pack_format<interleaved>} : vector<32xbf16> -> vector<16xf32>
          %unpack3A_584 = tpu.unpack_subelements %mul3A_581, 0 {pack_format = #tpu.pack_format<interleaved>} : vector<32xbf16> -> vector<16xf32>
          %unpack3A_585 = tpu.unpack_subelements %mul3A_581, 1 {pack_format = #tpu.pack_format<interleaved>} : vector<32xbf16> -> vector<16xf32>
          %add3A_586 = arith.addf %unpack3A_574, %unpack3A_575 : vector<16xf32>
          %add3A_587 = arith.addf %unpack3A_576, %unpack3A_577 : vector<16xf32>
          %add3A_588 = arith.addf %unpack3A_582, %unpack3A_583 : vector<16xf32>
          %add3A_589 = arith.addf %unpack3A_584, %unpack3A_585 : vector<16xf32>
          %add3A_590 = arith.addf %add3A_586, %add3A_587 : vector<16xf32>
          %add3A_591 = arith.addf %add3A_588, %add3A_589 : vector<16xf32>
          %add3A_592 = arith.addf %add3A_590, %add3A_591 : vector<16xf32>
          %reduce_sum3A_593 = arith.constant true
          %reduce_sum3A_594 = vector.broadcast %reduce_sum3A_593 : i1 to vector<16xi1>
          %reduce_sum3A_595 = tpu.scan <sum>, %add3A_592 masked %reduce_sum3A_594 : vector<16xf32>, vector<16xi1> -> vector<16xf32>
          %reduce_sum3A_596 = vector.extract %reduce_sum3A_595[15] : f32 from vector<16xf32>
          %broadcast_in_dim3A_597 = vector.broadcast %reduce_sum3A_596 : f32 to vector<16xf32>
          %eq3A_598 = arith.constant 2 : i32
          %eq3A_599 = vector.broadcast %eq3A_598 : i32 to vector<16xi32>
          %eq3A_600 = arith.cmpi eq, %iota3A, %eq3A_599 : vector<16xi32>
          %select_n3A_601 = arith.select %eq3A_600, %broadcast_in_dim3A_597, %select_n3A_489 : vector<16xi1>, vector<16xf32>
          %mul3A_602 = arith.constant 4 : i32
          %mul3A_603 = arith.muli %scan3A_268, %mul3A_602 : i32
          %add3A_604 = arith.constant 3 : i32
          %add3A_605 = arith.addi %mul3A_603, %add3A_604 : i32
          %broadcast_in_dim3A_606 = arith.constant 3 : i32
          %broadcast_in_dim3A_607 = vector.broadcast %broadcast_in_dim3A_606 : i32 to vector<16xi32>
          %lt3A_608 = arith.constant 0 : i32
          %lt3A_609 = vector.broadcast %lt3A_608 : i32 to vector<16xi32>
          %lt3A_610 = arith.cmpi slt, %broadcast_in_dim3A_607, %lt3A_609 : vector<16xi32>
          %add3A_611 = arith.constant 16 : i32
          %add3A_612 = vector.broadcast %add3A_611 : i32 to vector<16xi32>
          %add3A_613 = arith.addi %broadcast_in_dim3A_607, %add3A_612 : vector<16xi32>
          %select_n3A_614 = arith.select %lt3A_610, %add3A_613, %broadcast_in_dim3A_607 : vector<16xi1>, vector<16xi32>
          %reshape3A_615 = vector.shape_cast %select_n3A_614 : vector<16xi32> to vector<16x1xi32>
          %gather3A_616 = vector.shape_cast %reshape3A_615 : vector<16x1xi32> to vector<16xi32>
          %gather3A_617 = tpu.dynamic_gather %get3A_271[%gather3A_616] in [0] : vector<16xi32>, vector<16xi32> -> vector<16xi32>
          %mul3A_618 = arith.constant 64 : i32
          %mul3A_619 = vector.broadcast %mul3A_618 : i32 to vector<16xi32>
          %mul3A_620 = arith.muli %gather3A_617, %mul3A_619 : vector<16xi32>
          %add3A_621 = arith.addi %mul3A_620, %iota3A : vector<16xi32>
          %add3A_622 = arith.constant 0 : i32
          %add3A_623 = vector.broadcast %add3A_622 : i32 to vector<16xi32>
          %add3A_624 = arith.addi %add3A_621, %add3A_623 : vector<16xi32>
          %gather3A_625 = tpu.vector_load_idx %arg8[%add3A_624] : memref<64000xf32, #tpu.memory_space<vmem>>[vector<16xi32>], vector<16xf32>,
          %bitcast3A_626 = vector.bitcast %gather3A_625 : vector<16xf32> to vector<32xbf16>
          %add3A_627 = arith.constant 16 : i32
          %add3A_628 = vector.broadcast %add3A_627 : i32 to vector<16xi32>
          %add3A_629 = arith.addi %add3A_621, %add3A_628 : vector<16xi32>
          %gather3A_630 = tpu.vector_load_idx %arg8[%add3A_629] : memref<64000xf32, #tpu.memory_space<vmem>>[vector<16xi32>], vector<16xf32>,
          %bitcast3A_631 = vector.bitcast %gather3A_630 : vector<16xf32> to vector<32xbf16>
          %add3A_632 = arith.constant 32 : i32
          %add3A_633 = vector.broadcast %add3A_632 : i32 to vector<16xi32>
          %add3A_634 = arith.addi %add3A_621, %add3A_633 : vector<16xi32>
          %gather3A_635 = tpu.vector_load_idx %arg8[%add3A_634] : memref<64000xf32, #tpu.memory_space<vmem>>[vector<16xi32>], vector<16xf32>,
          %bitcast3A_636 = vector.bitcast %gather3A_635 : vector<16xf32> to vector<32xbf16>
          %add3A_637 = arith.constant 48 : i32
          %add3A_638 = vector.broadcast %add3A_637 : i32 to vector<16xi32>
          %add3A_639 = arith.addi %add3A_621, %add3A_638 : vector<16xi32>
          %gather3A_640 = tpu.vector_load_idx %arg8[%add3A_639] : memref<64000xf32, #tpu.memory_space<vmem>>[vector<16xi32>], vector<16xf32>,
          %bitcast3A_641 = vector.bitcast %gather3A_640 : vector<16xf32> to vector<32xbf16>
          %get3A_642 = arith.index_cast %add3A_605 : i32 to index
          %get3A_643 = arith.constant 0 : index
          %get3A_644 = tpu.vector_load %arg22[%get3A_642, %get3A_643] {strides = array<i32>} : memref<80x64xf32, #tpu.memory_space<vmem>>, vector<16xf32>,
          %bitcast3A_645 = vector.bitcast %get3A_644 : vector<16xf32> to vector<32xbf16>
          %get3A_646 = arith.index_cast %add3A_605 : i32 to index
          %get3A_647 = arith.constant 16 : index
          %get3A_648 = tpu.vector_load %arg22[%get3A_646, %get3A_647] {strides = array<i32>} : memref<80x64xf32, #tpu.memory_space<vmem>>, vector<16xf32>,
          %bitcast3A_649 = vector.bitcast %get3A_648 : vector<16xf32> to vector<32xbf16>
          %get3A_650 = arith.index_cast %add3A_605 : i32 to index
          %get3A_651 = arith.constant 32 : index
          %get3A_652 = tpu.vector_load %arg22[%get3A_650, %get3A_651] {strides = array<i32>} : memref<80x64xf32, #tpu.memory_space<vmem>>, vector<16xf32>,
          %bitcast3A_653 = vector.bitcast %get3A_652 : vector<16xf32> to vector<32xbf16>
          %get3A_654 = arith.index_cast %add3A_605 : i32 to index
          %get3A_655 = arith.constant 48 : index
          %get3A_656 = tpu.vector_load %arg22[%get3A_654, %get3A_655] {strides = array<i32>} : memref<80x64xf32, #tpu.memory_space<vmem>>, vector<16xf32>,
          %bitcast3A_657 = vector.bitcast %get3A_656 : vector<16xf32> to vector<32xbf16>
          %add3A_658 = arith.constant 40 : i32
          %add3A_659 = arith.addi %add3A_658, %add3A_605 : i32
          %get3A_660 = arith.index_cast %add3A_659 : i32 to index
          %get3A_661 = arith.constant 0 : index
          %get3A_662 = tpu.vector_load %arg22[%get3A_660, %get3A_661] {strides = array<i32>} : memref<80x64xf32, #tpu.memory_space<vmem>>, vector<16xf32>,
          %bitcast3A_663 = vector.bitcast %get3A_662 : vector<16xf32> to vector<32xbf16>
          %add3A_664 = arith.constant 40 : i32
          %add3A_665 = arith.addi %add3A_664, %add3A_605 : i32
          %get3A_666 = arith.index_cast %add3A_665 : i32 to index
          %get3A_667 = arith.constant 16 : index
          %get3A_668 = tpu.vector_load %arg22[%get3A_666, %get3A_667] {strides = array<i32>} : memref<80x64xf32, #tpu.memory_space<vmem>>, vector<16xf32>,
          %bitcast3A_669 = vector.bitcast %get3A_668 : vector<16xf32> to vector<32xbf16>
          %add3A_670 = arith.constant 40 : i32
          %add3A_671 = arith.addi %add3A_670, %add3A_605 : i32
          %get3A_672 = arith.index_cast %add3A_671 : i32 to index
          %get3A_673 = arith.constant 32 : index
          %get3A_674 = tpu.vector_load %arg22[%get3A_672, %get3A_673] {strides = array<i32>} : memref<80x64xf32, #tpu.memory_space<vmem>>, vector<16xf32>,
          %bitcast3A_675 = vector.bitcast %get3A_674 : vector<16xf32> to vector<32xbf16>
          %add3A_676 = arith.constant 40 : i32
          %add3A_677 = arith.addi %add3A_676, %add3A_605 : i32
          %get3A_678 = arith.index_cast %add3A_677 : i32 to index
          %get3A_679 = arith.constant 48 : index
          %get3A_680 = tpu.vector_load %arg22[%get3A_678, %get3A_679] {strides = array<i32>} : memref<80x64xf32, #tpu.memory_space<vmem>>, vector<16xf32>,
          %bitcast3A_681 = vector.bitcast %get3A_680 : vector<16xf32> to vector<32xbf16>
          %mul3A_682 = arith.mulf %bitcast3A_645, %bitcast3A_626 : vector<32xbf16>
          %mul3A_683 = arith.mulf %mul3A_682, %bitcast3A_675 : vector<32xbf16>
          %mul3A_684 = arith.mulf %bitcast3A_663, %bitcast3A_636 : vector<32xbf16>
          %mul3A_685 = arith.mulf %mul3A_684, %bitcast3A_653 : vector<32xbf16>
          %unpack3A_686 = tpu.unpack_subelements %mul3A_683, 0 {pack_format = #tpu.pack_format<interleaved>} : vector<32xbf16> -> vector<16xf32>
          %unpack3A_687 = tpu.unpack_subelements %mul3A_683, 1 {pack_format = #tpu.pack_format<interleaved>} : vector<32xbf16> -> vector<16xf32>
          %unpack3A_688 = tpu.unpack_subelements %mul3A_685, 0 {pack_format = #tpu.pack_format<interleaved>} : vector<32xbf16> -> vector<16xf32>
          %unpack3A_689 = tpu.unpack_subelements %mul3A_685, 1 {pack_format = #tpu.pack_format<interleaved>} : vector<32xbf16> -> vector<16xf32>
          %mul3A_690 = arith.mulf %bitcast3A_649, %bitcast3A_631 : vector<32xbf16>
          %mul3A_691 = arith.mulf %mul3A_690, %bitcast3A_681 : vector<32xbf16>
          %mul3A_692 = arith.mulf %bitcast3A_669, %bitcast3A_641 : vector<32xbf16>
          %mul3A_693 = arith.mulf %mul3A_692, %bitcast3A_657 : vector<32xbf16>
          %unpack3A_694 = tpu.unpack_subelements %mul3A_691, 0 {pack_format = #tpu.pack_format<interleaved>} : vector<32xbf16> -> vector<16xf32>
          %unpack3A_695 = tpu.unpack_subelements %mul3A_691, 1 {pack_format = #tpu.pack_format<interleaved>} : vector<32xbf16> -> vector<16xf32>
          %unpack3A_696 = tpu.unpack_subelements %mul3A_693, 0 {pack_format = #tpu.pack_format<interleaved>} : vector<32xbf16> -> vector<16xf32>
          %unpack3A_697 = tpu.unpack_subelements %mul3A_693, 1 {pack_format = #tpu.pack_format<interleaved>} : vector<32xbf16> -> vector<16xf32>
          %add3A_698 = arith.addf %unpack3A_686, %unpack3A_687 : vector<16xf32>
          %add3A_699 = arith.addf %unpack3A_688, %unpack3A_689 : vector<16xf32>
          %add3A_700 = arith.addf %unpack3A_694, %unpack3A_695 : vector<16xf32>
          %add3A_701 = arith.addf %unpack3A_696, %unpack3A_697 : vector<16xf32>
          %add3A_702 = arith.addf %add3A_698, %add3A_699 : vector<16xf32>
          %add3A_703 = arith.addf %add3A_700, %add3A_701 : vector<16xf32>
          %add3A_704 = arith.addf %add3A_702, %add3A_703 : vector<16xf32>
          %reduce_sum3A_705 = arith.constant true
          %reduce_sum3A_706 = vector.broadcast %reduce_sum3A_705 : i1 to vector<16xi1>
          %reduce_sum3A_707 = tpu.scan <sum>, %add3A_704 masked %reduce_sum3A_706 : vector<16xf32>, vector<16xi1> -> vector<16xf32>
          %reduce_sum3A_708 = vector.extract %reduce_sum3A_707[15] : f32 from vector<16xf32>
          %broadcast_in_dim3A_709 = vector.broadcast %reduce_sum3A_708 : f32 to vector<16xf32>
          %eq3A_710 = arith.constant 3 : i32
          %eq3A_711 = vector.broadcast %eq3A_710 : i32 to vector<16xi32>
          %eq3A_712 = arith.cmpi eq, %iota3A, %eq3A_711 : vector<16xi32>
          %select_n3A_713 = arith.select %eq3A_712, %broadcast_in_dim3A_709, %select_n3A_601 : vector<16xi1>, vector<16xf32>
          %mul3A_714 = arith.constant 5.000000e-01 : f32
          %mul3A_715 = vector.broadcast %mul3A_714 : f32 to vector<16xf32>
          %mul3A_716 = arith.mulf %mul3A_715, %select_n3A_713 : vector<16xf32>
          %jit3A = arith.constant -2.000000e+01 : f32
          %jit3A_717 = arith.constant 2.000000e+01 : f32
          %max3A = vector.broadcast %jit3A : f32 to vector<16xf32>
          %max3A_718 = arith.maximumf %max3A, %mul3A_716 : vector<16xf32>
          %min3A = vector.broadcast %jit3A_717 : f32 to vector<16xf32>
          %min3A_719 = arith.minimumf %min3A, %max3A_718 : vector<16xf32>
          %mul3A_720 = arith.constant 4 : i32
          %mul3A_721 = arith.muli %scan3A_268, %mul3A_720 : i32
          %add3A_722 = vector.broadcast %mul3A_721 : i32 to vector<16xi32>
          %add3A_723 = arith.addi %add3A_722, %iota3A : vector<16xi32>
          tpu.vector_store_idx %arg18[%add3A_723], %min3A_719 masked %lt3A_4 : memref<40xf32, #tpu.memory_space<vmem>>[vector<16xi32>], vector<16xf32>, vector<16xi1>
        }
        %scan3A_265 = arith.constant 10 : i32
        %dma_start3A_266 = tpu.memref_slice %arg7[%add3A_181] : memref<320000xf32, #tpu.memory_space<hbm>> -> memref<40xf32, #tpu.memory_space<hbm>>
        %dma_start3A_267 = tpu.memref_slice %arg7[%add3A_181] : memref<320000xf32, #tpu.memory_space<hbm>> -> memref<40xf32, #tpu.memory_space<hbm>>
        tpu.enqueue_dma source(%arg18 : memref<40xf32, #tpu.memory_space<vmem>>) target(%dma_start3A_267 : memref<40xf32, #tpu.memory_space<hbm>>) target_semaphore(%arg34 : memref<!tpu.dma_semaphore, #tpu.memory_space<semaphore_mem>>)
      } else {
      }
      %add3A_194 = arith.constant 4 : i32
      %add3A_195 = arith.addi %add3A_178, %add3A_194 : i32
      %lt3A_196 = arith.constant 250 : i32
      %lt3A_197 = arith.cmpi slt, %add3A_195, %lt3A_196 : i32
      %convert_element_type3A_198 = arith.extui %lt3A_197 : i1 to i32
      %cond3A_199 = arith.constant 0 : i32
      %cond3A_200 = arith.cmpi ne, %convert_element_type3A_198, %cond3A_199 : i32
      scf.if %cond3A_200 {
        %add3A_253 = arith.constant 4 : i32
        %add3A_254 = arith.addi %add3A_178, %add3A_253 : i32
        %mul3A_255 = arith.constant 40 : i32
        %mul3A_256 = arith.muli %add3A_254, %mul3A_255 : i32
        %add3A_257 = arith.addi %mul3A_2, %mul3A_256 : i32
        %dma_start3A_258 = arith.constant 0 : i32
        %dma_start3A_259 = tpu.memref_slice %arg10[%dma_start3A_258] : memref<80xi32, #tpu.memory_space<vmem>> -> memref<40xi32, #tpu.memory_space<vmem>>
        %dma_start3A_260 = tpu.memref_slice %arg4[%add3A_257] : memref<320000xi32, #tpu.memory_space<hbm>> -> memref<40xi32, #tpu.memory_space<hbm>>
        %dma_start3A_261 = arith.constant 0 : i32
        %dma_start3A_262 = tpu.memref_slice %arg10[%dma_start3A_261] : memref<80xi32, #tpu.memory_space<vmem>> -> memref<40xi32, #tpu.memory_space<vmem>>
        %dma_start3A_263 = tpu.memref_slice %arg4[%add3A_257] : memref<320000xi32, #tpu.memory_space<hbm>> -> memref<40xi32, #tpu.memory_space<hbm>>
        tpu.enqueue_dma source(%dma_start3A_263 : memref<40xi32, #tpu.memory_space<hbm>>) target(%dma_start3A_262 : memref<40xi32, #tpu.memory_space<vmem>>) target_semaphore(%arg30 : memref<!tpu.dma_semaphore, #tpu.memory_space<semaphore_mem>>)
        %dma_start3A_264 = arith.constant 40 : i32
        %dma_start3A_265 = tpu.memref_slice %arg10[%dma_start3A_264] : memref<80xi32, #tpu.memory_space<vmem>> -> memref<40xi32, #tpu.memory_space<vmem>>
        %dma_start3A_266 = tpu.memref_slice %arg5[%add3A_257] : memref<320000xi32, #tpu.memory_space<hbm>> -> memref<40xi32, #tpu.memory_space<hbm>>
        %dma_start3A_267 = arith.constant 40 : i32
        %dma_start3A_268 = tpu.memref_slice %arg10[%dma_start3A_267] : memref<80xi32, #tpu.memory_space<vmem>> -> memref<40xi32, #tpu.memory_space<vmem>>
        %dma_start3A_269 = tpu.memref_slice %arg5[%add3A_257] : memref<320000xi32, #tpu.memory_space<hbm>> -> memref<40xi32, #tpu.memory_space<hbm>>
        tpu.enqueue_dma source(%dma_start3A_269 : memref<40xi32, #tpu.memory_space<hbm>>) target(%dma_start3A_268 : memref<40xi32, #tpu.memory_space<vmem>>) target_semaphore(%arg30 : memref<!tpu.dma_semaphore, #tpu.memory_space<semaphore_mem>>)
        %dma_start3A_270 = arith.constant 0 : i32
        %dma_start3A_271 = tpu.memref_slice %arg14[%dma_start3A_270] : memref<56xi32, #tpu.memory_space<vmem>> -> memref<40xi32, #tpu.memory_space<vmem>>
        %dma_start3A_272 = tpu.memref_slice %arg6[%add3A_257] : memref<320000xi32, #tpu.memory_space<hbm>> -> memref<40xi32, #tpu.memory_space<hbm>>
        %dma_start3A_273 = arith.constant 0 : i32
        %dma_start3A_274 = tpu.memref_slice %arg14[%dma_start3A_273] : memref<56xi32, #tpu.memory_space<vmem>> -> memref<40xi32, #tpu.memory_space<vmem>>
        %dma_start3A_275 = tpu.memref_slice %arg6[%add3A_257] : memref<320000xi32, #tpu.memory_space<hbm>> -> memref<40xi32, #tpu.memory_space<hbm>>
        tpu.enqueue_dma source(%dma_start3A_275 : memref<40xi32, #tpu.memory_space<hbm>>) target(%dma_start3A_274 : memref<40xi32, #tpu.memory_space<vmem>>) target_semaphore(%arg30 : memref<!tpu.dma_semaphore, #tpu.memory_space<semaphore_mem>>)
      } else {
      }
      %mul3A_201 = arith.constant 4 : i32
      %mul3A_202 = arith.muli %mul3A_201, %scan3A_150 : i32
      %add3A_203 = arith.constant 2 : i32
      %add3A_204 = arith.addi %mul3A_202, %add3A_203 : i32
      %mul3A_205 = arith.constant 40 : i32
      %mul3A_206 = arith.muli %add3A_204, %mul3A_205 : i32
      %add3A_207 = arith.addi %mul3A_2, %mul3A_206 : i32
      %add3A_208 = arith.constant 2 : i32
      %add3A_209 = arith.addi %add3A_204, %add3A_208 : i32
      %lt3A_210 = arith.constant 250 : i32
      %lt3A_211 = arith.cmpi slt, %add3A_209, %lt3A_210 : i32
      %convert_element_type3A_212 = arith.extui %lt3A_211 : i1 to i32
      %cond3A_213 = arith.constant 0 : i32
      %cond3A_214 = arith.cmpi ne, %convert_element_type3A_212, %cond3A_213 : i32
      scf.if %cond3A_214 {
        %add3A_253 = arith.constant 2 : i32
        %add3A_254 = arith.addi %add3A_204, %add3A_253 : i32
        %mul3A_255 = arith.constant 40 : i32
        %mul3A_256 = arith.muli %add3A_254, %mul3A_255 : i32
        %add3A_257 = arith.addi %mul3A_2, %mul3A_256 : i32
        %dma_wait3A_258 = arith.constant 0 : i32
        %dma_wait3A_259 = tpu.memref_slice %arg9[%dma_wait3A_258] : memref<80xi32, #tpu.memory_space<vmem>> -> memref<40xi32, #tpu.memory_space<vmem>>
        %dma_wait3A_260 = tpu.memref_slice %arg4[%add3A_257] : memref<320000xi32, #tpu.memory_space<hbm>> -> memref<40xi32, #tpu.memory_space<hbm>>
        %dma_wait3A_261 = arith.constant 0 : i32
        %dma_wait3A_262 = tpu.memref_slice %arg9[%dma_wait3A_261] : memref<80xi32, #tpu.memory_space<vmem>> -> memref<40xi32, #tpu.memory_space<vmem>>
        %dma_wait3A_263 = tpu.memref_slice %arg4[%add3A_257] : memref<320000xi32, #tpu.memory_space<hbm>> -> memref<40xi32, #tpu.memory_space<hbm>>
        tpu.wait_dma2 semaphore(%arg29 : memref<!tpu.dma_semaphore, #tpu.memory_space<semaphore_mem>>) src(%dma_wait3A_263 : memref<40xi32, #tpu.memory_space<hbm>>) dst(%dma_wait3A_262 : memref<40xi32, #tpu.memory_space<vmem>>)
        %dma_wait3A_264 = arith.constant 40 : i32
        %dma_wait3A_265 = tpu.memref_slice %arg9[%dma_wait3A_264] : memref<80xi32, #tpu.memory_space<vmem>> -> memref<40xi32, #tpu.memory_space<vmem>>
        %dma_wait3A_266 = tpu.memref_slice %arg5[%add3A_257] : memref<320000xi32, #tpu.memory_space<hbm>> -> memref<40xi32, #tpu.memory_space<hbm>>
        %dma_wait3A_267 = arith.constant 40 : i32
        %dma_wait3A_268 = tpu.memref_slice %arg9[%dma_wait3A_267] : memref<80xi32, #tpu.memory_space<vmem>> -> memref<40xi32, #tpu.memory_space<vmem>>
        %dma_wait3A_269 = tpu.memref_slice %arg5[%add3A_257] : memref<320000xi32, #tpu.memory_space<hbm>> -> memref<40xi32, #tpu.memory_space<hbm>>
        tpu.wait_dma2 semaphore(%arg29 : memref<!tpu.dma_semaphore, #tpu.memory_space<semaphore_mem>>) src(%dma_wait3A_269 : memref<40xi32, #tpu.memory_space<hbm>>) dst(%dma_wait3A_268 : memref<40xi32, #tpu.memory_space<vmem>>)
        %dma_wait3A_270 = arith.constant 0 : i32
        %dma_wait3A_271 = tpu.memref_slice %arg13[%dma_wait3A_270] : memref<56xi32, #tpu.memory_space<vmem>> -> memref<40xi32, #tpu.memory_space<vmem>>
        %dma_wait3A_272 = tpu.memref_slice %arg6[%add3A_257] : memref<320000xi32, #tpu.memory_space<hbm>> -> memref<40xi32, #tpu.memory_space<hbm>>
        %dma_wait3A_273 = arith.constant 0 : i32
        %dma_wait3A_274 = tpu.memref_slice %arg13[%dma_wait3A_273] : memref<56xi32, #tpu.memory_space<vmem>> -> memref<40xi32, #tpu.memory_space<vmem>>
        %dma_wait3A_275 = tpu.memref_slice %arg6[%add3A_257] : memref<320000xi32, #tpu.memory_space<hbm>> -> memref<40xi32, #tpu.memory_space<hbm>>
        tpu.wait_dma2 semaphore(%arg29 : memref<!tpu.dma_semaphore, #tpu.memory_space<semaphore_mem>>) src(%dma_wait3A_275 : memref<40xi32, #tpu.memory_space<hbm>>) dst(%dma_wait3A_274 : memref<40xi32, #tpu.memory_space<vmem>>)
        %dma_start3A_276 = arith.constant 0 : i32
        %dma_start3A_277 = arith.constant 0 : i32
        %dma_start3A_278 = tpu.memref_slice %arg2[%dma_start3A_276, %dma_start3A_277] : memref<10000x64xf32, #tpu.memory_space<hbm>> -> memref<10000x64xf32, #tpu.memory_space<hbm>>
        tpu.enqueue_indirect_dma source(%dma_start3A_278 : memref<10000x64xf32, #tpu.memory_space<hbm>>) target(%arg21 : memref<80x64xf32, #tpu.memory_space<vmem>>) offsets(%arg9 : memref<80xi32, #tpu.memory_space<vmem>>) semaphore(%arg25 : memref<!tpu.dma_semaphore, #tpu.memory_space<semaphore_mem>>)
      } else {
      }
      %lt3A_215 = arith.constant 250 : i32
      %lt3A_216 = arith.cmpi slt, %add3A_204, %lt3A_215 : i32
      %convert_element_type3A_217 = arith.extui %lt3A_216 : i1 to i32
      %cond3A_218 = arith.constant 0 : i32
      %cond3A_219 = arith.cmpi ne, %convert_element_type3A_217, %cond3A_218 : i32
      scf.if %cond3A_219 {
        %dma_wait3A_253 = arith.constant 0 : i32
        %dma_wait3A_254 = arith.constant 0 : i32
        %dma_wait3A_255 = tpu.memref_slice %arg2[%dma_wait3A_253, %dma_wait3A_254] : memref<10000x64xf32, #tpu.memory_space<hbm>> -> memref<10000x64xf32, #tpu.memory_space<hbm>>
        tpu.wait_indirect_dma semaphore(%arg27 : memref<!tpu.dma_semaphore, #tpu.memory_space<semaphore_mem>>) src(%dma_wait3A_255 : memref<10000x64xf32, #tpu.memory_space<hbm>>) dst(%arg23 : memref<80x64xf32, #tpu.memory_space<vmem>>)
        %ge3A = arith.constant 4 : i32
        %ge3A_256 = arith.cmpi sge, %add3A_204, %ge3A : i32
        %convert_element_type3A_257 = arith.extui %ge3A_256 : i1 to i32
        %cond3A_258 = arith.constant 0 : i32
        %cond3A_259 = arith.cmpi ne, %convert_element_type3A_257, %cond3A_258 : i32
        scf.if %cond3A_259 {
          %dma_wait3A_268 = tpu.memref_slice %arg7[%add3A_207] : memref<320000xf32, #tpu.memory_space<hbm>> -> memref<40xf32, #tpu.memory_space<hbm>>
          %dma_wait3A_269 = tpu.memref_slice %arg7[%add3A_207] : memref<320000xf32, #tpu.memory_space<hbm>> -> memref<40xf32, #tpu.memory_space<hbm>>
          tpu.wait_dma2 semaphore(%arg35 : memref<!tpu.dma_semaphore, #tpu.memory_space<semaphore_mem>>) src(%arg19 : memref<40xf32, #tpu.memory_space<vmem>>) dst(%dma_wait3A_269 : memref<40xf32, #tpu.memory_space<hbm>>)
        } else {
        }
        %scan3A_260 = arith.constant 0 : i32
        %scan3A_261 = arith.constant 0 : i32
        %scan3A_262 = arith.constant 10 : i32
        %scan3A_263 = arith.addi %scan3A_261, %scan3A_262 : i32
        %scan3A_264 = arith.constant 1 : i32
        scf.for %scan3A_268 = %scan3A_261 to %scan3A_263 step %scan3A_264  : i32 {
          %mul3A_269 = arith.constant 4 : i32
          %mul3A_270 = arith.muli %scan3A_268, %mul3A_269 : i32
          %get3A = arith.index_cast %mul3A_270 : i32 to index
          %get3A_271 = tpu.vector_load %arg15[%get3A] {strides = array<i32>} : memref<56xi32, #tpu.memory_space<vmem>>, vector<16xi32>,
          %broadcast_in_dim3A = arith.constant 0.000000e+00 : f32
          %broadcast_in_dim3A_272 = vector.broadcast %broadcast_in_dim3A : f32 to vector<16xf32>
          %mul3A_273 = arith.constant 4 : i32
          %mul3A_274 = arith.muli %scan3A_268, %mul3A_273 : i32
          %add3A_275 = arith.constant 0 : i32
          %add3A_276 = arith.addi %mul3A_274, %add3A_275 : i32
          %broadcast_in_dim3A_277 = arith.constant 0 : i32
          %broadcast_in_dim3A_278 = vector.broadcast %broadcast_in_dim3A_277 : i32 to vector<16xi32>
          %lt3A_279 = arith.constant 0 : i32
          %lt3A_280 = vector.broadcast %lt3A_279 : i32 to vector<16xi32>
          %lt3A_281 = arith.cmpi slt, %broadcast_in_dim3A_278, %lt3A_280 : vector<16xi32>
          %add3A_282 = arith.constant 16 : i32
          %add3A_283 = vector.broadcast %add3A_282 : i32 to vector<16xi32>
          %add3A_284 = arith.addi %broadcast_in_dim3A_278, %add3A_283 : vector<16xi32>
          %select_n3A = arith.select %lt3A_281, %add3A_284, %broadcast_in_dim3A_278 : vector<16xi1>, vector<16xi32>
          %reshape3A = vector.shape_cast %select_n3A : vector<16xi32> to vector<16x1xi32>
          %gather3A = vector.shape_cast %reshape3A : vector<16x1xi32> to vector<16xi32>
          %gather3A_285 = tpu.dynamic_gather %get3A_271[%gather3A] in [0] : vector<16xi32>, vector<16xi32> -> vector<16xi32>
          %mul3A_286 = arith.constant 64 : i32
          %mul3A_287 = vector.broadcast %mul3A_286 : i32 to vector<16xi32>
          %mul3A_288 = arith.muli %gather3A_285, %mul3A_287 : vector<16xi32>
          %add3A_289 = arith.addi %mul3A_288, %iota3A : vector<16xi32>
          %add3A_290 = arith.constant 0 : i32
          %add3A_291 = vector.broadcast %add3A_290 : i32 to vector<16xi32>
          %add3A_292 = arith.addi %add3A_289, %add3A_291 : vector<16xi32>
          %gather3A_293 = tpu.vector_load_idx %arg8[%add3A_292] : memref<64000xf32, #tpu.memory_space<vmem>>[vector<16xi32>], vector<16xf32>,
          %bitcast3A = vector.bitcast %gather3A_293 : vector<16xf32> to vector<32xbf16>
          %add3A_294 = arith.constant 16 : i32
          %add3A_295 = vector.broadcast %add3A_294 : i32 to vector<16xi32>
          %add3A_296 = arith.addi %add3A_289, %add3A_295 : vector<16xi32>
          %gather3A_297 = tpu.vector_load_idx %arg8[%add3A_296] : memref<64000xf32, #tpu.memory_space<vmem>>[vector<16xi32>], vector<16xf32>,
          %bitcast3A_298 = vector.bitcast %gather3A_297 : vector<16xf32> to vector<32xbf16>
          %add3A_299 = arith.constant 32 : i32
          %add3A_300 = vector.broadcast %add3A_299 : i32 to vector<16xi32>
          %add3A_301 = arith.addi %add3A_289, %add3A_300 : vector<16xi32>
          %gather3A_302 = tpu.vector_load_idx %arg8[%add3A_301] : memref<64000xf32, #tpu.memory_space<vmem>>[vector<16xi32>], vector<16xf32>,
          %bitcast3A_303 = vector.bitcast %gather3A_302 : vector<16xf32> to vector<32xbf16>
          %add3A_304 = arith.constant 48 : i32
          %add3A_305 = vector.broadcast %add3A_304 : i32 to vector<16xi32>
          %add3A_306 = arith.addi %add3A_289, %add3A_305 : vector<16xi32>
          %gather3A_307 = tpu.vector_load_idx %arg8[%add3A_306] : memref<64000xf32, #tpu.memory_space<vmem>>[vector<16xi32>], vector<16xf32>,
          %bitcast3A_308 = vector.bitcast %gather3A_307 : vector<16xf32> to vector<32xbf16>
          %get3A_309 = arith.index_cast %add3A_276 : i32 to index
          %get3A_310 = arith.constant 0 : index
          %get3A_311 = tpu.vector_load %arg23[%get3A_309, %get3A_310] {strides = array<i32>} : memref<80x64xf32, #tpu.memory_space<vmem>>, vector<16xf32>,
          %bitcast3A_312 = vector.bitcast %get3A_311 : vector<16xf32> to vector<32xbf16>
          %get3A_313 = arith.index_cast %add3A_276 : i32 to index
          %get3A_314 = arith.constant 16 : index
          %get3A_315 = tpu.vector_load %arg23[%get3A_313, %get3A_314] {strides = array<i32>} : memref<80x64xf32, #tpu.memory_space<vmem>>, vector<16xf32>,
          %bitcast3A_316 = vector.bitcast %get3A_315 : vector<16xf32> to vector<32xbf16>
          %get3A_317 = arith.index_cast %add3A_276 : i32 to index
          %get3A_318 = arith.constant 32 : index
          %get3A_319 = tpu.vector_load %arg23[%get3A_317, %get3A_318] {strides = array<i32>} : memref<80x64xf32, #tpu.memory_space<vmem>>, vector<16xf32>,
          %bitcast3A_320 = vector.bitcast %get3A_319 : vector<16xf32> to vector<32xbf16>
          %get3A_321 = arith.index_cast %add3A_276 : i32 to index
          %get3A_322 = arith.constant 48 : index
          %get3A_323 = tpu.vector_load %arg23[%get3A_321, %get3A_322] {strides = array<i32>} : memref<80x64xf32, #tpu.memory_space<vmem>>, vector<16xf32>,
          %bitcast3A_324 = vector.bitcast %get3A_323 : vector<16xf32> to vector<32xbf16>
          %add3A_325 = arith.constant 40 : i32
          %add3A_326 = arith.addi %add3A_325, %add3A_276 : i32
          %get3A_327 = arith.index_cast %add3A_326 : i32 to index
          %get3A_328 = arith.constant 0 : index
          %get3A_329 = tpu.vector_load %arg23[%get3A_327, %get3A_328] {strides = array<i32>} : memref<80x64xf32, #tpu.memory_space<vmem>>, vector<16xf32>,
          %bitcast3A_330 = vector.bitcast %get3A_329 : vector<16xf32> to vector<32xbf16>
          %add3A_331 = arith.constant 40 : i32
          %add3A_332 = arith.addi %add3A_331, %add3A_276 : i32
          %get3A_333 = arith.index_cast %add3A_332 : i32 to index
          %get3A_334 = arith.constant 16 : index
          %get3A_335 = tpu.vector_load %arg23[%get3A_333, %get3A_334] {strides = array<i32>} : memref<80x64xf32, #tpu.memory_space<vmem>>, vector<16xf32>,
          %bitcast3A_336 = vector.bitcast %get3A_335 : vector<16xf32> to vector<32xbf16>
          %add3A_337 = arith.constant 40 : i32
          %add3A_338 = arith.addi %add3A_337, %add3A_276 : i32
          %get3A_339 = arith.index_cast %add3A_338 : i32 to index
          %get3A_340 = arith.constant 32 : index
          %get3A_341 = tpu.vector_load %arg23[%get3A_339, %get3A_340] {strides = array<i32>} : memref<80x64xf32, #tpu.memory_space<vmem>>, vector<16xf32>,
          %bitcast3A_342 = vector.bitcast %get3A_341 : vector<16xf32> to vector<32xbf16>
          %add3A_343 = arith.constant 40 : i32
          %add3A_344 = arith.addi %add3A_343, %add3A_276 : i32
          %get3A_345 = arith.index_cast %add3A_344 : i32 to index
          %get3A_346 = arith.constant 48 : index
          %get3A_347 = tpu.vector_load %arg23[%get3A_345, %get3A_346] {strides = array<i32>} : memref<80x64xf32, #tpu.memory_space<vmem>>, vector<16xf32>,
          %bitcast3A_348 = vector.bitcast %get3A_347 : vector<16xf32> to vector<32xbf16>
          %mul3A_349 = arith.mulf %bitcast3A_312, %bitcast3A : vector<32xbf16>
          %mul3A_350 = arith.mulf %mul3A_349, %bitcast3A_342 : vector<32xbf16>
          %mul3A_351 = arith.mulf %bitcast3A_330, %bitcast3A_303 : vector<32xbf16>
          %mul3A_352 = arith.mulf %mul3A_351, %bitcast3A_320 : vector<32xbf16>
          %unpack3A = tpu.unpack_subelements %mul3A_350, 0 {pack_format = #tpu.pack_format<interleaved>} : vector<32xbf16> -> vector<16xf32>
          %unpack3A_353 = tpu.unpack_subelements %mul3A_350, 1 {pack_format = #tpu.pack_format<interleaved>} : vector<32xbf16> -> vector<16xf32>
          %unpack3A_354 = tpu.unpack_subelements %mul3A_352, 0 {pack_format = #tpu.pack_format<interleaved>} : vector<32xbf16> -> vector<16xf32>
          %unpack3A_355 = tpu.unpack_subelements %mul3A_352, 1 {pack_format = #tpu.pack_format<interleaved>} : vector<32xbf16> -> vector<16xf32>
          %mul3A_356 = arith.mulf %bitcast3A_316, %bitcast3A_298 : vector<32xbf16>
          %mul3A_357 = arith.mulf %mul3A_356, %bitcast3A_348 : vector<32xbf16>
          %mul3A_358 = arith.mulf %bitcast3A_336, %bitcast3A_308 : vector<32xbf16>
          %mul3A_359 = arith.mulf %mul3A_358, %bitcast3A_324 : vector<32xbf16>
          %unpack3A_360 = tpu.unpack_subelements %mul3A_357, 0 {pack_format = #tpu.pack_format<interleaved>} : vector<32xbf16> -> vector<16xf32>
          %unpack3A_361 = tpu.unpack_subelements %mul3A_357, 1 {pack_format = #tpu.pack_format<interleaved>} : vector<32xbf16> -> vector<16xf32>
          %unpack3A_362 = tpu.unpack_subelements %mul3A_359, 0 {pack_format = #tpu.pack_format<interleaved>} : vector<32xbf16> -> vector<16xf32>
          %unpack3A_363 = tpu.unpack_subelements %mul3A_359, 1 {pack_format = #tpu.pack_format<interleaved>} : vector<32xbf16> -> vector<16xf32>
          %add3A_364 = arith.addf %unpack3A, %unpack3A_353 : vector<16xf32>
          %add3A_365 = arith.addf %unpack3A_354, %unpack3A_355 : vector<16xf32>
          %add3A_366 = arith.addf %unpack3A_360, %unpack3A_361 : vector<16xf32>
          %add3A_367 = arith.addf %unpack3A_362, %unpack3A_363 : vector<16xf32>
          %add3A_368 = arith.addf %add3A_364, %add3A_365 : vector<16xf32>
          %add3A_369 = arith.addf %add3A_366, %add3A_367 : vector<16xf32>
          %add3A_370 = arith.addf %add3A_368, %add3A_369 : vector<16xf32>
          %reduce_sum3A = arith.constant true
          %reduce_sum3A_371 = vector.broadcast %reduce_sum3A : i1 to vector<16xi1>
          %reduce_sum3A_372 = tpu.scan <sum>, %add3A_370 masked %reduce_sum3A_371 : vector<16xf32>, vector<16xi1> -> vector<16xf32>
          %reduce_sum3A_373 = vector.extract %reduce_sum3A_372[15] : f32 from vector<16xf32>
          %broadcast_in_dim3A_374 = vector.broadcast %reduce_sum3A_373 : f32 to vector<16xf32>
          %eq3A = arith.constant 0 : i32
          %eq3A_375 = vector.broadcast %eq3A : i32 to vector<16xi32>
          %eq3A_376 = arith.cmpi eq, %iota3A, %eq3A_375 : vector<16xi32>
          %select_n3A_377 = arith.select %eq3A_376, %broadcast_in_dim3A_374, %broadcast_in_dim3A_272 : vector<16xi1>, vector<16xf32>
          %mul3A_378 = arith.constant 4 : i32
          %mul3A_379 = arith.muli %scan3A_268, %mul3A_378 : i32
          %add3A_380 = arith.constant 1 : i32
          %add3A_381 = arith.addi %mul3A_379, %add3A_380 : i32
          %broadcast_in_dim3A_382 = arith.constant 1 : i32
          %broadcast_in_dim3A_383 = vector.broadcast %broadcast_in_dim3A_382 : i32 to vector<16xi32>
          %lt3A_384 = arith.constant 0 : i32
          %lt3A_385 = vector.broadcast %lt3A_384 : i32 to vector<16xi32>
          %lt3A_386 = arith.cmpi slt, %broadcast_in_dim3A_383, %lt3A_385 : vector<16xi32>
          %add3A_387 = arith.constant 16 : i32
          %add3A_388 = vector.broadcast %add3A_387 : i32 to vector<16xi32>
          %add3A_389 = arith.addi %broadcast_in_dim3A_383, %add3A_388 : vector<16xi32>
          %select_n3A_390 = arith.select %lt3A_386, %add3A_389, %broadcast_in_dim3A_383 : vector<16xi1>, vector<16xi32>
          %reshape3A_391 = vector.shape_cast %select_n3A_390 : vector<16xi32> to vector<16x1xi32>
          %gather3A_392 = vector.shape_cast %reshape3A_391 : vector<16x1xi32> to vector<16xi32>
          %gather3A_393 = tpu.dynamic_gather %get3A_271[%gather3A_392] in [0] : vector<16xi32>, vector<16xi32> -> vector<16xi32>
          %mul3A_394 = arith.constant 64 : i32
          %mul3A_395 = vector.broadcast %mul3A_394 : i32 to vector<16xi32>
          %mul3A_396 = arith.muli %gather3A_393, %mul3A_395 : vector<16xi32>
          %add3A_397 = arith.addi %mul3A_396, %iota3A : vector<16xi32>
          %add3A_398 = arith.constant 0 : i32
          %add3A_399 = vector.broadcast %add3A_398 : i32 to vector<16xi32>
          %add3A_400 = arith.addi %add3A_397, %add3A_399 : vector<16xi32>
          %gather3A_401 = tpu.vector_load_idx %arg8[%add3A_400] : memref<64000xf32, #tpu.memory_space<vmem>>[vector<16xi32>], vector<16xf32>,
          %bitcast3A_402 = vector.bitcast %gather3A_401 : vector<16xf32> to vector<32xbf16>
          %add3A_403 = arith.constant 16 : i32
          %add3A_404 = vector.broadcast %add3A_403 : i32 to vector<16xi32>
          %add3A_405 = arith.addi %add3A_397, %add3A_404 : vector<16xi32>
          %gather3A_406 = tpu.vector_load_idx %arg8[%add3A_405] : memref<64000xf32, #tpu.memory_space<vmem>>[vector<16xi32>], vector<16xf32>,
          %bitcast3A_407 = vector.bitcast %gather3A_406 : vector<16xf32> to vector<32xbf16>
          %add3A_408 = arith.constant 32 : i32
          %add3A_409 = vector.broadcast %add3A_408 : i32 to vector<16xi32>
          %add3A_410 = arith.addi %add3A_397, %add3A_409 : vector<16xi32>
          %gather3A_411 = tpu.vector_load_idx %arg8[%add3A_410] : memref<64000xf32, #tpu.memory_space<vmem>>[vector<16xi32>], vector<16xf32>,
          %bitcast3A_412 = vector.bitcast %gather3A_411 : vector<16xf32> to vector<32xbf16>
          %add3A_413 = arith.constant 48 : i32
          %add3A_414 = vector.broadcast %add3A_413 : i32 to vector<16xi32>
          %add3A_415 = arith.addi %add3A_397, %add3A_414 : vector<16xi32>
          %gather3A_416 = tpu.vector_load_idx %arg8[%add3A_415] : memref<64000xf32, #tpu.memory_space<vmem>>[vector<16xi32>], vector<16xf32>,
          %bitcast3A_417 = vector.bitcast %gather3A_416 : vector<16xf32> to vector<32xbf16>
          %get3A_418 = arith.index_cast %add3A_381 : i32 to index
          %get3A_419 = arith.constant 0 : index
          %get3A_420 = tpu.vector_load %arg23[%get3A_418, %get3A_419] {strides = array<i32>} : memref<80x64xf32, #tpu.memory_space<vmem>>, vector<16xf32>,
          %bitcast3A_421 = vector.bitcast %get3A_420 : vector<16xf32> to vector<32xbf16>
          %get3A_422 = arith.index_cast %add3A_381 : i32 to index
          %get3A_423 = arith.constant 16 : index
          %get3A_424 = tpu.vector_load %arg23[%get3A_422, %get3A_423] {strides = array<i32>} : memref<80x64xf32, #tpu.memory_space<vmem>>, vector<16xf32>,
          %bitcast3A_425 = vector.bitcast %get3A_424 : vector<16xf32> to vector<32xbf16>
          %get3A_426 = arith.index_cast %add3A_381 : i32 to index
          %get3A_427 = arith.constant 32 : index
          %get3A_428 = tpu.vector_load %arg23[%get3A_426, %get3A_427] {strides = array<i32>} : memref<80x64xf32, #tpu.memory_space<vmem>>, vector<16xf32>,
          %bitcast3A_429 = vector.bitcast %get3A_428 : vector<16xf32> to vector<32xbf16>
          %get3A_430 = arith.index_cast %add3A_381 : i32 to index
          %get3A_431 = arith.constant 48 : index
          %get3A_432 = tpu.vector_load %arg23[%get3A_430, %get3A_431] {strides = array<i32>} : memref<80x64xf32, #tpu.memory_space<vmem>>, vector<16xf32>,
          %bitcast3A_433 = vector.bitcast %get3A_432 : vector<16xf32> to vector<32xbf16>
          %add3A_434 = arith.constant 40 : i32
          %add3A_435 = arith.addi %add3A_434, %add3A_381 : i32
          %get3A_436 = arith.index_cast %add3A_435 : i32 to index
          %get3A_437 = arith.constant 0 : index
          %get3A_438 = tpu.vector_load %arg23[%get3A_436, %get3A_437] {strides = array<i32>} : memref<80x64xf32, #tpu.memory_space<vmem>>, vector<16xf32>,
          %bitcast3A_439 = vector.bitcast %get3A_438 : vector<16xf32> to vector<32xbf16>
          %add3A_440 = arith.constant 40 : i32
          %add3A_441 = arith.addi %add3A_440, %add3A_381 : i32
          %get3A_442 = arith.index_cast %add3A_441 : i32 to index
          %get3A_443 = arith.constant 16 : index
          %get3A_444 = tpu.vector_load %arg23[%get3A_442, %get3A_443] {strides = array<i32>} : memref<80x64xf32, #tpu.memory_space<vmem>>, vector<16xf32>,
          %bitcast3A_445 = vector.bitcast %get3A_444 : vector<16xf32> to vector<32xbf16>
          %add3A_446 = arith.constant 40 : i32
          %add3A_447 = arith.addi %add3A_446, %add3A_381 : i32
          %get3A_448 = arith.index_cast %add3A_447 : i32 to index
          %get3A_449 = arith.constant 32 : index
          %get3A_450 = tpu.vector_load %arg23[%get3A_448, %get3A_449] {strides = array<i32>} : memref<80x64xf32, #tpu.memory_space<vmem>>, vector<16xf32>,
          %bitcast3A_451 = vector.bitcast %get3A_450 : vector<16xf32> to vector<32xbf16>
          %add3A_452 = arith.constant 40 : i32
          %add3A_453 = arith.addi %add3A_452, %add3A_381 : i32
          %get3A_454 = arith.index_cast %add3A_453 : i32 to index
          %get3A_455 = arith.constant 48 : index
          %get3A_456 = tpu.vector_load %arg23[%get3A_454, %get3A_455] {strides = array<i32>} : memref<80x64xf32, #tpu.memory_space<vmem>>, vector<16xf32>,
          %bitcast3A_457 = vector.bitcast %get3A_456 : vector<16xf32> to vector<32xbf16>
          %mul3A_458 = arith.mulf %bitcast3A_421, %bitcast3A_402 : vector<32xbf16>
          %mul3A_459 = arith.mulf %mul3A_458, %bitcast3A_451 : vector<32xbf16>
          %mul3A_460 = arith.mulf %bitcast3A_439, %bitcast3A_412 : vector<32xbf16>
          %mul3A_461 = arith.mulf %mul3A_460, %bitcast3A_429 : vector<32xbf16>
          %unpack3A_462 = tpu.unpack_subelements %mul3A_459, 0 {pack_format = #tpu.pack_format<interleaved>} : vector<32xbf16> -> vector<16xf32>
          %unpack3A_463 = tpu.unpack_subelements %mul3A_459, 1 {pack_format = #tpu.pack_format<interleaved>} : vector<32xbf16> -> vector<16xf32>
          %unpack3A_464 = tpu.unpack_subelements %mul3A_461, 0 {pack_format = #tpu.pack_format<interleaved>} : vector<32xbf16> -> vector<16xf32>
          %unpack3A_465 = tpu.unpack_subelements %mul3A_461, 1 {pack_format = #tpu.pack_format<interleaved>} : vector<32xbf16> -> vector<16xf32>
          %mul3A_466 = arith.mulf %bitcast3A_425, %bitcast3A_407 : vector<32xbf16>
          %mul3A_467 = arith.mulf %mul3A_466, %bitcast3A_457 : vector<32xbf16>
          %mul3A_468 = arith.mulf %bitcast3A_445, %bitcast3A_417 : vector<32xbf16>
          %mul3A_469 = arith.mulf %mul3A_468, %bitcast3A_433 : vector<32xbf16>
          %unpack3A_470 = tpu.unpack_subelements %mul3A_467, 0 {pack_format = #tpu.pack_format<interleaved>} : vector<32xbf16> -> vector<16xf32>
          %unpack3A_471 = tpu.unpack_subelements %mul3A_467, 1 {pack_format = #tpu.pack_format<interleaved>} : vector<32xbf16> -> vector<16xf32>
          %unpack3A_472 = tpu.unpack_subelements %mul3A_469, 0 {pack_format = #tpu.pack_format<interleaved>} : vector<32xbf16> -> vector<16xf32>
          %unpack3A_473 = tpu.unpack_subelements %mul3A_469, 1 {pack_format = #tpu.pack_format<interleaved>} : vector<32xbf16> -> vector<16xf32>
          %add3A_474 = arith.addf %unpack3A_462, %unpack3A_463 : vector<16xf32>
          %add3A_475 = arith.addf %unpack3A_464, %unpack3A_465 : vector<16xf32>
          %add3A_476 = arith.addf %unpack3A_470, %unpack3A_471 : vector<16xf32>
          %add3A_477 = arith.addf %unpack3A_472, %unpack3A_473 : vector<16xf32>
          %add3A_478 = arith.addf %add3A_474, %add3A_475 : vector<16xf32>
          %add3A_479 = arith.addf %add3A_476, %add3A_477 : vector<16xf32>
          %add3A_480 = arith.addf %add3A_478, %add3A_479 : vector<16xf32>
          %reduce_sum3A_481 = arith.constant true
          %reduce_sum3A_482 = vector.broadcast %reduce_sum3A_481 : i1 to vector<16xi1>
          %reduce_sum3A_483 = tpu.scan <sum>, %add3A_480 masked %reduce_sum3A_482 : vector<16xf32>, vector<16xi1> -> vector<16xf32>
          %reduce_sum3A_484 = vector.extract %reduce_sum3A_483[15] : f32 from vector<16xf32>
          %broadcast_in_dim3A_485 = vector.broadcast %reduce_sum3A_484 : f32 to vector<16xf32>
          %eq3A_486 = arith.constant 1 : i32
          %eq3A_487 = vector.broadcast %eq3A_486 : i32 to vector<16xi32>
          %eq3A_488 = arith.cmpi eq, %iota3A, %eq3A_487 : vector<16xi32>
          %select_n3A_489 = arith.select %eq3A_488, %broadcast_in_dim3A_485, %select_n3A_377 : vector<16xi1>, vector<16xf32>
          %mul3A_490 = arith.constant 4 : i32
          %mul3A_491 = arith.muli %scan3A_268, %mul3A_490 : i32
          %add3A_492 = arith.constant 2 : i32
          %add3A_493 = arith.addi %mul3A_491, %add3A_492 : i32
          %broadcast_in_dim3A_494 = arith.constant 2 : i32
          %broadcast_in_dim3A_495 = vector.broadcast %broadcast_in_dim3A_494 : i32 to vector<16xi32>
          %lt3A_496 = arith.constant 0 : i32
          %lt3A_497 = vector.broadcast %lt3A_496 : i32 to vector<16xi32>
          %lt3A_498 = arith.cmpi slt, %broadcast_in_dim3A_495, %lt3A_497 : vector<16xi32>
          %add3A_499 = arith.constant 16 : i32
          %add3A_500 = vector.broadcast %add3A_499 : i32 to vector<16xi32>
          %add3A_501 = arith.addi %broadcast_in_dim3A_495, %add3A_500 : vector<16xi32>
          %select_n3A_502 = arith.select %lt3A_498, %add3A_501, %broadcast_in_dim3A_495 : vector<16xi1>, vector<16xi32>
          %reshape3A_503 = vector.shape_cast %select_n3A_502 : vector<16xi32> to vector<16x1xi32>
          %gather3A_504 = vector.shape_cast %reshape3A_503 : vector<16x1xi32> to vector<16xi32>
          %gather3A_505 = tpu.dynamic_gather %get3A_271[%gather3A_504] in [0] : vector<16xi32>, vector<16xi32> -> vector<16xi32>
          %mul3A_506 = arith.constant 64 : i32
          %mul3A_507 = vector.broadcast %mul3A_506 : i32 to vector<16xi32>
          %mul3A_508 = arith.muli %gather3A_505, %mul3A_507 : vector<16xi32>
          %add3A_509 = arith.addi %mul3A_508, %iota3A : vector<16xi32>
          %add3A_510 = arith.constant 0 : i32
          %add3A_511 = vector.broadcast %add3A_510 : i32 to vector<16xi32>
          %add3A_512 = arith.addi %add3A_509, %add3A_511 : vector<16xi32>
          %gather3A_513 = tpu.vector_load_idx %arg8[%add3A_512] : memref<64000xf32, #tpu.memory_space<vmem>>[vector<16xi32>], vector<16xf32>,
          %bitcast3A_514 = vector.bitcast %gather3A_513 : vector<16xf32> to vector<32xbf16>
          %add3A_515 = arith.constant 16 : i32
          %add3A_516 = vector.broadcast %add3A_515 : i32 to vector<16xi32>
          %add3A_517 = arith.addi %add3A_509, %add3A_516 : vector<16xi32>
          %gather3A_518 = tpu.vector_load_idx %arg8[%add3A_517] : memref<64000xf32, #tpu.memory_space<vmem>>[vector<16xi32>], vector<16xf32>,
          %bitcast3A_519 = vector.bitcast %gather3A_518 : vector<16xf32> to vector<32xbf16>
          %add3A_520 = arith.constant 32 : i32
          %add3A_521 = vector.broadcast %add3A_520 : i32 to vector<16xi32>
          %add3A_522 = arith.addi %add3A_509, %add3A_521 : vector<16xi32>
          %gather3A_523 = tpu.vector_load_idx %arg8[%add3A_522] : memref<64000xf32, #tpu.memory_space<vmem>>[vector<16xi32>], vector<16xf32>,
          %bitcast3A_524 = vector.bitcast %gather3A_523 : vector<16xf32> to vector<32xbf16>
          %add3A_525 = arith.constant 48 : i32
          %add3A_526 = vector.broadcast %add3A_525 : i32 to vector<16xi32>
          %add3A_527 = arith.addi %add3A_509, %add3A_526 : vector<16xi32>
          %gather3A_528 = tpu.vector_load_idx %arg8[%add3A_527] : memref<64000xf32, #tpu.memory_space<vmem>>[vector<16xi32>], vector<16xf32>,
          %bitcast3A_529 = vector.bitcast %gather3A_528 : vector<16xf32> to vector<32xbf16>
          %get3A_530 = arith.index_cast %add3A_493 : i32 to index
          %get3A_531 = arith.constant 0 : index
          %get3A_532 = tpu.vector_load %arg23[%get3A_530, %get3A_531] {strides = array<i32>} : memref<80x64xf32, #tpu.memory_space<vmem>>, vector<16xf32>,
          %bitcast3A_533 = vector.bitcast %get3A_532 : vector<16xf32> to vector<32xbf16>
          %get3A_534 = arith.index_cast %add3A_493 : i32 to index
          %get3A_535 = arith.constant 16 : index
          %get3A_536 = tpu.vector_load %arg23[%get3A_534, %get3A_535] {strides = array<i32>} : memref<80x64xf32, #tpu.memory_space<vmem>>, vector<16xf32>,
          %bitcast3A_537 = vector.bitcast %get3A_536 : vector<16xf32> to vector<32xbf16>
          %get3A_538 = arith.index_cast %add3A_493 : i32 to index
          %get3A_539 = arith.constant 32 : index
          %get3A_540 = tpu.vector_load %arg23[%get3A_538, %get3A_539] {strides = array<i32>} : memref<80x64xf32, #tpu.memory_space<vmem>>, vector<16xf32>,
          %bitcast3A_541 = vector.bitcast %get3A_540 : vector<16xf32> to vector<32xbf16>
          %get3A_542 = arith.index_cast %add3A_493 : i32 to index
          %get3A_543 = arith.constant 48 : index
          %get3A_544 = tpu.vector_load %arg23[%get3A_542, %get3A_543] {strides = array<i32>} : memref<80x64xf32, #tpu.memory_space<vmem>>, vector<16xf32>,
          %bitcast3A_545 = vector.bitcast %get3A_544 : vector<16xf32> to vector<32xbf16>
          %add3A_546 = arith.constant 40 : i32
          %add3A_547 = arith.addi %add3A_546, %add3A_493 : i32
          %get3A_548 = arith.index_cast %add3A_547 : i32 to index
          %get3A_549 = arith.constant 0 : index
          %get3A_550 = tpu.vector_load %arg23[%get3A_548, %get3A_549] {strides = array<i32>} : memref<80x64xf32, #tpu.memory_space<vmem>>, vector<16xf32>,
          %bitcast3A_551 = vector.bitcast %get3A_550 : vector<16xf32> to vector<32xbf16>
          %add3A_552 = arith.constant 40 : i32
          %add3A_553 = arith.addi %add3A_552, %add3A_493 : i32
          %get3A_554 = arith.index_cast %add3A_553 : i32 to index
          %get3A_555 = arith.constant 16 : index
          %get3A_556 = tpu.vector_load %arg23[%get3A_554, %get3A_555] {strides = array<i32>} : memref<80x64xf32, #tpu.memory_space<vmem>>, vector<16xf32>,
          %bitcast3A_557 = vector.bitcast %get3A_556 : vector<16xf32> to vector<32xbf16>
          %add3A_558 = arith.constant 40 : i32
          %add3A_559 = arith.addi %add3A_558, %add3A_493 : i32
          %get3A_560 = arith.index_cast %add3A_559 : i32 to index
          %get3A_561 = arith.constant 32 : index
          %get3A_562 = tpu.vector_load %arg23[%get3A_560, %get3A_561] {strides = array<i32>} : memref<80x64xf32, #tpu.memory_space<vmem>>, vector<16xf32>,
          %bitcast3A_563 = vector.bitcast %get3A_562 : vector<16xf32> to vector<32xbf16>
          %add3A_564 = arith.constant 40 : i32
          %add3A_565 = arith.addi %add3A_564, %add3A_493 : i32
          %get3A_566 = arith.index_cast %add3A_565 : i32 to index
          %get3A_567 = arith.constant 48 : index
          %get3A_568 = tpu.vector_load %arg23[%get3A_566, %get3A_567] {strides = array<i32>} : memref<80x64xf32, #tpu.memory_space<vmem>>, vector<16xf32>,
          %bitcast3A_569 = vector.bitcast %get3A_568 : vector<16xf32> to vector<32xbf16>
          %mul3A_570 = arith.mulf %bitcast3A_533, %bitcast3A_514 : vector<32xbf16>
          %mul3A_571 = arith.mulf %mul3A_570, %bitcast3A_563 : vector<32xbf16>
          %mul3A_572 = arith.mulf %bitcast3A_551, %bitcast3A_524 : vector<32xbf16>
          %mul3A_573 = arith.mulf %mul3A_572, %bitcast3A_541 : vector<32xbf16>
          %unpack3A_574 = tpu.unpack_subelements %mul3A_571, 0 {pack_format = #tpu.pack_format<interleaved>} : vector<32xbf16> -> vector<16xf32>
          %unpack3A_575 = tpu.unpack_subelements %mul3A_571, 1 {pack_format = #tpu.pack_format<interleaved>} : vector<32xbf16> -> vector<16xf32>
          %unpack3A_576 = tpu.unpack_subelements %mul3A_573, 0 {pack_format = #tpu.pack_format<interleaved>} : vector<32xbf16> -> vector<16xf32>
          %unpack3A_577 = tpu.unpack_subelements %mul3A_573, 1 {pack_format = #tpu.pack_format<interleaved>} : vector<32xbf16> -> vector<16xf32>
          %mul3A_578 = arith.mulf %bitcast3A_537, %bitcast3A_519 : vector<32xbf16>
          %mul3A_579 = arith.mulf %mul3A_578, %bitcast3A_569 : vector<32xbf16>
          %mul3A_580 = arith.mulf %bitcast3A_557, %bitcast3A_529 : vector<32xbf16>
          %mul3A_581 = arith.mulf %mul3A_580, %bitcast3A_545 : vector<32xbf16>
          %unpack3A_582 = tpu.unpack_subelements %mul3A_579, 0 {pack_format = #tpu.pack_format<interleaved>} : vector<32xbf16> -> vector<16xf32>
          %unpack3A_583 = tpu.unpack_subelements %mul3A_579, 1 {pack_format = #tpu.pack_format<interleaved>} : vector<32xbf16> -> vector<16xf32>
          %unpack3A_584 = tpu.unpack_subelements %mul3A_581, 0 {pack_format = #tpu.pack_format<interleaved>} : vector<32xbf16> -> vector<16xf32>
          %unpack3A_585 = tpu.unpack_subelements %mul3A_581, 1 {pack_format = #tpu.pack_format<interleaved>} : vector<32xbf16> -> vector<16xf32>
          %add3A_586 = arith.addf %unpack3A_574, %unpack3A_575 : vector<16xf32>
          %add3A_587 = arith.addf %unpack3A_576, %unpack3A_577 : vector<16xf32>
          %add3A_588 = arith.addf %unpack3A_582, %unpack3A_583 : vector<16xf32>
          %add3A_589 = arith.addf %unpack3A_584, %unpack3A_585 : vector<16xf32>
          %add3A_590 = arith.addf %add3A_586, %add3A_587 : vector<16xf32>
          %add3A_591 = arith.addf %add3A_588, %add3A_589 : vector<16xf32>
          %add3A_592 = arith.addf %add3A_590, %add3A_591 : vector<16xf32>
          %reduce_sum3A_593 = arith.constant true
          %reduce_sum3A_594 = vector.broadcast %reduce_sum3A_593 : i1 to vector<16xi1>
          %reduce_sum3A_595 = tpu.scan <sum>, %add3A_592 masked %reduce_sum3A_594 : vector<16xf32>, vector<16xi1> -> vector<16xf32>
          %reduce_sum3A_596 = vector.extract %reduce_sum3A_595[15] : f32 from vector<16xf32>
          %broadcast_in_dim3A_597 = vector.broadcast %reduce_sum3A_596 : f32 to vector<16xf32>
          %eq3A_598 = arith.constant 2 : i32
          %eq3A_599 = vector.broadcast %eq3A_598 : i32 to vector<16xi32>
          %eq3A_600 = arith.cmpi eq, %iota3A, %eq3A_599 : vector<16xi32>
          %select_n3A_601 = arith.select %eq3A_600, %broadcast_in_dim3A_597, %select_n3A_489 : vector<16xi1>, vector<16xf32>
          %mul3A_602 = arith.constant 4 : i32
          %mul3A_603 = arith.muli %scan3A_268, %mul3A_602 : i32
          %add3A_604 = arith.constant 3 : i32
          %add3A_605 = arith.addi %mul3A_603, %add3A_604 : i32
          %broadcast_in_dim3A_606 = arith.constant 3 : i32
          %broadcast_in_dim3A_607 = vector.broadcast %broadcast_in_dim3A_606 : i32 to vector<16xi32>
          %lt3A_608 = arith.constant 0 : i32
          %lt3A_609 = vector.broadcast %lt3A_608 : i32 to vector<16xi32>
          %lt3A_610 = arith.cmpi slt, %broadcast_in_dim3A_607, %lt3A_609 : vector<16xi32>
          %add3A_611 = arith.constant 16 : i32
          %add3A_612 = vector.broadcast %add3A_611 : i32 to vector<16xi32>
          %add3A_613 = arith.addi %broadcast_in_dim3A_607, %add3A_612 : vector<16xi32>
          %select_n3A_614 = arith.select %lt3A_610, %add3A_613, %broadcast_in_dim3A_607 : vector<16xi1>, vector<16xi32>
          %reshape3A_615 = vector.shape_cast %select_n3A_614 : vector<16xi32> to vector<16x1xi32>
          %gather3A_616 = vector.shape_cast %reshape3A_615 : vector<16x1xi32> to vector<16xi32>
          %gather3A_617 = tpu.dynamic_gather %get3A_271[%gather3A_616] in [0] : vector<16xi32>, vector<16xi32> -> vector<16xi32>
          %mul3A_618 = arith.constant 64 : i32
          %mul3A_619 = vector.broadcast %mul3A_618 : i32 to vector<16xi32>
          %mul3A_620 = arith.muli %gather3A_617, %mul3A_619 : vector<16xi32>
          %add3A_621 = arith.addi %mul3A_620, %iota3A : vector<16xi32>
          %add3A_622 = arith.constant 0 : i32
          %add3A_623 = vector.broadcast %add3A_622 : i32 to vector<16xi32>
          %add3A_624 = arith.addi %add3A_621, %add3A_623 : vector<16xi32>
          %gather3A_625 = tpu.vector_load_idx %arg8[%add3A_624] : memref<64000xf32, #tpu.memory_space<vmem>>[vector<16xi32>], vector<16xf32>,
          %bitcast3A_626 = vector.bitcast %gather3A_625 : vector<16xf32> to vector<32xbf16>
          %add3A_627 = arith.constant 16 : i32
          %add3A_628 = vector.broadcast %add3A_627 : i32 to vector<16xi32>
          %add3A_629 = arith.addi %add3A_621, %add3A_628 : vector<16xi32>
          %gather3A_630 = tpu.vector_load_idx %arg8[%add3A_629] : memref<64000xf32, #tpu.memory_space<vmem>>[vector<16xi32>], vector<16xf32>,
          %bitcast3A_631 = vector.bitcast %gather3A_630 : vector<16xf32> to vector<32xbf16>
          %add3A_632 = arith.constant 32 : i32
          %add3A_633 = vector.broadcast %add3A_632 : i32 to vector<16xi32>
          %add3A_634 = arith.addi %add3A_621, %add3A_633 : vector<16xi32>
          %gather3A_635 = tpu.vector_load_idx %arg8[%add3A_634] : memref<64000xf32, #tpu.memory_space<vmem>>[vector<16xi32>], vector<16xf32>,
          %bitcast3A_636 = vector.bitcast %gather3A_635 : vector<16xf32> to vector<32xbf16>
          %add3A_637 = arith.constant 48 : i32
          %add3A_638 = vector.broadcast %add3A_637 : i32 to vector<16xi32>
          %add3A_639 = arith.addi %add3A_621, %add3A_638 : vector<16xi32>
          %gather3A_640 = tpu.vector_load_idx %arg8[%add3A_639] : memref<64000xf32, #tpu.memory_space<vmem>>[vector<16xi32>], vector<16xf32>,
          %bitcast3A_641 = vector.bitcast %gather3A_640 : vector<16xf32> to vector<32xbf16>
          %get3A_642 = arith.index_cast %add3A_605 : i32 to index
          %get3A_643 = arith.constant 0 : index
          %get3A_644 = tpu.vector_load %arg23[%get3A_642, %get3A_643] {strides = array<i32>} : memref<80x64xf32, #tpu.memory_space<vmem>>, vector<16xf32>,
          %bitcast3A_645 = vector.bitcast %get3A_644 : vector<16xf32> to vector<32xbf16>
          %get3A_646 = arith.index_cast %add3A_605 : i32 to index
          %get3A_647 = arith.constant 16 : index
          %get3A_648 = tpu.vector_load %arg23[%get3A_646, %get3A_647] {strides = array<i32>} : memref<80x64xf32, #tpu.memory_space<vmem>>, vector<16xf32>,
          %bitcast3A_649 = vector.bitcast %get3A_648 : vector<16xf32> to vector<32xbf16>
          %get3A_650 = arith.index_cast %add3A_605 : i32 to index
          %get3A_651 = arith.constant 32 : index
          %get3A_652 = tpu.vector_load %arg23[%get3A_650, %get3A_651] {strides = array<i32>} : memref<80x64xf32, #tpu.memory_space<vmem>>, vector<16xf32>,
          %bitcast3A_653 = vector.bitcast %get3A_652 : vector<16xf32> to vector<32xbf16>
          %get3A_654 = arith.index_cast %add3A_605 : i32 to index
          %get3A_655 = arith.constant 48 : index
          %get3A_656 = tpu.vector_load %arg23[%get3A_654, %get3A_655] {strides = array<i32>} : memref<80x64xf32, #tpu.memory_space<vmem>>, vector<16xf32>,
          %bitcast3A_657 = vector.bitcast %get3A_656 : vector<16xf32> to vector<32xbf16>
          %add3A_658 = arith.constant 40 : i32
          %add3A_659 = arith.addi %add3A_658, %add3A_605 : i32
          %get3A_660 = arith.index_cast %add3A_659 : i32 to index
          %get3A_661 = arith.constant 0 : index
          %get3A_662 = tpu.vector_load %arg23[%get3A_660, %get3A_661] {strides = array<i32>} : memref<80x64xf32, #tpu.memory_space<vmem>>, vector<16xf32>,
          %bitcast3A_663 = vector.bitcast %get3A_662 : vector<16xf32> to vector<32xbf16>
          %add3A_664 = arith.constant 40 : i32
          %add3A_665 = arith.addi %add3A_664, %add3A_605 : i32
          %get3A_666 = arith.index_cast %add3A_665 : i32 to index
          %get3A_667 = arith.constant 16 : index
          %get3A_668 = tpu.vector_load %arg23[%get3A_666, %get3A_667] {strides = array<i32>} : memref<80x64xf32, #tpu.memory_space<vmem>>, vector<16xf32>,
          %bitcast3A_669 = vector.bitcast %get3A_668 : vector<16xf32> to vector<32xbf16>
          %add3A_670 = arith.constant 40 : i32
          %add3A_671 = arith.addi %add3A_670, %add3A_605 : i32
          %get3A_672 = arith.index_cast %add3A_671 : i32 to index
          %get3A_673 = arith.constant 32 : index
          %get3A_674 = tpu.vector_load %arg23[%get3A_672, %get3A_673] {strides = array<i32>} : memref<80x64xf32, #tpu.memory_space<vmem>>, vector<16xf32>,
          %bitcast3A_675 = vector.bitcast %get3A_674 : vector<16xf32> to vector<32xbf16>
          %add3A_676 = arith.constant 40 : i32
          %add3A_677 = arith.addi %add3A_676, %add3A_605 : i32
          %get3A_678 = arith.index_cast %add3A_677 : i32 to index
          %get3A_679 = arith.constant 48 : index
          %get3A_680 = tpu.vector_load %arg23[%get3A_678, %get3A_679] {strides = array<i32>} : memref<80x64xf32, #tpu.memory_space<vmem>>, vector<16xf32>,
          %bitcast3A_681 = vector.bitcast %get3A_680 : vector<16xf32> to vector<32xbf16>
          %mul3A_682 = arith.mulf %bitcast3A_645, %bitcast3A_626 : vector<32xbf16>
          %mul3A_683 = arith.mulf %mul3A_682, %bitcast3A_675 : vector<32xbf16>
          %mul3A_684 = arith.mulf %bitcast3A_663, %bitcast3A_636 : vector<32xbf16>
          %mul3A_685 = arith.mulf %mul3A_684, %bitcast3A_653 : vector<32xbf16>
          %unpack3A_686 = tpu.unpack_subelements %mul3A_683, 0 {pack_format = #tpu.pack_format<interleaved>} : vector<32xbf16> -> vector<16xf32>
          %unpack3A_687 = tpu.unpack_subelements %mul3A_683, 1 {pack_format = #tpu.pack_format<interleaved>} : vector<32xbf16> -> vector<16xf32>
          %unpack3A_688 = tpu.unpack_subelements %mul3A_685, 0 {pack_format = #tpu.pack_format<interleaved>} : vector<32xbf16> -> vector<16xf32>
          %unpack3A_689 = tpu.unpack_subelements %mul3A_685, 1 {pack_format = #tpu.pack_format<interleaved>} : vector<32xbf16> -> vector<16xf32>
          %mul3A_690 = arith.mulf %bitcast3A_649, %bitcast3A_631 : vector<32xbf16>
          %mul3A_691 = arith.mulf %mul3A_690, %bitcast3A_681 : vector<32xbf16>
          %mul3A_692 = arith.mulf %bitcast3A_669, %bitcast3A_641 : vector<32xbf16>
          %mul3A_693 = arith.mulf %mul3A_692, %bitcast3A_657 : vector<32xbf16>
          %unpack3A_694 = tpu.unpack_subelements %mul3A_691, 0 {pack_format = #tpu.pack_format<interleaved>} : vector<32xbf16> -> vector<16xf32>
          %unpack3A_695 = tpu.unpack_subelements %mul3A_691, 1 {pack_format = #tpu.pack_format<interleaved>} : vector<32xbf16> -> vector<16xf32>
          %unpack3A_696 = tpu.unpack_subelements %mul3A_693, 0 {pack_format = #tpu.pack_format<interleaved>} : vector<32xbf16> -> vector<16xf32>
          %unpack3A_697 = tpu.unpack_subelements %mul3A_693, 1 {pack_format = #tpu.pack_format<interleaved>} : vector<32xbf16> -> vector<16xf32>
          %add3A_698 = arith.addf %unpack3A_686, %unpack3A_687 : vector<16xf32>
          %add3A_699 = arith.addf %unpack3A_688, %unpack3A_689 : vector<16xf32>
          %add3A_700 = arith.addf %unpack3A_694, %unpack3A_695 : vector<16xf32>
          %add3A_701 = arith.addf %unpack3A_696, %unpack3A_697 : vector<16xf32>
          %add3A_702 = arith.addf %add3A_698, %add3A_699 : vector<16xf32>
          %add3A_703 = arith.addf %add3A_700, %add3A_701 : vector<16xf32>
          %add3A_704 = arith.addf %add3A_702, %add3A_703 : vector<16xf32>
          %reduce_sum3A_705 = arith.constant true
          %reduce_sum3A_706 = vector.broadcast %reduce_sum3A_705 : i1 to vector<16xi1>
          %reduce_sum3A_707 = tpu.scan <sum>, %add3A_704 masked %reduce_sum3A_706 : vector<16xf32>, vector<16xi1> -> vector<16xf32>
          %reduce_sum3A_708 = vector.extract %reduce_sum3A_707[15] : f32 from vector<16xf32>
          %broadcast_in_dim3A_709 = vector.broadcast %reduce_sum3A_708 : f32 to vector<16xf32>
          %eq3A_710 = arith.constant 3 : i32
          %eq3A_711 = vector.broadcast %eq3A_710 : i32 to vector<16xi32>
          %eq3A_712 = arith.cmpi eq, %iota3A, %eq3A_711 : vector<16xi32>
          %select_n3A_713 = arith.select %eq3A_712, %broadcast_in_dim3A_709, %select_n3A_601 : vector<16xi1>, vector<16xf32>
          %mul3A_714 = arith.constant 5.000000e-01 : f32
          %mul3A_715 = vector.broadcast %mul3A_714 : f32 to vector<16xf32>
          %mul3A_716 = arith.mulf %mul3A_715, %select_n3A_713 : vector<16xf32>
          %jit3A = arith.constant -2.000000e+01 : f32
          %jit3A_717 = arith.constant 2.000000e+01 : f32
          %max3A = vector.broadcast %jit3A : f32 to vector<16xf32>
          %max3A_718 = arith.maximumf %max3A, %mul3A_716 : vector<16xf32>
          %min3A = vector.broadcast %jit3A_717 : f32 to vector<16xf32>
          %min3A_719 = arith.minimumf %min3A, %max3A_718 : vector<16xf32>
          %mul3A_720 = arith.constant 4 : i32
          %mul3A_721 = arith.muli %scan3A_268, %mul3A_720 : i32
          %add3A_722 = vector.broadcast %mul3A_721 : i32 to vector<16xi32>
          %add3A_723 = arith.addi %add3A_722, %iota3A : vector<16xi32>
          tpu.vector_store_idx %arg19[%add3A_723], %min3A_719 masked %lt3A_4 : memref<40xf32, #tpu.memory_space<vmem>>[vector<16xi32>], vector<16xf32>, vector<16xi1>
        }
        %scan3A_265 = arith.constant 10 : i32
        %dma_start3A_266 = tpu.memref_slice %arg7[%add3A_207] : memref<320000xf32, #tpu.memory_space<hbm>> -> memref<40xf32, #tpu.memory_space<hbm>>
        %dma_start3A_267 = tpu.memref_slice %arg7[%add3A_207] : memref<320000xf32, #tpu.memory_space<hbm>> -> memref<40xf32, #tpu.memory_space<hbm>>
        tpu.enqueue_dma source(%arg19 : memref<40xf32, #tpu.memory_space<vmem>>) target(%dma_start3A_267 : memref<40xf32, #tpu.memory_space<hbm>>) target_semaphore(%arg35 : memref<!tpu.dma_semaphore, #tpu.memory_space<semaphore_mem>>)
      } else {
      }
      %add3A_220 = arith.constant 4 : i32
      %add3A_221 = arith.addi %add3A_204, %add3A_220 : i32
      %lt3A_222 = arith.constant 250 : i32
      %lt3A_223 = arith.cmpi slt, %add3A_221, %lt3A_222 : i32
      %convert_element_type3A_224 = arith.extui %lt3A_223 : i1 to i32
      %cond3A_225 = arith.constant 0 : i32
      %cond3A_226 = arith.cmpi ne, %convert_element_type3A_224, %cond3A_225 : i32
      scf.if %cond3A_226 {
        %add3A_253 = arith.constant 4 : i32
        %add3A_254 = arith.addi %add3A_204, %add3A_253 : i32
        %mul3A_255 = arith.constant 40 : i32
        %mul3A_256 = arith.muli %add3A_254, %mul3A_255 : i32
        %add3A_257 = arith.addi %mul3A_2, %mul3A_256 : i32
        %dma_start3A_258 = arith.constant 0 : i32
        %dma_start3A_259 = tpu.memref_slice %arg11[%dma_start3A_258] : memref<80xi32, #tpu.memory_space<vmem>> -> memref<40xi32, #tpu.memory_space<vmem>>
        %dma_start3A_260 = tpu.memref_slice %arg4[%add3A_257] : memref<320000xi32, #tpu.memory_space<hbm>> -> memref<40xi32, #tpu.memory_space<hbm>>
        %dma_start3A_261 = arith.constant 0 : i32
        %dma_start3A_262 = tpu.memref_slice %arg11[%dma_start3A_261] : memref<80xi32, #tpu.memory_space<vmem>> -> memref<40xi32, #tpu.memory_space<vmem>>
        %dma_start3A_263 = tpu.memref_slice %arg4[%add3A_257] : memref<320000xi32, #tpu.memory_space<hbm>> -> memref<40xi32, #tpu.memory_space<hbm>>
        tpu.enqueue_dma source(%dma_start3A_263 : memref<40xi32, #tpu.memory_space<hbm>>) target(%dma_start3A_262 : memref<40xi32, #tpu.memory_space<vmem>>) target_semaphore(%arg31 : memref<!tpu.dma_semaphore, #tpu.memory_space<semaphore_mem>>)
        %dma_start3A_264 = arith.constant 40 : i32
        %dma_start3A_265 = tpu.memref_slice %arg11[%dma_start3A_264] : memref<80xi32, #tpu.memory_space<vmem>> -> memref<40xi32, #tpu.memory_space<vmem>>
        %dma_start3A_266 = tpu.memref_slice %arg5[%add3A_257] : memref<320000xi32, #tpu.memory_space<hbm>> -> memref<40xi32, #tpu.memory_space<hbm>>
        %dma_start3A_267 = arith.constant 40 : i32
        %dma_start3A_268 = tpu.memref_slice %arg11[%dma_start3A_267] : memref<80xi32, #tpu.memory_space<vmem>> -> memref<40xi32, #tpu.memory_space<vmem>>
        %dma_start3A_269 = tpu.memref_slice %arg5[%add3A_257] : memref<320000xi32, #tpu.memory_space<hbm>> -> memref<40xi32, #tpu.memory_space<hbm>>
        tpu.enqueue_dma source(%dma_start3A_269 : memref<40xi32, #tpu.memory_space<hbm>>) target(%dma_start3A_268 : memref<40xi32, #tpu.memory_space<vmem>>) target_semaphore(%arg31 : memref<!tpu.dma_semaphore, #tpu.memory_space<semaphore_mem>>)
        %dma_start3A_270 = arith.constant 0 : i32
        %dma_start3A_271 = tpu.memref_slice %arg15[%dma_start3A_270] : memref<56xi32, #tpu.memory_space<vmem>> -> memref<40xi32, #tpu.memory_space<vmem>>
        %dma_start3A_272 = tpu.memref_slice %arg6[%add3A_257] : memref<320000xi32, #tpu.memory_space<hbm>> -> memref<40xi32, #tpu.memory_space<hbm>>
        %dma_start3A_273 = arith.constant 0 : i32
        %dma_start3A_274 = tpu.memref_slice %arg15[%dma_start3A_273] : memref<56xi32, #tpu.memory_space<vmem>> -> memref<40xi32, #tpu.memory_space<vmem>>
        %dma_start3A_275 = tpu.memref_slice %arg6[%add3A_257] : memref<320000xi32, #tpu.memory_space<hbm>> -> memref<40xi32, #tpu.memory_space<hbm>>
        tpu.enqueue_dma source(%dma_start3A_275 : memref<40xi32, #tpu.memory_space<hbm>>) target(%dma_start3A_274 : memref<40xi32, #tpu.memory_space<vmem>>) target_semaphore(%arg31 : memref<!tpu.dma_semaphore, #tpu.memory_space<semaphore_mem>>)
      } else {
      }
      %mul3A_227 = arith.constant 4 : i32
      %mul3A_228 = arith.muli %mul3A_227, %scan3A_150 : i32
      %add3A_229 = arith.constant 3 : i32
      %add3A_230 = arith.addi %mul3A_228, %add3A_229 : i32
      %mul3A_231 = arith.constant 40 : i32
      %mul3A_232 = arith.muli %add3A_230, %mul3A_231 : i32
      %add3A_233 = arith.addi %mul3A_2, %mul3A_232 : i32
      %add3A_234 = arith.constant 2 : i32
      %add3A_235 = arith.addi %add3A_230, %add3A_234 : i32
      %lt3A_236 = arith.constant 250 : i32
      %lt3A_237 = arith.cmpi slt, %add3A_235, %lt3A_236 : i32
      %convert_element_type3A_238 = arith.extui %lt3A_237 : i1 to i32
      %cond3A_239 = arith.constant 0 : i32
      %cond3A_240 = arith.cmpi ne, %convert_element_type3A_238, %cond3A_239 : i32
      scf.if %cond3A_240 {
        %add3A_253 = arith.constant 2 : i32
        %add3A_254 = arith.addi %add3A_230, %add3A_253 : i32
        %mul3A_255 = arith.constant 40 : i32
        %mul3A_256 = arith.muli %add3A_254, %mul3A_255 : i32
        %add3A_257 = arith.addi %mul3A_2, %mul3A_256 : i32
        %dma_wait3A_258 = arith.constant 0 : i32
        %dma_wait3A_259 = tpu.memref_slice %arg10[%dma_wait3A_258] : memref<80xi32, #tpu.memory_space<vmem>> -> memref<40xi32, #tpu.memory_space<vmem>>
        %dma_wait3A_260 = tpu.memref_slice %arg4[%add3A_257] : memref<320000xi32, #tpu.memory_space<hbm>> -> memref<40xi32, #tpu.memory_space<hbm>>
        %dma_wait3A_261 = arith.constant 0 : i32
        %dma_wait3A_262 = tpu.memref_slice %arg10[%dma_wait3A_261] : memref<80xi32, #tpu.memory_space<vmem>> -> memref<40xi32, #tpu.memory_space<vmem>>
        %dma_wait3A_263 = tpu.memref_slice %arg4[%add3A_257] : memref<320000xi32, #tpu.memory_space<hbm>> -> memref<40xi32, #tpu.memory_space<hbm>>
        tpu.wait_dma2 semaphore(%arg30 : memref<!tpu.dma_semaphore, #tpu.memory_space<semaphore_mem>>) src(%dma_wait3A_263 : memref<40xi32, #tpu.memory_space<hbm>>) dst(%dma_wait3A_262 : memref<40xi32, #tpu.memory_space<vmem>>)
        %dma_wait3A_264 = arith.constant 40 : i32
        %dma_wait3A_265 = tpu.memref_slice %arg10[%dma_wait3A_264] : memref<80xi32, #tpu.memory_space<vmem>> -> memref<40xi32, #tpu.memory_space<vmem>>
        %dma_wait3A_266 = tpu.memref_slice %arg5[%add3A_257] : memref<320000xi32, #tpu.memory_space<hbm>> -> memref<40xi32, #tpu.memory_space<hbm>>
        %dma_wait3A_267 = arith.constant 40 : i32
        %dma_wait3A_268 = tpu.memref_slice %arg10[%dma_wait3A_267] : memref<80xi32, #tpu.memory_space<vmem>> -> memref<40xi32, #tpu.memory_space<vmem>>
        %dma_wait3A_269 = tpu.memref_slice %arg5[%add3A_257] : memref<320000xi32, #tpu.memory_space<hbm>> -> memref<40xi32, #tpu.memory_space<hbm>>
        tpu.wait_dma2 semaphore(%arg30 : memref<!tpu.dma_semaphore, #tpu.memory_space<semaphore_mem>>) src(%dma_wait3A_269 : memref<40xi32, #tpu.memory_space<hbm>>) dst(%dma_wait3A_268 : memref<40xi32, #tpu.memory_space<vmem>>)
        %dma_wait3A_270 = arith.constant 0 : i32
        %dma_wait3A_271 = tpu.memref_slice %arg14[%dma_wait3A_270] : memref<56xi32, #tpu.memory_space<vmem>> -> memref<40xi32, #tpu.memory_space<vmem>>
        %dma_wait3A_272 = tpu.memref_slice %arg6[%add3A_257] : memref<320000xi32, #tpu.memory_space<hbm>> -> memref<40xi32, #tpu.memory_space<hbm>>
        %dma_wait3A_273 = arith.constant 0 : i32
        %dma_wait3A_274 = tpu.memref_slice %arg14[%dma_wait3A_273] : memref<56xi32, #tpu.memory_space<vmem>> -> memref<40xi32, #tpu.memory_space<vmem>>
        %dma_wait3A_275 = tpu.memref_slice %arg6[%add3A_257] : memref<320000xi32, #tpu.memory_space<hbm>> -> memref<40xi32, #tpu.memory_space<hbm>>
        tpu.wait_dma2 semaphore(%arg30 : memref<!tpu.dma_semaphore, #tpu.memory_space<semaphore_mem>>) src(%dma_wait3A_275 : memref<40xi32, #tpu.memory_space<hbm>>) dst(%dma_wait3A_274 : memref<40xi32, #tpu.memory_space<vmem>>)
        %dma_start3A_276 = arith.constant 0 : i32
        %dma_start3A_277 = arith.constant 0 : i32
        %dma_start3A_278 = tpu.memref_slice %arg2[%dma_start3A_276, %dma_start3A_277] : memref<10000x64xf32, #tpu.memory_space<hbm>> -> memref<10000x64xf32, #tpu.memory_space<hbm>>
        tpu.enqueue_indirect_dma source(%dma_start3A_278 : memref<10000x64xf32, #tpu.memory_space<hbm>>) target(%arg22 : memref<80x64xf32, #tpu.memory_space<vmem>>) offsets(%arg10 : memref<80xi32, #tpu.memory_space<vmem>>) semaphore(%arg26 : memref<!tpu.dma_semaphore, #tpu.memory_space<semaphore_mem>>)
      } else {
      }
      %lt3A_241 = arith.constant 250 : i32
      %lt3A_242 = arith.cmpi slt, %add3A_230, %lt3A_241 : i32
      %convert_element_type3A_243 = arith.extui %lt3A_242 : i1 to i32
      %cond3A_244 = arith.constant 0 : i32
      %cond3A_245 = arith.cmpi ne, %convert_element_type3A_243, %cond3A_244 : i32
      scf.if %cond3A_245 {
        %dma_wait3A_253 = arith.constant 0 : i32
        %dma_wait3A_254 = arith.constant 0 : i32
        %dma_wait3A_255 = tpu.memref_slice %arg2[%dma_wait3A_253, %dma_wait3A_254] : memref<10000x64xf32, #tpu.memory_space<hbm>> -> memref<10000x64xf32, #tpu.memory_space<hbm>>
        tpu.wait_indirect_dma semaphore(%arg28 : memref<!tpu.dma_semaphore, #tpu.memory_space<semaphore_mem>>) src(%dma_wait3A_255 : memref<10000x64xf32, #tpu.memory_space<hbm>>) dst(%arg24 : memref<80x64xf32, #tpu.memory_space<vmem>>)
        %ge3A = arith.constant 4 : i32
        %ge3A_256 = arith.cmpi sge, %add3A_230, %ge3A : i32
        %convert_element_type3A_257 = arith.extui %ge3A_256 : i1 to i32
        %cond3A_258 = arith.constant 0 : i32
        %cond3A_259 = arith.cmpi ne, %convert_element_type3A_257, %cond3A_258 : i32
        scf.if %cond3A_259 {
          %dma_wait3A_268 = tpu.memref_slice %arg7[%add3A_233] : memref<320000xf32, #tpu.memory_space<hbm>> -> memref<40xf32, #tpu.memory_space<hbm>>
          %dma_wait3A_269 = tpu.memref_slice %arg7[%add3A_233] : memref<320000xf32, #tpu.memory_space<hbm>> -> memref<40xf32, #tpu.memory_space<hbm>>
          tpu.wait_dma2 semaphore(%arg36 : memref<!tpu.dma_semaphore, #tpu.memory_space<semaphore_mem>>) src(%arg20 : memref<40xf32, #tpu.memory_space<vmem>>) dst(%dma_wait3A_269 : memref<40xf32, #tpu.memory_space<hbm>>)
        } else {
        }
        %scan3A_260 = arith.constant 0 : i32
        %scan3A_261 = arith.constant 0 : i32
        %scan3A_262 = arith.constant 10 : i32
        %scan3A_263 = arith.addi %scan3A_261, %scan3A_262 : i32
        %scan3A_264 = arith.constant 1 : i32
        scf.for %scan3A_268 = %scan3A_261 to %scan3A_263 step %scan3A_264  : i32 {
          %mul3A_269 = arith.constant 4 : i32
          %mul3A_270 = arith.muli %scan3A_268, %mul3A_269 : i32
          %get3A = arith.index_cast %mul3A_270 : i32 to index
          %get3A_271 = tpu.vector_load %arg16[%get3A] {strides = array<i32>} : memref<56xi32, #tpu.memory_space<vmem>>, vector<16xi32>,
          %broadcast_in_dim3A = arith.constant 0.000000e+00 : f32
          %broadcast_in_dim3A_272 = vector.broadcast %broadcast_in_dim3A : f32 to vector<16xf32>
          %mul3A_273 = arith.constant 4 : i32
          %mul3A_274 = arith.muli %scan3A_268, %mul3A_273 : i32
          %add3A_275 = arith.constant 0 : i32
          %add3A_276 = arith.addi %mul3A_274, %add3A_275 : i32
          %broadcast_in_dim3A_277 = arith.constant 0 : i32
          %broadcast_in_dim3A_278 = vector.broadcast %broadcast_in_dim3A_277 : i32 to vector<16xi32>
          %lt3A_279 = arith.constant 0 : i32
          %lt3A_280 = vector.broadcast %lt3A_279 : i32 to vector<16xi32>
          %lt3A_281 = arith.cmpi slt, %broadcast_in_dim3A_278, %lt3A_280 : vector<16xi32>
          %add3A_282 = arith.constant 16 : i32
          %add3A_283 = vector.broadcast %add3A_282 : i32 to vector<16xi32>
          %add3A_284 = arith.addi %broadcast_in_dim3A_278, %add3A_283 : vector<16xi32>
          %select_n3A = arith.select %lt3A_281, %add3A_284, %broadcast_in_dim3A_278 : vector<16xi1>, vector<16xi32>
          %reshape3A = vector.shape_cast %select_n3A : vector<16xi32> to vector<16x1xi32>
          %gather3A = vector.shape_cast %reshape3A : vector<16x1xi32> to vector<16xi32>
          %gather3A_285 = tpu.dynamic_gather %get3A_271[%gather3A] in [0] : vector<16xi32>, vector<16xi32> -> vector<16xi32>
          %mul3A_286 = arith.constant 64 : i32
          %mul3A_287 = vector.broadcast %mul3A_286 : i32 to vector<16xi32>
          %mul3A_288 = arith.muli %gather3A_285, %mul3A_287 : vector<16xi32>
          %add3A_289 = arith.addi %mul3A_288, %iota3A : vector<16xi32>
          %add3A_290 = arith.constant 0 : i32
          %add3A_291 = vector.broadcast %add3A_290 : i32 to vector<16xi32>
          %add3A_292 = arith.addi %add3A_289, %add3A_291 : vector<16xi32>
          %gather3A_293 = tpu.vector_load_idx %arg8[%add3A_292] : memref<64000xf32, #tpu.memory_space<vmem>>[vector<16xi32>], vector<16xf32>,
          %bitcast3A = vector.bitcast %gather3A_293 : vector<16xf32> to vector<32xbf16>
          %add3A_294 = arith.constant 16 : i32
          %add3A_295 = vector.broadcast %add3A_294 : i32 to vector<16xi32>
          %add3A_296 = arith.addi %add3A_289, %add3A_295 : vector<16xi32>
          %gather3A_297 = tpu.vector_load_idx %arg8[%add3A_296] : memref<64000xf32, #tpu.memory_space<vmem>>[vector<16xi32>], vector<16xf32>,
          %bitcast3A_298 = vector.bitcast %gather3A_297 : vector<16xf32> to vector<32xbf16>
          %add3A_299 = arith.constant 32 : i32
          %add3A_300 = vector.broadcast %add3A_299 : i32 to vector<16xi32>
          %add3A_301 = arith.addi %add3A_289, %add3A_300 : vector<16xi32>
          %gather3A_302 = tpu.vector_load_idx %arg8[%add3A_301] : memref<64000xf32, #tpu.memory_space<vmem>>[vector<16xi32>], vector<16xf32>,
          %bitcast3A_303 = vector.bitcast %gather3A_302 : vector<16xf32> to vector<32xbf16>
          %add3A_304 = arith.constant 48 : i32
          %add3A_305 = vector.broadcast %add3A_304 : i32 to vector<16xi32>
          %add3A_306 = arith.addi %add3A_289, %add3A_305 : vector<16xi32>
          %gather3A_307 = tpu.vector_load_idx %arg8[%add3A_306] : memref<64000xf32, #tpu.memory_space<vmem>>[vector<16xi32>], vector<16xf32>,
          %bitcast3A_308 = vector.bitcast %gather3A_307 : vector<16xf32> to vector<32xbf16>
          %get3A_309 = arith.index_cast %add3A_276 : i32 to index
          %get3A_310 = arith.constant 0 : index
          %get3A_311 = tpu.vector_load %arg24[%get3A_309, %get3A_310] {strides = array<i32>} : memref<80x64xf32, #tpu.memory_space<vmem>>, vector<16xf32>,
          %bitcast3A_312 = vector.bitcast %get3A_311 : vector<16xf32> to vector<32xbf16>
          %get3A_313 = arith.index_cast %add3A_276 : i32 to index
          %get3A_314 = arith.constant 16 : index
          %get3A_315 = tpu.vector_load %arg24[%get3A_313, %get3A_314] {strides = array<i32>} : memref<80x64xf32, #tpu.memory_space<vmem>>, vector<16xf32>,
          %bitcast3A_316 = vector.bitcast %get3A_315 : vector<16xf32> to vector<32xbf16>
          %get3A_317 = arith.index_cast %add3A_276 : i32 to index
          %get3A_318 = arith.constant 32 : index
          %get3A_319 = tpu.vector_load %arg24[%get3A_317, %get3A_318] {strides = array<i32>} : memref<80x64xf32, #tpu.memory_space<vmem>>, vector<16xf32>,
          %bitcast3A_320 = vector.bitcast %get3A_319 : vector<16xf32> to vector<32xbf16>
          %get3A_321 = arith.index_cast %add3A_276 : i32 to index
          %get3A_322 = arith.constant 48 : index
          %get3A_323 = tpu.vector_load %arg24[%get3A_321, %get3A_322] {strides = array<i32>} : memref<80x64xf32, #tpu.memory_space<vmem>>, vector<16xf32>,
          %bitcast3A_324 = vector.bitcast %get3A_323 : vector<16xf32> to vector<32xbf16>
          %add3A_325 = arith.constant 40 : i32
          %add3A_326 = arith.addi %add3A_325, %add3A_276 : i32
          %get3A_327 = arith.index_cast %add3A_326 : i32 to index
          %get3A_328 = arith.constant 0 : index
          %get3A_329 = tpu.vector_load %arg24[%get3A_327, %get3A_328] {strides = array<i32>} : memref<80x64xf32, #tpu.memory_space<vmem>>, vector<16xf32>,
          %bitcast3A_330 = vector.bitcast %get3A_329 : vector<16xf32> to vector<32xbf16>
          %add3A_331 = arith.constant 40 : i32
          %add3A_332 = arith.addi %add3A_331, %add3A_276 : i32
          %get3A_333 = arith.index_cast %add3A_332 : i32 to index
          %get3A_334 = arith.constant 16 : index
          %get3A_335 = tpu.vector_load %arg24[%get3A_333, %get3A_334] {strides = array<i32>} : memref<80x64xf32, #tpu.memory_space<vmem>>, vector<16xf32>,
          %bitcast3A_336 = vector.bitcast %get3A_335 : vector<16xf32> to vector<32xbf16>
          %add3A_337 = arith.constant 40 : i32
          %add3A_338 = arith.addi %add3A_337, %add3A_276 : i32
          %get3A_339 = arith.index_cast %add3A_338 : i32 to index
          %get3A_340 = arith.constant 32 : index
          %get3A_341 = tpu.vector_load %arg24[%get3A_339, %get3A_340] {strides = array<i32>} : memref<80x64xf32, #tpu.memory_space<vmem>>, vector<16xf32>,
          %bitcast3A_342 = vector.bitcast %get3A_341 : vector<16xf32> to vector<32xbf16>
          %add3A_343 = arith.constant 40 : i32
          %add3A_344 = arith.addi %add3A_343, %add3A_276 : i32
          %get3A_345 = arith.index_cast %add3A_344 : i32 to index
          %get3A_346 = arith.constant 48 : index
          %get3A_347 = tpu.vector_load %arg24[%get3A_345, %get3A_346] {strides = array<i32>} : memref<80x64xf32, #tpu.memory_space<vmem>>, vector<16xf32>,
          %bitcast3A_348 = vector.bitcast %get3A_347 : vector<16xf32> to vector<32xbf16>
          %mul3A_349 = arith.mulf %bitcast3A_312, %bitcast3A : vector<32xbf16>
          %mul3A_350 = arith.mulf %mul3A_349, %bitcast3A_342 : vector<32xbf16>
          %mul3A_351 = arith.mulf %bitcast3A_330, %bitcast3A_303 : vector<32xbf16>
          %mul3A_352 = arith.mulf %mul3A_351, %bitcast3A_320 : vector<32xbf16>
          %unpack3A = tpu.unpack_subelements %mul3A_350, 0 {pack_format = #tpu.pack_format<interleaved>} : vector<32xbf16> -> vector<16xf32>
          %unpack3A_353 = tpu.unpack_subelements %mul3A_350, 1 {pack_format = #tpu.pack_format<interleaved>} : vector<32xbf16> -> vector<16xf32>
          %unpack3A_354 = tpu.unpack_subelements %mul3A_352, 0 {pack_format = #tpu.pack_format<interleaved>} : vector<32xbf16> -> vector<16xf32>
          %unpack3A_355 = tpu.unpack_subelements %mul3A_352, 1 {pack_format = #tpu.pack_format<interleaved>} : vector<32xbf16> -> vector<16xf32>
          %mul3A_356 = arith.mulf %bitcast3A_316, %bitcast3A_298 : vector<32xbf16>
          %mul3A_357 = arith.mulf %mul3A_356, %bitcast3A_348 : vector<32xbf16>
          %mul3A_358 = arith.mulf %bitcast3A_336, %bitcast3A_308 : vector<32xbf16>
          %mul3A_359 = arith.mulf %mul3A_358, %bitcast3A_324 : vector<32xbf16>
          %unpack3A_360 = tpu.unpack_subelements %mul3A_357, 0 {pack_format = #tpu.pack_format<interleaved>} : vector<32xbf16> -> vector<16xf32>
          %unpack3A_361 = tpu.unpack_subelements %mul3A_357, 1 {pack_format = #tpu.pack_format<interleaved>} : vector<32xbf16> -> vector<16xf32>
          %unpack3A_362 = tpu.unpack_subelements %mul3A_359, 0 {pack_format = #tpu.pack_format<interleaved>} : vector<32xbf16> -> vector<16xf32>
          %unpack3A_363 = tpu.unpack_subelements %mul3A_359, 1 {pack_format = #tpu.pack_format<interleaved>} : vector<32xbf16> -> vector<16xf32>
          %add3A_364 = arith.addf %unpack3A, %unpack3A_353 : vector<16xf32>
          %add3A_365 = arith.addf %unpack3A_354, %unpack3A_355 : vector<16xf32>
          %add3A_366 = arith.addf %unpack3A_360, %unpack3A_361 : vector<16xf32>
          %add3A_367 = arith.addf %unpack3A_362, %unpack3A_363 : vector<16xf32>
          %add3A_368 = arith.addf %add3A_364, %add3A_365 : vector<16xf32>
          %add3A_369 = arith.addf %add3A_366, %add3A_367 : vector<16xf32>
          %add3A_370 = arith.addf %add3A_368, %add3A_369 : vector<16xf32>
          %reduce_sum3A = arith.constant true
          %reduce_sum3A_371 = vector.broadcast %reduce_sum3A : i1 to vector<16xi1>
          %reduce_sum3A_372 = tpu.scan <sum>, %add3A_370 masked %reduce_sum3A_371 : vector<16xf32>, vector<16xi1> -> vector<16xf32>
          %reduce_sum3A_373 = vector.extract %reduce_sum3A_372[15] : f32 from vector<16xf32>
          %broadcast_in_dim3A_374 = vector.broadcast %reduce_sum3A_373 : f32 to vector<16xf32>
          %eq3A = arith.constant 0 : i32
          %eq3A_375 = vector.broadcast %eq3A : i32 to vector<16xi32>
          %eq3A_376 = arith.cmpi eq, %iota3A, %eq3A_375 : vector<16xi32>
          %select_n3A_377 = arith.select %eq3A_376, %broadcast_in_dim3A_374, %broadcast_in_dim3A_272 : vector<16xi1>, vector<16xf32>
          %mul3A_378 = arith.constant 4 : i32
          %mul3A_379 = arith.muli %scan3A_268, %mul3A_378 : i32
          %add3A_380 = arith.constant 1 : i32
          %add3A_381 = arith.addi %mul3A_379, %add3A_380 : i32
          %broadcast_in_dim3A_382 = arith.constant 1 : i32
          %broadcast_in_dim3A_383 = vector.broadcast %broadcast_in_dim3A_382 : i32 to vector<16xi32>
          %lt3A_384 = arith.constant 0 : i32
          %lt3A_385 = vector.broadcast %lt3A_384 : i32 to vector<16xi32>
          %lt3A_386 = arith.cmpi slt, %broadcast_in_dim3A_383, %lt3A_385 : vector<16xi32>
          %add3A_387 = arith.constant 16 : i32
          %add3A_388 = vector.broadcast %add3A_387 : i32 to vector<16xi32>
          %add3A_389 = arith.addi %broadcast_in_dim3A_383, %add3A_388 : vector<16xi32>
          %select_n3A_390 = arith.select %lt3A_386, %add3A_389, %broadcast_in_dim3A_383 : vector<16xi1>, vector<16xi32>
          %reshape3A_391 = vector.shape_cast %select_n3A_390 : vector<16xi32> to vector<16x1xi32>
          %gather3A_392 = vector.shape_cast %reshape3A_391 : vector<16x1xi32> to vector<16xi32>
          %gather3A_393 = tpu.dynamic_gather %get3A_271[%gather3A_392] in [0] : vector<16xi32>, vector<16xi32> -> vector<16xi32>
          %mul3A_394 = arith.constant 64 : i32
          %mul3A_395 = vector.broadcast %mul3A_394 : i32 to vector<16xi32>
          %mul3A_396 = arith.muli %gather3A_393, %mul3A_395 : vector<16xi32>
          %add3A_397 = arith.addi %mul3A_396, %iota3A : vector<16xi32>
          %add3A_398 = arith.constant 0 : i32
          %add3A_399 = vector.broadcast %add3A_398 : i32 to vector<16xi32>
          %add3A_400 = arith.addi %add3A_397, %add3A_399 : vector<16xi32>
          %gather3A_401 = tpu.vector_load_idx %arg8[%add3A_400] : memref<64000xf32, #tpu.memory_space<vmem>>[vector<16xi32>], vector<16xf32>,
          %bitcast3A_402 = vector.bitcast %gather3A_401 : vector<16xf32> to vector<32xbf16>
          %add3A_403 = arith.constant 16 : i32
          %add3A_404 = vector.broadcast %add3A_403 : i32 to vector<16xi32>
          %add3A_405 = arith.addi %add3A_397, %add3A_404 : vector<16xi32>
          %gather3A_406 = tpu.vector_load_idx %arg8[%add3A_405] : memref<64000xf32, #tpu.memory_space<vmem>>[vector<16xi32>], vector<16xf32>,
          %bitcast3A_407 = vector.bitcast %gather3A_406 : vector<16xf32> to vector<32xbf16>
          %add3A_408 = arith.constant 32 : i32
          %add3A_409 = vector.broadcast %add3A_408 : i32 to vector<16xi32>
          %add3A_410 = arith.addi %add3A_397, %add3A_409 : vector<16xi32>
          %gather3A_411 = tpu.vector_load_idx %arg8[%add3A_410] : memref<64000xf32, #tpu.memory_space<vmem>>[vector<16xi32>], vector<16xf32>,
          %bitcast3A_412 = vector.bitcast %gather3A_411 : vector<16xf32> to vector<32xbf16>
          %add3A_413 = arith.constant 48 : i32
          %add3A_414 = vector.broadcast %add3A_413 : i32 to vector<16xi32>
          %add3A_415 = arith.addi %add3A_397, %add3A_414 : vector<16xi32>
          %gather3A_416 = tpu.vector_load_idx %arg8[%add3A_415] : memref<64000xf32, #tpu.memory_space<vmem>>[vector<16xi32>], vector<16xf32>,
          %bitcast3A_417 = vector.bitcast %gather3A_416 : vector<16xf32> to vector<32xbf16>
          %get3A_418 = arith.index_cast %add3A_381 : i32 to index
          %get3A_419 = arith.constant 0 : index
          %get3A_420 = tpu.vector_load %arg24[%get3A_418, %get3A_419] {strides = array<i32>} : memref<80x64xf32, #tpu.memory_space<vmem>>, vector<16xf32>,
          %bitcast3A_421 = vector.bitcast %get3A_420 : vector<16xf32> to vector<32xbf16>
          %get3A_422 = arith.index_cast %add3A_381 : i32 to index
          %get3A_423 = arith.constant 16 : index
          %get3A_424 = tpu.vector_load %arg24[%get3A_422, %get3A_423] {strides = array<i32>} : memref<80x64xf32, #tpu.memory_space<vmem>>, vector<16xf32>,
          %bitcast3A_425 = vector.bitcast %get3A_424 : vector<16xf32> to vector<32xbf16>
          %get3A_426 = arith.index_cast %add3A_381 : i32 to index
          %get3A_427 = arith.constant 32 : index
          %get3A_428 = tpu.vector_load %arg24[%get3A_426, %get3A_427] {strides = array<i32>} : memref<80x64xf32, #tpu.memory_space<vmem>>, vector<16xf32>,
          %bitcast3A_429 = vector.bitcast %get3A_428 : vector<16xf32> to vector<32xbf16>
          %get3A_430 = arith.index_cast %add3A_381 : i32 to index
          %get3A_431 = arith.constant 48 : index
          %get3A_432 = tpu.vector_load %arg24[%get3A_430, %get3A_431] {strides = array<i32>} : memref<80x64xf32, #tpu.memory_space<vmem>>, vector<16xf32>,
          %bitcast3A_433 = vector.bitcast %get3A_432 : vector<16xf32> to vector<32xbf16>
          %add3A_434 = arith.constant 40 : i32
          %add3A_435 = arith.addi %add3A_434, %add3A_381 : i32
          %get3A_436 = arith.index_cast %add3A_435 : i32 to index
          %get3A_437 = arith.constant 0 : index
          %get3A_438 = tpu.vector_load %arg24[%get3A_436, %get3A_437] {strides = array<i32>} : memref<80x64xf32, #tpu.memory_space<vmem>>, vector<16xf32>,
          %bitcast3A_439 = vector.bitcast %get3A_438 : vector<16xf32> to vector<32xbf16>
          %add3A_440 = arith.constant 40 : i32
          %add3A_441 = arith.addi %add3A_440, %add3A_381 : i32
          %get3A_442 = arith.index_cast %add3A_441 : i32 to index
          %get3A_443 = arith.constant 16 : index
          %get3A_444 = tpu.vector_load %arg24[%get3A_442, %get3A_443] {strides = array<i32>} : memref<80x64xf32, #tpu.memory_space<vmem>>, vector<16xf32>,
          %bitcast3A_445 = vector.bitcast %get3A_444 : vector<16xf32> to vector<32xbf16>
          %add3A_446 = arith.constant 40 : i32
          %add3A_447 = arith.addi %add3A_446, %add3A_381 : i32
          %get3A_448 = arith.index_cast %add3A_447 : i32 to index
          %get3A_449 = arith.constant 32 : index
          %get3A_450 = tpu.vector_load %arg24[%get3A_448, %get3A_449] {strides = array<i32>} : memref<80x64xf32, #tpu.memory_space<vmem>>, vector<16xf32>,
          %bitcast3A_451 = vector.bitcast %get3A_450 : vector<16xf32> to vector<32xbf16>
          %add3A_452 = arith.constant 40 : i32
          %add3A_453 = arith.addi %add3A_452, %add3A_381 : i32
          %get3A_454 = arith.index_cast %add3A_453 : i32 to index
          %get3A_455 = arith.constant 48 : index
          %get3A_456 = tpu.vector_load %arg24[%get3A_454, %get3A_455] {strides = array<i32>} : memref<80x64xf32, #tpu.memory_space<vmem>>, vector<16xf32>,
          %bitcast3A_457 = vector.bitcast %get3A_456 : vector<16xf32> to vector<32xbf16>
          %mul3A_458 = arith.mulf %bitcast3A_421, %bitcast3A_402 : vector<32xbf16>
          %mul3A_459 = arith.mulf %mul3A_458, %bitcast3A_451 : vector<32xbf16>
          %mul3A_460 = arith.mulf %bitcast3A_439, %bitcast3A_412 : vector<32xbf16>
          %mul3A_461 = arith.mulf %mul3A_460, %bitcast3A_429 : vector<32xbf16>
          %unpack3A_462 = tpu.unpack_subelements %mul3A_459, 0 {pack_format = #tpu.pack_format<interleaved>} : vector<32xbf16> -> vector<16xf32>
          %unpack3A_463 = tpu.unpack_subelements %mul3A_459, 1 {pack_format = #tpu.pack_format<interleaved>} : vector<32xbf16> -> vector<16xf32>
          %unpack3A_464 = tpu.unpack_subelements %mul3A_461, 0 {pack_format = #tpu.pack_format<interleaved>} : vector<32xbf16> -> vector<16xf32>
          %unpack3A_465 = tpu.unpack_subelements %mul3A_461, 1 {pack_format = #tpu.pack_format<interleaved>} : vector<32xbf16> -> vector<16xf32>
          %mul3A_466 = arith.mulf %bitcast3A_425, %bitcast3A_407 : vector<32xbf16>
          %mul3A_467 = arith.mulf %mul3A_466, %bitcast3A_457 : vector<32xbf16>
          %mul3A_468 = arith.mulf %bitcast3A_445, %bitcast3A_417 : vector<32xbf16>
          %mul3A_469 = arith.mulf %mul3A_468, %bitcast3A_433 : vector<32xbf16>
          %unpack3A_470 = tpu.unpack_subelements %mul3A_467, 0 {pack_format = #tpu.pack_format<interleaved>} : vector<32xbf16> -> vector<16xf32>
          %unpack3A_471 = tpu.unpack_subelements %mul3A_467, 1 {pack_format = #tpu.pack_format<interleaved>} : vector<32xbf16> -> vector<16xf32>
          %unpack3A_472 = tpu.unpack_subelements %mul3A_469, 0 {pack_format = #tpu.pack_format<interleaved>} : vector<32xbf16> -> vector<16xf32>
          %unpack3A_473 = tpu.unpack_subelements %mul3A_469, 1 {pack_format = #tpu.pack_format<interleaved>} : vector<32xbf16> -> vector<16xf32>
          %add3A_474 = arith.addf %unpack3A_462, %unpack3A_463 : vector<16xf32>
          %add3A_475 = arith.addf %unpack3A_464, %unpack3A_465 : vector<16xf32>
          %add3A_476 = arith.addf %unpack3A_470, %unpack3A_471 : vector<16xf32>
          %add3A_477 = arith.addf %unpack3A_472, %unpack3A_473 : vector<16xf32>
          %add3A_478 = arith.addf %add3A_474, %add3A_475 : vector<16xf32>
          %add3A_479 = arith.addf %add3A_476, %add3A_477 : vector<16xf32>
          %add3A_480 = arith.addf %add3A_478, %add3A_479 : vector<16xf32>
          %reduce_sum3A_481 = arith.constant true
          %reduce_sum3A_482 = vector.broadcast %reduce_sum3A_481 : i1 to vector<16xi1>
          %reduce_sum3A_483 = tpu.scan <sum>, %add3A_480 masked %reduce_sum3A_482 : vector<16xf32>, vector<16xi1> -> vector<16xf32>
          %reduce_sum3A_484 = vector.extract %reduce_sum3A_483[15] : f32 from vector<16xf32>
          %broadcast_in_dim3A_485 = vector.broadcast %reduce_sum3A_484 : f32 to vector<16xf32>
          %eq3A_486 = arith.constant 1 : i32
          %eq3A_487 = vector.broadcast %eq3A_486 : i32 to vector<16xi32>
          %eq3A_488 = arith.cmpi eq, %iota3A, %eq3A_487 : vector<16xi32>
          %select_n3A_489 = arith.select %eq3A_488, %broadcast_in_dim3A_485, %select_n3A_377 : vector<16xi1>, vector<16xf32>
          %mul3A_490 = arith.constant 4 : i32
          %mul3A_491 = arith.muli %scan3A_268, %mul3A_490 : i32
          %add3A_492 = arith.constant 2 : i32
          %add3A_493 = arith.addi %mul3A_491, %add3A_492 : i32
          %broadcast_in_dim3A_494 = arith.constant 2 : i32
          %broadcast_in_dim3A_495 = vector.broadcast %broadcast_in_dim3A_494 : i32 to vector<16xi32>
          %lt3A_496 = arith.constant 0 : i32
          %lt3A_497 = vector.broadcast %lt3A_496 : i32 to vector<16xi32>
          %lt3A_498 = arith.cmpi slt, %broadcast_in_dim3A_495, %lt3A_497 : vector<16xi32>
          %add3A_499 = arith.constant 16 : i32
          %add3A_500 = vector.broadcast %add3A_499 : i32 to vector<16xi32>
          %add3A_501 = arith.addi %broadcast_in_dim3A_495, %add3A_500 : vector<16xi32>
          %select_n3A_502 = arith.select %lt3A_498, %add3A_501, %broadcast_in_dim3A_495 : vector<16xi1>, vector<16xi32>
          %reshape3A_503 = vector.shape_cast %select_n3A_502 : vector<16xi32> to vector<16x1xi32>
          %gather3A_504 = vector.shape_cast %reshape3A_503 : vector<16x1xi32> to vector<16xi32>
          %gather3A_505 = tpu.dynamic_gather %get3A_271[%gather3A_504] in [0] : vector<16xi32>, vector<16xi32> -> vector<16xi32>
          %mul3A_506 = arith.constant 64 : i32
          %mul3A_507 = vector.broadcast %mul3A_506 : i32 to vector<16xi32>
          %mul3A_508 = arith.muli %gather3A_505, %mul3A_507 : vector<16xi32>
          %add3A_509 = arith.addi %mul3A_508, %iota3A : vector<16xi32>
          %add3A_510 = arith.constant 0 : i32
          %add3A_511 = vector.broadcast %add3A_510 : i32 to vector<16xi32>
          %add3A_512 = arith.addi %add3A_509, %add3A_511 : vector<16xi32>
          %gather3A_513 = tpu.vector_load_idx %arg8[%add3A_512] : memref<64000xf32, #tpu.memory_space<vmem>>[vector<16xi32>], vector<16xf32>,
          %bitcast3A_514 = vector.bitcast %gather3A_513 : vector<16xf32> to vector<32xbf16>
          %add3A_515 = arith.constant 16 : i32
          %add3A_516 = vector.broadcast %add3A_515 : i32 to vector<16xi32>
          %add3A_517 = arith.addi %add3A_509, %add3A_516 : vector<16xi32>
          %gather3A_518 = tpu.vector_load_idx %arg8[%add3A_517] : memref<64000xf32, #tpu.memory_space<vmem>>[vector<16xi32>], vector<16xf32>,
          %bitcast3A_519 = vector.bitcast %gather3A_518 : vector<16xf32> to vector<32xbf16>
          %add3A_520 = arith.constant 32 : i32
          %add3A_521 = vector.broadcast %add3A_520 : i32 to vector<16xi32>
          %add3A_522 = arith.addi %add3A_509, %add3A_521 : vector<16xi32>
          %gather3A_523 = tpu.vector_load_idx %arg8[%add3A_522] : memref<64000xf32, #tpu.memory_space<vmem>>[vector<16xi32>], vector<16xf32>,
          %bitcast3A_524 = vector.bitcast %gather3A_523 : vector<16xf32> to vector<32xbf16>
          %add3A_525 = arith.constant 48 : i32
          %add3A_526 = vector.broadcast %add3A_525 : i32 to vector<16xi32>
          %add3A_527 = arith.addi %add3A_509, %add3A_526 : vector<16xi32>
          %gather3A_528 = tpu.vector_load_idx %arg8[%add3A_527] : memref<64000xf32, #tpu.memory_space<vmem>>[vector<16xi32>], vector<16xf32>,
          %bitcast3A_529 = vector.bitcast %gather3A_528 : vector<16xf32> to vector<32xbf16>
          %get3A_530 = arith.index_cast %add3A_493 : i32 to index
          %get3A_531 = arith.constant 0 : index
          %get3A_532 = tpu.vector_load %arg24[%get3A_530, %get3A_531] {strides = array<i32>} : memref<80x64xf32, #tpu.memory_space<vmem>>, vector<16xf32>,
          %bitcast3A_533 = vector.bitcast %get3A_532 : vector<16xf32> to vector<32xbf16>
          %get3A_534 = arith.index_cast %add3A_493 : i32 to index
          %get3A_535 = arith.constant 16 : index
          %get3A_536 = tpu.vector_load %arg24[%get3A_534, %get3A_535] {strides = array<i32>} : memref<80x64xf32, #tpu.memory_space<vmem>>, vector<16xf32>,
          %bitcast3A_537 = vector.bitcast %get3A_536 : vector<16xf32> to vector<32xbf16>
          %get3A_538 = arith.index_cast %add3A_493 : i32 to index
          %get3A_539 = arith.constant 32 : index
          %get3A_540 = tpu.vector_load %arg24[%get3A_538, %get3A_539] {strides = array<i32>} : memref<80x64xf32, #tpu.memory_space<vmem>>, vector<16xf32>,
          %bitcast3A_541 = vector.bitcast %get3A_540 : vector<16xf32> to vector<32xbf16>
          %get3A_542 = arith.index_cast %add3A_493 : i32 to index
          %get3A_543 = arith.constant 48 : index
          %get3A_544 = tpu.vector_load %arg24[%get3A_542, %get3A_543] {strides = array<i32>} : memref<80x64xf32, #tpu.memory_space<vmem>>, vector<16xf32>,
          %bitcast3A_545 = vector.bitcast %get3A_544 : vector<16xf32> to vector<32xbf16>
          %add3A_546 = arith.constant 40 : i32
          %add3A_547 = arith.addi %add3A_546, %add3A_493 : i32
          %get3A_548 = arith.index_cast %add3A_547 : i32 to index
          %get3A_549 = arith.constant 0 : index
          %get3A_550 = tpu.vector_load %arg24[%get3A_548, %get3A_549] {strides = array<i32>} : memref<80x64xf32, #tpu.memory_space<vmem>>, vector<16xf32>,
          %bitcast3A_551 = vector.bitcast %get3A_550 : vector<16xf32> to vector<32xbf16>
          %add3A_552 = arith.constant 40 : i32
          %add3A_553 = arith.addi %add3A_552, %add3A_493 : i32
          %get3A_554 = arith.index_cast %add3A_553 : i32 to index
          %get3A_555 = arith.constant 16 : index
          %get3A_556 = tpu.vector_load %arg24[%get3A_554, %get3A_555] {strides = array<i32>} : memref<80x64xf32, #tpu.memory_space<vmem>>, vector<16xf32>,
          %bitcast3A_557 = vector.bitcast %get3A_556 : vector<16xf32> to vector<32xbf16>
          %add3A_558 = arith.constant 40 : i32
          %add3A_559 = arith.addi %add3A_558, %add3A_493 : i32
          %get3A_560 = arith.index_cast %add3A_559 : i32 to index
          %get3A_561 = arith.constant 32 : index
          %get3A_562 = tpu.vector_load %arg24[%get3A_560, %get3A_561] {strides = array<i32>} : memref<80x64xf32, #tpu.memory_space<vmem>>, vector<16xf32>,
          %bitcast3A_563 = vector.bitcast %get3A_562 : vector<16xf32> to vector<32xbf16>
          %add3A_564 = arith.constant 40 : i32
          %add3A_565 = arith.addi %add3A_564, %add3A_493 : i32
          %get3A_566 = arith.index_cast %add3A_565 : i32 to index
          %get3A_567 = arith.constant 48 : index
          %get3A_568 = tpu.vector_load %arg24[%get3A_566, %get3A_567] {strides = array<i32>} : memref<80x64xf32, #tpu.memory_space<vmem>>, vector<16xf32>,
          %bitcast3A_569 = vector.bitcast %get3A_568 : vector<16xf32> to vector<32xbf16>
          %mul3A_570 = arith.mulf %bitcast3A_533, %bitcast3A_514 : vector<32xbf16>
          %mul3A_571 = arith.mulf %mul3A_570, %bitcast3A_563 : vector<32xbf16>
          %mul3A_572 = arith.mulf %bitcast3A_551, %bitcast3A_524 : vector<32xbf16>
          %mul3A_573 = arith.mulf %mul3A_572, %bitcast3A_541 : vector<32xbf16>
          %unpack3A_574 = tpu.unpack_subelements %mul3A_571, 0 {pack_format = #tpu.pack_format<interleaved>} : vector<32xbf16> -> vector<16xf32>
          %unpack3A_575 = tpu.unpack_subelements %mul3A_571, 1 {pack_format = #tpu.pack_format<interleaved>} : vector<32xbf16> -> vector<16xf32>
          %unpack3A_576 = tpu.unpack_subelements %mul3A_573, 0 {pack_format = #tpu.pack_format<interleaved>} : vector<32xbf16> -> vector<16xf32>
          %unpack3A_577 = tpu.unpack_subelements %mul3A_573, 1 {pack_format = #tpu.pack_format<interleaved>} : vector<32xbf16> -> vector<16xf32>
          %mul3A_578 = arith.mulf %bitcast3A_537, %bitcast3A_519 : vector<32xbf16>
          %mul3A_579 = arith.mulf %mul3A_578, %bitcast3A_569 : vector<32xbf16>
          %mul3A_580 = arith.mulf %bitcast3A_557, %bitcast3A_529 : vector<32xbf16>
          %mul3A_581 = arith.mulf %mul3A_580, %bitcast3A_545 : vector<32xbf16>
          %unpack3A_582 = tpu.unpack_subelements %mul3A_579, 0 {pack_format = #tpu.pack_format<interleaved>} : vector<32xbf16> -> vector<16xf32>
          %unpack3A_583 = tpu.unpack_subelements %mul3A_579, 1 {pack_format = #tpu.pack_format<interleaved>} : vector<32xbf16> -> vector<16xf32>
          %unpack3A_584 = tpu.unpack_subelements %mul3A_581, 0 {pack_format = #tpu.pack_format<interleaved>} : vector<32xbf16> -> vector<16xf32>
          %unpack3A_585 = tpu.unpack_subelements %mul3A_581, 1 {pack_format = #tpu.pack_format<interleaved>} : vector<32xbf16> -> vector<16xf32>
          %add3A_586 = arith.addf %unpack3A_574, %unpack3A_575 : vector<16xf32>
          %add3A_587 = arith.addf %unpack3A_576, %unpack3A_577 : vector<16xf32>
          %add3A_588 = arith.addf %unpack3A_582, %unpack3A_583 : vector<16xf32>
          %add3A_589 = arith.addf %unpack3A_584, %unpack3A_585 : vector<16xf32>
          %add3A_590 = arith.addf %add3A_586, %add3A_587 : vector<16xf32>
          %add3A_591 = arith.addf %add3A_588, %add3A_589 : vector<16xf32>
          %add3A_592 = arith.addf %add3A_590, %add3A_591 : vector<16xf32>
          %reduce_sum3A_593 = arith.constant true
          %reduce_sum3A_594 = vector.broadcast %reduce_sum3A_593 : i1 to vector<16xi1>
          %reduce_sum3A_595 = tpu.scan <sum>, %add3A_592 masked %reduce_sum3A_594 : vector<16xf32>, vector<16xi1> -> vector<16xf32>
          %reduce_sum3A_596 = vector.extract %reduce_sum3A_595[15] : f32 from vector<16xf32>
          %broadcast_in_dim3A_597 = vector.broadcast %reduce_sum3A_596 : f32 to vector<16xf32>
          %eq3A_598 = arith.constant 2 : i32
          %eq3A_599 = vector.broadcast %eq3A_598 : i32 to vector<16xi32>
          %eq3A_600 = arith.cmpi eq, %iota3A, %eq3A_599 : vector<16xi32>
          %select_n3A_601 = arith.select %eq3A_600, %broadcast_in_dim3A_597, %select_n3A_489 : vector<16xi1>, vector<16xf32>
          %mul3A_602 = arith.constant 4 : i32
          %mul3A_603 = arith.muli %scan3A_268, %mul3A_602 : i32
          %add3A_604 = arith.constant 3 : i32
          %add3A_605 = arith.addi %mul3A_603, %add3A_604 : i32
          %broadcast_in_dim3A_606 = arith.constant 3 : i32
          %broadcast_in_dim3A_607 = vector.broadcast %broadcast_in_dim3A_606 : i32 to vector<16xi32>
          %lt3A_608 = arith.constant 0 : i32
          %lt3A_609 = vector.broadcast %lt3A_608 : i32 to vector<16xi32>
          %lt3A_610 = arith.cmpi slt, %broadcast_in_dim3A_607, %lt3A_609 : vector<16xi32>
          %add3A_611 = arith.constant 16 : i32
          %add3A_612 = vector.broadcast %add3A_611 : i32 to vector<16xi32>
          %add3A_613 = arith.addi %broadcast_in_dim3A_607, %add3A_612 : vector<16xi32>
          %select_n3A_614 = arith.select %lt3A_610, %add3A_613, %broadcast_in_dim3A_607 : vector<16xi1>, vector<16xi32>
          %reshape3A_615 = vector.shape_cast %select_n3A_614 : vector<16xi32> to vector<16x1xi32>
          %gather3A_616 = vector.shape_cast %reshape3A_615 : vector<16x1xi32> to vector<16xi32>
          %gather3A_617 = tpu.dynamic_gather %get3A_271[%gather3A_616] in [0] : vector<16xi32>, vector<16xi32> -> vector<16xi32>
          %mul3A_618 = arith.constant 64 : i32
          %mul3A_619 = vector.broadcast %mul3A_618 : i32 to vector<16xi32>
          %mul3A_620 = arith.muli %gather3A_617, %mul3A_619 : vector<16xi32>
          %add3A_621 = arith.addi %mul3A_620, %iota3A : vector<16xi32>
          %add3A_622 = arith.constant 0 : i32
          %add3A_623 = vector.broadcast %add3A_622 : i32 to vector<16xi32>
          %add3A_624 = arith.addi %add3A_621, %add3A_623 : vector<16xi32>
          %gather3A_625 = tpu.vector_load_idx %arg8[%add3A_624] : memref<64000xf32, #tpu.memory_space<vmem>>[vector<16xi32>], vector<16xf32>,
          %bitcast3A_626 = vector.bitcast %gather3A_625 : vector<16xf32> to vector<32xbf16>
          %add3A_627 = arith.constant 16 : i32
          %add3A_628 = vector.broadcast %add3A_627 : i32 to vector<16xi32>
          %add3A_629 = arith.addi %add3A_621, %add3A_628 : vector<16xi32>
          %gather3A_630 = tpu.vector_load_idx %arg8[%add3A_629] : memref<64000xf32, #tpu.memory_space<vmem>>[vector<16xi32>], vector<16xf32>,
          %bitcast3A_631 = vector.bitcast %gather3A_630 : vector<16xf32> to vector<32xbf16>
          %add3A_632 = arith.constant 32 : i32
          %add3A_633 = vector.broadcast %add3A_632 : i32 to vector<16xi32>
          %add3A_634 = arith.addi %add3A_621, %add3A_633 : vector<16xi32>
          %gather3A_635 = tpu.vector_load_idx %arg8[%add3A_634] : memref<64000xf32, #tpu.memory_space<vmem>>[vector<16xi32>], vector<16xf32>,
          %bitcast3A_636 = vector.bitcast %gather3A_635 : vector<16xf32> to vector<32xbf16>
          %add3A_637 = arith.constant 48 : i32
          %add3A_638 = vector.broadcast %add3A_637 : i32 to vector<16xi32>
          %add3A_639 = arith.addi %add3A_621, %add3A_638 : vector<16xi32>
          %gather3A_640 = tpu.vector_load_idx %arg8[%add3A_639] : memref<64000xf32, #tpu.memory_space<vmem>>[vector<16xi32>], vector<16xf32>,
          %bitcast3A_641 = vector.bitcast %gather3A_640 : vector<16xf32> to vector<32xbf16>
          %get3A_642 = arith.index_cast %add3A_605 : i32 to index
          %get3A_643 = arith.constant 0 : index
          %get3A_644 = tpu.vector_load %arg24[%get3A_642, %get3A_643] {strides = array<i32>} : memref<80x64xf32, #tpu.memory_space<vmem>>, vector<16xf32>,
          %bitcast3A_645 = vector.bitcast %get3A_644 : vector<16xf32> to vector<32xbf16>
          %get3A_646 = arith.index_cast %add3A_605 : i32 to index
          %get3A_647 = arith.constant 16 : index
          %get3A_648 = tpu.vector_load %arg24[%get3A_646, %get3A_647] {strides = array<i32>} : memref<80x64xf32, #tpu.memory_space<vmem>>, vector<16xf32>,
          %bitcast3A_649 = vector.bitcast %get3A_648 : vector<16xf32> to vector<32xbf16>
          %get3A_650 = arith.index_cast %add3A_605 : i32 to index
          %get3A_651 = arith.constant 32 : index
          %get3A_652 = tpu.vector_load %arg24[%get3A_650, %get3A_651] {strides = array<i32>} : memref<80x64xf32, #tpu.memory_space<vmem>>, vector<16xf32>,
          %bitcast3A_653 = vector.bitcast %get3A_652 : vector<16xf32> to vector<32xbf16>
          %get3A_654 = arith.index_cast %add3A_605 : i32 to index
          %get3A_655 = arith.constant 48 : index
          %get3A_656 = tpu.vector_load %arg24[%get3A_654, %get3A_655] {strides = array<i32>} : memref<80x64xf32, #tpu.memory_space<vmem>>, vector<16xf32>,
          %bitcast3A_657 = vector.bitcast %get3A_656 : vector<16xf32> to vector<32xbf16>
          %add3A_658 = arith.constant 40 : i32
          %add3A_659 = arith.addi %add3A_658, %add3A_605 : i32
          %get3A_660 = arith.index_cast %add3A_659 : i32 to index
          %get3A_661 = arith.constant 0 : index
          %get3A_662 = tpu.vector_load %arg24[%get3A_660, %get3A_661] {strides = array<i32>} : memref<80x64xf32, #tpu.memory_space<vmem>>, vector<16xf32>,
          %bitcast3A_663 = vector.bitcast %get3A_662 : vector<16xf32> to vector<32xbf16>
          %add3A_664 = arith.constant 40 : i32
          %add3A_665 = arith.addi %add3A_664, %add3A_605 : i32
          %get3A_666 = arith.index_cast %add3A_665 : i32 to index
          %get3A_667 = arith.constant 16 : index
          %get3A_668 = tpu.vector_load %arg24[%get3A_666, %get3A_667] {strides = array<i32>} : memref<80x64xf32, #tpu.memory_space<vmem>>, vector<16xf32>,
          %bitcast3A_669 = vector.bitcast %get3A_668 : vector<16xf32> to vector<32xbf16>
          %add3A_670 = arith.constant 40 : i32
          %add3A_671 = arith.addi %add3A_670, %add3A_605 : i32
          %get3A_672 = arith.index_cast %add3A_671 : i32 to index
          %get3A_673 = arith.constant 32 : index
          %get3A_674 = tpu.vector_load %arg24[%get3A_672, %get3A_673] {strides = array<i32>} : memref<80x64xf32, #tpu.memory_space<vmem>>, vector<16xf32>,
          %bitcast3A_675 = vector.bitcast %get3A_674 : vector<16xf32> to vector<32xbf16>
          %add3A_676 = arith.constant 40 : i32
          %add3A_677 = arith.addi %add3A_676, %add3A_605 : i32
          %get3A_678 = arith.index_cast %add3A_677 : i32 to index
          %get3A_679 = arith.constant 48 : index
          %get3A_680 = tpu.vector_load %arg24[%get3A_678, %get3A_679] {strides = array<i32>} : memref<80x64xf32, #tpu.memory_space<vmem>>, vector<16xf32>,
          %bitcast3A_681 = vector.bitcast %get3A_680 : vector<16xf32> to vector<32xbf16>
          %mul3A_682 = arith.mulf %bitcast3A_645, %bitcast3A_626 : vector<32xbf16>
          %mul3A_683 = arith.mulf %mul3A_682, %bitcast3A_675 : vector<32xbf16>
          %mul3A_684 = arith.mulf %bitcast3A_663, %bitcast3A_636 : vector<32xbf16>
          %mul3A_685 = arith.mulf %mul3A_684, %bitcast3A_653 : vector<32xbf16>
          %unpack3A_686 = tpu.unpack_subelements %mul3A_683, 0 {pack_format = #tpu.pack_format<interleaved>} : vector<32xbf16> -> vector<16xf32>
          %unpack3A_687 = tpu.unpack_subelements %mul3A_683, 1 {pack_format = #tpu.pack_format<interleaved>} : vector<32xbf16> -> vector<16xf32>
          %unpack3A_688 = tpu.unpack_subelements %mul3A_685, 0 {pack_format = #tpu.pack_format<interleaved>} : vector<32xbf16> -> vector<16xf32>
          %unpack3A_689 = tpu.unpack_subelements %mul3A_685, 1 {pack_format = #tpu.pack_format<interleaved>} : vector<32xbf16> -> vector<16xf32>
          %mul3A_690 = arith.mulf %bitcast3A_649, %bitcast3A_631 : vector<32xbf16>
          %mul3A_691 = arith.mulf %mul3A_690, %bitcast3A_681 : vector<32xbf16>
          %mul3A_692 = arith.mulf %bitcast3A_669, %bitcast3A_641 : vector<32xbf16>
          %mul3A_693 = arith.mulf %mul3A_692, %bitcast3A_657 : vector<32xbf16>
          %unpack3A_694 = tpu.unpack_subelements %mul3A_691, 0 {pack_format = #tpu.pack_format<interleaved>} : vector<32xbf16> -> vector<16xf32>
          %unpack3A_695 = tpu.unpack_subelements %mul3A_691, 1 {pack_format = #tpu.pack_format<interleaved>} : vector<32xbf16> -> vector<16xf32>
          %unpack3A_696 = tpu.unpack_subelements %mul3A_693, 0 {pack_format = #tpu.pack_format<interleaved>} : vector<32xbf16> -> vector<16xf32>
          %unpack3A_697 = tpu.unpack_subelements %mul3A_693, 1 {pack_format = #tpu.pack_format<interleaved>} : vector<32xbf16> -> vector<16xf32>
          %add3A_698 = arith.addf %unpack3A_686, %unpack3A_687 : vector<16xf32>
          %add3A_699 = arith.addf %unpack3A_688, %unpack3A_689 : vector<16xf32>
          %add3A_700 = arith.addf %unpack3A_694, %unpack3A_695 : vector<16xf32>
          %add3A_701 = arith.addf %unpack3A_696, %unpack3A_697 : vector<16xf32>
          %add3A_702 = arith.addf %add3A_698, %add3A_699 : vector<16xf32>
          %add3A_703 = arith.addf %add3A_700, %add3A_701 : vector<16xf32>
          %add3A_704 = arith.addf %add3A_702, %add3A_703 : vector<16xf32>
          %reduce_sum3A_705 = arith.constant true
          %reduce_sum3A_706 = vector.broadcast %reduce_sum3A_705 : i1 to vector<16xi1>
          %reduce_sum3A_707 = tpu.scan <sum>, %add3A_704 masked %reduce_sum3A_706 : vector<16xf32>, vector<16xi1> -> vector<16xf32>
          %reduce_sum3A_708 = vector.extract %reduce_sum3A_707[15] : f32 from vector<16xf32>
          %broadcast_in_dim3A_709 = vector.broadcast %reduce_sum3A_708 : f32 to vector<16xf32>
          %eq3A_710 = arith.constant 3 : i32
          %eq3A_711 = vector.broadcast %eq3A_710 : i32 to vector<16xi32>
          %eq3A_712 = arith.cmpi eq, %iota3A, %eq3A_711 : vector<16xi32>
          %select_n3A_713 = arith.select %eq3A_712, %broadcast_in_dim3A_709, %select_n3A_601 : vector<16xi1>, vector<16xf32>
          %mul3A_714 = arith.constant 5.000000e-01 : f32
          %mul3A_715 = vector.broadcast %mul3A_714 : f32 to vector<16xf32>
          %mul3A_716 = arith.mulf %mul3A_715, %select_n3A_713 : vector<16xf32>
          %jit3A = arith.constant -2.000000e+01 : f32
          %jit3A_717 = arith.constant 2.000000e+01 : f32
          %max3A = vector.broadcast %jit3A : f32 to vector<16xf32>
          %max3A_718 = arith.maximumf %max3A, %mul3A_716 : vector<16xf32>
          %min3A = vector.broadcast %jit3A_717 : f32 to vector<16xf32>
          %min3A_719 = arith.minimumf %min3A, %max3A_718 : vector<16xf32>
          %mul3A_720 = arith.constant 4 : i32
          %mul3A_721 = arith.muli %scan3A_268, %mul3A_720 : i32
          %add3A_722 = vector.broadcast %mul3A_721 : i32 to vector<16xi32>
          %add3A_723 = arith.addi %add3A_722, %iota3A : vector<16xi32>
          tpu.vector_store_idx %arg20[%add3A_723], %min3A_719 masked %lt3A_4 : memref<40xf32, #tpu.memory_space<vmem>>[vector<16xi32>], vector<16xf32>, vector<16xi1>
        }
        %scan3A_265 = arith.constant 10 : i32
        %dma_start3A_266 = tpu.memref_slice %arg7[%add3A_233] : memref<320000xf32, #tpu.memory_space<hbm>> -> memref<40xf32, #tpu.memory_space<hbm>>
        %dma_start3A_267 = tpu.memref_slice %arg7[%add3A_233] : memref<320000xf32, #tpu.memory_space<hbm>> -> memref<40xf32, #tpu.memory_space<hbm>>
        tpu.enqueue_dma source(%arg20 : memref<40xf32, #tpu.memory_space<vmem>>) target(%dma_start3A_267 : memref<40xf32, #tpu.memory_space<hbm>>) target_semaphore(%arg36 : memref<!tpu.dma_semaphore, #tpu.memory_space<semaphore_mem>>)
      } else {
      }
      %add3A_246 = arith.constant 4 : i32
      %add3A_247 = arith.addi %add3A_230, %add3A_246 : i32
      %lt3A_248 = arith.constant 250 : i32
      %lt3A_249 = arith.cmpi slt, %add3A_247, %lt3A_248 : i32
      %convert_element_type3A_250 = arith.extui %lt3A_249 : i1 to i32
      %cond3A_251 = arith.constant 0 : i32
      %cond3A_252 = arith.cmpi ne, %convert_element_type3A_250, %cond3A_251 : i32
      scf.if %cond3A_252 {
        %add3A_253 = arith.constant 4 : i32
        %add3A_254 = arith.addi %add3A_230, %add3A_253 : i32
        %mul3A_255 = arith.constant 40 : i32
        %mul3A_256 = arith.muli %add3A_254, %mul3A_255 : i32
        %add3A_257 = arith.addi %mul3A_2, %mul3A_256 : i32
        %dma_start3A_258 = arith.constant 0 : i32
        %dma_start3A_259 = tpu.memref_slice %arg12[%dma_start3A_258] : memref<80xi32, #tpu.memory_space<vmem>> -> memref<40xi32, #tpu.memory_space<vmem>>
        %dma_start3A_260 = tpu.memref_slice %arg4[%add3A_257] : memref<320000xi32, #tpu.memory_space<hbm>> -> memref<40xi32, #tpu.memory_space<hbm>>
        %dma_start3A_261 = arith.constant 0 : i32
        %dma_start3A_262 = tpu.memref_slice %arg12[%dma_start3A_261] : memref<80xi32, #tpu.memory_space<vmem>> -> memref<40xi32, #tpu.memory_space<vmem>>
        %dma_start3A_263 = tpu.memref_slice %arg4[%add3A_257] : memref<320000xi32, #tpu.memory_space<hbm>> -> memref<40xi32, #tpu.memory_space<hbm>>
        tpu.enqueue_dma source(%dma_start3A_263 : memref<40xi32, #tpu.memory_space<hbm>>) target(%dma_start3A_262 : memref<40xi32, #tpu.memory_space<vmem>>) target_semaphore(%arg32 : memref<!tpu.dma_semaphore, #tpu.memory_space<semaphore_mem>>)
        %dma_start3A_264 = arith.constant 40 : i32
        %dma_start3A_265 = tpu.memref_slice %arg12[%dma_start3A_264] : memref<80xi32, #tpu.memory_space<vmem>> -> memref<40xi32, #tpu.memory_space<vmem>>
        %dma_start3A_266 = tpu.memref_slice %arg5[%add3A_257] : memref<320000xi32, #tpu.memory_space<hbm>> -> memref<40xi32, #tpu.memory_space<hbm>>
        %dma_start3A_267 = arith.constant 40 : i32
        %dma_start3A_268 = tpu.memref_slice %arg12[%dma_start3A_267] : memref<80xi32, #tpu.memory_space<vmem>> -> memref<40xi32, #tpu.memory_space<vmem>>
        %dma_start3A_269 = tpu.memref_slice %arg5[%add3A_257] : memref<320000xi32, #tpu.memory_space<hbm>> -> memref<40xi32, #tpu.memory_space<hbm>>
        tpu.enqueue_dma source(%dma_start3A_269 : memref<40xi32, #tpu.memory_space<hbm>>) target(%dma_start3A_268 : memref<40xi32, #tpu.memory_space<vmem>>) target_semaphore(%arg32 : memref<!tpu.dma_semaphore, #tpu.memory_space<semaphore_mem>>)
        %dma_start3A_270 = arith.constant 0 : i32
        %dma_start3A_271 = tpu.memref_slice %arg16[%dma_start3A_270] : memref<56xi32, #tpu.memory_space<vmem>> -> memref<40xi32, #tpu.memory_space<vmem>>
        %dma_start3A_272 = tpu.memref_slice %arg6[%add3A_257] : memref<320000xi32, #tpu.memory_space<hbm>> -> memref<40xi32, #tpu.memory_space<hbm>>
        %dma_start3A_273 = arith.constant 0 : i32
        %dma_start3A_274 = tpu.memref_slice %arg16[%dma_start3A_273] : memref<56xi32, #tpu.memory_space<vmem>> -> memref<40xi32, #tpu.memory_space<vmem>>
        %dma_start3A_275 = tpu.memref_slice %arg6[%add3A_257] : memref<320000xi32, #tpu.memory_space<hbm>> -> memref<40xi32, #tpu.memory_space<hbm>>
        tpu.enqueue_dma source(%dma_start3A_275 : memref<40xi32, #tpu.memory_space<hbm>>) target(%dma_start3A_274 : memref<40xi32, #tpu.memory_space<vmem>>) target_semaphore(%arg32 : memref<!tpu.dma_semaphore, #tpu.memory_space<semaphore_mem>>)
      } else {
      }
    }
    %scan3A_133 = arith.constant 63 : i32
    %add3A_134 = arith.constant 9840 : i32
    %add3A_135 = arith.addi %mul3A_2, %add3A_134 : i32
    %dma_wait3A_136 = tpu.memref_slice %arg7[%add3A_135] : memref<320000xf32, #tpu.memory_space<hbm>> -> memref<40xf32, #tpu.memory_space<hbm>>
    %dma_wait3A_137 = tpu.memref_slice %arg7[%add3A_135] : memref<320000xf32, #tpu.memory_space<hbm>> -> memref<40xf32, #tpu.memory_space<hbm>>
    tpu.wait_dma2 semaphore(%arg35 : memref<!tpu.dma_semaphore, #tpu.memory_space<semaphore_mem>>) src(%arg19 : memref<40xf32, #tpu.memory_space<vmem>>) dst(%dma_wait3A_137 : memref<40xf32, #tpu.memory_space<hbm>>)
    %add3A_138 = arith.constant 9880 : i32
    %add3A_139 = arith.addi %mul3A_2, %add3A_138 : i32
    %dma_wait3A_140 = tpu.memref_slice %arg7[%add3A_139] : memref<320000xf32, #tpu.memory_space<hbm>> -> memref<40xf32, #tpu.memory_space<hbm>>
    %dma_wait3A_141 = tpu.memref_slice %arg7[%add3A_139] : memref<320000xf32, #tpu.memory_space<hbm>> -> memref<40xf32, #tpu.memory_space<hbm>>
    tpu.wait_dma2 semaphore(%arg36 : memref<!tpu.dma_semaphore, #tpu.memory_space<semaphore_mem>>) src(%arg20 : memref<40xf32, #tpu.memory_space<vmem>>) dst(%dma_wait3A_141 : memref<40xf32, #tpu.memory_space<hbm>>)
    %add3A_142 = arith.constant 9920 : i32
    %add3A_143 = arith.addi %mul3A_2, %add3A_142 : i32
    %dma_wait3A_144 = tpu.memref_slice %arg7[%add3A_143] : memref<320000xf32, #tpu.memory_space<hbm>> -> memref<40xf32, #tpu.memory_space<hbm>>
    %dma_wait3A_145 = tpu.memref_slice %arg7[%add3A_143] : memref<320000xf32, #tpu.memory_space<hbm>> -> memref<40xf32, #tpu.memory_space<hbm>>
    tpu.wait_dma2 semaphore(%arg33 : memref<!tpu.dma_semaphore, #tpu.memory_space<semaphore_mem>>) src(%arg17 : memref<40xf32, #tpu.memory_space<vmem>>) dst(%dma_wait3A_145 : memref<40xf32, #tpu.memory_space<hbm>>)
    %add3A_146 = arith.constant 9960 : i32
    %add3A_147 = arith.addi %mul3A_2, %add3A_146 : i32
    %dma_wait3A_148 = tpu.memref_slice %arg7[%add3A_147] : memref<320000xf32, #tpu.memory_space<hbm>> -> memref<40xf32, #tpu.memory_space<hbm>>
    %dma_wait3A_149 = tpu.memref_slice %arg7[%add3A_147] : memref<320000xf32, #tpu.memory_space<hbm>> -> memref<40xf32, #tpu.memory_space<hbm>>
    tpu.wait_dma2 semaphore(%arg34 : memref<!tpu.dma_semaphore, #tpu.memory_space<semaphore_mem>>) src(%arg18 : memref<40xf32, #tpu.memory_space<vmem>>) dst(%dma_wait3A_149 : memref<40xf32, #tpu.memory_space<hbm>>)
    return
  }
}

</mosaic_0001>

<sc_bundles>
// kernel: _sc_edge_score.3.cloned.1.call-start
scs
__scs_entry_jumppad:
0x0: {  	(pc) =	sbr.rel $0x88, $3  }
0x1: {  	(tag) =	ssettag $0x0;
	lr =	simm.s32 $0x1  }
0x2: {  	[smem:$0x3F9C] =	sst lr;
	_ =	strace $0xD0000000  }
0x3: {  	_ = 	snop  }
0x4: {  	_ = 	snop  }
0x5: {  	_ = 	snop  }
0x6: {  	_ = 	snop  }
0x7: {  	_ = 	snop  }
__scs_overlays_trampoline_lowered:
0x8: {  	[smem:$0x3FAB] =	sst s0  }
0x9: {  	[smem:$0x3FAC] =	sst s1  }
0xa: {  	[smem:$0x3FAD] =	sst s2  }
0xb: {  	[smem:$0x3FAE] =	sst s3  }
0xc: {  	[smem:$0x3FAF] =	sst s4  }
0xd: {  	[smem:$0x3FB0] =	sst s5  }
0xe: {  	[smem:$0x3FB1] =	sst s6  }
0xf: {  	[smem:$0x3FB2] =	sst s7  }
0x10: {  	[smem:$0x3FB3] =	sst s8  }
0x11: {  	[smem:$0x3FB4] =	sst s9;
	s0 =	simm.s32 @!p0 $0x0  }
0x12: {  	s1 =	sld [smem:$0x3F9A];
	s0 =	simm.s32 @p0 $0x1  }
0x13: {  	[smem:$0x3FB5] =	sst s0;
	s0 =	simm.s32 @!p1 $0x0  }
0x14: {  	s2 =	sld [smem:$0x3F99];
	s0 =	simm.s32 @p1 $0x1  }
0x15: {  	[smem:$0x3FB6] =	sst s0;
	s0 =	simm.s32 @!p2 $0x0  }
0x16: {  	s3 =	sld [smem:$0x3FDB];
	s0 =	simm.s32 @p2 $0x1  }
0x17: {  	s4 =	simm.s32 $0x1BF5;
	[smem:$0x3FB8] =	sst s0  }
0x18: {  	s0 =	sld [smem:$0x3F9B];
	_ =	swait.ge [sflag:s4], $0x0  }
0x19: {  	s7 =	sld [smem:$0x3F9C]  }
0x1a: {  	s8 =	sadd.s32 $0xFFFFE003, lr  }
0x1b: {  	s9 =	sadd.s32 $0xFFFFFEF7, lr;
	s5 =	simm.s32 $0xFFFFFFFF;
	p2 =	slt.u32 s8, $0xFFFFF086  }
0x1c: {  	p1 =	slt.u32 s9, $0xF7A;
	s5 =	simm.s32 @!p2 $0x0  }
0x1d: {  	s5 =	simm.s32 @p1 $0x1;
	p0 =	seq.s32 s7, s2  }
0x1e: {  	s7 =	smul.u32 @!p0 $0xF7A, s2;
	p2 =	seq.s32 @!p0 s5, $0x0  }
0x1f: {  	s9 =	smul.u32 $0xF7A, s1;
	s8 =	simm.s32 @!p0 $0x1BF5;
	p2 =	por !p2, p0  }
0x20: {  	[sflag:s8] =	ssyncset.s32 @!p0 $0xFFFFF086;
	s6 =	sadd.s32 @!p0 s3, s7;
	s7 =	simm.s32 @!p0 $0x108  }
0x21: {  	s3 =	sadd.s32 s3, s9;
	s6 =	sadd.s32 @!p0 $0x88, s6;
	s7 =	simm.s32 @p2 $0x1082  }
0x22: {  	[simem:s7], [sflag:s8] =	dma.local @!p0 [hbm:s6], $0xF7A  }
0x23: {  	s9 =	sor.u32 $0xD0000000, s2;
	s6 =	simm.s32 $0x108;
	_ =	swait.ge @!p0 [sflag:s8], $0x0  }
0x24: {  	s3 =	sadd.s32 $0x88, s3;
	s6 =	simm.s32 @!p1 $0x1082;
	[sflag:s4] =	ssyncset.s32 $0xFFFFF086  }
0x25: {  	[simem:s6], [sflag:s4] =	dma.local [hbm:s3], $0xF7A  }
0x26: {  	[smem:$0x3F9C] =	sst s1;
	(tag) =	ssettag s2;
	_ =	strace s9  }
0x27: {  	s1 =	sld [smem:$0x3FAC]  }
0x28: {  	s2 =	sld [smem:$0x3FAD]  }
0x29: {  	s4 =	sld [smem:$0x3FAF]  }
0x2a: {  	p0 =	seq.s32 s5, $0x0;
	s5 =	sld [smem:$0x3FB0]  }
0x2b: {  	s6 =	sld [smem:$0x3FB1]  }
0x2c: {  	s7 =	sld [smem:$0x3FB2]  }
0x2d: {  	s3 =	simm.s32 $0x108;
	s8 =	sld [smem:$0x3FB3]  }
0x2e: {  	s3 =	simm.s32 @!p0 $0x1082;
	s9 =	sld [smem:$0x3FB4]  }
0x2f: {  	lr =	sadd.s32 s0, s3;
	s0 =	sld [smem:$0x3FAB]  }
0x30: {  	s3 =	sld [smem:$0x3FAE]  }
0x31: {  	[smem:$0x3FB7] =	sst s10  }
0x32: {  	s10 =	sld [smem:$0x3FB5];
	_ =	sdelay $0x3  }
0x33: {  	p0 =	seq.s32 s10, $0x1;
	s10 =	sld [smem:$0x3FB7];
	_ =	sdelay $0x3  }
0x34: {  	[smem:$0x3FB7] =	sst s10  }
0x35: {  	s10 =	sld [smem:$0x3FB6];
	_ =	sdelay $0x3  }
0x36: {  	p1 =	seq.s32 s10, $0x1;
	s10 =	sld [smem:$0x3FB7];
	_ =	sdelay $0x3  }
0x37: {  	[smem:$0x3FB7] =	sst s10  }
0x38: {  	s10 =	sld [smem:$0x3FB8]  }
0x39: {  	_ = 	snop;
	(pc) =	sbr.ind lr, $3  }
0x3a: {  	_ = 	snop  }
0x3b: {  	_ = 	snop  }
0x3c: {  	p2 =	seq.s32 s10, $0x1;
	s10 =	sld [smem:$0x3FB7]  }
0x3d: {  	_ =	shalt  }
0x3e: {  	_ =	shalt  }
0x3f: {  	_ =	shalt  }
0x40: {  	_ =	shalt  }
0x41: {  	_ =	shalt  }
0x42: {  	_ =	shalt  }
0x43: {  	_ =	shalt  }
0x44: {  	_ =	shalt  }
0x45: {  	_ =	shalt  }
0x46: {  	_ =	shalt  }
0x47: {  	_ =	shalt  }
0x48: {  	_ =	shalt  }
0x49: {  	_ =	shalt  }
0x4a: {  	_ =	shalt  }
0x4b: {  	_ =	shalt  }
0x4c: {  	_ =	shalt  }
0x4d: {  	_ =	shalt  }
0x4e: {  	_ =	shalt  }
0x4f: {  	_ =	shalt  }
0x50: {  	_ =	shalt  }
0x51: {  	_ =	shalt  }
0x52: {  	_ =	shalt  }
0x53: {  	_ =	shalt  }
0x54: {  	_ =	shalt  }
0x55: {  	_ =	shalt  }
0x56: {  	_ =	shalt  }
0x57: {  	_ =	shalt  }
0x58: {  	_ =	shalt  }
0x59: {  	_ =	shalt  }
0x5a: {  	_ =	shalt  }
0x5b: {  	_ =	shalt  }
0x5c: {  	_ =	shalt  }
0x5d: {  	_ =	shalt  }
0x5e: {  	_ =	shalt  }
0x5f: {  	_ =	shalt  }
0x60: {  	_ =	shalt  }
0x61: {  	_ =	shalt  }
0x62: {  	_ =	shalt  }
0x63: {  	_ =	shalt  }
0x64: {  	_ =	shalt  }
0x65: {  	_ =	shalt  }
0x66: {  	_ =	shalt  }
0x67: {  	_ =	shalt  }
0x68: {  	_ =	shalt  }
0x69: {  	_ =	shalt  }
0x6a: {  	_ =	shalt  }
0x6b: {  	_ =	shalt  }
0x6c: {  	_ =	shalt  }
0x6d: {  	_ =	shalt  }
0x6e: {  	_ =	shalt  }
0x6f: {  	_ =	shalt  }
0x70: {  	_ =	shalt  }
0x71: {  	_ =	shalt  }
0x72: {  	_ =	shalt  }
0x73: {  	_ =	shalt  }
0x74: {  	_ =	shalt  }
0x75: {  	_ =	shalt  }
0x76: {  	_ =	shalt  }
0x77: {  	_ =	shalt  }
0x78: {  	_ =	shalt  }
0x79: {  	_ =	shalt  }
0x7a: {  	_ =	shalt  }
0x7b: {  	_ =	shalt  }
0x7c: {  	_ =	shalt  }
0x7d: {  	_ =	shalt  }
0x7e: {  	_ =	shalt  }
0x7f: {  	_ =	shalt  }
0x80: {  	_ =	shalt  }
0x81: {  	_ =	shalt  }
0x82: {  	_ =	shalt  }
0x83: {  	_ =	shalt  }
0x84: {  	_ =	shalt  }
0x85: {  	_ =	shalt  }
0x86: {  	_ =	shalt  }
0x87: {  	_ =	shalt  }
.Lfunc_end0:
.L_simem_size_0:
called_computation_lowered:
.L_overlay_start_0:
0x88: {  	s2 =	sld [smem:$0x3FD9]  }
0x89: {  	s3 =	sld [smem:$0x3FFE];
	_ =	sdelay $0x1  }
0x8a: {  	s1 =	srdreg.scid  }
0x8b: {  	s0 =	sand.u32 $0x1, s1  }
0x8c: {  	s17 =	sshll.u32 s0, $0xA;
	s2 =	sadd.s32 s3, s2  }
0x8d: {  	s2 =	sadd.s32 s2, s17  }
0x8e: {  	[smem:$0x3FC3] =	sst s2  }
0x8f: {  	_ = 	snop  }
0x90: {  	s2 =	sld [smem:$0x3FC8]  }
0x91: {  	s18 =	sld [smem:$0x3FC7]  }
0x92: {  	s4 =	sld [smem:$0x3FC6]  }
0x93: {  	s5 =	sld [smem:$0x3FC5]  }
0x94: {  	s6 =	sld [smem:$0x3FD0];
	(tm) =	ssettm $0x1  }
0x95: {  	s7 =	sld [smem:$0x3FFB];
	_ =	sdelay $0x3  }
0x96: {  	_ =	strace s7  }
0x97: {  	s7 =	sld [smem:$0x3FFC];
	_ =	sdelay $0x3  }
0x98: {  	_ =	strace s7  }
0x99: {  	s7 =	sld [smem:$0x3FFD];
	_ =	sdelay $0x3  }
0x9a: {  	_ =	strace s7  }
0x9b: {  	_ =	strace $0x8FFFFFFF  }
0x9c: {  	s19 =	sld [smem:$0x3FDB];
	_ =	sdelay $0x1  }
0x9d: {  	s8 =	simm.s32 $_scs_section_size  }
0x9e: {  	s9 =	simm.s32 $_size__tile_overlayer_lowered;
	s10 =	simm.s32 $_tile_overlayer_lowered  }
0x9f: {  	s22 =	simm.s32 $0x1BFF;
	s21 =	sshll.u32 s10, $0x1;
	s7 =	sadd.s32 s8, s19  }
0xa0: {  	s11 =	simm.s32 $0x0;
	s20 =	sshll.u32 s9, $0x1;
	s9 =	sadd.s32 s21, s7  }
0xa1: {  	[timem:s11], [sflag:s22] =	dma.local [hbm:s9], s20  }
0xa2: {  	_ =	swait.ge [sflag:s22], s20  }
0xa3: {  	s8 =	ssub.s32 $0x0, s20;
	[sflag:s22] =	ssyncset.done $0x0  }
0xa4: {  	[sflag:s22] =	ssyncadd.s32 s8;
	_ =	sdelay $0x1  }
0xa5: {  	s23 =	simm.s32 $0x1B8B  }
0xa6: {  	_ =	swait.ge [sflag:s23], $0x1  }
0xa7: {  	[sflag:s23] =	ssyncset.done $0x0  }
0xa8: {  	s25 =	simm.s32 $0x1B8E;
	s24 =	sld [smem:$0x3FFE];
	[sflag:s23] =	ssyncadd.s32 $0xFFFFFFFF  }
0xa9: {  	s26 =	simm.s32 $execute0_lowered;
	[smem:$0x3FD2] =	sst s25  }
0xaa: {  	s9 =	sshll.u32 s26, $0x1;
	_ =	strace $0x80000046;
	[dreg:$0x1] =	wrdreg $0xFFFFFFFF  }
0xab: {  	s28 =	simm.s32 $_size_execute0_lowered;
	s7 =	sadd.s32 s7, s9;
	[dreg:$0x0] =	wrdreg $0x0  }
0xac: {  	s9 =	sshll.u32 s28, $0x1;
	[dreg:$0x2] =	wrdreg s7  }
0xad: {  	[dreg:$0x3] =	wrdreg s9  }
0xae: {  	[dreg:$0x4] =	wrdreg $0xC0  }
0xaf: {  	_ =	task [dreg:s11], $0x5FFFF  }
0xb0: {  	[dreg:$0x1] =	wrdreg $0xFFFFFFFF  }
0xb1: {  	[dreg:$0x0] =	wrdreg $0x60  }
0xb2: {  	[dreg:$0x2] =	wrdreg s24  }
0xb3: {  	[dreg:$0x3] =	wrdreg s2  }
0xb4: {  	[dreg:$0x4] =	wrdreg s18  }
0xb5: {  	[dreg:$0x5] =	wrdreg s4  }
0xb6: {  	[dreg:$0x6] =	wrdreg s5  }
0xb7: {  	[dreg:$0x7] =	wrdreg s6  }
0xb8: {  	[dreg:$0x8] =	wrdreg $0x9  }
0xb9: {  	_ =	task.clear_ibuf [dreg:s11], $0x9FFFF;
	_ =	strace $0x90000046  }
0xba: {  	s29 =	simm.s32 $0x9;
	_ =	strace $0x80000048  }
0xbb: {  	_ =	swait.ge [sflag:s29], $0x1  }
0xbc: {  	[sflag:s29] =	ssyncadd.s32 $0xFFFFFFFF  }
0xbd: {  	_ =	strace $0x90000048  }
0xbe: {  	_ =	sfence  }
0xbf: {  	s30 =	sld [smem:$0x0];
	_ =	sdelay $0x2  }
0xc0: {  	s31 =	sshll.u32 s1, $0xD;
	s1 =	sshrl.u32 s1, $0x2  }
0xc1: {  	s3 =	sand.u32 $0x4000, s31;
	s1 =	sadd.s32 s1, s30  }
0xc2: {  	s0 =	sor.u32 s3, s0;
	s1 =	sshll.u32 s1, $0x11  }
0xc3: {  	s0 =	sor.u32 s1, s0  }
0xc4: {  	s0 =	sadd.s32 $0x8F2B, s0  }
0xc5: {  	[sflag:s0] =	ssyncadd.remote.s32 $0x1  }
0xc6: {  	_ =	sfence.sel $0xFFFF  }
0xc7: {  	[dreg:$0x0] =	wrdreg $0xFFFFFFFF;
	(pc) =	sbr.abs _section_cstart, $3  }
0xc8: {  	[dreg:$0x1] =	wrdreg $0xFFFFFFFF  }
0xc9: {  	_ =	task.clear_ibuf [dreg:s11], $0x2FFFF;
	_ =	strace $0x9FFFFFFF  }
0xca: {  	(tm) =	ssettm $0x7FFFFFFF  }
0xcb: {  	_ =	shalt  }
tec
execute0_lowered:
.L_overlay_start_1:
0x0: {  	(tag) =	ssettag $0x1  }
0x1: {  	s0 =	rddreg [dreg:$0x0]  }
0x2: {  	s2 =	rddreg [dreg:$0x2]  }
0x3: {  	s1 =	srdreg.scid;
	s4 =	stileid.u32  }
0x4: {  	s3 =	rddreg [dreg:$0x3];
	s1 =	sand.u32 $0x1, s1;
	s4 =	sshll.u32 s4, $0x1  }
0x5: {  	s5 =	rddreg [dreg:$0x4];
	s4 =	sor.u32 s1, s4  }
0x6: {  	s6 =	rddreg [dreg:$0x5];
	s7 =	simm.s32 $0x0;
	s8 =	smul.u32 $0x2710, s4  }
0x7: {  	[smem:$0x7FF] =	sst s7;
	s9 =	sadd.s32 $0x400, s0;
	s13 =	ssub.s32 $0x2, s1  }
0x8: {  	_ =	strace $0x80000047;
	s1 =	sshrl.u32 s13, $0x1;
	s10 =	sadd.s32 $0x28, s8  }
0x9: {  	s0 =	ssub.s32 s13, s1;
	s26 =	sadd.s32 $0xA0, s8;
	[dreg:$0x7] =	wrdreg s10  }
0xa: {  	s0 =	smax.u32 s0, $0x1;
	[dreg:$0x14] =	wrdreg s26  }
0xb: {  	s4 =	sshrl.u32 s8, $0x3;
	s28 =	sadd.s32 $0xF0, s8;
	[dreg:$0x15] =	wrdreg s0  }
0xc: {  	s14 =	sadd.s32 s2, s4;
	[dreg:$0x16] =	wrdreg s28  }
0xd: {  	s30 =	simm.s32 $0xFC70;
	s16 =	sadd.s32 s3, s4;
	[dreg:$0x8] =	wrdreg s14  }
0xe: {  	s15 =	sshrl.u32 s10, $0x3;
	s17 =	sadd.s32 s5, s4;
	[dreg:$0x9] =	wrdreg s16  }
0xf: {  	s20 =	sadd.s32 $0x78, s8;
	[dreg:$0xa] =	wrdreg s17;
	s18 =	sadd.s32 s2, s15  }
0x10: {  	s31 =	sadd.s32 $0x26E8, s8;
	s19 =	sadd.s32 s3, s15;
	[dreg:$0xb] =	wrdreg s18  }
0x11: {  	s4 =	sadd.s32 $0xA, s4;
	s1 =	sadd.s32 s5, s15;
	[dreg:$0xc] =	wrdreg s19  }
0x12: {  	s29 =	sadd.s32 $0x118, s8;
	s21 =	sadd.s32 s2, s4;
	[dreg:$0xd] =	wrdreg s1  }
0x13: {  	s22 =	sshrl.u32 s20, $0x3;
	s23 =	sadd.s32 s3, s4;
	[dreg:$0xe] =	wrdreg s21  }
0x14: {  	s26 =	sadd.s32 $0xC8, s8;
	s4 =	sadd.s32 s5, s4;
	[dreg:$0xf] =	wrdreg s23  }
0x15: {  	s20 =	simm.s32 $0x2;
	s24 =	sadd.s32 s2, s22;
	[dreg:$0x10] =	wrdreg s4  }
.Ltmp0:
0x16: {  	s25 =	sadd.s32 s3, s22;
	[dreg:$0x11] =	wrdreg s24;
	(pc) =	sbr.rel .LBB2_1-.Ltmp0, $4  }
0x17: {  	v0 =	vlaneseq.u32;
	v1 =	vimm.s32 $0x0;
	vm0 =	vmmov $0x1;
	s16 =	simm.s32 $0x6;
	s14 =	simm.s32 $0x4;
	[dreg:$0x12] =	wrdreg s25  }
0x18: {  	v5 =	vimm.s32 $0x1;
	vm1 =	vcmask $0x310;
	v6 =	vimm.s32 $0x2;
	s1 =	sadd.s32 s5, s22;
	s18 =	simm.s32 $0x1;
	s19 =	simm.s32 $0xFC20  }
0x19: {  	vm2 =	vcmask $0x710;
	v7 =	vimm.s32 $0x3;
	vm3 =	vcmask $0xB10;
	s21 =	simm.s32 $0xA;
	s22 =	simm.s32 $0xFC48;
	s25 =	simm.s32 $0x3  }
0x1a: {  	v2 =	vor.u32 $0x10, v0;
	v3 =	vor.u32 $0x20, v0;
	v4 =	vor.u32 $0x30, v0;
	s4 =	simm.s32 $0xFC98;
	[dreg:$0x13] =	wrdreg s1;
	s1 =	simm.s32 $0x0  }
.LBB2_23:
0x1b: {  	s0 =	simm.s32 $0xB  }
0x1c: {  	_ =	swait.ge [sflag:s0], $0x28  }
0x1d: {  	[sflag:s0] =	ssyncset.done $0x0  }
0x1e: {  	s23 =	simm.s32 $0xC;
	[sflag:s0] =	ssyncadd.s32 $0xFFFFFFD8  }
0x1f: {  	_ =	swait.ge [sflag:s23], $0x28  }
0x20: {  	[sflag:s23] =	ssyncset.done $0x0  }
0x21: {  	s24 =	simm.s32 $0x9;
	[sflag:s23] =	ssyncadd.s32 $0xFFFFFFD8  }
0x22: {  	_ =	swait.ge [sflag:s24], $0x28  }
0x23: {  	[sflag:s24] =	ssyncset.done $0x0  }
0x24: {  	[sflag:s24] =	ssyncadd.s32 $0xFFFFFFD8  }
0x25: {  	_ =	swait.ge [sflag:s21], $0x28  }
0x26: {  	s1 =	rddreg [dreg:$0x17]  }
0x27: {  	s28 =	rddreg [dreg:$0x15];
	s1 =	sadd.s32 $0x1, s1  }
0x28: {  	p0 =	sne.s32 s1, s28  }
.Ltmp1:
0x29: {  	_ = 	snop;
	(pc) =	sbr.rel @!p0 .LBB2_24-.Ltmp1, $3  }
0x2a: {  	_ =	sdelay $0x1  }
0x2b: {  	[sflag:s21] =	ssyncset.done $0x0  }
0x2c: {  	[sflag:s21] =	ssyncadd.s32 $0xFFFFFFD8  }
.LBB2_1:
0x2d: {  	[dreg:$0x17] =	wrdreg s1  }
0x2e: {  	s0 =	rddreg [dreg:$0x1];
	s10 =	simm.s32 $0xD  }
0x2f: {  	[tilespmem:s7], [sflag:$0xD] =	stream.linear.gather [hbm4b:s0+s7], $0xFA00, $0x38;
	[tilespmem:$0x14CC0] =	vst v63  }
0x30: {  	_ =	swait.ge [sflag:s10], $0xFA00  }
0x31: {  	[sflag:s10] =	ssyncset.done $0x0  }
0x32: {  	s1 =	simm.s32 $0xFA00;
	s11 =	rddreg [dreg:$0x8];
	[sflag:s10] =	ssyncadd.s32 $0xFFFF0600  }
0x33: {  	[tilespmem:s1], [sflag:$0x5] =	stream.linear.gather [hbm4b:s11+s7], $0x28, $0x38;
	[tilespmem:$0x14CC0] =	vst v63  }
0x34: {  	s12 =	rddreg [dreg:$0x9];
	s10 =	simm.s32 $0xFA28  }
0x35: {  	[tilespmem:s10], [sflag:$0x5] =	stream.linear.gather [hbm4b:s12+s7], $0x28, $0x38;
	[tilespmem:$0x14CC0] =	vst v63  }
0x36: {  	s15 =	simm.s32 $0xFB40;
	s13 =	rddreg [dreg:$0xa]  }
0x37: {  	[tilespmem:s15], [sflag:$0x5] =	stream.linear.gather [hbm4b:s13+s7], $0x28, $0x38;
	[tilespmem:$0x14CC0] =	vst v63  }
0x38: {  	s17 =	rddreg [dreg:$0xb];
	s10 =	simm.s32 $0xFA50  }
0x39: {  	[tilespmem:s10], [sflag:$0x6] =	stream.linear.gather [hbm4b:s17+s7], $0x28, $0x38;
	[tilespmem:$0x14CC0] =	vst v63  }
0x3a: {  	s23 =	rddreg [dreg:$0xc];
	s11 =	simm.s32 $0xFA78  }
0x3b: {  	[tilespmem:s11], [sflag:$0x6] =	stream.linear.gather [hbm4b:s23+s7], $0x28, $0x38;
	[tilespmem:$0x14CC0] =	vst v63  }
0x3c: {  	s28 =	simm.s32 $0xFB78;
	s24 =	rddreg [dreg:$0xd]  }
0x3d: {  	[tilespmem:s28], [sflag:$0x6] =	stream.linear.gather [hbm4b:s24+s7], $0x28, $0x38;
	[tilespmem:$0x14CC0] =	vst v63  }
0x3e: {  	s12 =	simm.s32 $0xFAA0;
	s11 =	rddreg [dreg:$0xe]  }
0x3f: {  	[tilespmem:s12], [sflag:$0x7] =	stream.linear.gather [hbm4b:s11+s7], $0x28, $0x38;
	[tilespmem:$0x14CC0] =	vst v63  }
0x40: {  	s13 =	rddreg [dreg:$0xf];
	s15 =	simm.s32 $0xFAC8  }
0x41: {  	[tilespmem:s15], [sflag:$0x7] =	stream.linear.gather [hbm4b:s13+s7], $0x28, $0x38;
	[tilespmem:$0x14CC0] =	vst v63  }
0x42: {  	s17 =	rddreg [dreg:$0x10];
	s23 =	simm.s32 $0xFBB0  }
0x43: {  	[tilespmem:s23], [sflag:$0x7] =	stream.linear.gather [hbm4b:s17+s7], $0x28, $0x38;
	[tilespmem:$0x14CC0] =	vst v63  }
0x44: {  	s24 =	rddreg [dreg:$0x11];
	s28 =	simm.s32 $0xFAF0  }
0x45: {  	[tilespmem:s28], [sflag:$0x8] =	stream.linear.gather [hbm4b:s24+s7], $0x28, $0x38;
	[tilespmem:$0x14CC0] =	vst v63  }
0x46: {  	s11 =	rddreg [dreg:$0x12];
	s12 =	simm.s32 $0xFB18  }
0x47: {  	[tilespmem:s12], [sflag:$0x8] =	stream.linear.gather [hbm4b:s11+s7], $0x28, $0x38;
	[tilespmem:$0x14CC0] =	vst v63  }
0x48: {  	s13 =	rddreg [dreg:$0x13];
	s15 =	simm.s32 $0xFBE8;
	s17 =	simm.s32 $0x5  }
0x49: {  	[tilespmem:s15], [sflag:$0x8] =	stream.linear.gather [hbm4b:s13+s7], $0x28, $0x38;
	[tilespmem:$0x14CC0] =	vst v63  }
0x4a: {  	_ =	swait.ge [sflag:s17], $0x28  }
0x4b: {  	[sflag:s17] =	ssyncset.done $0x0  }
0x4c: {  	[sflag:s17] =	ssyncadd.s32 $0xFFFFFFD8  }
0x4d: {  	_ =	swait.ge [sflag:s17], $0x28  }
0x4e: {  	[sflag:s17] =	ssyncset.done $0x0  }
0x4f: {  	[sflag:s17] =	ssyncadd.s32 $0xFFFFFFD8  }
0x50: {  	_ =	swait.ge [sflag:s17], $0x28  }
0x51: {  	[sflag:s17] =	ssyncset.done $0x0  }
0x52: {  	s23 =	simm.s32 $0x50;
	s24 =	simm.s32 $0xFCC0;
	[sflag:s17] =	ssyncadd.s32 $0xFFFFFFD8  }
0x53: {  	[tilespmem:s24], [sflag:$0x1] =	stream.indirect.gather [hbm4b:s9+s23], $0x40, s1, s23, $0xb8;
	[tilespmem:$0x14CC0] =	vst v63  }
0x54: {  	_ =	swait.ge [sflag:s16], $0x28  }
0x55: {  	[sflag:s16] =	ssyncset.done $0x0  }
0x56: {  	[sflag:s16] =	ssyncadd.s32 $0xFFFFFFD8  }
0x57: {  	_ =	swait.ge [sflag:s16], $0x28  }
0x58: {  	[sflag:s16] =	ssyncset.done $0x0  }
.Ltmp2:
0x59: {  	[sflag:s16] =	ssyncadd.s32 $0xFFFFFFD8;
	(pc) =	sbr.rel .LBB2_2-.Ltmp2, $4  }
0x5a: {  	_ =	swait.ge [sflag:s16], $0x28  }
0x5b: {  	[sflag:s16] =	ssyncset.done $0x0  }
0x5c: {  	s28 =	simm.s32 $0x110C0;
	s1 =	simm.s32 $0x0;
	[sflag:s16] =	ssyncadd.s32 $0xFFFFFFD8  }
0x5d: {  	[tilespmem:s28], [sflag:$0x2] =	stream.indirect.gather [hbm4b:s9+s23], $0x40, s10, s23, $0xb8;
	[tilespmem:$0x14CC0] =	vst v63  }
.LBB2_22:
0x5e: {  	s0 =	sadd.s32 @!p1 s11, s29  }
0x5f: {  	s11 =	simm.s32 @!p1 $0x0;
	s1 =	sadd.s32 $0x1, s1;
	s0 =	sshrl.u32 @!p1 s0, $0x3  }
0x60: {  	s12 =	simm.s32 @!p1 $0xFAF0;
	p0 =	sne.s32 s1, $0x3F;
	s10 =	sadd.s32 @!p1 s2, s0  }
0x61: {  	[tilespmem:s12], [sflag:$0x8] =	stream.linear.gather @!p1 [hbm4b:s10+s11], $0x28, $0x38;
	[tilespmem:$0x14CC0] =	vst v63  }
.Ltmp3:
0x62: {  	_ = 	snop;
	(pc) =	sbr.rel @!p0 .LBB2_23-.Ltmp3, $4  }
0x63: {  	s10 =	sadd.s32 @!p1 s3, s0;
	s12 =	simm.s32 @!p1 $0xFB18  }
0x64: {  	[tilespmem:s12], [sflag:$0x8] =	stream.linear.gather @!p1 [hbm4b:s10+s11], $0x28, $0x38;
	[tilespmem:$0x14CC0] =	vst v63  }
0x65: {  	s0 =	sadd.s32 @!p1 s5, s0;
	s10 =	simm.s32 @!p1 $0xFBE8  }
0x66: {  	[tilespmem:s10], [sflag:$0x8] =	stream.linear.gather @!p1 [hbm4b:s0+s11], $0x28, $0x38;
	[tilespmem:$0x14CC0] =	vst v63  }
.LBB2_2:
0x67: {  	s13 =	sshll.u32 s1, $0x2  }
0x68: {  	s12 =	sor.u32 $0x2, s13  }
0x69: {  	p1 =	sgt.u32 s12, $0xF9  }
0x6a: {  	s0 =	simm.s32 @!p1 $0x7  }
0x6b: {  	_ =	swait.ge @!p1 [sflag:s0], $0x28  }
0x6c: {  	[sflag:s0] =	ssyncset.done @!p1 $0x0  }
0x6d: {  	[sflag:s0] =	ssyncadd.s32 @!p1 $0xFFFFFFD8  }
0x6e: {  	_ =	swait.ge @!p1 [sflag:s0], $0x28  }
0x6f: {  	[sflag:s0] =	ssyncset.done @!p1 $0x0  }
0x70: {  	[sflag:s0] =	ssyncadd.s32 @!p1 $0xFFFFFFD8  }
0x71: {  	_ =	swait.ge @!p1 [sflag:s0], $0x28  }
0x72: {  	s10 =	simm.s32 @!p1 $0xFAA0;
	[sflag:s0] =	ssyncset.done @!p1 $0x0  }
0x73: {  	s11 =	simm.s32 @!p1 $0x124C0;
	[sflag:s0] =	ssyncadd.s32 @!p1 $0xFFFFFFD8;
	s0 =	simm.s32 @!p1 $0x50  }
0x74: {  	[tilespmem:s11], [sflag:$0x3] =	stream.indirect.gather @!p1 [hbm4b:s9+s0], $0x40, s10, s0, $0xb8;
	[tilespmem:$0x14CC0] =	vst v63  }
0x75: {  	_ =	swait.ge [sflag:s18], $0x1400  }
0x76: {  	p0 =	seq.s32 s1, $0x0;
	[sflag:s18] =	ssyncset.done $0x0  }
0x77: {  	s0 =	simm.s32 @!p0 $0x9;
	[sflag:s18] =	ssyncadd.s32 $0xFFFFEC00  }
0x78: {  	_ =	swait.ge @!p0 [sflag:s0], $0x28  }
0x79: {  	[sflag:s0] =	ssyncset.done @!p0 $0x0  }
0x7a: {  	s15 =	simm.s32 $0xFB40;
	[sflag:s0] =	ssyncadd.s32 @!p0 $0xFFFFFFD8  }
0x7b: {  	s17 =	simm.s32 $0x107B0;
	v12 =	vld [tilespmem:s15+$0x0]  }
0x7c: {  	v8 =	vld [tilespmem:s17+$0xFFFFFFD0]  }
0x7d: {  	v15 =	vld [tilespmem:s17+$0xFFFFFF20]  }
0x7e: {  	v9 =	vld [tilespmem:s17+$0xFFFFF5E0]  }
0x7f: {  	v10 =	vld [tilespmem:s17+$0xFFFFFF70]  }
0x80: {  	v13 =	vld [tilespmem:s17+$0xFFFFF540]  }
0x81: {  	v18 =	vld [tilespmem:s17+$0xFFFFFFA0];
	v11 =	vperm.xlane v12, v6  }
0x82: {  	v14 =	vld [tilespmem:s17+$0xFFFFF530]  }
0x83: {  	v19 =	vld [tilespmem:s17+$0xFFFFF5A0];
	v11 =	vshll.u32 v11, $0x6  }
0x84: {  	v23 =	vld [tilespmem:s17+$0xFFFFFF90];
	v16 =	vperm.xlane v12, v7;
	v17 =	vor.u32 v0, v11  }
0x85: {  	v32 =	vld [tilespmem:s17+$0xFFFFFFC0];
	v20 =	vor.u32 v4, v11  }
0x86: {  	v25 =	vld [tilespmem:s17+$0xFFFFFFE0];
	v16 =	vshll.u32 v16, $0x6;
	v21 =	vor.u32 v2, v11  }
0x87: {  	v22 =	vld [tilespmem:s17+$0xFFFFFFB0];
	v26 =	vor.u32 v4, v16  }
0x88: {  	v24 =	vld [tilespmem:s17+$0xFFFFF590];
	v11 =	vor.u32 v3, v11  }
0x89: {  	v27 =	vld.idx.msk [tilespmem:v17+s7+$0x0], $0xffff  }
0x8a: {  	v20 =	vld.idx.msk [tilespmem:v20+s7+$0x0], $0xffff  }
0x8b: {  	v21 =	vld.idx.msk [tilespmem:v21+s7+$0x0], $0xffff  }
0x8c: {  	v31 =	vld.idx.msk [tilespmem:v26+s7+$0x0], $0xffff  }
0x8d: {  	v33 =	vld.idx.msk [tilespmem:v11+s7+$0x0], $0xffff  }
0x8e: {  	v28 =	vld [tilespmem:s17+$0xFFFFF5C0];
	v26 =	vperm.xlane v12, v5;
	v12 =	vperm.xlane v12, v1  }
0x8f: {  	v34 =	vld [tilespmem:s17+$0xFFFFF600]  }
0x90: {  	v29 =	vld [tilespmem:s17+$0xFFFFF5B0];
	v11 =	vor.u32 v3, v16;
	v12 =	vshll.u32 v12, $0x6;
	v24 =	vmul.bf16 v27, v24  }
0x91: {  	v17 =	vld [tilespmem:s17+$0xFFFFF510];
	v27 =	vmul.bf16 v20, v18;
	v20 =	vshll.u32 v26, $0x6;
	v35 =	vmul.bf16 v21, v19  }
0x92: {  	v18 =	vld [tilespmem:s17+$0xFFFFFF40];
	v36 =	vmul.bf16 v31, v25;
	v33 =	vmul.bf16 v33, v23;
	v30 =	vor.u32 v2, v20  }
0x93: {  	s11 =	smul.u32 $0xA0, s1;
	v19 =	vld [tilespmem:s17+$0xFFFFFF10];
	v26 =	vmul.bf16 v22, v24;
	v24 =	vmul.bf16 v27, v28;
	v28 =	vor.u32 v2, v12  }
0x94: {  	s23 =	simm.s32 $0x107B0;
	v21 =	vld [tilespmem:s17+$0xFFFFFF80];
	v31 =	vor.u32 v3, v12;
	v22 =	vor.u32 v0, v12;
	v27 =	vor.u32 v4, v12  }
0x95: {  	s10 =	simm.s32 $0x4;
	s24 =	sadd.s32 s8, s11;
	s0 =	simm.s32 $0x0;
	v23 =	vld [tilespmem:s17+$0xFFFFF520];
	v32 =	vmul.bf16 v32, v35;
	v12 =	vmul.bf16 v36, v34;
	v25 =	vunpack.i.u.bf16.f32 v24  }
.LBB2_3:
0x96: {  	p2 =	sne.s32 s10, $0x24;
	v34 =	vld [tilespmem:s17+$0xFFFFF560];
	v29 =	vmul.bf16 v33, v29;
	v33 =	vunpack.i.u.bf16.f32 v26;
	v26 =	vunpack.i.l.bf16.f32 v26;
	s15 =	sadd.s32 $0x4, s15;
	s23 =	sadd.s32 $0x100, s23  }
0x97: {  	v35 =	vor.u32 v0, v20;
	s28 =	smov.u32 s10;
	s10 =	sadd.s32 $0x4, s10;
	v30 =	vld.idx.msk [tilespmem:v30+s7+$0x0], $0xffff;
	v36 =	vunpack.i.u.bf16.f32 v32;
	v26 =	vadd.f32 v26, v33  }
0x98: {  	v24 =	vunpack.i.l.bf16.f32 v24;
	v28 =	vld.idx.msk [tilespmem:v28+s7+$0x0], $0xffff;
	v33 =	vunpack.i.u.bf16.f32 v29;
	v29 =	vunpack.i.l.bf16.f32 v29  }
0x99: {  	v32 =	vunpack.i.l.bf16.f32 v32;
	v24 =	vadd.f32 v24, v25;
	v27 =	vld.idx.msk [tilespmem:v27+s7+$0x0], $0xffff;
	v29 =	vadd.f32 v29, v33  }
0x9a: {  	v32 =	vadd.f32 v32, v36;
	v25 =	vld.idx.msk [tilespmem:v31+s7+$0x0], $0xffff;
	v31 =	vor.u32 v4, v20  }
0x9b: {  	v22 =	vld.idx.msk [tilespmem:v22+s7+$0x0], $0xffff;
	v26 =	vadd.f32 v29, v26  }
0x9c: {  	v20 =	vor.u32 v3, v20;
	v24 =	vadd.f32 v24, v32;
	v29 =	vld.idx.msk [tilespmem:v35+s7+$0x0], $0xffff  }
0x9d: {  	v30 =	vmul.bf16 v30, v34;
	v32 =	vld [tilespmem:s17+$0xFFFFFF50]  }
0x9e: {  	v23 =	vmul.bf16 v28, v23;
	v24 =	vadd.f32 v24, v26;
	v26 =	vor.u32 v0, v16;
	v33 =	vld [tilespmem:s17+$0xFFFFFF30]  }
0x9f: {  	v15 =	vmul.bf16 v27, v15;
	v21 =	vmul.bf16 v21, v30;
	v27 =	vld.idx.msk [tilespmem:v31+s7+$0x0], $0xffff  }
0xa0: {  	v16 =	vor.u32 v2, v16;
	v19 =	vmul.bf16 v25, v19;
	v18 =	vmul.bf16 v18, v23;
	v23 =	vld [tilespmem:s17+$0xFFFFFF60];
	(xrf2) =	vadd.scan.msk.f32 $0xffff, v24  }
0xa1: {  	v17 =	vmul.bf16 v22, v17;
	v13 =	vmul.bf16 v15, v13;
	v15 =	vld.idx.msk [tilespmem:v20+s7+$0x0], $0xffff;
	v20 =	vunpack.i.u.bf16.f32 v21  }
0xa2: {  	v14 =	vmul.bf16 v19, v14;
	v19 =	vunpack.i.u.bf16.f32 v18;
	v21 =	vunpack.i.l.bf16.f32 v21;
	v22 =	vld [tilespmem:s17+$0xFFFFF550]  }
0xa3: {  	v18 =	vunpack.i.l.bf16.f32 v18;
	v24 =	vunpack.i.u.bf16.f32 v13;
	v17 =	vmul.bf16 v33, v17;
	v25 =	vld [tilespmem:s17+$0xFFFFF580]  }
0xa4: {  	v18 =	vadd.f32 v18, v19;
	v28 =	vunpack.i.u.bf16.f32 v14;
	v14 =	vunpack.i.l.bf16.f32 v14;
	v19 =	vld [tilespmem:s17+$0xFFFFF570]  }
0xa5: {  	v13 =	vunpack.i.l.bf16.f32 v13;
	v30 =	vunpack.i.u.bf16.f32 v17;
	v17 =	vunpack.i.l.bf16.f32 v17;
	v16 =	vld.idx.msk [tilespmem:v16+s7+$0x0], $0xffff  }
0xa6: {  	v13 =	vadd.f32 v13, v24;
	v23 =	vmul.bf16 v27, v23;
	v17 =	vadd.f32 v17, v30;
	v24 =	vld.idx.msk [tilespmem:v26+s7+$0x0], $0xffff  }
0xa7: {  	v14 =	vadd.f32 v14, v28;
	v15 =	vmul.bf16 v15, v32;
	v22 =	vmul.bf16 v29, v22;
	v11 =	vld.idx.msk [tilespmem:v11+s7+$0x0], $0xffff  }
0xa8: {  	v20 =	vadd.f32 v21, v20;
	v13 =	vadd.f32 v13, v18;
	v18 =	vmul.bf16 v23, v25;
	v21 =	vld [tilespmem:s17+$0xFFFFF5D0]  }
0xa9: {  	v14 =	vadd.f32 v14, v17;
	v10 =	vmul.bf16 v10, v22;
	v15 =	vmul.bf16 v15, v19;
	v17 =	vld [tilespmem:s17+$0x0]  }
0xaa: {  	v19 =	vunpack.i.u.bf16.f32 v18;
	v18 =	vunpack.i.l.bf16.f32 v18;
	v22 =	vld [tilespmem:s17+$0xFFFFFFF0];
	v23, _, _ =	vpop (xrf2)  }
0xab: {  	v13 =	vadd.f32 v13, v14;
	v14 =	vunpack.i.u.bf16.f32 v10;
	v18 =	vadd.f32 v18, v19;
	v19 =	vld [tilespmem:s17+$0xFFFFF5F0];
	s17 =	smov.u32 s23  }
0xac: {  	v9 =	vmul.bf16 v16, v9;
	v25 =	vunpack.i.u.bf16.f32 v15;
	v15 =	vunpack.i.l.bf16.f32 v15  }
0xad: {  	v15 =	vadd.f32 v15, v25;
	v8 =	vmul.bf16 v11, v8;
	v16 =	vmul.bf16 v24, v21;
	(xrf2) =	vadd.scan.msk.f32 $0xffff, v13  }
0xae: {  	v10 =	vunpack.i.l.bf16.f32 v10;
	v11 =	vunpack.i.l.bf16.f32 v12;
	v9 =	vmul.bf16 v17, v9  }
0xaf: {  	v10 =	vadd.f32 v10, v14;
	v13 =	vadd.f32 v18, v20;
	v14 =	vmul.bf16 v22, v16  }
0xb0: {  	v12 =	vunpack.i.u.bf16.f32 v12;
	v8 =	vmul.bf16 v8, v19;
	v16 =	vunpack.i.u.bf16.f32 v9  }
0xb1: {  	v9 =	vunpack.i.l.bf16.f32 v9;
	v17 =	vunpack.i.u.bf16.f32 v14;
	v14 =	vunpack.i.l.bf16.f32 v14  }
0xb2: {  	v11 =	vadd.f32 v11, v12;
	v18 =	vunpack.i.u.bf16.f32 v8;
	v14 =	vadd.f32 v14, v17  }
0xb3: {  	v10 =	vadd.f32 v15, v10;
	v9 =	vadd.f32 v9, v16;
	v8 =	vunpack.i.l.bf16.f32 v8  }
0xb4: {  	v8 =	vadd.f32 v8, v18  }
0xb5: {  	v10 =	vadd.f32 v13, v10;
	v9 =	vadd.f32 v11, v9  }
0xb6: {  	v8 =	vadd.f32 v8, v14  }
0xb7: {  	v11, _, _ =	vpop (xrf2);
	(xrf2) =	vadd.scan.msk.f32 $0xffff, v10  }
0xb8: {  	v8 =	vadd.f32 v9, v8;
	v10 =	vbroadcast v11, $0xF;
	_ =	sdelay $0x1  }
0xb9: {  	(xrf2) =	vadd.scan.msk.f32 $0xffff, v8;
	_ =	sdelay $0x4  }
0xba: {  	v8 =	vnsel vm0, $0x0, v10;
	_ =	sdelay $0x1  }
0xbb: {  	v9, _, _ =	vpop (xrf2)  }
0xbc: {  	v9 =	vbroadcast v9, $0xF;
	_ =	sdelay $0x1  }
0xbd: {  	v8 =	vsel vm1, v8, v9;
	v9 =	vbroadcast v23, $0xF;
	v10, _, _ =	vpop (xrf2)  }
0xbe: {  	v10 =	vbroadcast v10, $0xF  }
0xbf: {  	v8 =	vsel vm2, v8, v9  }
0xc0: {  	v9 =	vadd.s32 s0, v0;
	s0 =	smov.u32 s28;
	v8 =	vsel vm3, v8, v10  }
0xc1: {  	v8 =	vmul.f32 $5.000000000e-01, v8;
	_ =	sdelay $0x1  }
0xc2: {  	v8 =	vmax.f32 v8, $-2.000000000e+01  }
0xc3: {  	v8 =	vmin.f32 v8, $2.000000000e+01  }
0xc4: {  	[tilespmem:v9+s19+$0x0] =	vst.idx.msk $0xf, v8  }
0xc5: {  	v12 =	vld [tilespmem:s15+$0x0]  }
0xc6: {  	v8 =	vld [tilespmem:s23+$0xFFFFFFD0]  }
0xc7: {  	v15 =	vld [tilespmem:s23+$0xFFFFFF20]  }
0xc8: {  	v9 =	vld [tilespmem:s23+$0xFFFFF5E0]  }
0xc9: {  	v10 =	vld [tilespmem:s23+$0xFFFFFF70]  }
0xca: {  	v13 =	vld [tilespmem:s23+$0xFFFFF540]  }
0xcb: {  	v11 =	vperm.xlane v12, v6;
	v16 =	vperm.xlane v12, v7;
	v18 =	vld [tilespmem:s23+$0xFFFFFFA0]  }
0xcc: {  	v14 =	vld [tilespmem:s23+$0xFFFFF530]  }
0xcd: {  	v11 =	vshll.u32 v11, $0x6;
	v16 =	vshll.u32 v16, $0x6;
	v19 =	vld [tilespmem:s23+$0xFFFFF5A0]  }
0xce: {  	v17 =	vor.u32 v0, v11;
	v20 =	vor.u32 v3, v11;
	v21 =	vor.u32 v4, v11;
	v23 =	vld [tilespmem:s23+$0xFFFFFF90]  }
0xcf: {  	v22 =	vor.u32 v2, v11;
	v11 =	vor.u32 v3, v16;
	v32 =	vld [tilespmem:s23+$0xFFFFFFC0]  }
0xd0: {  	v25 =	vld [tilespmem:s23+$0xFFFFFFE0]  }
0xd1: {  	v24 =	vld [tilespmem:s23+$0xFFFFFFB0]  }
0xd2: {  	v27 =	vor.u32 v4, v16;
	v26 =	vld [tilespmem:s23+$0xFFFFF590]  }
0xd3: {  	v28 =	vld.idx.msk [tilespmem:v17+s7+$0x0], $0xffff  }
0xd4: {  	v21 =	vld.idx.msk [tilespmem:v21+s7+$0x0], $0xffff  }
0xd5: {  	v22 =	vld.idx.msk [tilespmem:v22+s7+$0x0], $0xffff  }
0xd6: {  	v31 =	vld [tilespmem:s23+$0xFFFFF5C0]  }
0xd7: {  	v27 =	vld.idx.msk [tilespmem:v27+s7+$0x0], $0xffff  }
0xd8: {  	v33 =	vld.idx.msk [tilespmem:v20+s7+$0x0], $0xffff  }
0xd9: {  	v20 =	vperm.xlane v12, v5;
	v26 =	vmul.bf16 v28, v26;
	v17 =	vld [tilespmem:s23+$0xFFFFF510]  }
0xda: {  	v12 =	vperm.xlane v12, v1;
	v21 =	vmul.bf16 v21, v18;
	v34 =	vld [tilespmem:s23+$0xFFFFF600]  }
.Ltmp4:
0xdb: {  	v20 =	vshll.u32 v20, $0x6;
	v26 =	vmul.bf16 v24, v26;
	v35 =	vmul.bf16 v22, v19;
	v29 =	vld [tilespmem:s23+$0xFFFFF5B0];
	(pc) =	sbr.rel @p2 .LBB2_3-.Ltmp4, $4  }
0xdc: {  	v12 =	vshll.u32 v12, $0x6;
	v30 =	vor.u32 v2, v20;
	v24 =	vmul.bf16 v21, v31;
	v18 =	vld [tilespmem:s23+$0xFFFFFF40]  }
0xdd: {  	v22 =	vor.u32 v0, v12;
	v28 =	vor.u32 v2, v12;
	v36 =	vmul.bf16 v27, v25;
	v19 =	vld [tilespmem:s23+$0xFFFFFF10]  }
0xde: {  	v27 =	vor.u32 v4, v12;
	v33 =	vmul.bf16 v33, v23;
	v25 =	vunpack.i.u.bf16.f32 v24;
	v21 =	vld [tilespmem:s23+$0xFFFFFF80]  }
0xdf: {  	v31 =	vor.u32 v3, v12;
	v32 =	vmul.bf16 v32, v35;
	v23 =	vld [tilespmem:s23+$0xFFFFF520];
	v12 =	vmul.bf16 v36, v34  }
0xe0: {  	_ =	sdelay $0x2  }
0xe1: {  	v34 =	vld [tilespmem:s17+$0xFFFFF560]  }
0xe2: {  	v30 =	vld.idx.msk [tilespmem:v30+s7+$0x0], $0xffff  }
0xe3: {  	v28 =	vld.idx.msk [tilespmem:v28+s7+$0x0], $0xffff  }
0xe4: {  	v29 =	vmul.bf16 v33, v29;
	v52 =	vunpack.i.u.bf16.f32 v26;
	v27 =	vld.idx.msk [tilespmem:v27+s7+$0x0], $0xffff  }
0xe5: {  	v53 =	vunpack.i.l.bf16.f32 v26;
	v35 =	vor.u32 v0, v20;
	v24 =	vunpack.i.l.bf16.f32 v24;
	v31 =	vld.idx.msk [tilespmem:v31+s7+$0x0], $0xffff  }
0xe6: {  	v22 =	vld.idx.msk [tilespmem:v22+s7+$0x0], $0xffff;
	v36 =	vunpack.i.u.bf16.f32 v32;
	v55 =	vunpack.i.l.bf16.f32 v32;
	v24 =	vadd.f32 v24, v25  }
0xe7: {  	v11 =	vld.idx.msk [tilespmem:v11+s7+$0x0], $0xffff;
	v54 =	vunpack.i.u.bf16.f32 v29;
	v29 =	vunpack.i.l.bf16.f32 v29;
	v57 =	vadd.f32 v55, v36  }
0xe8: {  	v56 =	vor.u32 v4, v20;
	v26 =	vadd.f32 v53, v52;
	v29 =	vadd.f32 v29, v54  }
0xe9: {  	v59 =	vor.u32 v3, v20;
	v62 =	vld [tilespmem:s17+$0xFFFFFF30];
	v54 =	vunpack.i.l.bf16.f32 v12;
	v24 =	vadd.f32 v24, v57  }
0xea: {  	v52 =	vld [tilespmem:s17+$0xFFFFF5F0];
	v26 =	vadd.f32 v29, v26;
	v61 =	vmul.bf16 v30, v34;
	v23 =	vmul.bf16 v28, v23  }
0xeb: {  	v60 =	vld [tilespmem:s17+$0xFFFFFF50];
	v15 =	vmul.bf16 v27, v15;
	v34 =	vor.u32 v2, v16;
	v19 =	vmul.bf16 v31, v19  }
0xec: {  	v58 =	vld.idx.msk [tilespmem:v35+s7+$0x0], $0xffff;
	v35 =	vor.u32 v0, v16;
	v17 =	vmul.bf16 v22, v17;
	v8 =	vmul.bf16 v11, v8  }
0xed: {  	v63 =	vld.idx.msk [tilespmem:v56+s7+$0x0], $0xffff;
	v56 =	vunpack.i.u.bf16.f32 v12;
	v21 =	vmul.bf16 v21, v61;
	v18 =	vmul.bf16 v18, v23  }
0xee: {  	v33 =	vld [tilespmem:s17+$0xFFFFFF60];
	v24 =	vadd.f32 v24, v26;
	v13 =	vmul.bf16 v15, v13;
	v14 =	vmul.bf16 v19, v14  }
0xef: {  	v37 =	vld [tilespmem:s17+$0xFFFFF550];
	v17 =	vmul.bf16 v62, v17;
	v8 =	vmul.bf16 v8, v52;
	v36 =	vunpack.i.u.bf16.f32 v21  }
0xf0: {  	v20 =	vld.idx.msk [tilespmem:v59+s7+$0x0], $0xffff;
	v38 =	vunpack.i.u.bf16.f32 v18;
	v21 =	vunpack.i.l.bf16.f32 v21;
	v18 =	vunpack.i.l.bf16.f32 v18  }
0xf1: {  	v39 =	vld [tilespmem:s17+$0xFFFFF580];
	v40 =	vunpack.i.u.bf16.f32 v13;
	v42 =	vunpack.i.u.bf16.f32 v14;
	v14 =	vunpack.i.l.bf16.f32 v14  }
0xf2: {  	v41 =	vld [tilespmem:s17+$0xFFFFF570];
	v44 =	vunpack.i.u.bf16.f32 v17;
	v17 =	vunpack.i.l.bf16.f32 v17;
	v13 =	vunpack.i.l.bf16.f32 v13  }
0xf3: {  	v45 =	vld [tilespmem:s17+$0xFFFFF5D0];
	v18 =	vadd.f32 v18, v38;
	v13 =	vadd.f32 v13, v40;
	v26 =	vmul.bf16 v63, v33  }
0xf4: {  	v43 =	vld.idx.msk [tilespmem:v34+s7+$0x0], $0xffff;
	v22 =	vmul.bf16 v58, v37;
	v17 =	vadd.f32 v17, v44;
	v14 =	vadd.f32 v14, v42  }
0xf5: {  	v16 =	vld.idx.msk [tilespmem:v35+s7+$0x0], $0xffff;
	v20 =	vmul.bf16 v20, v60;
	v15 =	vadd.f32 v21, v36;
	v58 =	vunpack.i.u.bf16.f32 v8  }
0xf6: {  	v47 =	vld [tilespmem:s17+$0x0];
	v8 =	vunpack.i.l.bf16.f32 v8;
	v46 =	vmul.bf16 v26, v39;
	v10 =	vmul.bf16 v10, v22  }
0xf7: {  	v49 =	vld [tilespmem:s17+$0xFFFFFFF0];
	v13 =	vadd.f32 v13, v18;
	v14 =	vadd.f32 v14, v17;
	v48 =	vmul.bf16 v20, v41  }
0xf8: {  	v50 =	vunpack.i.u.bf16.f32 v46;
	v18 =	vunpack.i.l.bf16.f32 v46;
	v51 =	vunpack.i.u.bf16.f32 v10  }
0xf9: {  	v53 =	vunpack.i.u.bf16.f32 v48;
	v17 =	vunpack.i.l.bf16.f32 v48;
	v9 =	vmul.bf16 v43, v9  }
0xfa: {  	v10 =	vunpack.i.l.bf16.f32 v10;
	v18 =	vadd.f32 v18, v50;
	v16 =	vmul.bf16 v16, v45  }
0xfb: {  	v17 =	vadd.f32 v17, v53;
	v10 =	vadd.f32 v10, v51;
	v9 =	vmul.bf16 v47, v9  }
0xfc: {  	v11 =	vadd.f32 v54, v56;
	v8 =	vadd.f32 v8, v58;
	v16 =	vmul.bf16 v49, v16  }
0xfd: {  	v15 =	vadd.f32 v18, v15;
	v10 =	vadd.f32 v17, v10;
	v55 =	vunpack.i.u.bf16.f32 v9  }
0xfe: {  	v57 =	vunpack.i.u.bf16.f32 v16;
	v16 =	vunpack.i.l.bf16.f32 v16;
	v9 =	vunpack.i.l.bf16.f32 v9  }
0xff: {  	v16 =	vadd.f32 v16, v57;
	v9 =	vadd.f32 v9, v55  }
0x100: {  	v59 =	vadd.f32 v13, v14;
	v10 =	vadd.f32 v15, v10  }
0x101: {  	(xrf2) =	vadd.scan.msk.f32 $0xffff, v24;
	v9 =	vadd.f32 v11, v9;
	v8 =	vadd.f32 v8, v16  }
0x102: {  	(xrf2) =	vadd.scan.msk.f32 $0xffff, v59  }
0x103: {  	(xrf2) =	vadd.scan.msk.f32 $0xffff, v10;
	v8 =	vadd.f32 v9, v8;
	_ =	sdelay $0x1  }
0x104: {  	(xrf2) =	vadd.scan.msk.f32 $0xffff, v8;
	_ =	sdelay $0x5  }
0x105: {  	v8, _, _ =	vpop (xrf2)  }
0x106: {  	v60, _, _ =	vpop (xrf2)  }
0x107: {  	v9 =	vbroadcast v60, $0xF;
	v10, _, _ =	vpop (xrf2)  }
0x108: {  	v10 =	vbroadcast v10, $0xF  }
0x109: {  	v8 =	vbroadcast v8, $0xF;
	v9 =	vnsel vm0, $0x0, v9;
	v61, _, _ =	vpop (xrf2)  }
0x10a: {  	v9 =	vsel vm1, v9, v10;
	v62 =	vbroadcast v61, $0xF  }
0x10b: {  	v8 =	vsel vm2, v9, v8  }
0x10c: {  	v63 =	vadd.s32 s0, v0;
	v8 =	vsel vm3, v8, v62  }
0x10d: {  	p2 =	sne.s32 s1, $0x3E;
	v8 =	vmul.f32 $5.000000000e-01, v8  }
.Ltmp5:
0x10e: {  	_ = 	snop;
	(pc) =	sbr.rel @p2 .LBB2_6-.Ltmp5, $4  }
0x10f: {  	v8 =	vmax.f32 v8, $-2.000000000e+01  }
0x110: {  	s28 =	sshrl.u32 s24, $0x3;
	v8 =	vmin.f32 v8, $2.000000000e+01  }
0x111: {  	s0 =	sadd.s32 s6, s28;
	[tilespmem:v63+s19+$0x0] =	vst.idx.msk $0xf, v8  }
0x112: {  	[hbm4b:s0+s7] =	stream.linear.scatter [tilespmem:s19], [sflag:$0x9], $0x28, $0x38;
	[tilespmem:$0x14CC0] =	vst v63  }
.Ltmp6:
0x113: {  	(pc) =	sbr.rel .LBB2_7-.Ltmp6, $4  }
0x114: {  	_ = 	snop  }
0x115: {  	_ =	swait.ge [sflag:s20], $0x1400  }
0x116: {  	p2 =	por $0x0, $0x0;
	[sflag:s20] =	ssyncset.done $0x0  }
0x117: {  	s13 =	simm.s32 $0xFB;
	s24 =	smov.u32 s31;
	[sflag:s20] =	ssyncadd.s32 $0xFFFFEC00  }
.LBB2_6:
0x118: {  	s0 =	rddreg [dreg:$0x14]  }
0x119: {  	s0 =	sadd.s32 s11, s0  }
0x11a: {  	s0 =	sshrl.u32 s0, $0x3  }
0x11b: {  	s15 =	simm.s32 $0xFA00;
	s10 =	sadd.s32 s2, s0  }
0x11c: {  	[tilespmem:s15], [sflag:$0x5] =	stream.linear.gather [hbm4b:s10+s7], $0x28, $0x38;
	[tilespmem:$0x14CC0] =	vst v63  }
0x11d: {  	s23 =	simm.s32 $0xFA28;
	s13 =	sor.u32 $0x3, s13;
	s17 =	sadd.s32 s3, s0  }
0x11e: {  	[tilespmem:s23], [sflag:$0x5] =	stream.linear.gather [hbm4b:s17+s7], $0x28, $0x38;
	[tilespmem:$0x14CC0] =	vst v63  }
0x11f: {  	s24 =	simm.s32 $0xFB40;
	p2 =	sgt.u32 s13, $0xF9;
	s0 =	sadd.s32 s5, s0  }
0x120: {  	[tilespmem:s24], [sflag:$0x5] =	stream.linear.gather [hbm4b:s0+s7], $0x28, $0x38;
	[tilespmem:$0x14CC0] =	vst v63  }
0x121: {  	s0 =	simm.s32 @!p2 $0x8  }
0x122: {  	_ =	swait.ge @!p2 [sflag:s0], $0x28  }
0x123: {  	[sflag:s0] =	ssyncset.done @!p2 $0x0  }
0x124: {  	[sflag:s0] =	ssyncadd.s32 @!p2 $0xFFFFFFD8  }
0x125: {  	_ =	swait.ge @!p2 [sflag:s0], $0x28  }
0x126: {  	[sflag:s0] =	ssyncset.done @!p2 $0x0  }
0x127: {  	[sflag:s0] =	ssyncadd.s32 @!p2 $0xFFFFFFD8  }
0x128: {  	_ =	swait.ge @!p2 [sflag:s0], $0x28  }
0x129: {  	s10 =	simm.s32 @!p2 $0xFAF0;
	s15 =	simm.s32 @!p2 $0x138C0;
	[sflag:s0] =	ssyncset.done @!p2 $0x0  }
.Ltmp7:
0x12a: {  	[sflag:s0] =	ssyncadd.s32 @!p2 $0xFFFFFFD8;
	s0 =	simm.s32 @!p2 $0x50;
	(pc) =	sbr.rel @p0 .LBB2_8-.Ltmp7, $4  }
0x12b: {  	[tilespmem:s15], [sflag:$0x4] =	stream.indirect.gather @!p2 [hbm4b:s9+s0], $0x40, s10, s0, $0xb8;
	[tilespmem:$0x14CC0] =	vst v63  }
0x12c: {  	_ =	swait.ge [sflag:s20], $0x1400  }
0x12d: {  	[sflag:s20] =	ssyncset.done $0x0;
	s28 =	rddreg [dreg:$0x7]  }
0x12e: {  	p2 =	slt.u32 s13, $0xFA;
	s24 =	sadd.s32 s11, s28;
	[sflag:s20] =	ssyncadd.s32 $0xFFFFEC00  }
.LBB2_7:
0x12f: {  	_ =	swait.ge [sflag:s21], $0x28  }
0x130: {  	[sflag:s21] =	ssyncset.done $0x0  }
0x131: {  	[sflag:s21] =	ssyncadd.s32 $0xFFFFFFD8  }
.LBB2_8:
0x132: {  	s15 =	simm.s32 $0xFB78  }
0x133: {  	s17 =	simm.s32 $0x11BB0;
	v12 =	vld [tilespmem:s15+$0x0]  }
0x134: {  	v8 =	vld [tilespmem:s17+$0xFFFFFFD0]  }
0x135: {  	v15 =	vld [tilespmem:s17+$0xFFFFFF20]  }
0x136: {  	v9 =	vld [tilespmem:s17+$0xFFFFF5E0]  }
0x137: {  	v10 =	vld [tilespmem:s17+$0xFFFFFF70]  }
0x138: {  	v13 =	vld [tilespmem:s17+$0xFFFFF540]  }
0x139: {  	v18 =	vld [tilespmem:s17+$0xFFFFFFA0]  }
0x13a: {  	v14 =	vld [tilespmem:s17+$0xFFFFF530];
	v11 =	vperm.xlane v12, v6  }
0x13b: {  	v19 =	vld [tilespmem:s17+$0xFFFFF5A0]  }
0x13c: {  	v23 =	vld [tilespmem:s17+$0xFFFFFF90];
	v11 =	vshll.u32 v11, $0x6  }
0x13d: {  	v32 =	vld [tilespmem:s17+$0xFFFFFFC0];
	v16 =	vperm.xlane v12, v7;
	v17 =	vor.u32 v0, v11  }
0x13e: {  	v25 =	vld [tilespmem:s17+$0xFFFFFFE0];
	v20 =	vor.u32 v4, v11  }
0x13f: {  	v22 =	vld [tilespmem:s17+$0xFFFFFFB0];
	v16 =	vshll.u32 v16, $0x6;
	v21 =	vor.u32 v2, v11  }
0x140: {  	v24 =	vld [tilespmem:s17+$0xFFFFF590];
	v26 =	vor.u32 v4, v16  }
0x141: {  	v28 =	vld [tilespmem:s17+$0xFFFFF5C0]  }
0x142: {  	v11 =	vor.u32 v3, v11;
	v27 =	vld.idx.msk [tilespmem:v17+s7+$0x0], $0xffff  }
0x143: {  	v20 =	vld.idx.msk [tilespmem:v20+s7+$0x0], $0xffff  }
0x144: {  	v21 =	vld.idx.msk [tilespmem:v21+s7+$0x0], $0xffff  }
0x145: {  	v26 =	vld.idx.msk [tilespmem:v26+s7+$0x0], $0xffff  }
0x146: {  	v34 =	vld [tilespmem:s17+$0xFFFFF600];
	v30 =	vperm.xlane v12, v5;
	v12 =	vperm.xlane v12, v1  }
0x147: {  	v29 =	vld.idx.msk [tilespmem:v11+s7+$0x0], $0xffff  }
0x148: {  	v12 =	vshll.u32 v12, $0x6;
	v17 =	vld [tilespmem:s17+$0xFFFFF510];
	v11 =	vor.u32 v3, v16;
	v24 =	vmul.bf16 v27, v24  }
0x149: {  	v33 =	vmul.bf16 v20, v18;
	v20 =	vshll.u32 v30, $0x6;
	v30 =	vld [tilespmem:s17+$0xFFFFF5B0];
	v35 =	vmul.bf16 v21, v19  }
0x14a: {  	v18 =	vld [tilespmem:s17+$0xFFFFFF40];
	v36 =	vmul.bf16 v26, v25;
	v26 =	vor.u32 v4, v12;
	v31 =	vor.u32 v2, v20  }
0x14b: {  	v19 =	vld [tilespmem:s17+$0xFFFFFF10];
	v27 =	vmul.bf16 v22, v24;
	v24 =	vmul.bf16 v33, v28;
	v28 =	vor.u32 v2, v12  }
0x14c: {  	v21 =	vld [tilespmem:s17+$0xFFFFFF80];
	v22 =	vor.u32 v0, v12;
	v33 =	vmul.bf16 v29, v23;
	v29 =	vor.u32 v3, v12  }
0x14d: {  	s0 =	simm.s32 $0x0;
	s10 =	simm.s32 $0x4;
	s23 =	simm.s32 $0x11BB0;
	v23 =	vld [tilespmem:s17+$0xFFFFF520];
	v32 =	vmul.bf16 v32, v35;
	v12 =	vmul.bf16 v36, v34;
	v25 =	vunpack.i.u.bf16.f32 v24  }
.LBB2_9:
0x14e: {  	p3 =	sne.s32 s10, $0x24;
	v34 =	vld [tilespmem:s17+$0xFFFFF560];
	v30 =	vmul.bf16 v33, v30;
	v33 =	vunpack.i.u.bf16.f32 v27;
	v27 =	vunpack.i.l.bf16.f32 v27;
	s15 =	sadd.s32 $0x4, s15;
	s23 =	sadd.s32 $0x100, s23  }
0x14f: {  	v35 =	vor.u32 v0, v20;
	s28 =	smov.u32 s10;
	s10 =	sadd.s32 $0x4, s10;
	v31 =	vld.idx.msk [tilespmem:v31+s7+$0x0], $0xffff;
	v36 =	vunpack.i.u.bf16.f32 v32;
	v27 =	vadd.f32 v27, v33  }
0x150: {  	v24 =	vunpack.i.l.bf16.f32 v24;
	v28 =	vld.idx.msk [tilespmem:v28+s7+$0x0], $0xffff;
	v33 =	vunpack.i.u.bf16.f32 v30;
	v30 =	vunpack.i.l.bf16.f32 v30  }
0x151: {  	v32 =	vunpack.i.l.bf16.f32 v32;
	v24 =	vadd.f32 v24, v25;
	v26 =	vld.idx.msk [tilespmem:v26+s7+$0x0], $0xffff;
	v30 =	vadd.f32 v30, v33  }
0x152: {  	v32 =	vadd.f32 v32, v36;
	v25 =	vld.idx.msk [tilespmem:v29+s7+$0x0], $0xffff;
	v29 =	vor.u32 v4, v20  }
0x153: {  	v22 =	vld.idx.msk [tilespmem:v22+s7+$0x0], $0xffff;
	v27 =	vadd.f32 v30, v27  }
0x154: {  	v20 =	vor.u32 v3, v20;
	v24 =	vadd.f32 v24, v32;
	v30 =	vld.idx.msk [tilespmem:v35+s7+$0x0], $0xffff  }
0x155: {  	v31 =	vmul.bf16 v31, v34;
	v32 =	vld [tilespmem:s17+$0xFFFFFF50]  }
0x156: {  	v23 =	vmul.bf16 v28, v23;
	v24 =	vadd.f32 v24, v27;
	v27 =	vor.u32 v0, v16;
	v33 =	vld [tilespmem:s17+$0xFFFFFF30]  }
0x157: {  	v15 =	vmul.bf16 v26, v15;
	v21 =	vmul.bf16 v21, v31;
	v26 =	vld.idx.msk [tilespmem:v29+s7+$0x0], $0xffff  }
0x158: {  	v16 =	vor.u32 v2, v16;
	v19 =	vmul.bf16 v25, v19;
	v18 =	vmul.bf16 v18, v23;
	v23 =	vld [tilespmem:s17+$0xFFFFFF60];
	(xrf2) =	vadd.scan.msk.f32 $0xffff, v24  }
0x159: {  	v17 =	vmul.bf16 v22, v17;
	v13 =	vmul.bf16 v15, v13;
	v15 =	vld.idx.msk [tilespmem:v20+s7+$0x0], $0xffff;
	v20 =	vunpack.i.u.bf16.f32 v21  }
0x15a: {  	v14 =	vmul.bf16 v19, v14;
	v19 =	vunpack.i.u.bf16.f32 v18;
	v21 =	vunpack.i.l.bf16.f32 v21;
	v22 =	vld [tilespmem:s17+$0xFFFFF550]  }
0x15b: {  	v18 =	vunpack.i.l.bf16.f32 v18;
	v24 =	vunpack.i.u.bf16.f32 v13;
	v17 =	vmul.bf16 v33, v17;
	v25 =	vld [tilespmem:s17+$0xFFFFF580]  }
0x15c: {  	v18 =	vadd.f32 v18, v19;
	v28 =	vunpack.i.u.bf16.f32 v14;
	v14 =	vunpack.i.l.bf16.f32 v14;
	v19 =	vld [tilespmem:s17+$0xFFFFF570]  }
0x15d: {  	v13 =	vunpack.i.l.bf16.f32 v13;
	v29 =	vunpack.i.u.bf16.f32 v17;
	v17 =	vunpack.i.l.bf16.f32 v17;
	v16 =	vld.idx.msk [tilespmem:v16+s7+$0x0], $0xffff  }
0x15e: {  	v13 =	vadd.f32 v13, v24;
	v23 =	vmul.bf16 v26, v23;
	v17 =	vadd.f32 v17, v29;
	v24 =	vld.idx.msk [tilespmem:v27+s7+$0x0], $0xffff  }
0x15f: {  	v14 =	vadd.f32 v14, v28;
	v15 =	vmul.bf16 v15, v32;
	v22 =	vmul.bf16 v30, v22;
	v11 =	vld.idx.msk [tilespmem:v11+s7+$0x0], $0xffff  }
0x160: {  	v20 =	vadd.f32 v21, v20;
	v13 =	vadd.f32 v13, v18;
	v18 =	vmul.bf16 v23, v25;
	v21 =	vld [tilespmem:s17+$0xFFFFF5D0]  }
0x161: {  	v14 =	vadd.f32 v14, v17;
	v10 =	vmul.bf16 v10, v22;
	v15 =	vmul.bf16 v15, v19;
	v17 =	vld [tilespmem:s17+$0x0]  }
0x162: {  	v19 =	vunpack.i.u.bf16.f32 v18;
	v18 =	vunpack.i.l.bf16.f32 v18;
	v22 =	vld [tilespmem:s17+$0xFFFFFFF0];
	v23, _, _ =	vpop (xrf2)  }
0x163: {  	v13 =	vadd.f32 v13, v14;
	v14 =	vunpack.i.u.bf16.f32 v10;
	v18 =	vadd.f32 v18, v19;
	v19 =	vld [tilespmem:s17+$0xFFFFF5F0];
	s17 =	smov.u32 s23  }
0x164: {  	v9 =	vmul.bf16 v16, v9;
	v25 =	vunpack.i.u.bf16.f32 v15;
	v15 =	vunpack.i.l.bf16.f32 v15  }
0x165: {  	v15 =	vadd.f32 v15, v25;
	v8 =	vmul.bf16 v11, v8;
	v16 =	vmul.bf16 v24, v21;
	(xrf2) =	vadd.scan.msk.f32 $0xffff, v13  }
0x166: {  	v10 =	vunpack.i.l.bf16.f32 v10;
	v11 =	vunpack.i.l.bf16.f32 v12;
	v9 =	vmul.bf16 v17, v9  }
0x167: {  	v10 =	vadd.f32 v10, v14;
	v13 =	vadd.f32 v18, v20;
	v14 =	vmul.bf16 v22, v16  }
0x168: {  	v12 =	vunpack.i.u.bf16.f32 v12;
	v8 =	vmul.bf16 v8, v19;
	v16 =	vunpack.i.u.bf16.f32 v9  }
0x169: {  	v9 =	vunpack.i.l.bf16.f32 v9;
	v17 =	vunpack.i.u.bf16.f32 v14;
	v14 =	vunpack.i.l.bf16.f32 v14  }
0x16a: {  	v11 =	vadd.f32 v11, v12;
	v18 =	vunpack.i.u.bf16.f32 v8;
	v14 =	vadd.f32 v14, v17  }
0x16b: {  	v10 =	vadd.f32 v15, v10;
	v9 =	vadd.f32 v9, v16;
	v8 =	vunpack.i.l.bf16.f32 v8  }
0x16c: {  	v8 =	vadd.f32 v8, v18  }
0x16d: {  	v10 =	vadd.f32 v13, v10;
	v9 =	vadd.f32 v11, v9  }
0x16e: {  	v8 =	vadd.f32 v8, v14  }
0x16f: {  	v11, _, _ =	vpop (xrf2);
	(xrf2) =	vadd.scan.msk.f32 $0xffff, v10  }
0x170: {  	v8 =	vadd.f32 v9, v8;
	v10 =	vbroadcast v11, $0xF;
	_ =	sdelay $0x1  }
0x171: {  	(xrf2) =	vadd.scan.msk.f32 $0xffff, v8;
	_ =	sdelay $0x4  }
0x172: {  	v8 =	vnsel vm0, $0x0, v10;
	_ =	sdelay $0x1  }
0x173: {  	v9, _, _ =	vpop (xrf2)  }
0x174: {  	v9 =	vbroadcast v9, $0xF;
	_ =	sdelay $0x1  }
0x175: {  	v8 =	vsel vm1, v8, v9;
	v9 =	vbroadcast v23, $0xF;
	v10, _, _ =	vpop (xrf2)  }
0x176: {  	v10 =	vbroadcast v10, $0xF  }
0x177: {  	v8 =	vsel vm2, v8, v9  }
0x178: {  	v9 =	vadd.s32 s0, v0;
	s0 =	smov.u32 s28;
	v8 =	vsel vm3, v8, v10  }
0x179: {  	v8 =	vmul.f32 $5.000000000e-01, v8;
	_ =	sdelay $0x1  }
0x17a: {  	v8 =	vmax.f32 v8, $-2.000000000e+01  }
0x17b: {  	v8 =	vmin.f32 v8, $2.000000000e+01  }
0x17c: {  	[tilespmem:v9+s22+$0x0] =	vst.idx.msk $0xf, v8  }
0x17d: {  	v12 =	vld [tilespmem:s15+$0x0]  }
0x17e: {  	v8 =	vld [tilespmem:s23+$0xFFFFFFD0]  }
0x17f: {  	v15 =	vld [tilespmem:s23+$0xFFFFFF20]  }
0x180: {  	v9 =	vld [tilespmem:s23+$0xFFFFF5E0]  }
0x181: {  	v10 =	vld [tilespmem:s23+$0xFFFFFF70]  }
0x182: {  	v13 =	vld [tilespmem:s23+$0xFFFFF540]  }
0x183: {  	v11 =	vperm.xlane v12, v6;
	v16 =	vperm.xlane v12, v7;
	v18 =	vld [tilespmem:s23+$0xFFFFFFA0]  }
0x184: {  	v14 =	vld [tilespmem:s23+$0xFFFFF530]  }
0x185: {  	v11 =	vshll.u32 v11, $0x6;
	v16 =	vshll.u32 v16, $0x6;
	v19 =	vld [tilespmem:s23+$0xFFFFF5A0]  }
0x186: {  	v17 =	vor.u32 v0, v11;
	v20 =	vor.u32 v3, v11;
	v21 =	vor.u32 v4, v11;
	v23 =	vld [tilespmem:s23+$0xFFFFFF90]  }
0x187: {  	v22 =	vor.u32 v2, v11;
	v11 =	vor.u32 v3, v16;
	v32 =	vld [tilespmem:s23+$0xFFFFFFC0]  }
0x188: {  	v25 =	vld [tilespmem:s23+$0xFFFFFFE0]  }
0x189: {  	v24 =	vld [tilespmem:s23+$0xFFFFFFB0]  }
0x18a: {  	v27 =	vor.u32 v4, v16;
	v26 =	vld [tilespmem:s23+$0xFFFFF590]  }
0x18b: {  	v28 =	vld.idx.msk [tilespmem:v17+s7+$0x0], $0xffff  }
0x18c: {  	v21 =	vld.idx.msk [tilespmem:v21+s7+$0x0], $0xffff  }
0x18d: {  	v22 =	vld.idx.msk [tilespmem:v22+s7+$0x0], $0xffff  }
0x18e: {  	v29 =	vld [tilespmem:s23+$0xFFFFF5C0]  }
0x18f: {  	v33 =	vld.idx.msk [tilespmem:v27+s7+$0x0], $0xffff  }
0x190: {  	v34 =	vld.idx.msk [tilespmem:v20+s7+$0x0], $0xffff  }
0x191: {  	v20 =	vperm.xlane v12, v5;
	v26 =	vmul.bf16 v28, v26;
	v17 =	vld [tilespmem:s23+$0xFFFFF510]  }
0x192: {  	v12 =	vperm.xlane v12, v1;
	v21 =	vmul.bf16 v21, v18;
	v35 =	vld [tilespmem:s23+$0xFFFFF600]  }
.Ltmp8:
0x193: {  	v20 =	vshll.u32 v20, $0x6;
	v27 =	vmul.bf16 v24, v26;
	v36 =	vmul.bf16 v22, v19;
	v30 =	vld [tilespmem:s23+$0xFFFFF5B0];
	(pc) =	sbr.rel @p3 .LBB2_9-.Ltmp8, $4  }
0x194: {  	v12 =	vshll.u32 v12, $0x6;
	v31 =	vor.u32 v2, v20;
	v24 =	vmul.bf16 v21, v29;
	v18 =	vld [tilespmem:s23+$0xFFFFFF40]  }
0x195: {  	v22 =	vor.u32 v0, v12;
	v28 =	vor.u32 v2, v12;
	v37 =	vmul.bf16 v33, v25;
	v19 =	vld [tilespmem:s23+$0xFFFFFF10]  }
0x196: {  	v26 =	vor.u32 v4, v12;
	v33 =	vmul.bf16 v34, v23;
	v25 =	vunpack.i.u.bf16.f32 v24;
	v21 =	vld [tilespmem:s23+$0xFFFFFF80]  }
0x197: {  	v29 =	vor.u32 v3, v12;
	v32 =	vmul.bf16 v32, v36;
	v23 =	vld [tilespmem:s23+$0xFFFFF520];
	v12 =	vmul.bf16 v37, v35  }
0x198: {  	_ =	sdelay $0x2  }
0x199: {  	v34 =	vld [tilespmem:s17+$0xFFFFF560]  }
0x19a: {  	v31 =	vld.idx.msk [tilespmem:v31+s7+$0x0], $0xffff  }
0x19b: {  	v28 =	vld.idx.msk [tilespmem:v28+s7+$0x0], $0xffff  }
0x19c: {  	v30 =	vmul.bf16 v33, v30;
	v52 =	vunpack.i.u.bf16.f32 v27;
	v26 =	vld.idx.msk [tilespmem:v26+s7+$0x0], $0xffff  }
0x19d: {  	v53 =	vunpack.i.l.bf16.f32 v27;
	v35 =	vor.u32 v0, v20;
	v24 =	vunpack.i.l.bf16.f32 v24;
	v29 =	vld.idx.msk [tilespmem:v29+s7+$0x0], $0xffff  }
0x19e: {  	v22 =	vld.idx.msk [tilespmem:v22+s7+$0x0], $0xffff;
	v36 =	vunpack.i.u.bf16.f32 v32;
	v55 =	vunpack.i.l.bf16.f32 v32;
	v24 =	vadd.f32 v24, v25  }
0x19f: {  	v11 =	vld.idx.msk [tilespmem:v11+s7+$0x0], $0xffff;
	v54 =	vunpack.i.u.bf16.f32 v30;
	v30 =	vunpack.i.l.bf16.f32 v30;
	v57 =	vadd.f32 v55, v36  }
0x1a0: {  	v56 =	vor.u32 v4, v20;
	v27 =	vadd.f32 v53, v52;
	v30 =	vadd.f32 v30, v54  }
0x1a1: {  	v59 =	vor.u32 v3, v20;
	v62 =	vld [tilespmem:s17+$0xFFFFFF30];
	v54 =	vunpack.i.l.bf16.f32 v12;
	v24 =	vadd.f32 v24, v57  }
0x1a2: {  	v52 =	vld [tilespmem:s17+$0xFFFFF5F0];
	v27 =	vadd.f32 v30, v27;
	v61 =	vmul.bf16 v31, v34;
	v23 =	vmul.bf16 v28, v23  }
0x1a3: {  	v60 =	vld [tilespmem:s17+$0xFFFFFF50];
	v15 =	vmul.bf16 v26, v15;
	v34 =	vor.u32 v2, v16;
	v19 =	vmul.bf16 v29, v19  }
0x1a4: {  	v58 =	vld.idx.msk [tilespmem:v35+s7+$0x0], $0xffff;
	v35 =	vor.u32 v0, v16;
	v17 =	vmul.bf16 v22, v17;
	v8 =	vmul.bf16 v11, v8  }
0x1a5: {  	v63 =	vld.idx.msk [tilespmem:v56+s7+$0x0], $0xffff;
	v56 =	vunpack.i.u.bf16.f32 v12;
	v21 =	vmul.bf16 v21, v61;
	v18 =	vmul.bf16 v18, v23  }
0x1a6: {  	v33 =	vld [tilespmem:s17+$0xFFFFFF60];
	v11 =	vadd.f32 v54, v56;
	v13 =	vmul.bf16 v15, v13;
	v14 =	vmul.bf16 v19, v14  }
0x1a7: {  	v37 =	vld [tilespmem:s17+$0xFFFFF550];
	v17 =	vmul.bf16 v62, v17;
	v8 =	vmul.bf16 v8, v52;
	v36 =	vunpack.i.u.bf16.f32 v21  }
0x1a8: {  	v20 =	vld.idx.msk [tilespmem:v59+s7+$0x0], $0xffff;
	v38 =	vunpack.i.u.bf16.f32 v18;
	v21 =	vunpack.i.l.bf16.f32 v21;
	v18 =	vunpack.i.l.bf16.f32 v18  }
0x1a9: {  	v39 =	vld [tilespmem:s17+$0xFFFFF580];
	v40 =	vunpack.i.u.bf16.f32 v13;
	v42 =	vunpack.i.u.bf16.f32 v14;
	v14 =	vunpack.i.l.bf16.f32 v14  }
0x1aa: {  	v41 =	vld [tilespmem:s17+$0xFFFFF570];
	v44 =	vunpack.i.u.bf16.f32 v17;
	v17 =	vunpack.i.l.bf16.f32 v17;
	v13 =	vunpack.i.l.bf16.f32 v13  }
0x1ab: {  	v45 =	vld [tilespmem:s17+$0xFFFFF5D0];
	v18 =	vadd.f32 v18, v38;
	v13 =	vadd.f32 v13, v40;
	v26 =	vmul.bf16 v63, v33  }
0x1ac: {  	v43 =	vld.idx.msk [tilespmem:v34+s7+$0x0], $0xffff;
	v22 =	vmul.bf16 v58, v37;
	v17 =	vadd.f32 v17, v44;
	v14 =	vadd.f32 v14, v42  }
0x1ad: {  	v16 =	vld.idx.msk [tilespmem:v35+s7+$0x0], $0xffff;
	v20 =	vmul.bf16 v20, v60;
	v15 =	vadd.f32 v21, v36;
	v58 =	vunpack.i.u.bf16.f32 v8  }
0x1ae: {  	v47 =	vld [tilespmem:s17+$0x0];
	v8 =	vunpack.i.l.bf16.f32 v8;
	v46 =	vmul.bf16 v26, v39;
	v10 =	vmul.bf16 v10, v22  }
0x1af: {  	v49 =	vld [tilespmem:s17+$0xFFFFFFF0];
	v13 =	vadd.f32 v13, v18;
	v14 =	vadd.f32 v14, v17;
	v48 =	vmul.bf16 v20, v41  }
0x1b0: {  	v50 =	vunpack.i.u.bf16.f32 v46;
	v18 =	vunpack.i.l.bf16.f32 v46;
	v51 =	vunpack.i.u.bf16.f32 v10  }
0x1b1: {  	v53 =	vunpack.i.u.bf16.f32 v48;
	v17 =	vunpack.i.l.bf16.f32 v48;
	v9 =	vmul.bf16 v43, v9  }
0x1b2: {  	v10 =	vunpack.i.l.bf16.f32 v10;
	v18 =	vadd.f32 v18, v50;
	v16 =	vmul.bf16 v16, v45  }
0x1b3: {  	v17 =	vadd.f32 v17, v53;
	v10 =	vadd.f32 v10, v51;
	v9 =	vmul.bf16 v47, v9  }
0x1b4: {  	v24 =	vadd.f32 v24, v27;
	v8 =	vadd.f32 v8, v58;
	v16 =	vmul.bf16 v49, v16  }
0x1b5: {  	v15 =	vadd.f32 v18, v15;
	v10 =	vadd.f32 v17, v10;
	v55 =	vunpack.i.u.bf16.f32 v9  }
0x1b6: {  	v57 =	vunpack.i.u.bf16.f32 v16;
	v16 =	vunpack.i.l.bf16.f32 v16;
	v9 =	vunpack.i.l.bf16.f32 v9  }
0x1b7: {  	v16 =	vadd.f32 v16, v57;
	v9 =	vadd.f32 v9, v55  }
0x1b8: {  	v59 =	vadd.f32 v13, v14;
	v10 =	vadd.f32 v15, v10  }
0x1b9: {  	(xrf2) =	vadd.scan.msk.f32 $0xffff, v24;
	v9 =	vadd.f32 v11, v9;
	v8 =	vadd.f32 v8, v16  }
0x1ba: {  	(xrf2) =	vadd.scan.msk.f32 $0xffff, v59  }
0x1bb: {  	(xrf2) =	vadd.scan.msk.f32 $0xffff, v10;
	v8 =	vadd.f32 v9, v8;
	_ =	sdelay $0x1  }
0x1bc: {  	(xrf2) =	vadd.scan.msk.f32 $0xffff, v8;
	_ =	sdelay $0x5  }
0x1bd: {  	v8, _, _ =	vpop (xrf2)  }
0x1be: {  	v60, _, _ =	vpop (xrf2)  }
0x1bf: {  	v9 =	vbroadcast v60, $0xF;
	v10, _, _ =	vpop (xrf2)  }
0x1c0: {  	v10 =	vbroadcast v10, $0xF  }
0x1c1: {  	v8 =	vbroadcast v8, $0xF;
	v9 =	vnsel vm0, $0x0, v9;
	v61, _, _ =	vpop (xrf2)  }
0x1c2: {  	v9 =	vsel vm1, v9, v10;
	v62 =	vbroadcast v61, $0xF  }
0x1c3: {  	v8 =	vsel vm2, v9, v8  }
0x1c4: {  	v63 =	vadd.s32 s0, v0;
	v8 =	vsel vm3, v8, v62  }
0x1c5: {  	v8 =	vmul.f32 $5.000000000e-01, v8;
	_ =	sdelay $0x1  }
0x1c6: {  	v8 =	vmax.f32 v8, $-2.000000000e+01  }
0x1c7: {  	s28 =	sshrl.u32 s24, $0x3;
	v8 =	vmin.f32 v8, $2.000000000e+01  }
0x1c8: {  	p3 =	seq.s32 s1, $0x3E;
	s0 =	sadd.s32 s6, s28;
	[tilespmem:v63+s22+$0x0] =	vst.idx.msk $0xf, v8  }
0x1c9: {  	[hbm4b:s0+s7] =	stream.linear.scatter [tilespmem:s22], [sflag:$0xA], $0x28, $0x38;
	[tilespmem:$0x14CC0] =	vst v63  }
0x1ca: {  	s0 =	sadd.s32 @!p3 s11, s26  }
0x1cb: {  	s0 =	sshrl.u32 @!p3 s0, $0x3  }
0x1cc: {  	s15 =	simm.s32 @!p3 $0x0;
	s17 =	simm.s32 @!p3 $0xFA50;
	s10 =	sadd.s32 @!p3 s2, s0  }
0x1cd: {  	[tilespmem:s17], [sflag:$0x6] =	stream.linear.gather @!p3 [hbm4b:s10+s15], $0x28, $0x38;
	[tilespmem:$0x14CC0] =	vst v63  }
0x1ce: {  	s10 =	sadd.s32 @!p3 s3, s0;
	s17 =	simm.s32 @!p3 $0xFA78  }
0x1cf: {  	[tilespmem:s17], [sflag:$0x6] =	stream.linear.gather @!p3 [hbm4b:s10+s15], $0x28, $0x38;
	[tilespmem:$0x14CC0] =	vst v63  }
0x1d0: {  	s0 =	sadd.s32 @!p3 s5, s0;
	s10 =	simm.s32 @!p3 $0xFB78  }
0x1d1: {  	[tilespmem:s10], [sflag:$0x6] =	stream.linear.gather @!p3 [hbm4b:s0+s15], $0x28, $0x38;
	[tilespmem:$0x14CC0] =	vst v63  }
0x1d2: {  	s0 =	simm.s32 @!p3 $0x5  }
0x1d3: {  	_ =	swait.ge @!p3 [sflag:s0], $0x28  }
0x1d4: {  	[sflag:s0] =	ssyncset.done @!p3 $0x0  }
0x1d5: {  	[sflag:s0] =	ssyncadd.s32 @!p3 $0xFFFFFFD8  }
0x1d6: {  	_ =	swait.ge @!p3 [sflag:s0], $0x28  }
0x1d7: {  	[sflag:s0] =	ssyncset.done @!p3 $0x0  }
.Ltmp9:
0x1d8: {  	[sflag:s0] =	ssyncadd.s32 @!p3 $0xFFFFFFD8;
	(pc) =	sbr.rel @p1 .LBB2_14-.Ltmp9, $4  }
0x1d9: {  	_ =	swait.ge @!p3 [sflag:s0], $0x28  }
0x1da: {  	s10 =	simm.s32 @!p3 $0xFA00;
	[sflag:s0] =	ssyncset.done @!p3 $0x0  }
0x1db: {  	s15 =	simm.s32 @!p3 $0xFCC0;
	[sflag:s0] =	ssyncadd.s32 @!p3 $0xFFFFFFD8;
	s0 =	simm.s32 @!p3 $0x50  }
0x1dc: {  	[tilespmem:s15], [sflag:$0x1] =	stream.indirect.gather @!p3 [hbm4b:s9+s0], $0x40, s10, s0, $0xb8;
	[tilespmem:$0x14CC0] =	vst v63  }
0x1dd: {  	_ =	swait.ge [sflag:s25], $0x1400  }
0x1de: {  	[sflag:s25] =	ssyncset.done $0x0  }
0x1df: {  	s0 =	simm.s32 @!p0 $0xB;
	[sflag:s25] =	ssyncadd.s32 $0xFFFFEC00  }
0x1e0: {  	_ =	swait.ge @!p0 [sflag:s0], $0x28  }
0x1e1: {  	[sflag:s0] =	ssyncset.done @!p0 $0x0  }
0x1e2: {  	s15 =	simm.s32 $0xFBB0;
	[sflag:s0] =	ssyncadd.s32 @!p0 $0xFFFFFFD8  }
0x1e3: {  	s17 =	simm.s32 $0x12FB0;
	v12 =	vld [tilespmem:s15+$0x0]  }
0x1e4: {  	v8 =	vld [tilespmem:s17+$0xFFFFFFD0]  }
0x1e5: {  	v15 =	vld [tilespmem:s17+$0xFFFFFF20]  }
0x1e6: {  	v9 =	vld [tilespmem:s17+$0xFFFFF5E0]  }
0x1e7: {  	v10 =	vld [tilespmem:s17+$0xFFFFFF70]  }
0x1e8: {  	v13 =	vld [tilespmem:s17+$0xFFFFF540]  }
0x1e9: {  	v18 =	vld [tilespmem:s17+$0xFFFFFFA0];
	v11 =	vperm.xlane v12, v6  }
0x1ea: {  	v14 =	vld [tilespmem:s17+$0xFFFFF530]  }
0x1eb: {  	v19 =	vld [tilespmem:s17+$0xFFFFF5A0];
	v11 =	vshll.u32 v11, $0x6  }
0x1ec: {  	v23 =	vld [tilespmem:s17+$0xFFFFFF90];
	v16 =	vperm.xlane v12, v7;
	v17 =	vor.u32 v0, v11  }
0x1ed: {  	v32 =	vld [tilespmem:s17+$0xFFFFFFC0];
	v20 =	vor.u32 v4, v11  }
0x1ee: {  	v25 =	vld [tilespmem:s17+$0xFFFFFFE0];
	v16 =	vshll.u32 v16, $0x6;
	v21 =	vor.u32 v2, v11  }
0x1ef: {  	v22 =	vld [tilespmem:s17+$0xFFFFFFB0];
	v26 =	vor.u32 v4, v16  }
0x1f0: {  	v24 =	vld [tilespmem:s17+$0xFFFFF590];
	v11 =	vor.u32 v3, v11  }
0x1f1: {  	v27 =	vld.idx.msk [tilespmem:v17+s7+$0x0], $0xffff  }
0x1f2: {  	v20 =	vld.idx.msk [tilespmem:v20+s7+$0x0], $0xffff  }
0x1f3: {  	v21 =	vld.idx.msk [tilespmem:v21+s7+$0x0], $0xffff  }
0x1f4: {  	v31 =	vld.idx.msk [tilespmem:v26+s7+$0x0], $0xffff  }
0x1f5: {  	v33 =	vld.idx.msk [tilespmem:v11+s7+$0x0], $0xffff  }
0x1f6: {  	v28 =	vld [tilespmem:s17+$0xFFFFF5C0];
	v26 =	vperm.xlane v12, v5;
	v12 =	vperm.xlane v12, v1  }
0x1f7: {  	v34 =	vld [tilespmem:s17+$0xFFFFF600]  }
0x1f8: {  	v29 =	vld [tilespmem:s17+$0xFFFFF5B0];
	v11 =	vor.u32 v3, v16;
	v12 =	vshll.u32 v12, $0x6;
	v24 =	vmul.bf16 v27, v24  }
0x1f9: {  	v17 =	vld [tilespmem:s17+$0xFFFFF510];
	v27 =	vmul.bf16 v20, v18;
	v20 =	vshll.u32 v26, $0x6;
	v35 =	vmul.bf16 v21, v19  }
0x1fa: {  	v18 =	vld [tilespmem:s17+$0xFFFFFF40];
	v36 =	vmul.bf16 v31, v25;
	v33 =	vmul.bf16 v33, v23;
	v30 =	vor.u32 v2, v20  }
0x1fb: {  	s28 =	smul.u32 $0x28, s12;
	v19 =	vld [tilespmem:s17+$0xFFFFFF10];
	v26 =	vmul.bf16 v22, v24;
	v24 =	vmul.bf16 v27, v28;
	v28 =	vor.u32 v2, v12  }
0x1fc: {  	s10 =	simm.s32 $0x4;
	v21 =	vld [tilespmem:s17+$0xFFFFFF80];
	v31 =	vor.u32 v3, v12;
	v22 =	vor.u32 v0, v12;
	v27 =	vor.u32 v4, v12  }
0x1fd: {  	s23 =	simm.s32 $0x12FB0;
	s12 =	sadd.s32 s8, s28;
	s0 =	simm.s32 $0x0;
	v23 =	vld [tilespmem:s17+$0xFFFFF520];
	v32 =	vmul.bf16 v32, v35;
	v12 =	vmul.bf16 v36, v34;
	v25 =	vunpack.i.u.bf16.f32 v24  }
.LBB2_12:
0x1fe: {  	p1 =	sne.s32 s10, $0x24;
	v34 =	vld [tilespmem:s17+$0xFFFFF560];
	v29 =	vmul.bf16 v33, v29;
	v33 =	vunpack.i.u.bf16.f32 v26;
	v26 =	vunpack.i.l.bf16.f32 v26;
	s15 =	sadd.s32 $0x4, s15;
	s23 =	sadd.s32 $0x100, s23  }
0x1ff: {  	v35 =	vor.u32 v0, v20;
	s24 =	smov.u32 s10;
	s10 =	sadd.s32 $0x4, s10;
	v30 =	vld.idx.msk [tilespmem:v30+s7+$0x0], $0xffff;
	v36 =	vunpack.i.u.bf16.f32 v32;
	v26 =	vadd.f32 v26, v33  }
0x200: {  	v24 =	vunpack.i.l.bf16.f32 v24;
	v28 =	vld.idx.msk [tilespmem:v28+s7+$0x0], $0xffff;
	v33 =	vunpack.i.u.bf16.f32 v29;
	v29 =	vunpack.i.l.bf16.f32 v29  }
0x201: {  	v32 =	vunpack.i.l.bf16.f32 v32;
	v24 =	vadd.f32 v24, v25;
	v27 =	vld.idx.msk [tilespmem:v27+s7+$0x0], $0xffff;
	v29 =	vadd.f32 v29, v33  }
0x202: {  	v32 =	vadd.f32 v32, v36;
	v25 =	vld.idx.msk [tilespmem:v31+s7+$0x0], $0xffff;
	v31 =	vor.u32 v4, v20  }
0x203: {  	v22 =	vld.idx.msk [tilespmem:v22+s7+$0x0], $0xffff;
	v26 =	vadd.f32 v29, v26  }
0x204: {  	v20 =	vor.u32 v3, v20;
	v24 =	vadd.f32 v24, v32;
	v29 =	vld.idx.msk [tilespmem:v35+s7+$0x0], $0xffff  }
0x205: {  	v30 =	vmul.bf16 v30, v34;
	v32 =	vld [tilespmem:s17+$0xFFFFFF50]  }
0x206: {  	v23 =	vmul.bf16 v28, v23;
	v24 =	vadd.f32 v24, v26;
	v26 =	vor.u32 v0, v16;
	v33 =	vld [tilespmem:s17+$0xFFFFFF30]  }
0x207: {  	v15 =	vmul.bf16 v27, v15;
	v21 =	vmul.bf16 v21, v30;
	v27 =	vld.idx.msk [tilespmem:v31+s7+$0x0], $0xffff  }
0x208: {  	v16 =	vor.u32 v2, v16;
	v19 =	vmul.bf16 v25, v19;
	v18 =	vmul.bf16 v18, v23;
	v23 =	vld [tilespmem:s17+$0xFFFFFF60];
	(xrf2) =	vadd.scan.msk.f32 $0xffff, v24  }
0x209: {  	v17 =	vmul.bf16 v22, v17;
	v13 =	vmul.bf16 v15, v13;
	v15 =	vld.idx.msk [tilespmem:v20+s7+$0x0], $0xffff;
	v20 =	vunpack.i.u.bf16.f32 v21  }
0x20a: {  	v14 =	vmul.bf16 v19, v14;
	v19 =	vunpack.i.u.bf16.f32 v18;
	v21 =	vunpack.i.l.bf16.f32 v21;
	v22 =	vld [tilespmem:s17+$0xFFFFF550]  }
0x20b: {  	v18 =	vunpack.i.l.bf16.f32 v18;
	v24 =	vunpack.i.u.bf16.f32 v13;
	v17 =	vmul.bf16 v33, v17;
	v25 =	vld [tilespmem:s17+$0xFFFFF580]  }
0x20c: {  	v18 =	vadd.f32 v18, v19;
	v28 =	vunpack.i.u.bf16.f32 v14;
	v14 =	vunpack.i.l.bf16.f32 v14;
	v19 =	vld [tilespmem:s17+$0xFFFFF570]  }
0x20d: {  	v13 =	vunpack.i.l.bf16.f32 v13;
	v30 =	vunpack.i.u.bf16.f32 v17;
	v17 =	vunpack.i.l.bf16.f32 v17;
	v16 =	vld.idx.msk [tilespmem:v16+s7+$0x0], $0xffff  }
0x20e: {  	v13 =	vadd.f32 v13, v24;
	v23 =	vmul.bf16 v27, v23;
	v17 =	vadd.f32 v17, v30;
	v24 =	vld.idx.msk [tilespmem:v26+s7+$0x0], $0xffff  }
0x20f: {  	v14 =	vadd.f32 v14, v28;
	v15 =	vmul.bf16 v15, v32;
	v22 =	vmul.bf16 v29, v22;
	v11 =	vld.idx.msk [tilespmem:v11+s7+$0x0], $0xffff  }
0x210: {  	v20 =	vadd.f32 v21, v20;
	v13 =	vadd.f32 v13, v18;
	v18 =	vmul.bf16 v23, v25;
	v21 =	vld [tilespmem:s17+$0xFFFFF5D0]  }
0x211: {  	v14 =	vadd.f32 v14, v17;
	v10 =	vmul.bf16 v10, v22;
	v15 =	vmul.bf16 v15, v19;
	v17 =	vld [tilespmem:s17+$0x0]  }
0x212: {  	v19 =	vunpack.i.u.bf16.f32 v18;
	v18 =	vunpack.i.l.bf16.f32 v18;
	v22 =	vld [tilespmem:s17+$0xFFFFFFF0];
	v23, _, _ =	vpop (xrf2)  }
0x213: {  	v13 =	vadd.f32 v13, v14;
	v14 =	vunpack.i.u.bf16.f32 v10;
	v18 =	vadd.f32 v18, v19;
	v19 =	vld [tilespmem:s17+$0xFFFFF5F0];
	s17 =	smov.u32 s23  }
0x214: {  	v9 =	vmul.bf16 v16, v9;
	v25 =	vunpack.i.u.bf16.f32 v15;
	v15 =	vunpack.i.l.bf16.f32 v15  }
0x215: {  	v15 =	vadd.f32 v15, v25;
	v8 =	vmul.bf16 v11, v8;
	v16 =	vmul.bf16 v24, v21;
	(xrf2) =	vadd.scan.msk.f32 $0xffff, v13  }
0x216: {  	v10 =	vunpack.i.l.bf16.f32 v10;
	v11 =	vunpack.i.l.bf16.f32 v12;
	v9 =	vmul.bf16 v17, v9  }
0x217: {  	v10 =	vadd.f32 v10, v14;
	v13 =	vadd.f32 v18, v20;
	v14 =	vmul.bf16 v22, v16  }
0x218: {  	v12 =	vunpack.i.u.bf16.f32 v12;
	v8 =	vmul.bf16 v8, v19;
	v16 =	vunpack.i.u.bf16.f32 v9  }
0x219: {  	v9 =	vunpack.i.l.bf16.f32 v9;
	v17 =	vunpack.i.u.bf16.f32 v14;
	v14 =	vunpack.i.l.bf16.f32 v14  }
0x21a: {  	v11 =	vadd.f32 v11, v12;
	v18 =	vunpack.i.u.bf16.f32 v8;
	v14 =	vadd.f32 v14, v17  }
0x21b: {  	v10 =	vadd.f32 v15, v10;
	v9 =	vadd.f32 v9, v16;
	v8 =	vunpack.i.l.bf16.f32 v8  }
0x21c: {  	v8 =	vadd.f32 v8, v18  }
0x21d: {  	v10 =	vadd.f32 v13, v10;
	v9 =	vadd.f32 v11, v9  }
0x21e: {  	v8 =	vadd.f32 v8, v14  }
0x21f: {  	v11, _, _ =	vpop (xrf2);
	(xrf2) =	vadd.scan.msk.f32 $0xffff, v10  }
0x220: {  	v8 =	vadd.f32 v9, v8;
	v10 =	vbroadcast v11, $0xF;
	_ =	sdelay $0x1  }
0x221: {  	(xrf2) =	vadd.scan.msk.f32 $0xffff, v8;
	_ =	sdelay $0x4  }
0x222: {  	v8 =	vnsel vm0, $0x0, v10;
	_ =	sdelay $0x1  }
0x223: {  	v9, _, _ =	vpop (xrf2)  }
0x224: {  	v9 =	vbroadcast v9, $0xF;
	_ =	sdelay $0x1  }
0x225: {  	v8 =	vsel vm1, v8, v9;
	v9 =	vbroadcast v23, $0xF;
	v10, _, _ =	vpop (xrf2)  }
0x226: {  	v10 =	vbroadcast v10, $0xF  }
0x227: {  	v8 =	vsel vm2, v8, v9  }
0x228: {  	v9 =	vadd.s32 s0, v0;
	s0 =	smov.u32 s24;
	v8 =	vsel vm3, v8, v10  }
0x229: {  	v8 =	vmul.f32 $5.000000000e-01, v8;
	_ =	sdelay $0x1  }
0x22a: {  	v8 =	vmax.f32 v8, $-2.000000000e+01  }
0x22b: {  	v8 =	vmin.f32 v8, $2.000000000e+01  }
0x22c: {  	[tilespmem:v9+s30+$0x0] =	vst.idx.msk $0xf, v8  }
0x22d: {  	v12 =	vld [tilespmem:s15+$0x0]  }
0x22e: {  	v8 =	vld [tilespmem:s23+$0xFFFFFFD0]  }
0x22f: {  	v15 =	vld [tilespmem:s23+$0xFFFFFF20]  }
0x230: {  	v9 =	vld [tilespmem:s23+$0xFFFFF5E0]  }
0x231: {  	v10 =	vld [tilespmem:s23+$0xFFFFFF70]  }
0x232: {  	v13 =	vld [tilespmem:s23+$0xFFFFF540]  }
0x233: {  	v11 =	vperm.xlane v12, v6;
	v16 =	vperm.xlane v12, v7;
	v18 =	vld [tilespmem:s23+$0xFFFFFFA0]  }
0x234: {  	v14 =	vld [tilespmem:s23+$0xFFFFF530]  }
0x235: {  	v11 =	vshll.u32 v11, $0x6;
	v16 =	vshll.u32 v16, $0x6;
	v19 =	vld [tilespmem:s23+$0xFFFFF5A0]  }
0x236: {  	v17 =	vor.u32 v0, v11;
	v20 =	vor.u32 v3, v11;
	v21 =	vor.u32 v4, v11;
	v23 =	vld [tilespmem:s23+$0xFFFFFF90]  }
0x237: {  	v22 =	vor.u32 v2, v11;
	v11 =	vor.u32 v3, v16;
	v32 =	vld [tilespmem:s23+$0xFFFFFFC0]  }
0x238: {  	v25 =	vld [tilespmem:s23+$0xFFFFFFE0]  }
0x239: {  	v24 =	vld [tilespmem:s23+$0xFFFFFFB0]  }
0x23a: {  	v27 =	vor.u32 v4, v16;
	v26 =	vld [tilespmem:s23+$0xFFFFF590]  }
0x23b: {  	v28 =	vld.idx.msk [tilespmem:v17+s7+$0x0], $0xffff  }
0x23c: {  	v21 =	vld.idx.msk [tilespmem:v21+s7+$0x0], $0xffff  }
0x23d: {  	v22 =	vld.idx.msk [tilespmem:v22+s7+$0x0], $0xffff  }
0x23e: {  	v31 =	vld [tilespmem:s23+$0xFFFFF5C0]  }
0x23f: {  	v27 =	vld.idx.msk [tilespmem:v27+s7+$0x0], $0xffff  }
0x240: {  	v33 =	vld.idx.msk [tilespmem:v20+s7+$0x0], $0xffff  }
0x241: {  	v20 =	vperm.xlane v12, v5;
	v26 =	vmul.bf16 v28, v26;
	v17 =	vld [tilespmem:s23+$0xFFFFF510]  }
0x242: {  	v12 =	vperm.xlane v12, v1;
	v21 =	vmul.bf16 v21, v18;
	v34 =	vld [tilespmem:s23+$0xFFFFF600]  }
.Ltmp10:
0x243: {  	v20 =	vshll.u32 v20, $0x6;
	v26 =	vmul.bf16 v24, v26;
	v35 =	vmul.bf16 v22, v19;
	v29 =	vld [tilespmem:s23+$0xFFFFF5B0];
	(pc) =	sbr.rel @p1 .LBB2_12-.Ltmp10, $4  }
0x244: {  	v12 =	vshll.u32 v12, $0x6;
	v30 =	vor.u32 v2, v20;
	v24 =	vmul.bf16 v21, v31;
	v18 =	vld [tilespmem:s23+$0xFFFFFF40]  }
0x245: {  	v22 =	vor.u32 v0, v12;
	v28 =	vor.u32 v2, v12;
	v36 =	vmul.bf16 v27, v25;
	v19 =	vld [tilespmem:s23+$0xFFFFFF10]  }
0x246: {  	v27 =	vor.u32 v4, v12;
	v33 =	vmul.bf16 v33, v23;
	v25 =	vunpack.i.u.bf16.f32 v24;
	v21 =	vld [tilespmem:s23+$0xFFFFFF80]  }
0x247: {  	v31 =	vor.u32 v3, v12;
	v32 =	vmul.bf16 v32, v35;
	v23 =	vld [tilespmem:s23+$0xFFFFF520];
	v12 =	vmul.bf16 v36, v34  }
0x248: {  	_ =	sdelay $0x2  }
0x249: {  	v34 =	vld [tilespmem:s17+$0xFFFFF560]  }
0x24a: {  	v30 =	vld.idx.msk [tilespmem:v30+s7+$0x0], $0xffff  }
0x24b: {  	v28 =	vld.idx.msk [tilespmem:v28+s7+$0x0], $0xffff  }
0x24c: {  	v29 =	vmul.bf16 v33, v29;
	v52 =	vunpack.i.u.bf16.f32 v26;
	v27 =	vld.idx.msk [tilespmem:v27+s7+$0x0], $0xffff  }
0x24d: {  	v53 =	vunpack.i.l.bf16.f32 v26;
	v35 =	vor.u32 v0, v20;
	v24 =	vunpack.i.l.bf16.f32 v24;
	v31 =	vld.idx.msk [tilespmem:v31+s7+$0x0], $0xffff  }
0x24e: {  	v22 =	vld.idx.msk [tilespmem:v22+s7+$0x0], $0xffff;
	v36 =	vunpack.i.u.bf16.f32 v32;
	v55 =	vunpack.i.l.bf16.f32 v32;
	v24 =	vadd.f32 v24, v25  }
0x24f: {  	v11 =	vld.idx.msk [tilespmem:v11+s7+$0x0], $0xffff;
	v54 =	vunpack.i.u.bf16.f32 v29;
	v29 =	vunpack.i.l.bf16.f32 v29;
	v57 =	vadd.f32 v55, v36  }
0x250: {  	v56 =	vor.u32 v4, v20;
	v26 =	vadd.f32 v53, v52;
	v29 =	vadd.f32 v29, v54  }
0x251: {  	v59 =	vor.u32 v3, v20;
	v62 =	vld [tilespmem:s17+$0xFFFFFF30];
	v54 =	vunpack.i.l.bf16.f32 v12;
	v24 =	vadd.f32 v24, v57  }
0x252: {  	v52 =	vld [tilespmem:s17+$0xFFFFF5F0];
	v26 =	vadd.f32 v29, v26;
	v61 =	vmul.bf16 v30, v34;
	v23 =	vmul.bf16 v28, v23  }
0x253: {  	v60 =	vld [tilespmem:s17+$0xFFFFFF50];
	v15 =	vmul.bf16 v27, v15;
	v34 =	vor.u32 v2, v16;
	v19 =	vmul.bf16 v31, v19  }
0x254: {  	v58 =	vld.idx.msk [tilespmem:v35+s7+$0x0], $0xffff;
	v35 =	vor.u32 v0, v16;
	v17 =	vmul.bf16 v22, v17;
	v8 =	vmul.bf16 v11, v8  }
0x255: {  	v63 =	vld.idx.msk [tilespmem:v56+s7+$0x0], $0xffff;
	v56 =	vunpack.i.u.bf16.f32 v12;
	v21 =	vmul.bf16 v21, v61;
	v18 =	vmul.bf16 v18, v23  }
0x256: {  	v33 =	vld [tilespmem:s17+$0xFFFFFF60];
	v24 =	vadd.f32 v24, v26;
	v13 =	vmul.bf16 v15, v13;
	v14 =	vmul.bf16 v19, v14  }
0x257: {  	v37 =	vld [tilespmem:s17+$0xFFFFF550];
	v17 =	vmul.bf16 v62, v17;
	v8 =	vmul.bf16 v8, v52;
	v36 =	vunpack.i.u.bf16.f32 v21  }
0x258: {  	v20 =	vld.idx.msk [tilespmem:v59+s7+$0x0], $0xffff;
	v38 =	vunpack.i.u.bf16.f32 v18;
	v21 =	vunpack.i.l.bf16.f32 v21;
	v18 =	vunpack.i.l.bf16.f32 v18  }
0x259: {  	v39 =	vld [tilespmem:s17+$0xFFFFF580];
	v40 =	vunpack.i.u.bf16.f32 v13;
	v42 =	vunpack.i.u.bf16.f32 v14;
	v14 =	vunpack.i.l.bf16.f32 v14  }
0x25a: {  	v41 =	vld [tilespmem:s17+$0xFFFFF570];
	v44 =	vunpack.i.u.bf16.f32 v17;
	v17 =	vunpack.i.l.bf16.f32 v17;
	v13 =	vunpack.i.l.bf16.f32 v13  }
0x25b: {  	v45 =	vld [tilespmem:s17+$0xFFFFF5D0];
	v18 =	vadd.f32 v18, v38;
	v13 =	vadd.f32 v13, v40;
	v26 =	vmul.bf16 v63, v33  }
0x25c: {  	v43 =	vld.idx.msk [tilespmem:v34+s7+$0x0], $0xffff;
	v22 =	vmul.bf16 v58, v37;
	v17 =	vadd.f32 v17, v44;
	v14 =	vadd.f32 v14, v42  }
0x25d: {  	v16 =	vld.idx.msk [tilespmem:v35+s7+$0x0], $0xffff;
	v20 =	vmul.bf16 v20, v60;
	v15 =	vadd.f32 v21, v36;
	v58 =	vunpack.i.u.bf16.f32 v8  }
0x25e: {  	v47 =	vld [tilespmem:s17+$0x0];
	v8 =	vunpack.i.l.bf16.f32 v8;
	v46 =	vmul.bf16 v26, v39;
	v10 =	vmul.bf16 v10, v22  }
0x25f: {  	v49 =	vld [tilespmem:s17+$0xFFFFFFF0];
	v13 =	vadd.f32 v13, v18;
	v14 =	vadd.f32 v14, v17;
	v48 =	vmul.bf16 v20, v41  }
0x260: {  	v50 =	vunpack.i.u.bf16.f32 v46;
	v18 =	vunpack.i.l.bf16.f32 v46;
	v51 =	vunpack.i.u.bf16.f32 v10  }
0x261: {  	v53 =	vunpack.i.u.bf16.f32 v48;
	v17 =	vunpack.i.l.bf16.f32 v48;
	v9 =	vmul.bf16 v43, v9  }
0x262: {  	v10 =	vunpack.i.l.bf16.f32 v10;
	v18 =	vadd.f32 v18, v50;
	v16 =	vmul.bf16 v16, v45  }
0x263: {  	v17 =	vadd.f32 v17, v53;
	v10 =	vadd.f32 v10, v51;
	v9 =	vmul.bf16 v47, v9  }
0x264: {  	v11 =	vadd.f32 v54, v56;
	v8 =	vadd.f32 v8, v58;
	v16 =	vmul.bf16 v49, v16  }
0x265: {  	v15 =	vadd.f32 v18, v15;
	v10 =	vadd.f32 v17, v10;
	v55 =	vunpack.i.u.bf16.f32 v9  }
0x266: {  	v57 =	vunpack.i.u.bf16.f32 v16;
	v16 =	vunpack.i.l.bf16.f32 v16;
	v9 =	vunpack.i.l.bf16.f32 v9  }
0x267: {  	v16 =	vadd.f32 v16, v57;
	v9 =	vadd.f32 v9, v55  }
0x268: {  	v59 =	vadd.f32 v13, v14;
	v10 =	vadd.f32 v15, v10  }
0x269: {  	(xrf2) =	vadd.scan.msk.f32 $0xffff, v24;
	v9 =	vadd.f32 v11, v9;
	v8 =	vadd.f32 v8, v16  }
0x26a: {  	(xrf2) =	vadd.scan.msk.f32 $0xffff, v59  }
0x26b: {  	(xrf2) =	vadd.scan.msk.f32 $0xffff, v10;
	v8 =	vadd.f32 v9, v8;
	_ =	sdelay $0x1  }
0x26c: {  	(xrf2) =	vadd.scan.msk.f32 $0xffff, v8;
	_ =	sdelay $0x5  }
0x26d: {  	v8, _, _ =	vpop (xrf2)  }
0x26e: {  	v60, _, _ =	vpop (xrf2)  }
0x26f: {  	v9 =	vbroadcast v60, $0xF;
	v10, _, _ =	vpop (xrf2)  }
0x270: {  	v10 =	vbroadcast v10, $0xF  }
0x271: {  	v8 =	vbroadcast v8, $0xF;
	v9 =	vnsel vm0, $0x0, v9;
	v61, _, _ =	vpop (xrf2)  }
0x272: {  	v9 =	vsel vm1, v9, v10;
	v62 =	vbroadcast v61, $0xF  }
0x273: {  	v8 =	vsel vm2, v9, v8  }
0x274: {  	v63 =	vadd.s32 s0, v0;
	v8 =	vsel vm3, v8, v62  }
0x275: {  	v8 =	vmul.f32 $5.000000000e-01, v8;
	_ =	sdelay $0x1  }
0x276: {  	v8 =	vmax.f32 v8, $-2.000000000e+01  }
0x277: {  	s28 =	sshrl.u32 s12, $0x3;
	v8 =	vmin.f32 v8, $2.000000000e+01  }
0x278: {  	s0 =	sadd.s32 s6, s28;
	[tilespmem:v63+s30+$0x0] =	vst.idx.msk $0xf, v8  }
0x279: {  	[hbm4b:s0+s7] =	stream.linear.scatter [tilespmem:s30], [sflag:$0xB], $0x28, $0x38;
	[tilespmem:$0x14CC0] =	vst v63  }
.LBB2_14:
0x27a: {  	p1 =	sgt.u32 s1, $0x3C  }
.Ltmp11:
0x27b: {  	_ = 	snop;
	(pc) =	sbr.rel @p1 .LBB2_16-.Ltmp11, $1  }
0x27c: {  	_ =	sdelay $0x3  }
0x27d: {  	s0 =	rddreg [dreg:$0x16]  }
0x27e: {  	s0 =	sadd.s32 s11, s0  }
0x27f: {  	s0 =	sshrl.u32 s0, $0x3  }
0x280: {  	s12 =	simm.s32 $0xFAA0;
	s10 =	sadd.s32 s2, s0  }
0x281: {  	[tilespmem:s12], [sflag:$0x7] =	stream.linear.gather [hbm4b:s10+s7], $0x28, $0x38;
	[tilespmem:$0x14CC0] =	vst v63  }
.Ltmp12:
0x282: {  	_ = 	snop;
	(pc) =	sbr.rel .LBB2_17-.Ltmp12, $4  }
0x283: {  	s23 =	simm.s32 $0xFAC8;
	s28 =	smul.u32 $0x28, s13;
	s17 =	sadd.s32 s3, s0  }
0x284: {  	[tilespmem:s23], [sflag:$0x7] =	stream.linear.gather [hbm4b:s17+s7], $0x28, $0x38;
	[tilespmem:$0x14CC0] =	vst v63  }
0x285: {  	s24 =	simm.s32 $0xFBB0;
	s0 =	sadd.s32 s5, s0;
	s12 =	sadd.s32 s8, s28  }
0x286: {  	[tilespmem:s24], [sflag:$0x7] =	stream.linear.gather [hbm4b:s0+s7], $0x28, $0x38;
	[tilespmem:$0x14CC0] =	vst v63  }
.LBB2_16:
.Ltmp13:
0x287: {  	(pc) =	sbr.rel @p3 .LBB2_18-.Ltmp13, $3  }
0x288: {  	_ = 	snop  }
0x289: {  	s0 =	smul.u32 $0x28, s13;
	_ =	sdelay $0x1  }
0x28a: {  	s12 =	sadd.s32 s8, s0  }
.LBB2_17:
0x28b: {  	_ =	swait.ge [sflag:s16], $0x28  }
0x28c: {  	[sflag:s16] =	ssyncset.done $0x0  }
0x28d: {  	[sflag:s16] =	ssyncadd.s32 $0xFFFFFFD8  }
0x28e: {  	_ =	swait.ge [sflag:s16], $0x28  }
0x28f: {  	[sflag:s16] =	ssyncset.done $0x0  }
0x290: {  	[sflag:s16] =	ssyncadd.s32 $0xFFFFFFD8  }
0x291: {  	_ =	swait.ge [sflag:s16], $0x28  }
0x292: {  	s0 =	simm.s32 $0xFA50;
	[sflag:s16] =	ssyncset.done $0x0  }
0x293: {  	s10 =	simm.s32 $0x50;
	s13 =	simm.s32 $0x110C0;
	[sflag:s16] =	ssyncadd.s32 $0xFFFFFFD8  }
0x294: {  	[tilespmem:s13], [sflag:$0x2] =	stream.indirect.gather [hbm4b:s9+s10], $0x40, s0, s10, $0xb8;
	[tilespmem:$0x14CC0] =	vst v63  }
.LBB2_18:
.Ltmp14:
0x295: {  	(pc) =	sbr.rel @!p2 .LBB2_22-.Ltmp14, $1  }
0x296: {  	_ =	sdelay $0x3  }
0x297: {  	_ =	swait.ge [sflag:s14], $0x1400  }
0x298: {  	[sflag:s14] =	ssyncset.done $0x0  }
0x299: {  	s0 =	simm.s32 @!p0 $0xC;
	[sflag:s14] =	ssyncadd.s32 $0xFFFFEC00  }
0x29a: {  	_ =	swait.ge @!p0 [sflag:s0], $0x28  }
0x29b: {  	[sflag:s0] =	ssyncset.done @!p0 $0x0  }
0x29c: {  	s15 =	simm.s32 $0xFBE8;
	[sflag:s0] =	ssyncadd.s32 @!p0 $0xFFFFFFD8  }
0x29d: {  	s13 =	simm.s32 $0x143B0;
	v12 =	vld [tilespmem:s15+$0x0]  }
0x29e: {  	v8 =	vld [tilespmem:s13+$0xFFFFFFD0]  }
0x29f: {  	v15 =	vld [tilespmem:s13+$0xFFFFFF20]  }
0x2a0: {  	v9 =	vld [tilespmem:s13+$0xFFFFF5E0]  }
0x2a1: {  	v10 =	vld [tilespmem:s13+$0xFFFFFF70]  }
0x2a2: {  	v13 =	vld [tilespmem:s13+$0xFFFFF540]  }
0x2a3: {  	v18 =	vld [tilespmem:s13+$0xFFFFFFA0]  }
0x2a4: {  	v14 =	vld [tilespmem:s13+$0xFFFFF530];
	v11 =	vperm.xlane v12, v6  }
0x2a5: {  	v19 =	vld [tilespmem:s13+$0xFFFFF5A0]  }
0x2a6: {  	v23 =	vld [tilespmem:s13+$0xFFFFFF90];
	v11 =	vshll.u32 v11, $0x6  }
0x2a7: {  	v32 =	vld [tilespmem:s13+$0xFFFFFFC0];
	v16 =	vperm.xlane v12, v7;
	v17 =	vor.u32 v0, v11  }
0x2a8: {  	v25 =	vld [tilespmem:s13+$0xFFFFFFE0];
	v20 =	vor.u32 v4, v11  }
0x2a9: {  	v22 =	vld [tilespmem:s13+$0xFFFFFFB0];
	v16 =	vshll.u32 v16, $0x6;
	v21 =	vor.u32 v2, v11  }
0x2aa: {  	v24 =	vld [tilespmem:s13+$0xFFFFF590];
	v26 =	vor.u32 v4, v16  }
0x2ab: {  	v28 =	vld [tilespmem:s13+$0xFFFFF5C0]  }
0x2ac: {  	v11 =	vor.u32 v3, v11;
	v27 =	vld.idx.msk [tilespmem:v17+s7+$0x0], $0xffff  }
0x2ad: {  	v20 =	vld.idx.msk [tilespmem:v20+s7+$0x0], $0xffff  }
0x2ae: {  	v21 =	vld.idx.msk [tilespmem:v21+s7+$0x0], $0xffff  }
0x2af: {  	v26 =	vld.idx.msk [tilespmem:v26+s7+$0x0], $0xffff  }
0x2b0: {  	v34 =	vld [tilespmem:s13+$0xFFFFF600];
	v30 =	vperm.xlane v12, v5;
	v12 =	vperm.xlane v12, v1  }
0x2b1: {  	v29 =	vld.idx.msk [tilespmem:v11+s7+$0x0], $0xffff  }
0x2b2: {  	v12 =	vshll.u32 v12, $0x6;
	v17 =	vld [tilespmem:s13+$0xFFFFF510];
	v11 =	vor.u32 v3, v16;
	v24 =	vmul.bf16 v27, v24  }
0x2b3: {  	v33 =	vmul.bf16 v20, v18;
	v20 =	vshll.u32 v30, $0x6;
	v30 =	vld [tilespmem:s13+$0xFFFFF5B0];
	v35 =	vmul.bf16 v21, v19  }
0x2b4: {  	v18 =	vld [tilespmem:s13+$0xFFFFFF40];
	v36 =	vmul.bf16 v26, v25;
	v26 =	vor.u32 v4, v12;
	v31 =	vor.u32 v2, v20  }
0x2b5: {  	v19 =	vld [tilespmem:s13+$0xFFFFFF10];
	v27 =	vmul.bf16 v22, v24;
	v24 =	vmul.bf16 v33, v28;
	v28 =	vor.u32 v2, v12  }
0x2b6: {  	v21 =	vld [tilespmem:s13+$0xFFFFFF80];
	v22 =	vor.u32 v0, v12;
	v33 =	vmul.bf16 v29, v23;
	v29 =	vor.u32 v3, v12  }
0x2b7: {  	s10 =	simm.s32 $0x4;
	s17 =	simm.s32 $0x143B0;
	s0 =	simm.s32 $0x0;
	v23 =	vld [tilespmem:s13+$0xFFFFF520];
	v32 =	vmul.bf16 v32, v35;
	v12 =	vmul.bf16 v36, v34;
	v25 =	vunpack.i.u.bf16.f32 v24  }
.LBB2_20:
0x2b8: {  	p0 =	sne.s32 s10, $0x24;
	v34 =	vld [tilespmem:s13+$0xFFFFF560];
	v30 =	vmul.bf16 v33, v30;
	v33 =	vunpack.i.u.bf16.f32 v27;
	v27 =	vunpack.i.l.bf16.f32 v27;
	s15 =	sadd.s32 $0x4, s15;
	s17 =	sadd.s32 $0x100, s17  }
0x2b9: {  	v35 =	vor.u32 v0, v20;
	s23 =	smov.u32 s10;
	s10 =	sadd.s32 $0x4, s10;
	v31 =	vld.idx.msk [tilespmem:v31+s7+$0x0], $0xffff;
	v36 =	vunpack.i.u.bf16.f32 v32;
	v27 =	vadd.f32 v27, v33  }
0x2ba: {  	v24 =	vunpack.i.l.bf16.f32 v24;
	v28 =	vld.idx.msk [tilespmem:v28+s7+$0x0], $0xffff;
	v33 =	vunpack.i.u.bf16.f32 v30;
	v30 =	vunpack.i.l.bf16.f32 v30  }
0x2bb: {  	v32 =	vunpack.i.l.bf16.f32 v32;
	v24 =	vadd.f32 v24, v25;
	v26 =	vld.idx.msk [tilespmem:v26+s7+$0x0], $0xffff;
	v30 =	vadd.f32 v30, v33  }
0x2bc: {  	v32 =	vadd.f32 v32, v36;
	v25 =	vld.idx.msk [tilespmem:v29+s7+$0x0], $0xffff;
	v29 =	vor.u32 v4, v20  }
0x2bd: {  	v22 =	vld.idx.msk [tilespmem:v22+s7+$0x0], $0xffff;
	v27 =	vadd.f32 v30, v27  }
0x2be: {  	v20 =	vor.u32 v3, v20;
	v24 =	vadd.f32 v24, v32;
	v30 =	vld.idx.msk [tilespmem:v35+s7+$0x0], $0xffff  }
0x2bf: {  	v31 =	vmul.bf16 v31, v34;
	v32 =	vld [tilespmem:s13+$0xFFFFFF50]  }
0x2c0: {  	v23 =	vmul.bf16 v28, v23;
	v24 =	vadd.f32 v24, v27;
	v27 =	vor.u32 v0, v16;
	v33 =	vld [tilespmem:s13+$0xFFFFFF30]  }
0x2c1: {  	v15 =	vmul.bf16 v26, v15;
	v21 =	vmul.bf16 v21, v31;
	v26 =	vld.idx.msk [tilespmem:v29+s7+$0x0], $0xffff  }
0x2c2: {  	v16 =	vor.u32 v2, v16;
	v19 =	vmul.bf16 v25, v19;
	v18 =	vmul.bf16 v18, v23;
	v23 =	vld [tilespmem:s13+$0xFFFFFF60];
	(xrf2) =	vadd.scan.msk.f32 $0xffff, v24  }
0x2c3: {  	v17 =	vmul.bf16 v22, v17;
	v13 =	vmul.bf16 v15, v13;
	v15 =	vld.idx.msk [tilespmem:v20+s7+$0x0], $0xffff;
	v20 =	vunpack.i.u.bf16.f32 v21  }
0x2c4: {  	v14 =	vmul.bf16 v19, v14;
	v19 =	vunpack.i.u.bf16.f32 v18;
	v21 =	vunpack.i.l.bf16.f32 v21;
	v22 =	vld [tilespmem:s13+$0xFFFFF550]  }
0x2c5: {  	v18 =	vunpack.i.l.bf16.f32 v18;
	v24 =	vunpack.i.u.bf16.f32 v13;
	v17 =	vmul.bf16 v33, v17;
	v25 =	vld [tilespmem:s13+$0xFFFFF580]  }
0x2c6: {  	v18 =	vadd.f32 v18, v19;
	v28 =	vunpack.i.u.bf16.f32 v14;
	v14 =	vunpack.i.l.bf16.f32 v14;
	v19 =	vld [tilespmem:s13+$0xFFFFF570]  }
0x2c7: {  	v13 =	vunpack.i.l.bf16.f32 v13;
	v29 =	vunpack.i.u.bf16.f32 v17;
	v17 =	vunpack.i.l.bf16.f32 v17;
	v16 =	vld.idx.msk [tilespmem:v16+s7+$0x0], $0xffff  }
0x2c8: {  	v13 =	vadd.f32 v13, v24;
	v23 =	vmul.bf16 v26, v23;
	v17 =	vadd.f32 v17, v29;
	v24 =	vld.idx.msk [tilespmem:v27+s7+$0x0], $0xffff  }
0x2c9: {  	v14 =	vadd.f32 v14, v28;
	v15 =	vmul.bf16 v15, v32;
	v22 =	vmul.bf16 v30, v22;
	v11 =	vld.idx.msk [tilespmem:v11+s7+$0x0], $0xffff  }
0x2ca: {  	v20 =	vadd.f32 v21, v20;
	v13 =	vadd.f32 v13, v18;
	v18 =	vmul.bf16 v23, v25;
	v21 =	vld [tilespmem:s13+$0xFFFFF5D0]  }
0x2cb: {  	v14 =	vadd.f32 v14, v17;
	v10 =	vmul.bf16 v10, v22;
	v15 =	vmul.bf16 v15, v19;
	v17 =	vld [tilespmem:s13+$0x0]  }
0x2cc: {  	v19 =	vunpack.i.u.bf16.f32 v18;
	v18 =	vunpack.i.l.bf16.f32 v18;
	v22 =	vld [tilespmem:s13+$0xFFFFFFF0];
	v23, _, _ =	vpop (xrf2)  }
0x2cd: {  	v13 =	vadd.f32 v13, v14;
	v14 =	vunpack.i.u.bf16.f32 v10;
	v18 =	vadd.f32 v18, v19;
	v19 =	vld [tilespmem:s13+$0xFFFFF5F0];
	s13 =	smov.u32 s17  }
0x2ce: {  	v9 =	vmul.bf16 v16, v9;
	v25 =	vunpack.i.u.bf16.f32 v15;
	v15 =	vunpack.i.l.bf16.f32 v15  }
0x2cf: {  	v15 =	vadd.f32 v15, v25;
	v8 =	vmul.bf16 v11, v8;
	v16 =	vmul.bf16 v24, v21;
	(xrf2) =	vadd.scan.msk.f32 $0xffff, v13  }
0x2d0: {  	v10 =	vunpack.i.l.bf16.f32 v10;
	v11 =	vunpack.i.l.bf16.f32 v12;
	v9 =	vmul.bf16 v17, v9  }
0x2d1: {  	v10 =	vadd.f32 v10, v14;
	v13 =	vadd.f32 v18, v20;
	v14 =	vmul.bf16 v22, v16  }
0x2d2: {  	v12 =	vunpack.i.u.bf16.f32 v12;
	v8 =	vmul.bf16 v8, v19;
	v16 =	vunpack.i.u.bf16.f32 v9  }
0x2d3: {  	v9 =	vunpack.i.l.bf16.f32 v9;
	v17 =	vunpack.i.u.bf16.f32 v14;
	v14 =	vunpack.i.l.bf16.f32 v14  }
0x2d4: {  	v11 =	vadd.f32 v11, v12;
	v18 =	vunpack.i.u.bf16.f32 v8;
	v14 =	vadd.f32 v14, v17  }
0x2d5: {  	v10 =	vadd.f32 v15, v10;
	v9 =	vadd.f32 v9, v16;
	v8 =	vunpack.i.l.bf16.f32 v8  }
0x2d6: {  	v8 =	vadd.f32 v8, v18  }
0x2d7: {  	v10 =	vadd.f32 v13, v10;
	v9 =	vadd.f32 v11, v9  }
0x2d8: {  	v8 =	vadd.f32 v8, v14  }
0x2d9: {  	v11, _, _ =	vpop (xrf2);
	(xrf2) =	vadd.scan.msk.f32 $0xffff, v10  }
0x2da: {  	v8 =	vadd.f32 v9, v8;
	v10 =	vbroadcast v11, $0xF;
	_ =	sdelay $0x1  }
0x2db: {  	(xrf2) =	vadd.scan.msk.f32 $0xffff, v8;
	_ =	sdelay $0x4  }
0x2dc: {  	v8 =	vnsel vm0, $0x0, v10;
	_ =	sdelay $0x1  }
0x2dd: {  	v9, _, _ =	vpop (xrf2)  }
0x2de: {  	v9 =	vbroadcast v9, $0xF;
	_ =	sdelay $0x1  }
0x2df: {  	v8 =	vsel vm1, v8, v9;
	v9 =	vbroadcast v23, $0xF;
	v10, _, _ =	vpop (xrf2)  }
0x2e0: {  	v10 =	vbroadcast v10, $0xF  }
0x2e1: {  	v8 =	vsel vm2, v8, v9  }
0x2e2: {  	v9 =	vadd.s32 s0, v0;
	s0 =	smov.u32 s23;
	v8 =	vsel vm3, v8, v10  }
0x2e3: {  	v8 =	vmul.f32 $5.000000000e-01, v8;
	_ =	sdelay $0x1  }
0x2e4: {  	v8 =	vmax.f32 v8, $-2.000000000e+01  }
0x2e5: {  	v8 =	vmin.f32 v8, $2.000000000e+01  }
0x2e6: {  	[tilespmem:v9+s4+$0x0] =	vst.idx.msk $0xf, v8  }
0x2e7: {  	v12 =	vld [tilespmem:s15+$0x0]  }
0x2e8: {  	v8 =	vld [tilespmem:s17+$0xFFFFFFD0]  }
0x2e9: {  	v15 =	vld [tilespmem:s17+$0xFFFFFF20]  }
0x2ea: {  	v9 =	vld [tilespmem:s17+$0xFFFFF5E0]  }
0x2eb: {  	v10 =	vld [tilespmem:s17+$0xFFFFFF70]  }
0x2ec: {  	v13 =	vld [tilespmem:s17+$0xFFFFF540]  }
0x2ed: {  	v11 =	vperm.xlane v12, v6;
	v16 =	vperm.xlane v12, v7;
	v18 =	vld [tilespmem:s17+$0xFFFFFFA0]  }
0x2ee: {  	v14 =	vld [tilespmem:s17+$0xFFFFF530]  }
0x2ef: {  	v11 =	vshll.u32 v11, $0x6;
	v16 =	vshll.u32 v16, $0x6;
	v19 =	vld [tilespmem:s17+$0xFFFFF5A0]  }
0x2f0: {  	v17 =	vor.u32 v0, v11;
	v20 =	vor.u32 v3, v11;
	v21 =	vor.u32 v4, v11;
	v23 =	vld [tilespmem:s17+$0xFFFFFF90]  }
0x2f1: {  	v22 =	vor.u32 v2, v11;
	v11 =	vor.u32 v3, v16;
	v32 =	vld [tilespmem:s17+$0xFFFFFFC0]  }
0x2f2: {  	v25 =	vld [tilespmem:s17+$0xFFFFFFE0]  }
0x2f3: {  	v24 =	vld [tilespmem:s17+$0xFFFFFFB0]  }
0x2f4: {  	v27 =	vor.u32 v4, v16;
	v26 =	vld [tilespmem:s17+$0xFFFFF590]  }
0x2f5: {  	v28 =	vld.idx.msk [tilespmem:v17+s7+$0x0], $0xffff  }
0x2f6: {  	v21 =	vld.idx.msk [tilespmem:v21+s7+$0x0], $0xffff  }
0x2f7: {  	v22 =	vld.idx.msk [tilespmem:v22+s7+$0x0], $0xffff  }
0x2f8: {  	v29 =	vld [tilespmem:s17+$0xFFFFF5C0]  }
0x2f9: {  	v33 =	vld.idx.msk [tilespmem:v27+s7+$0x0], $0xffff  }
0x2fa: {  	v34 =	vld.idx.msk [tilespmem:v20+s7+$0x0], $0xffff  }
0x2fb: {  	v20 =	vperm.xlane v12, v5;
	v26 =	vmul.bf16 v28, v26;
	v17 =	vld [tilespmem:s17+$0xFFFFF510]  }
0x2fc: {  	v12 =	vperm.xlane v12, v1;
	v21 =	vmul.bf16 v21, v18;
	v35 =	vld [tilespmem:s17+$0xFFFFF600]  }
.Ltmp15:
0x2fd: {  	v20 =	vshll.u32 v20, $0x6;
	v27 =	vmul.bf16 v24, v26;
	v36 =	vmul.bf16 v22, v19;
	v30 =	vld [tilespmem:s17+$0xFFFFF5B0];
	(pc) =	sbr.rel @p0 .LBB2_20-.Ltmp15, $4  }
0x2fe: {  	v12 =	vshll.u32 v12, $0x6;
	v31 =	vor.u32 v2, v20;
	v24 =	vmul.bf16 v21, v29;
	v18 =	vld [tilespmem:s17+$0xFFFFFF40]  }
0x2ff: {  	v22 =	vor.u32 v0, v12;
	v28 =	vor.u32 v2, v12;
	v37 =	vmul.bf16 v33, v25;
	v19 =	vld [tilespmem:s17+$0xFFFFFF10]  }
0x300: {  	v26 =	vor.u32 v4, v12;
	v33 =	vmul.bf16 v34, v23;
	v25 =	vunpack.i.u.bf16.f32 v24;
	v21 =	vld [tilespmem:s17+$0xFFFFFF80]  }
0x301: {  	v29 =	vor.u32 v3, v12;
	v32 =	vmul.bf16 v32, v36;
	v23 =	vld [tilespmem:s17+$0xFFFFF520];
	v12 =	vmul.bf16 v37, v35  }
0x302: {  	_ =	sdelay $0x2  }
0x303: {  	v34 =	vld [tilespmem:s13+$0xFFFFF560]  }
0x304: {  	v31 =	vld.idx.msk [tilespmem:v31+s7+$0x0], $0xffff  }
0x305: {  	v28 =	vld.idx.msk [tilespmem:v28+s7+$0x0], $0xffff  }
0x306: {  	v30 =	vmul.bf16 v33, v30;
	v52 =	vunpack.i.u.bf16.f32 v27;
	v26 =	vld.idx.msk [tilespmem:v26+s7+$0x0], $0xffff  }
0x307: {  	v53 =	vunpack.i.l.bf16.f32 v27;
	v35 =	vor.u32 v0, v20;
	v24 =	vunpack.i.l.bf16.f32 v24;
	v29 =	vld.idx.msk [tilespmem:v29+s7+$0x0], $0xffff  }
0x308: {  	v22 =	vld.idx.msk [tilespmem:v22+s7+$0x0], $0xffff;
	v36 =	vunpack.i.u.bf16.f32 v32;
	v55 =	vunpack.i.l.bf16.f32 v32;
	v24 =	vadd.f32 v24, v25  }
0x309: {  	v11 =	vld.idx.msk [tilespmem:v11+s7+$0x0], $0xffff;
	v54 =	vunpack.i.u.bf16.f32 v30;
	v30 =	vunpack.i.l.bf16.f32 v30;
	v57 =	vadd.f32 v55, v36  }
0x30a: {  	v56 =	vor.u32 v4, v20;
	v27 =	vadd.f32 v53, v52;
	v30 =	vadd.f32 v30, v54  }
0x30b: {  	v59 =	vor.u32 v3, v20;
	v62 =	vld [tilespmem:s13+$0xFFFFFF30];
	v54 =	vunpack.i.l.bf16.f32 v12;
	v24 =	vadd.f32 v24, v57  }
0x30c: {  	v52 =	vld [tilespmem:s13+$0xFFFFF5F0];
	v27 =	vadd.f32 v30, v27;
	v61 =	vmul.bf16 v31, v34;
	v23 =	vmul.bf16 v28, v23  }
0x30d: {  	v60 =	vld [tilespmem:s13+$0xFFFFFF50];
	v15 =	vmul.bf16 v26, v15;
	v34 =	vor.u32 v2, v16;
	v19 =	vmul.bf16 v29, v19  }
0x30e: {  	v58 =	vld.idx.msk [tilespmem:v35+s7+$0x0], $0xffff;
	v35 =	vor.u32 v0, v16;
	v17 =	vmul.bf16 v22, v17;
	v8 =	vmul.bf16 v11, v8  }
0x30f: {  	v63 =	vld.idx.msk [tilespmem:v56+s7+$0x0], $0xffff;
	v56 =	vunpack.i.u.bf16.f32 v12;
	v21 =	vmul.bf16 v21, v61;
	v18 =	vmul.bf16 v18, v23  }
0x310: {  	v33 =	vld [tilespmem:s13+$0xFFFFFF60];
	v11 =	vadd.f32 v54, v56;
	v13 =	vmul.bf16 v15, v13;
	v14 =	vmul.bf16 v19, v14  }
0x311: {  	v37 =	vld [tilespmem:s13+$0xFFFFF550];
	v17 =	vmul.bf16 v62, v17;
	v8 =	vmul.bf16 v8, v52;
	v36 =	vunpack.i.u.bf16.f32 v21  }
0x312: {  	v20 =	vld.idx.msk [tilespmem:v59+s7+$0x0], $0xffff;
	v38 =	vunpack.i.u.bf16.f32 v18;
	v21 =	vunpack.i.l.bf16.f32 v21;
	v18 =	vunpack.i.l.bf16.f32 v18  }
0x313: {  	v39 =	vld [tilespmem:s13+$0xFFFFF580];
	v40 =	vunpack.i.u.bf16.f32 v13;
	v42 =	vunpack.i.u.bf16.f32 v14;
	v14 =	vunpack.i.l.bf16.f32 v14  }
0x314: {  	v41 =	vld [tilespmem:s13+$0xFFFFF570];
	v44 =	vunpack.i.u.bf16.f32 v17;
	v17 =	vunpack.i.l.bf16.f32 v17;
	v13 =	vunpack.i.l.bf16.f32 v13  }
0x315: {  	v45 =	vld [tilespmem:s13+$0xFFFFF5D0];
	v18 =	vadd.f32 v18, v38;
	v13 =	vadd.f32 v13, v40;
	v26 =	vmul.bf16 v63, v33  }
0x316: {  	v43 =	vld.idx.msk [tilespmem:v34+s7+$0x0], $0xffff;
	v22 =	vmul.bf16 v58, v37;
	v17 =	vadd.f32 v17, v44;
	v14 =	vadd.f32 v14, v42  }
0x317: {  	v16 =	vld.idx.msk [tilespmem:v35+s7+$0x0], $0xffff;
	v20 =	vmul.bf16 v20, v60;
	v15 =	vadd.f32 v21, v36;
	v58 =	vunpack.i.u.bf16.f32 v8  }
0x318: {  	v47 =	vld [tilespmem:s13+$0x0];
	v8 =	vunpack.i.l.bf16.f32 v8;
	v46 =	vmul.bf16 v26, v39;
	v10 =	vmul.bf16 v10, v22  }
0x319: {  	v49 =	vld [tilespmem:s13+$0xFFFFFFF0];
	v13 =	vadd.f32 v13, v18;
	v14 =	vadd.f32 v14, v17;
	v48 =	vmul.bf16 v20, v41  }
0x31a: {  	v50 =	vunpack.i.u.bf16.f32 v46;
	v18 =	vunpack.i.l.bf16.f32 v46;
	v51 =	vunpack.i.u.bf16.f32 v10  }
0x31b: {  	v53 =	vunpack.i.u.bf16.f32 v48;
	v17 =	vunpack.i.l.bf16.f32 v48;
	v9 =	vmul.bf16 v43, v9  }
0x31c: {  	v10 =	vunpack.i.l.bf16.f32 v10;
	v18 =	vadd.f32 v18, v50;
	v16 =	vmul.bf16 v16, v45  }
0x31d: {  	v17 =	vadd.f32 v17, v53;
	v10 =	vadd.f32 v10, v51;
	v9 =	vmul.bf16 v47, v9  }
0x31e: {  	v24 =	vadd.f32 v24, v27;
	v8 =	vadd.f32 v8, v58;
	v16 =	vmul.bf16 v49, v16  }
0x31f: {  	v15 =	vadd.f32 v18, v15;
	v10 =	vadd.f32 v17, v10;
	v55 =	vunpack.i.u.bf16.f32 v9  }
0x320: {  	v57 =	vunpack.i.u.bf16.f32 v16;
	v16 =	vunpack.i.l.bf16.f32 v16;
	v9 =	vunpack.i.l.bf16.f32 v9  }
0x321: {  	v16 =	vadd.f32 v16, v57;
	v9 =	vadd.f32 v9, v55  }
0x322: {  	v59 =	vadd.f32 v13, v14;
	v10 =	vadd.f32 v15, v10  }
0x323: {  	(xrf2) =	vadd.scan.msk.f32 $0xffff, v24;
	v9 =	vadd.f32 v11, v9;
	v8 =	vadd.f32 v8, v16  }
0x324: {  	(xrf2) =	vadd.scan.msk.f32 $0xffff, v59  }
0x325: {  	(xrf2) =	vadd.scan.msk.f32 $0xffff, v10;
	v8 =	vadd.f32 v9, v8;
	_ =	sdelay $0x1  }
0x326: {  	(xrf2) =	vadd.scan.msk.f32 $0xffff, v8;
	_ =	sdelay $0x5  }
0x327: {  	v8, _, _ =	vpop (xrf2)  }
0x328: {  	v60, _, _ =	vpop (xrf2)  }
0x329: {  	v9 =	vbroadcast v60, $0xF;
	v10, _, _ =	vpop (xrf2)  }
0x32a: {  	v10 =	vbroadcast v10, $0xF  }
0x32b: {  	v8 =	vbroadcast v8, $0xF;
	v9 =	vnsel vm0, $0x0, v9;
	v61, _, _ =	vpop (xrf2)  }
0x32c: {  	v9 =	vsel vm1, v9, v10;
	v62 =	vbroadcast v61, $0xF  }
0x32d: {  	v8 =	vsel vm2, v9, v8  }
0x32e: {  	v63 =	vadd.s32 s0, v0;
	v8 =	vsel vm3, v8, v62  }
0x32f: {  	v8 =	vmul.f32 $5.000000000e-01, v8  }
.Ltmp16:
0x330: {  	_ = 	snop;
	(pc) =	sbr.rel .LBB2_22-.Ltmp16, $4  }
0x331: {  	v8 =	vmax.f32 v8, $-2.000000000e+01  }
0x332: {  	s28 =	sshrl.u32 s12, $0x3;
	v8 =	vmin.f32 v8, $2.000000000e+01  }
0x333: {  	s0 =	sadd.s32 s6, s28;
	[tilespmem:v63+s4+$0x0] =	vst.idx.msk $0xf, v8  }
0x334: {  	[hbm4b:s0+s7] =	stream.linear.scatter [tilespmem:s4], [sflag:$0xC], $0x28, $0x38;
	[tilespmem:$0x14CC0] =	vst v63  }
.LBB2_24:
0x335: {  	_ =	sfence.sel $0x180000  }
0x336: {  	[bflag:$0x0] =	sbarrier.arrive $0xFFFF  }
0x337: {  	_ =	strace $0x90000047  }
0x338: {  	s0 =	stileid.u32;
	[bflag:$0x2] =	sbarrier.arrive $0xFFFF  }
0x339: {  	p0 =	sne.s32 s0, $0x0;
	s0 =	rddreg [dreg:$0x6]  }
0x33a: {  	s0 =	sadd.s32 @!p0 $0x100000, s0  }
0x33b: {  	[sflag:s0] =	ssyncadd.tile.s32 @!p0 $0x1;
	_ =	shalt  }
.Lfunc_end2:
_tile_overlayer_lowered:
.L_overlay_start_2:
0x33c: {  	(tag) =	ssettag $0x2  }
0x33d: {  	s0 =	rddreg [dreg:$0x0];
	s2 =	stileid.u32  }
0x33e: {  	s1 =	rddreg [dreg:$0x1];
	p0 =	sne.s32 s2, $0x0  }
0x33f: {  	s3 =	rddreg [dreg:$0x2];
	[bflag:$0x3] =	sbarrier.arrive $0xFFFF;
	s2 =	simm.s32 @!p0 $0x1C0D  }
0x340: {  	[timem:s3], [sflag:s2] =	dma.local @!p0 [hbm:s0], s1  }
0x341: {  	s0 =	simm.s32 @!p0 $0xD  }
0x342: {  	_ =	swait.ge @!p0 [sflag:s0], s1  }
0x343: {  	s1 =	ssub.s32 @!p0 $0x0, s1;
	[sflag:s0] =	ssyncset.done @!p0 $0x0  }
0x344: {  	[sflag:s0] =	ssyncadd.s32 @!p0 s1  }
0x345: {  	[bflag:$0x3] =	sbarrier.arrive $0xFFFF  }
0x346: {  	_ =	shalt  }

</sc_bundles>
